<compile_context>
chip_gen: v7x
topology: tpu7x:2x2x1
jax: 0.10.2.dev20260603
libtpu: 0.0.44.dev20260713+nightly
codegen_flags: <defaults>
</compile_context>

<pallas_src>
import functools

import jax
import jax.numpy as jnp
from jax import lax
from jax.experimental import pallas as pl
from jax.experimental.pallas import tpu as pltpu
from jax.experimental.pallas import tpu_sc as plsc

N = 10000
E = 320000
D = 128
R = 1000
B = 4096

NC = 2
NS = 16
NW = NC * NS
L = 16

N_PAD = 10240
DH = D // NC
EP = (E + NW - 1) // NW
EP = ((EP + 127) // 128) * 128
CH = EP // 128
EP2 = 2 * EP
ROWS_PER_TILE = N_PAD // NS

@functools.cache
def _mesh():
    return plsc.VectorSubcoreMesh(
        core_axis_name="c", subcore_axis_name="s",
        num_cores=NC, num_subcores=NS)


def _worker_id():
    return lax.axis_index("s") * NC + lax.axis_index("c")


def _zero_vmem(ref, rows, cols):
    z = jnp.zeros((L,), jnp.float32)

    def row(i, carry):
        for k in range(cols // L):
            ref[i, pl.ds(k * L, L)] = z
        return carry

    lax.fori_loop(0, rows, row, 0, unroll=False)



def _deg_body(dsr_hbm, dtg_hbm, deg_sr_out, deg_tg_out, idx_v, deg_v):
    wid = _worker_id()
    one = jnp.ones((L,), jnp.float32)

    def zero_deg(i, carry):
        deg_v[i, :] = jnp.zeros((L,), jnp.float32)
        return carry

    for idx_hbm, out in ((dsr_hbm, deg_sr_out), (dtg_hbm, deg_tg_out)):
        lax.fori_loop(0, N_PAD // L, zero_deg, 0, unroll=False)
        pltpu.sync_copy(idx_hbm.at[wid], idx_v)

        def chunk(j, carry):
            for k in range(128 // L):
                idx = idx_v[j, pl.ds(k * L, L)]
                plsc.addupdate_scatter(deg_v, [idx >> 4, idx & 15], one)
            return carry

        lax.fori_loop(0, CH, chunk, 0, unroll=False)
        pltpu.sync_copy(deg_v, out.at[wid])


@functools.cache
def _deg_kernel():
  return pl.kernel(
    _deg_body,
    out_type=(jax.ShapeDtypeStruct((NW, N_PAD // L, L), jnp.float32),
              jax.ShapeDtypeStruct((NW, N_PAD // L, L), jnp.float32)),
    mesh=_mesh(),
    scratch_types=[
        pltpu.VMEM((CH, 128), jnp.int32),
        pltpu.VMEM((N_PAD // L, L), jnp.float32),
    ],
    compiler_params=pltpu.CompilerParams(
        needs_layout_passes=False, use_tc_tiling_on_sc=False),
  )



_NB = 2
KE = 128
CHB = EP2 // KE


def _agg_body(h0_hbm, h1_hbm, sidx_hbm, didx_hbm, zer_hbm, acc_out, *scr):
    sidx_v, didx_v = scr[0], scr[1]
    rows = scr[2:2 + _NB]
    acc_sh = scr[2 + _NB]
    gsem = scr[3 + _NB:3 + 2 * _NB]
    ssem0 = scr[3 + 2 * _NB]
    cid = lax.axis_index("c")
    sid = lax.axis_index("s")
    base = sid * ROWS_PER_TILE

    pltpu.sync_copy(zer_hbm, acc_sh.at[pl.ds(base, ROWS_PER_TILE)])
    plsc.subcore_barrier()

    pltpu.sync_copy(sidx_hbm.at[sid], sidx_v)
    pltpu.sync_copy(didx_hbm.at[sid], didx_v)

    def run(h_hbm):
        bufA, bufB = rows[0], rows[1]
        ga, gb = gsem[0], gsem[1]
        ss = ssem0

        def g(j, buf, sem):
            pltpu.async_copy(h_hbm.at[sidx_v.at[j]], buf, sem)

        def gw(j, buf, sem):
            pltpu.make_async_copy(h_hbm.at[sidx_v.at[j]], buf, sem).wait()

        def s(j, buf):
            pltpu.async_copy(buf, acc_sh.at[didx_v.at[j]], ss, add=True)

        def sw(j, buf):
            pltpu.make_async_copy(buf, acc_sh.at[didx_v.at[j]], ss).wait()

        g(0, bufA, ga)
        g(1, bufB, gb)
        gw(0, bufA, ga)
        s(0, bufA)
        g(2, bufA, ga)

        def group(k, carry):
            j1 = 2 * k + 1
            j2 = j1 + 1
            gw(j1, bufB, gb)
            sw(j1 - 1, bufA)
            s(j1, bufB)
            g(j1 + 2, bufB, gb)
            gw(j2, bufA, ga)
            sw(j1, bufB)
            s(j2, bufA)

            @pl.when(j2 + 2 < CHB)
            def _():
                g(j2 + 2, bufA, ga)

            return carry

        lax.fori_loop(0, (CHB - 2) // 2, group, 0, unroll=False)
        j = CHB - 1
        gw(j, bufB, gb)
        sw(j - 1, bufA)
        s(j, bufB)
        sw(j, bufB)

    @pl.when(cid == 0)
    def _():
        run(h0_hbm)

    @pl.when(cid == 1)
    def _():
        run(h1_hbm)

    plsc.subcore_barrier()
    pltpu.sync_copy(acc_sh.at[pl.ds(base, ROWS_PER_TILE)],
                    acc_out.at[cid, pl.ds(base, ROWS_PER_TILE)])


@functools.cache
def _agg_kernel():
  return pl.kernel(
    _agg_body,
    out_type=jax.ShapeDtypeStruct((NC, N_PAD, DH), jnp.float32),
    mesh=_mesh(),
    scratch_types=[
        pltpu.VMEM((CHB, KE), jnp.int32),
        pltpu.VMEM((CHB, KE), jnp.int32),
    ] + [pltpu.VMEM((KE, DH), jnp.float32)] * _NB + [
        pltpu.VMEM_SHARED((N_PAD, DH), jnp.float32),
    ] + [pltpu.SemaphoreType.DMA] * (_NB + 1),
    compiler_params=pltpu.CompilerParams(use_tc_tiling_on_sc=False),
  )



def _lookup_body(gsr_hbm, gtg_hbm, rsr_hbm, rtg_hbm,
                 isr_hbm, itg_hbm, irsr_hbm, irtg_hbm,
                 esr_out, etg_out, rsr_out, rtg_out,
                 idx_v, rows_v, sem):
    wid = _worker_id()
    bpw = B // NW
    for table, idx_hbm, out in ((gsr_hbm, isr_hbm, esr_out),
                                (gtg_hbm, itg_hbm, etg_out),
                                (rsr_hbm, irsr_hbm, rsr_out),
                                (rtg_hbm, irtg_hbm, rtg_out)):
        pltpu.sync_copy(idx_hbm.at[wid], idx_v)
        pltpu.async_copy(table.at[idx_v], rows_v, sem).wait()
        pltpu.sync_copy(rows_v, out.at[pl.ds(wid * bpw, bpw)])


@functools.cache
def _lookup_kernel():
  return pl.kernel(
    _lookup_body,
    out_type=(jax.ShapeDtypeStruct((B, D), jnp.float32),) * 4,
    mesh=_mesh(),
    scratch_types=[
        pltpu.VMEM((B // NW,), jnp.int32),
        pltpu.VMEM((B // NW, D), jnp.float32),
        pltpu.SemaphoreType.DMA,
    ],
    compiler_params=pltpu.CompilerParams(use_tc_tiling_on_sc=False),
  )



_RB = 1024


def _dinv_block(dp_ref):
    deg = jnp.sum(dp_ref[...], axis=0)[:, None] + 1.0
    return lax.rsqrt(deg)


def _store_split(o_ref, res):
    o_ref[0] = res[:, :DH]
    o_ref[1] = res[:, DH:]


def _mm_body(x_ref, w_ref, dp_ref, o_ref):
    dinv = _dinv_block(dp_ref)
    res = jnp.dot(x_ref[...], w_ref[...],
                  preferred_element_type=jnp.float32) * dinv
    _store_split(o_ref, res)


def _relu_halves(a_ref, h_ref, dinv):
    g0 = jnp.maximum((a_ref[0] + h_ref[0]) * dinv, 0.0)
    g1 = jnp.maximum((a_ref[1] + h_ref[1]) * dinv, 0.0)
    return g0, g1


def _mid_body(a_ref, h_ref, w_ref, dp_ref, o_ref):
    dinv = _dinv_block(dp_ref)
    g0, g1 = _relu_halves(a_ref, h_ref, dinv)
    res = (jnp.dot(g0, w_ref[:DH, :], preferred_element_type=jnp.float32)
           + jnp.dot(g1, w_ref[DH:, :], preferred_element_type=jnp.float32)
           ) * dinv
    _store_split(o_ref, res)


def _fin_body(a_ref, h_ref, dp_ref, o_ref):
    dinv = _dinv_block(dp_ref)
    g0, g1 = _relu_halves(a_ref, h_ref, dinv)
    o_ref[:, :DH] = g0
    o_ref[:, DH:] = g1


_row_spec = pl.BlockSpec((_RB, D), lambda i: (i, 0))
_split_spec = pl.BlockSpec((NC, _RB, DH), lambda i: (0, i, 0))
_w_spec = pl.BlockSpec((D, D), lambda i: (0, 0))
_deg_spec = pl.BlockSpec((NW, _RB), lambda i: (0, i))
_full_struct = jax.ShapeDtypeStruct((N_PAD, D), jnp.float32)
_split_struct = jax.ShapeDtypeStruct((NC, N_PAD, DH), jnp.float32)
_grid = (N_PAD // _RB,)

_tc_mm = pl.pallas_call(
    _mm_body, grid=_grid,
    in_specs=[_row_spec, _w_spec, _deg_spec],
    out_specs=_split_spec, out_shape=_split_struct)

_tc_mid = pl.pallas_call(
    _mid_body, grid=_grid,
    in_specs=[_split_spec, _split_spec, _w_spec, _deg_spec],
    out_specs=_split_spec, out_shape=_split_struct)

_tc_fin = pl.pallas_call(
    _fin_body, grid=_grid,
    in_specs=[_split_spec, _split_spec, _deg_spec],
    out_specs=_row_spec, out_shape=_full_struct)



def _prep_edges(edge_index):
    pad = NW * EP - E
    fill = jnp.full((pad,), N, jnp.int32)
    s = jnp.concatenate([edge_index[0], fill])
    d = jnp.concatenate([edge_index[1], fill])
    return (s.reshape(NS, CHB, KE), d.reshape(NS, CHB, KE),
            d.reshape(NW, CH, 128))


def kernel(entity_emb_sr, entity_emb_tg, rel_emb_sr, rel_emb_tg, W0, W1,
           edge_index_sr, edge_index_tg, sr_data, tg_data,
           sr_rel_data, tg_rel_data):
    s_sr, d_sr, d32_sr = _prep_edges(edge_index_sr)
    s_tg, d_tg, d32_tg = _prep_edges(edge_index_tg)

    deg_sr, deg_tg = _deg_kernel()(d32_sr, d32_tg)
    deg_sr = deg_sr.reshape(NW, N_PAD)
    deg_tg = deg_tg.reshape(NW, N_PAD)

    pad_rows = jnp.zeros((N_PAD - N, D), jnp.float32)
    x_sr = jnp.concatenate([entity_emb_sr, pad_rows])
    x_tg = jnp.concatenate([entity_emb_tg, pad_rows])

    h_sr = _tc_mm(x_sr, W0, deg_sr)
    h_tg = _tc_mm(x_tg, W0, deg_tg)

    agg = _agg_kernel()
    zer = jnp.zeros((ROWS_PER_TILE, DH), jnp.float32)
    a_sr = agg(h_sr[0], h_sr[1], s_sr, d_sr, zer)
    a_tg = agg(h_tg[0], h_tg[1], s_tg, d_tg, zer)

    h2_sr = _tc_mid(a_sr, h_sr, W1, deg_sr)
    h2_tg = _tc_mid(a_tg, h_tg, W1, deg_tg)

    a2_sr = agg(h2_sr[0], h2_sr[1], s_sr, d_sr, zer)
    a2_tg = agg(h2_tg[0], h2_tg[1], s_tg, d_tg, zer)

    g_sr = _tc_fin(a2_sr, h2_sr, deg_sr)
    g_tg = _tc_fin(a2_tg, h2_tg, deg_tg)

    return _lookup_kernel()(
        g_sr, g_tg, rel_emb_sr, rel_emb_tg,
        sr_data.reshape(NW, B // NW), tg_data.reshape(NW, B // NW),
        sr_rel_data.reshape(NW, B // NW), tg_rel_data.reshape(NW, B // NW))

# --- scband reference (transcript-rebuilt; emitter-appended) ---
"""Pipeline reference for scband-gcn-60619168416138 (READ-ONLY COPY).

The authoritative reference and input builder live on the scoring server;
editing this copy changes nothing except your own understanding.
"""

import jax, jax.numpy as jnp
import numpy as np

N = 10000   # entities per graph
E = 320000  # edges per graph
D = 128     # embedding_dim
R = 1000    # relations
B = 4096    # triple batch
NUM_LAYER = 2


def setup_inputs(seed: int = 0) -> dict:
    key = jax.random.key(seed)
    ks = jax.random.split(key, 12)
    inp = {}
    # learned parameters (entity/relation embedding tables + shared GCN weights)
    inp['entity_emb_sr'] = jax.random.normal(ks[0], (N, D), dtype=jnp.float32) * 0.1
    inp['entity_emb_tg'] = jax.random.normal(ks[1], (N, D), dtype=jnp.float32) * 0.1
    inp['rel_emb_sr'] = jax.random.normal(ks[2], (R, D), dtype=jnp.float32) * 0.1
    inp['rel_emb_tg'] = jax.random.normal(ks[3], (R, D), dtype=jnp.float32) * 0.1
    inp['W0'] = jax.random.normal(ks[4], (D, D), dtype=jnp.float32) / np.sqrt(D)
    inp['W1'] = jax.random.normal(ks[5], (D, D), dtype=jnp.float32) / np.sqrt(D)
    # graph structure (constants, from CrossAdjacencyMatrix)
    inp['edge_index_sr'] = jax.random.randint(ks[6], (2, E), 0, N, dtype=jnp.int32)
    inp['edge_index_tg'] = jax.random.randint(ks[7], (2, E), 0, N, dtype=jnp.int32)
    # forward args (triple indices)
    inp['sr_data'] = jax.random.randint(ks[8], (B,), 0, N, dtype=jnp.int32)
    inp['tg_data'] = jax.random.randint(ks[9], (B,), 0, N, dtype=jnp.int32)
    inp['sr_rel_data'] = jax.random.randint(ks[10], (B,), 0, R, dtype=jnp.int32)
    inp['tg_rel_data'] = jax.random.randint(ks[11], (B,), 0, R, dtype=jnp.int32)
    return inp


def _gcn_layer(x, W, src, dst, n_nodes):
    # symmetric-normalized adjacency with self loops (GraphConvolution equivalent)
    loop = jnp.arange(n_nodes, dtype=src.dtype)
    s = jnp.concatenate([src, loop])
    d = jnp.concatenate([dst, loop])
    deg = jnp.zeros((n_nodes,), dtype=x.dtype).at[d].add(1.0)
    norm = jax.lax.rsqrt(deg[s] * deg[d])
    h = x @ W
    msg = jnp.take(h, s, axis=0) * norm[:, None]
    out = jax.ops.segment_sum(msg, d, num_segments=n_nodes)
    return jax.nn.relu(out)


def reference(entity_emb_sr, entity_emb_tg, rel_emb_sr, rel_emb_tg, W0, W1,
              edge_index_sr, edge_index_tg, sr_data, tg_data, sr_rel_data, tg_rel_data):
    Ws = [W0, W1]
    g_sr = entity_emb_sr
    g_tg = entity_emb_tg
    for li in range(NUM_LAYER):
        # dropout_rate=0.0 -> identity at these settings
        g_sr = _gcn_layer(g_sr, Ws[li], edge_index_sr[0], edge_index_sr[1], N)
        g_tg = _gcn_layer(g_tg, Ws[li], edge_index_tg[0], edge_index_tg[1], N)
    repre_e_sr = jnp.take(g_sr, sr_data, axis=0)
    repre_e_tg = jnp.take(g_tg, tg_data, axis=0)
    repre_r_sr = jnp.take(rel_emb_sr, sr_rel_data, axis=0)
    repre_r_tg = jnp.take(rel_emb_tg, tg_rel_data, axis=0)
    return (repre_e_sr, repre_e_tg, repre_r_sr, repre_r_tg)

if __name__ == "__main__":
    import jax
    _d = setup_inputs()
    print(jax.jit(kernel)(*tuple(_d.values())))

</pallas_src>

<mosaic_0001>
#map = affine_map<(d0, d1) -> (0, 0)>
#map1 = affine_map<(d0, d1) -> (0, 0, 0)>
module attributes {stable_mosaic.version = 14 : i64} {
  func.func @_agg_body(%arg0: i32, %arg1: i32, %arg2: memref<10240x64xf32, #tpu.memory_space<hbm>>, %arg3: memref<10240x64xf32, #tpu.memory_space<hbm>>, %arg4: memref<16x158x128xi32, #tpu.memory_space<hbm>>, %arg5: memref<16x158x128xi32, #tpu.memory_space<hbm>>, %arg6: memref<640x64xf32, #tpu.memory_space<hbm>>, %arg7: memref<2x10240x64xf32, #tpu.memory_space<hbm>>, %arg8: memref<158x128xi32, #tpu.memory_space<vmem>>, %arg9: memref<158x128xi32, #tpu.memory_space<vmem>>, %arg10: memref<128x64xf32, #tpu.memory_space<vmem>>, %arg11: memref<128x64xf32, #tpu.memory_space<vmem>>, %arg12: memref<10240x64xf32, #tpu.memory_space<vmem_shared>>, %arg13: memref<!tpu.dma_semaphore, #tpu.memory_space<semaphore_mem>>, %arg14: memref<!tpu.dma_semaphore, #tpu.memory_space<semaphore_mem>>, %arg15: memref<!tpu.dma_semaphore, #tpu.memory_space<semaphore_mem>>) attributes {dimension_semantics = [#tpu.dimension_semantics<core_parallel>, #tpu.dimension_semantics<subcore_parallel>], iteration_bounds = array<i64: 2, 16>, scalar_prefetch = 0 : i64, scratch_operands = 8 : i64, tpu.core_type = #tpu.core_type<sc_vector_subcore>, window_params = [{transform_indices = #map}, {transform_indices = #map}, {transform_indices = #map1}, {transform_indices = #map1}, {transform_indices = #map}, {transform_indices = #map1}]} {
    %mul3A = arith.constant 640 : i32
    %mul3A_0 = arith.muli %arg1, %mul3A : i32
    "tpu.region"() ({
      %run_scoped3A = tpu.sem_alloc : memref<!tpu.dma_semaphore, #tpu.memory_space<semaphore_mem>>
      %dma_start3A = arith.constant 0 : i32
      %dma_start3A_9 = tpu.memref_slice %arg12[%mul3A_0, %dma_start3A] : memref<10240x64xf32, #tpu.memory_space<vmem_shared>> -> memref<640x64xf32, #tpu.memory_space<vmem_shared>>
      tpu.enqueue_dma source(%arg6 : memref<640x64xf32, #tpu.memory_space<hbm>>) target(%dma_start3A_9 : memref<640x64xf32, #tpu.memory_space<vmem_shared>>) target_semaphore(%run_scoped3A : memref<!tpu.dma_semaphore, #tpu.memory_space<semaphore_mem>>)
      %dma_wait3A = arith.constant 0 : i32
      %dma_wait3A_10 = tpu.memref_slice %arg12[%mul3A_0, %dma_wait3A] : memref<10240x64xf32, #tpu.memory_space<vmem_shared>> -> memref<640x64xf32, #tpu.memory_space<vmem_shared>>
      tpu.wait_dma2 semaphore(%run_scoped3A : memref<!tpu.dma_semaphore, #tpu.memory_space<semaphore_mem>>) src(%arg6 : memref<640x64xf32, #tpu.memory_space<hbm>>) dst(%dma_wait3A_10 : memref<640x64xf32, #tpu.memory_space<vmem_shared>>)
      tpu.yield
    }) : () -> ()
    %barrier3A = arith.constant 0 : index
    tpu.barrier barrier_id(%barrier3A)
    "tpu.region"() ({
      %run_scoped3A = tpu.sem_alloc : memref<!tpu.dma_semaphore, #tpu.memory_space<semaphore_mem>>
      %dma_start3A = arith.constant 0 : i32
      %dma_start3A_9 = arith.constant 0 : i32
      %dma_start3A_10 = tpu.memref_slice %arg4[%arg1, %dma_start3A, %dma_start3A_9] : memref<16x158x128xi32, #tpu.memory_space<hbm>> -> memref<1x158x128xi32, #tpu.memory_space<hbm>>
      %dma_start3A_11 = tpu.memref_squeeze %dma_start3A_10 : memref<1x158x128xi32, #tpu.memory_space<hbm>> -> memref<158x128xi32, #tpu.memory_space<hbm>>
      %dma_start3A_12 = arith.constant 0 : i32
      %dma_start3A_13 = arith.constant 0 : i32
      %dma_start3A_14 = tpu.memref_slice %arg4[%arg1, %dma_start3A_12, %dma_start3A_13] : memref<16x158x128xi32, #tpu.memory_space<hbm>> -> memref<1x158x128xi32, #tpu.memory_space<hbm>>
      %dma_start3A_15 = tpu.memref_squeeze %dma_start3A_14 : memref<1x158x128xi32, #tpu.memory_space<hbm>> -> memref<158x128xi32, #tpu.memory_space<hbm>>
      tpu.enqueue_dma source(%dma_start3A_15 : memref<158x128xi32, #tpu.memory_space<hbm>>) target(%arg8 : memref<158x128xi32, #tpu.memory_space<vmem>>) target_semaphore(%run_scoped3A : memref<!tpu.dma_semaphore, #tpu.memory_space<semaphore_mem>>)
      %dma_wait3A = arith.constant 0 : i32
      %dma_wait3A_16 = arith.constant 0 : i32
      %dma_wait3A_17 = tpu.memref_slice %arg4[%arg1, %dma_wait3A, %dma_wait3A_16] : memref<16x158x128xi32, #tpu.memory_space<hbm>> -> memref<1x158x128xi32, #tpu.memory_space<hbm>>
      %dma_wait3A_18 = tpu.memref_squeeze %dma_wait3A_17 : memref<1x158x128xi32, #tpu.memory_space<hbm>> -> memref<158x128xi32, #tpu.memory_space<hbm>>
      %dma_wait3A_19 = arith.constant 0 : i32
      %dma_wait3A_20 = arith.constant 0 : i32
      %dma_wait3A_21 = tpu.memref_slice %arg4[%arg1, %dma_wait3A_19, %dma_wait3A_20] : memref<16x158x128xi32, #tpu.memory_space<hbm>> -> memref<1x158x128xi32, #tpu.memory_space<hbm>>
      %dma_wait3A_22 = tpu.memref_squeeze %dma_wait3A_21 : memref<1x158x128xi32, #tpu.memory_space<hbm>> -> memref<158x128xi32, #tpu.memory_space<hbm>>
      tpu.wait_dma2 semaphore(%run_scoped3A : memref<!tpu.dma_semaphore, #tpu.memory_space<semaphore_mem>>) src(%dma_wait3A_22 : memref<158x128xi32, #tpu.memory_space<hbm>>) dst(%arg8 : memref<158x128xi32, #tpu.memory_space<vmem>>)
      tpu.yield
    }) : () -> ()
    "tpu.region"() ({
      %run_scoped3A = tpu.sem_alloc : memref<!tpu.dma_semaphore, #tpu.memory_space<semaphore_mem>>
      %dma_start3A = arith.constant 0 : i32
      %dma_start3A_9 = arith.constant 0 : i32
      %dma_start3A_10 = tpu.memref_slice %arg5[%arg1, %dma_start3A, %dma_start3A_9] : memref<16x158x128xi32, #tpu.memory_space<hbm>> -> memref<1x158x128xi32, #tpu.memory_space<hbm>>
      %dma_start3A_11 = tpu.memref_squeeze %dma_start3A_10 : memref<1x158x128xi32, #tpu.memory_space<hbm>> -> memref<158x128xi32, #tpu.memory_space<hbm>>
      %dma_start3A_12 = arith.constant 0 : i32
      %dma_start3A_13 = arith.constant 0 : i32
      %dma_start3A_14 = tpu.memref_slice %arg5[%arg1, %dma_start3A_12, %dma_start3A_13] : memref<16x158x128xi32, #tpu.memory_space<hbm>> -> memref<1x158x128xi32, #tpu.memory_space<hbm>>
      %dma_start3A_15 = tpu.memref_squeeze %dma_start3A_14 : memref<1x158x128xi32, #tpu.memory_space<hbm>> -> memref<158x128xi32, #tpu.memory_space<hbm>>
      tpu.enqueue_dma source(%dma_start3A_15 : memref<158x128xi32, #tpu.memory_space<hbm>>) target(%arg9 : memref<158x128xi32, #tpu.memory_space<vmem>>) target_semaphore(%run_scoped3A : memref<!tpu.dma_semaphore, #tpu.memory_space<semaphore_mem>>)
      %dma_wait3A = arith.constant 0 : i32
      %dma_wait3A_16 = arith.constant 0 : i32
      %dma_wait3A_17 = tpu.memref_slice %arg5[%arg1, %dma_wait3A, %dma_wait3A_16] : memref<16x158x128xi32, #tpu.memory_space<hbm>> -> memref<1x158x128xi32, #tpu.memory_space<hbm>>
      %dma_wait3A_18 = tpu.memref_squeeze %dma_wait3A_17 : memref<1x158x128xi32, #tpu.memory_space<hbm>> -> memref<158x128xi32, #tpu.memory_space<hbm>>
      %dma_wait3A_19 = arith.constant 0 : i32
      %dma_wait3A_20 = arith.constant 0 : i32
      %dma_wait3A_21 = tpu.memref_slice %arg5[%arg1, %dma_wait3A_19, %dma_wait3A_20] : memref<16x158x128xi32, #tpu.memory_space<hbm>> -> memref<1x158x128xi32, #tpu.memory_space<hbm>>
      %dma_wait3A_22 = tpu.memref_squeeze %dma_wait3A_21 : memref<1x158x128xi32, #tpu.memory_space<hbm>> -> memref<158x128xi32, #tpu.memory_space<hbm>>
      tpu.wait_dma2 semaphore(%run_scoped3A : memref<!tpu.dma_semaphore, #tpu.memory_space<semaphore_mem>>) src(%dma_wait3A_22 : memref<158x128xi32, #tpu.memory_space<hbm>>) dst(%arg9 : memref<158x128xi32, #tpu.memory_space<vmem>>)
      tpu.yield
    }) : () -> ()
    %eq3A = arith.constant 0 : i32
    %eq3A_1 = arith.cmpi eq, %arg0, %eq3A : i32
    %convert_element_type3A = arith.extui %eq3A_1 : i1 to i32
    %cond3A = arith.constant 0 : i32
    %cond3A_2 = arith.cmpi ne, %convert_element_type3A, %cond3A : i32
    scf.if %cond3A_2 {
      %dma_start3A = arith.constant 0 : i32
      %dma_start3A_9 = arith.constant 0 : i32
      %dma_start3A_10 = tpu.memref_slice %arg8[%dma_start3A, %dma_start3A_9] : memref<158x128xi32, #tpu.memory_space<vmem>> -> memref<1x128xi32, #tpu.memory_space<vmem>>
      %dma_start3A_11 = tpu.memref_squeeze %dma_start3A_10 : memref<1x128xi32, #tpu.memory_space<vmem>> -> memref<128xi32, #tpu.memory_space<vmem>>
      %dma_start3A_12 = arith.constant 0 : i32
      %dma_start3A_13 = arith.constant 0 : i32
      %dma_start3A_14 = tpu.memref_slice %arg2[%dma_start3A_12, %dma_start3A_13] : memref<10240x64xf32, #tpu.memory_space<hbm>> -> memref<10240x64xf32, #tpu.memory_space<hbm>>
      tpu.enqueue_indirect_dma source(%dma_start3A_14 : memref<10240x64xf32, #tpu.memory_space<hbm>>) target(%arg10 : memref<128x64xf32, #tpu.memory_space<vmem>>) offsets(%dma_start3A_11 : memref<128xi32, #tpu.memory_space<vmem>>) semaphore(%arg13 : memref<!tpu.dma_semaphore, #tpu.memory_space<semaphore_mem>>)
      %dma_start3A_15 = arith.constant 1 : i32
      %dma_start3A_16 = arith.constant 0 : i32
      %dma_start3A_17 = tpu.memref_slice %arg8[%dma_start3A_15, %dma_start3A_16] : memref<158x128xi32, #tpu.memory_space<vmem>> -> memref<1x128xi32, #tpu.memory_space<vmem>>
      %dma_start3A_18 = tpu.memref_squeeze %dma_start3A_17 : memref<1x128xi32, #tpu.memory_space<vmem>> -> memref<128xi32, #tpu.memory_space<vmem>>
      %dma_start3A_19 = arith.constant 0 : i32
      %dma_start3A_20 = arith.constant 0 : i32
      %dma_start3A_21 = tpu.memref_slice %arg2[%dma_start3A_19, %dma_start3A_20] : memref<10240x64xf32, #tpu.memory_space<hbm>> -> memref<10240x64xf32, #tpu.memory_space<hbm>>
      tpu.enqueue_indirect_dma source(%dma_start3A_21 : memref<10240x64xf32, #tpu.memory_space<hbm>>) target(%arg11 : memref<128x64xf32, #tpu.memory_space<vmem>>) offsets(%dma_start3A_18 : memref<128xi32, #tpu.memory_space<vmem>>) semaphore(%arg14 : memref<!tpu.dma_semaphore, #tpu.memory_space<semaphore_mem>>)
      %dma_wait3A = arith.constant 0 : i32
      %dma_wait3A_22 = arith.constant 0 : i32
      %dma_wait3A_23 = tpu.memref_slice %arg8[%dma_wait3A, %dma_wait3A_22] : memref<158x128xi32, #tpu.memory_space<vmem>> -> memref<1x128xi32, #tpu.memory_space<vmem>>
      %dma_wait3A_24 = tpu.memref_squeeze %dma_wait3A_23 : memref<1x128xi32, #tpu.memory_space<vmem>> -> memref<128xi32, #tpu.memory_space<vmem>>
      %dma_wait3A_25 = arith.constant 0 : i32
      %dma_wait3A_26 = arith.constant 0 : i32
      %dma_wait3A_27 = tpu.memref_slice %arg2[%dma_wait3A_25, %dma_wait3A_26] : memref<10240x64xf32, #tpu.memory_space<hbm>> -> memref<10240x64xf32, #tpu.memory_space<hbm>>
      tpu.wait_indirect_dma semaphore(%arg13 : memref<!tpu.dma_semaphore, #tpu.memory_space<semaphore_mem>>) src(%dma_wait3A_27 : memref<10240x64xf32, #tpu.memory_space<hbm>>) dst(%arg10 : memref<128x64xf32, #tpu.memory_space<vmem>>)
      %dma_start3A_28 = arith.constant 0 : i32
      %dma_start3A_29 = arith.constant 0 : i32
      %dma_start3A_30 = tpu.memref_slice %arg9[%dma_start3A_28, %dma_start3A_29] : memref<158x128xi32, #tpu.memory_space<vmem>> -> memref<1x128xi32, #tpu.memory_space<vmem>>
      %dma_start3A_31 = tpu.memref_squeeze %dma_start3A_30 : memref<1x128xi32, #tpu.memory_space<vmem>> -> memref<128xi32, #tpu.memory_space<vmem>>
      %dma_start3A_32 = arith.constant 0 : i32
      %dma_start3A_33 = arith.constant 0 : i32
      %dma_start3A_34 = tpu.memref_slice %arg12[%dma_start3A_32, %dma_start3A_33] : memref<10240x64xf32, #tpu.memory_space<vmem_shared>> -> memref<10240x64xf32, #tpu.memory_space<vmem_shared>>
      tpu.enqueue_indirect_dma source(%arg10 : memref<128x64xf32, #tpu.memory_space<vmem>>) target(%dma_start3A_34 : memref<10240x64xf32, #tpu.memory_space<vmem_shared>>) offsets(%dma_start3A_31 : memref<128xi32, #tpu.memory_space<vmem>>) semaphore(%arg15 : memref<!tpu.dma_semaphore, #tpu.memory_space<semaphore_mem>>) {add = true}
      %dma_start3A_35 = arith.constant 2 : i32
      %dma_start3A_36 = arith.constant 0 : i32
      %dma_start3A_37 = tpu.memref_slice %arg8[%dma_start3A_35, %dma_start3A_36] : memref<158x128xi32, #tpu.memory_space<vmem>> -> memref<1x128xi32, #tpu.memory_space<vmem>>
      %dma_start3A_38 = tpu.memref_squeeze %dma_start3A_37 : memref<1x128xi32, #tpu.memory_space<vmem>> -> memref<128xi32, #tpu.memory_space<vmem>>
      %dma_start3A_39 = arith.constant 0 : i32
      %dma_start3A_40 = arith.constant 0 : i32
      %dma_start3A_41 = tpu.memref_slice %arg2[%dma_start3A_39, %dma_start3A_40] : memref<10240x64xf32, #tpu.memory_space<hbm>> -> memref<10240x64xf32, #tpu.memory_space<hbm>>
      tpu.enqueue_indirect_dma source(%dma_start3A_41 : memref<10240x64xf32, #tpu.memory_space<hbm>>) target(%arg10 : memref<128x64xf32, #tpu.memory_space<vmem>>) offsets(%dma_start3A_38 : memref<128xi32, #tpu.memory_space<vmem>>) semaphore(%arg13 : memref<!tpu.dma_semaphore, #tpu.memory_space<semaphore_mem>>)
      %scan3A = arith.constant 0 : i32
      %scan3A_42 = arith.constant 0 : i32
      %scan3A_43 = arith.constant 78 : i32
      %scan3A_44 = arith.addi %scan3A_42, %scan3A_43 : i32
      %scan3A_45 = arith.constant 1 : i32
      scf.for %scan3A_75 = %scan3A_42 to %scan3A_44 step %scan3A_45  : i32 {
        %mul3A_76 = arith.constant 2 : i32
        %mul3A_77 = arith.muli %mul3A_76, %scan3A_75 : i32
        %add3A = arith.constant 1 : i32
        %add3A_78 = arith.addi %mul3A_77, %add3A : i32
        %add3A_79 = arith.constant 1 : i32
        %add3A_80 = arith.addi %add3A_78, %add3A_79 : i32
        %dma_wait3A_81 = arith.constant 0 : i32
        %dma_wait3A_82 = tpu.memref_slice %arg8[%add3A_78, %dma_wait3A_81] : memref<158x128xi32, #tpu.memory_space<vmem>> -> memref<1x128xi32, #tpu.memory_space<vmem>>
        %dma_wait3A_83 = tpu.memref_squeeze %dma_wait3A_82 : memref<1x128xi32, #tpu.memory_space<vmem>> -> memref<128xi32, #tpu.memory_space<vmem>>
        %dma_wait3A_84 = arith.constant 0 : i32
        %dma_wait3A_85 = arith.constant 0 : i32
        %dma_wait3A_86 = tpu.memref_slice %arg2[%dma_wait3A_84, %dma_wait3A_85] : memref<10240x64xf32, #tpu.memory_space<hbm>> -> memref<10240x64xf32, #tpu.memory_space<hbm>>
        tpu.wait_indirect_dma semaphore(%arg14 : memref<!tpu.dma_semaphore, #tpu.memory_space<semaphore_mem>>) src(%dma_wait3A_86 : memref<10240x64xf32, #tpu.memory_space<hbm>>) dst(%arg11 : memref<128x64xf32, #tpu.memory_space<vmem>>)
        %sub3A = arith.constant 1 : i32
        %sub3A_87 = arith.subi %add3A_78, %sub3A : i32
        %dma_wait3A_88 = arith.constant 0 : i32
        %dma_wait3A_89 = tpu.memref_slice %arg9[%sub3A_87, %dma_wait3A_88] : memref<158x128xi32, #tpu.memory_space<vmem>> -> memref<1x128xi32, #tpu.memory_space<vmem>>
        %dma_wait3A_90 = tpu.memref_squeeze %dma_wait3A_89 : memref<1x128xi32, #tpu.memory_space<vmem>> -> memref<128xi32, #tpu.memory_space<vmem>>
        %dma_wait3A_91 = arith.constant 0 : i32
        %dma_wait3A_92 = arith.constant 0 : i32
        %dma_wait3A_93 = tpu.memref_slice %arg12[%dma_wait3A_91, %dma_wait3A_92] : memref<10240x64xf32, #tpu.memory_space<vmem_shared>> -> memref<10240x64xf32, #tpu.memory_space<vmem_shared>>
        tpu.wait_indirect_dma semaphore(%arg15 : memref<!tpu.dma_semaphore, #tpu.memory_space<semaphore_mem>>) src(%arg10 : memref<128x64xf32, #tpu.memory_space<vmem>>) dst(%dma_wait3A_93 : memref<10240x64xf32, #tpu.memory_space<vmem_shared>>)
        %dma_start3A_94 = arith.constant 0 : i32
        %dma_start3A_95 = tpu.memref_slice %arg9[%add3A_78, %dma_start3A_94] : memref<158x128xi32, #tpu.memory_space<vmem>> -> memref<1x128xi32, #tpu.memory_space<vmem>>
        %dma_start3A_96 = tpu.memref_squeeze %dma_start3A_95 : memref<1x128xi32, #tpu.memory_space<vmem>> -> memref<128xi32, #tpu.memory_space<vmem>>
        %dma_start3A_97 = arith.constant 0 : i32
        %dma_start3A_98 = arith.constant 0 : i32
        %dma_start3A_99 = tpu.memref_slice %arg12[%dma_start3A_97, %dma_start3A_98] : memref<10240x64xf32, #tpu.memory_space<vmem_shared>> -> memref<10240x64xf32, #tpu.memory_space<vmem_shared>>
        tpu.enqueue_indirect_dma source(%arg11 : memref<128x64xf32, #tpu.memory_space<vmem>>) target(%dma_start3A_99 : memref<10240x64xf32, #tpu.memory_space<vmem_shared>>) offsets(%dma_start3A_96 : memref<128xi32, #tpu.memory_space<vmem>>) semaphore(%arg15 : memref<!tpu.dma_semaphore, #tpu.memory_space<semaphore_mem>>) {add = true}
        %add3A_100 = arith.constant 2 : i32
        %add3A_101 = arith.addi %add3A_78, %add3A_100 : i32
        %dma_start3A_102 = arith.constant 0 : i32
        %dma_start3A_103 = tpu.memref_slice %arg8[%add3A_101, %dma_start3A_102] : memref<158x128xi32, #tpu.memory_space<vmem>> -> memref<1x128xi32, #tpu.memory_space<vmem>>
        %dma_start3A_104 = tpu.memref_squeeze %dma_start3A_103 : memref<1x128xi32, #tpu.memory_space<vmem>> -> memref<128xi32, #tpu.memory_space<vmem>>
        %dma_start3A_105 = arith.constant 0 : i32
        %dma_start3A_106 = arith.constant 0 : i32
        %dma_start3A_107 = tpu.memref_slice %arg2[%dma_start3A_105, %dma_start3A_106] : memref<10240x64xf32, #tpu.memory_space<hbm>> -> memref<10240x64xf32, #tpu.memory_space<hbm>>
        tpu.enqueue_indirect_dma source(%dma_start3A_107 : memref<10240x64xf32, #tpu.memory_space<hbm>>) target(%arg11 : memref<128x64xf32, #tpu.memory_space<vmem>>) offsets(%dma_start3A_104 : memref<128xi32, #tpu.memory_space<vmem>>) semaphore(%arg14 : memref<!tpu.dma_semaphore, #tpu.memory_space<semaphore_mem>>)
        %dma_wait3A_108 = arith.constant 0 : i32
        %dma_wait3A_109 = tpu.memref_slice %arg8[%add3A_80, %dma_wait3A_108] : memref<158x128xi32, #tpu.memory_space<vmem>> -> memref<1x128xi32, #tpu.memory_space<vmem>>
        %dma_wait3A_110 = tpu.memref_squeeze %dma_wait3A_109 : memref<1x128xi32, #tpu.memory_space<vmem>> -> memref<128xi32, #tpu.memory_space<vmem>>
        %dma_wait3A_111 = arith.constant 0 : i32
        %dma_wait3A_112 = arith.constant 0 : i32
        %dma_wait3A_113 = tpu.memref_slice %arg2[%dma_wait3A_111, %dma_wait3A_112] : memref<10240x64xf32, #tpu.memory_space<hbm>> -> memref<10240x64xf32, #tpu.memory_space<hbm>>
        tpu.wait_indirect_dma semaphore(%arg13 : memref<!tpu.dma_semaphore, #tpu.memory_space<semaphore_mem>>) src(%dma_wait3A_113 : memref<10240x64xf32, #tpu.memory_space<hbm>>) dst(%arg10 : memref<128x64xf32, #tpu.memory_space<vmem>>)
        %dma_wait3A_114 = arith.constant 0 : i32
        %dma_wait3A_115 = tpu.memref_slice %arg9[%add3A_78, %dma_wait3A_114] : memref<158x128xi32, #tpu.memory_space<vmem>> -> memref<1x128xi32, #tpu.memory_space<vmem>>
        %dma_wait3A_116 = tpu.memref_squeeze %dma_wait3A_115 : memref<1x128xi32, #tpu.memory_space<vmem>> -> memref<128xi32, #tpu.memory_space<vmem>>
        %dma_wait3A_117 = arith.constant 0 : i32
        %dma_wait3A_118 = arith.constant 0 : i32
        %dma_wait3A_119 = tpu.memref_slice %arg12[%dma_wait3A_117, %dma_wait3A_118] : memref<10240x64xf32, #tpu.memory_space<vmem_shared>> -> memref<10240x64xf32, #tpu.memory_space<vmem_shared>>
        tpu.wait_indirect_dma semaphore(%arg15 : memref<!tpu.dma_semaphore, #tpu.memory_space<semaphore_mem>>) src(%arg11 : memref<128x64xf32, #tpu.memory_space<vmem>>) dst(%dma_wait3A_119 : memref<10240x64xf32, #tpu.memory_space<vmem_shared>>)
        %dma_start3A_120 = arith.constant 0 : i32
        %dma_start3A_121 = tpu.memref_slice %arg9[%add3A_80, %dma_start3A_120] : memref<158x128xi32, #tpu.memory_space<vmem>> -> memref<1x128xi32, #tpu.memory_space<vmem>>
        %dma_start3A_122 = tpu.memref_squeeze %dma_start3A_121 : memref<1x128xi32, #tpu.memory_space<vmem>> -> memref<128xi32, #tpu.memory_space<vmem>>
        %dma_start3A_123 = arith.constant 0 : i32
        %dma_start3A_124 = arith.constant 0 : i32
        %dma_start3A_125 = tpu.memref_slice %arg12[%dma_start3A_123, %dma_start3A_124] : memref<10240x64xf32, #tpu.memory_space<vmem_shared>> -> memref<10240x64xf32, #tpu.memory_space<vmem_shared>>
        tpu.enqueue_indirect_dma source(%arg10 : memref<128x64xf32, #tpu.memory_space<vmem>>) target(%dma_start3A_125 : memref<10240x64xf32, #tpu.memory_space<vmem_shared>>) offsets(%dma_start3A_122 : memref<128xi32, #tpu.memory_space<vmem>>) semaphore(%arg15 : memref<!tpu.dma_semaphore, #tpu.memory_space<semaphore_mem>>) {add = true}
        %add3A_126 = arith.constant 2 : i32
        %add3A_127 = arith.addi %add3A_80, %add3A_126 : i32
        %lt3A = arith.constant 158 : i32
        %lt3A_128 = arith.cmpi slt, %add3A_127, %lt3A : i32
        %convert_element_type3A_129 = arith.extui %lt3A_128 : i1 to i32
        %cond3A_130 = arith.constant 0 : i32
        %cond3A_131 = arith.cmpi ne, %convert_element_type3A_129, %cond3A_130 : i32
        scf.if %cond3A_131 {
          %add3A_132 = arith.constant 2 : i32
          %add3A_133 = arith.addi %add3A_80, %add3A_132 : i32
          %dma_start3A_134 = arith.constant 0 : i32
          %dma_start3A_135 = tpu.memref_slice %arg8[%add3A_133, %dma_start3A_134] : memref<158x128xi32, #tpu.memory_space<vmem>> -> memref<1x128xi32, #tpu.memory_space<vmem>>
          %dma_start3A_136 = tpu.memref_squeeze %dma_start3A_135 : memref<1x128xi32, #tpu.memory_space<vmem>> -> memref<128xi32, #tpu.memory_space<vmem>>
          %dma_start3A_137 = arith.constant 0 : i32
          %dma_start3A_138 = arith.constant 0 : i32
          %dma_start3A_139 = tpu.memref_slice %arg2[%dma_start3A_137, %dma_start3A_138] : memref<10240x64xf32, #tpu.memory_space<hbm>> -> memref<10240x64xf32, #tpu.memory_space<hbm>>
          tpu.enqueue_indirect_dma source(%dma_start3A_139 : memref<10240x64xf32, #tpu.memory_space<hbm>>) target(%arg10 : memref<128x64xf32, #tpu.memory_space<vmem>>) offsets(%dma_start3A_136 : memref<128xi32, #tpu.memory_space<vmem>>) semaphore(%arg13 : memref<!tpu.dma_semaphore, #tpu.memory_space<semaphore_mem>>)
        } else {
        }
      }
      %scan3A_46 = arith.constant 78 : i32
      %dma_wait3A_47 = arith.constant 157 : i32
      %dma_wait3A_48 = arith.constant 0 : i32
      %dma_wait3A_49 = tpu.memref_slice %arg8[%dma_wait3A_47, %dma_wait3A_48] : memref<158x128xi32, #tpu.memory_space<vmem>> -> memref<1x128xi32, #tpu.memory_space<vmem>>
      %dma_wait3A_50 = tpu.memref_squeeze %dma_wait3A_49 : memref<1x128xi32, #tpu.memory_space<vmem>> -> memref<128xi32, #tpu.memory_space<vmem>>
      %dma_wait3A_51 = arith.constant 0 : i32
      %dma_wait3A_52 = arith.constant 0 : i32
      %dma_wait3A_53 = tpu.memref_slice %arg2[%dma_wait3A_51, %dma_wait3A_52] : memref<10240x64xf32, #tpu.memory_space<hbm>> -> memref<10240x64xf32, #tpu.memory_space<hbm>>
      tpu.wait_indirect_dma semaphore(%arg14 : memref<!tpu.dma_semaphore, #tpu.memory_space<semaphore_mem>>) src(%dma_wait3A_53 : memref<10240x64xf32, #tpu.memory_space<hbm>>) dst(%arg11 : memref<128x64xf32, #tpu.memory_space<vmem>>)
      %dma_wait3A_54 = arith.constant 156 : i32
      %dma_wait3A_55 = arith.constant 0 : i32
      %dma_wait3A_56 = tpu.memref_slice %arg9[%dma_wait3A_54, %dma_wait3A_55] : memref<158x128xi32, #tpu.memory_space<vmem>> -> memref<1x128xi32, #tpu.memory_space<vmem>>
      %dma_wait3A_57 = tpu.memref_squeeze %dma_wait3A_56 : memref<1x128xi32, #tpu.memory_space<vmem>> -> memref<128xi32, #tpu.memory_space<vmem>>
      %dma_wait3A_58 = arith.constant 0 : i32
      %dma_wait3A_59 = arith.constant 0 : i32
      %dma_wait3A_60 = tpu.memref_slice %arg12[%dma_wait3A_58, %dma_wait3A_59] : memref<10240x64xf32, #tpu.memory_space<vmem_shared>> -> memref<10240x64xf32, #tpu.memory_space<vmem_shared>>
      tpu.wait_indirect_dma semaphore(%arg15 : memref<!tpu.dma_semaphore, #tpu.memory_space<semaphore_mem>>) src(%arg10 : memref<128x64xf32, #tpu.memory_space<vmem>>) dst(%dma_wait3A_60 : memref<10240x64xf32, #tpu.memory_space<vmem_shared>>)
      %dma_start3A_61 = arith.constant 157 : i32
      %dma_start3A_62 = arith.constant 0 : i32
      %dma_start3A_63 = tpu.memref_slice %arg9[%dma_start3A_61, %dma_start3A_62] : memref<158x128xi32, #tpu.memory_space<vmem>> -> memref<1x128xi32, #tpu.memory_space<vmem>>
      %dma_start3A_64 = tpu.memref_squeeze %dma_start3A_63 : memref<1x128xi32, #tpu.memory_space<vmem>> -> memref<128xi32, #tpu.memory_space<vmem>>
      %dma_start3A_65 = arith.constant 0 : i32
      %dma_start3A_66 = arith.constant 0 : i32
      %dma_start3A_67 = tpu.memref_slice %arg12[%dma_start3A_65, %dma_start3A_66] : memref<10240x64xf32, #tpu.memory_space<vmem_shared>> -> memref<10240x64xf32, #tpu.memory_space<vmem_shared>>
      tpu.enqueue_indirect_dma source(%arg11 : memref<128x64xf32, #tpu.memory_space<vmem>>) target(%dma_start3A_67 : memref<10240x64xf32, #tpu.memory_space<vmem_shared>>) offsets(%dma_start3A_64 : memref<128xi32, #tpu.memory_space<vmem>>) semaphore(%arg15 : memref<!tpu.dma_semaphore, #tpu.memory_space<semaphore_mem>>) {add = true}
      %dma_wait3A_68 = arith.constant 157 : i32
      %dma_wait3A_69 = arith.constant 0 : i32
      %dma_wait3A_70 = tpu.memref_slice %arg9[%dma_wait3A_68, %dma_wait3A_69] : memref<158x128xi32, #tpu.memory_space<vmem>> -> memref<1x128xi32, #tpu.memory_space<vmem>>
      %dma_wait3A_71 = tpu.memref_squeeze %dma_wait3A_70 : memref<1x128xi32, #tpu.memory_space<vmem>> -> memref<128xi32, #tpu.memory_space<vmem>>
      %dma_wait3A_72 = arith.constant 0 : i32
      %dma_wait3A_73 = arith.constant 0 : i32
      %dma_wait3A_74 = tpu.memref_slice %arg12[%dma_wait3A_72, %dma_wait3A_73] : memref<10240x64xf32, #tpu.memory_space<vmem_shared>> -> memref<10240x64xf32, #tpu.memory_space<vmem_shared>>
      tpu.wait_indirect_dma semaphore(%arg15 : memref<!tpu.dma_semaphore, #tpu.memory_space<semaphore_mem>>) src(%arg11 : memref<128x64xf32, #tpu.memory_space<vmem>>) dst(%dma_wait3A_74 : memref<10240x64xf32, #tpu.memory_space<vmem_shared>>)
    } else {
    }
    %eq3A_3 = arith.constant 1 : i32
    %eq3A_4 = arith.cmpi eq, %arg0, %eq3A_3 : i32
    %convert_element_type3A_5 = arith.extui %eq3A_4 : i1 to i32
    %cond3A_6 = arith.constant 0 : i32
    %cond3A_7 = arith.cmpi ne, %convert_element_type3A_5, %cond3A_6 : i32
    scf.if %cond3A_7 {
      %dma_start3A = arith.constant 0 : i32
      %dma_start3A_9 = arith.constant 0 : i32
      %dma_start3A_10 = tpu.memref_slice %arg8[%dma_start3A, %dma_start3A_9] : memref<158x128xi32, #tpu.memory_space<vmem>> -> memref<1x128xi32, #tpu.memory_space<vmem>>
      %dma_start3A_11 = tpu.memref_squeeze %dma_start3A_10 : memref<1x128xi32, #tpu.memory_space<vmem>> -> memref<128xi32, #tpu.memory_space<vmem>>
      %dma_start3A_12 = arith.constant 0 : i32
      %dma_start3A_13 = arith.constant 0 : i32
      %dma_start3A_14 = tpu.memref_slice %arg3[%dma_start3A_12, %dma_start3A_13] : memref<10240x64xf32, #tpu.memory_space<hbm>> -> memref<10240x64xf32, #tpu.memory_space<hbm>>
      tpu.enqueue_indirect_dma source(%dma_start3A_14 : memref<10240x64xf32, #tpu.memory_space<hbm>>) target(%arg10 : memref<128x64xf32, #tpu.memory_space<vmem>>) offsets(%dma_start3A_11 : memref<128xi32, #tpu.memory_space<vmem>>) semaphore(%arg13 : memref<!tpu.dma_semaphore, #tpu.memory_space<semaphore_mem>>)
      %dma_start3A_15 = arith.constant 1 : i32
      %dma_start3A_16 = arith.constant 0 : i32
      %dma_start3A_17 = tpu.memref_slice %arg8[%dma_start3A_15, %dma_start3A_16] : memref<158x128xi32, #tpu.memory_space<vmem>> -> memref<1x128xi32, #tpu.memory_space<vmem>>
      %dma_start3A_18 = tpu.memref_squeeze %dma_start3A_17 : memref<1x128xi32, #tpu.memory_space<vmem>> -> memref<128xi32, #tpu.memory_space<vmem>>
      %dma_start3A_19 = arith.constant 0 : i32
      %dma_start3A_20 = arith.constant 0 : i32
      %dma_start3A_21 = tpu.memref_slice %arg3[%dma_start3A_19, %dma_start3A_20] : memref<10240x64xf32, #tpu.memory_space<hbm>> -> memref<10240x64xf32, #tpu.memory_space<hbm>>
      tpu.enqueue_indirect_dma source(%dma_start3A_21 : memref<10240x64xf32, #tpu.memory_space<hbm>>) target(%arg11 : memref<128x64xf32, #tpu.memory_space<vmem>>) offsets(%dma_start3A_18 : memref<128xi32, #tpu.memory_space<vmem>>) semaphore(%arg14 : memref<!tpu.dma_semaphore, #tpu.memory_space<semaphore_mem>>)
      %dma_wait3A = arith.constant 0 : i32
      %dma_wait3A_22 = arith.constant 0 : i32
      %dma_wait3A_23 = tpu.memref_slice %arg8[%dma_wait3A, %dma_wait3A_22] : memref<158x128xi32, #tpu.memory_space<vmem>> -> memref<1x128xi32, #tpu.memory_space<vmem>>
      %dma_wait3A_24 = tpu.memref_squeeze %dma_wait3A_23 : memref<1x128xi32, #tpu.memory_space<vmem>> -> memref<128xi32, #tpu.memory_space<vmem>>
      %dma_wait3A_25 = arith.constant 0 : i32
      %dma_wait3A_26 = arith.constant 0 : i32
      %dma_wait3A_27 = tpu.memref_slice %arg3[%dma_wait3A_25, %dma_wait3A_26] : memref<10240x64xf32, #tpu.memory_space<hbm>> -> memref<10240x64xf32, #tpu.memory_space<hbm>>
      tpu.wait_indirect_dma semaphore(%arg13 : memref<!tpu.dma_semaphore, #tpu.memory_space<semaphore_mem>>) src(%dma_wait3A_27 : memref<10240x64xf32, #tpu.memory_space<hbm>>) dst(%arg10 : memref<128x64xf32, #tpu.memory_space<vmem>>)
      %dma_start3A_28 = arith.constant 0 : i32
      %dma_start3A_29 = arith.constant 0 : i32
      %dma_start3A_30 = tpu.memref_slice %arg9[%dma_start3A_28, %dma_start3A_29] : memref<158x128xi32, #tpu.memory_space<vmem>> -> memref<1x128xi32, #tpu.memory_space<vmem>>
      %dma_start3A_31 = tpu.memref_squeeze %dma_start3A_30 : memref<1x128xi32, #tpu.memory_space<vmem>> -> memref<128xi32, #tpu.memory_space<vmem>>
      %dma_start3A_32 = arith.constant 0 : i32
      %dma_start3A_33 = arith.constant 0 : i32
      %dma_start3A_34 = tpu.memref_slice %arg12[%dma_start3A_32, %dma_start3A_33] : memref<10240x64xf32, #tpu.memory_space<vmem_shared>> -> memref<10240x64xf32, #tpu.memory_space<vmem_shared>>
      tpu.enqueue_indirect_dma source(%arg10 : memref<128x64xf32, #tpu.memory_space<vmem>>) target(%dma_start3A_34 : memref<10240x64xf32, #tpu.memory_space<vmem_shared>>) offsets(%dma_start3A_31 : memref<128xi32, #tpu.memory_space<vmem>>) semaphore(%arg15 : memref<!tpu.dma_semaphore, #tpu.memory_space<semaphore_mem>>) {add = true}
      %dma_start3A_35 = arith.constant 2 : i32
      %dma_start3A_36 = arith.constant 0 : i32
      %dma_start3A_37 = tpu.memref_slice %arg8[%dma_start3A_35, %dma_start3A_36] : memref<158x128xi32, #tpu.memory_space<vmem>> -> memref<1x128xi32, #tpu.memory_space<vmem>>
      %dma_start3A_38 = tpu.memref_squeeze %dma_start3A_37 : memref<1x128xi32, #tpu.memory_space<vmem>> -> memref<128xi32, #tpu.memory_space<vmem>>
      %dma_start3A_39 = arith.constant 0 : i32
      %dma_start3A_40 = arith.constant 0 : i32
      %dma_start3A_41 = tpu.memref_slice %arg3[%dma_start3A_39, %dma_start3A_40] : memref<10240x64xf32, #tpu.memory_space<hbm>> -> memref<10240x64xf32, #tpu.memory_space<hbm>>
      tpu.enqueue_indirect_dma source(%dma_start3A_41 : memref<10240x64xf32, #tpu.memory_space<hbm>>) target(%arg10 : memref<128x64xf32, #tpu.memory_space<vmem>>) offsets(%dma_start3A_38 : memref<128xi32, #tpu.memory_space<vmem>>) semaphore(%arg13 : memref<!tpu.dma_semaphore, #tpu.memory_space<semaphore_mem>>)
      %scan3A = arith.constant 0 : i32
      %scan3A_42 = arith.constant 0 : i32
      %scan3A_43 = arith.constant 78 : i32
      %scan3A_44 = arith.addi %scan3A_42, %scan3A_43 : i32
      %scan3A_45 = arith.constant 1 : i32
      scf.for %scan3A_75 = %scan3A_42 to %scan3A_44 step %scan3A_45  : i32 {
        %mul3A_76 = arith.constant 2 : i32
        %mul3A_77 = arith.muli %mul3A_76, %scan3A_75 : i32
        %add3A = arith.constant 1 : i32
        %add3A_78 = arith.addi %mul3A_77, %add3A : i32
        %add3A_79 = arith.constant 1 : i32
        %add3A_80 = arith.addi %add3A_78, %add3A_79 : i32
        %dma_wait3A_81 = arith.constant 0 : i32
        %dma_wait3A_82 = tpu.memref_slice %arg8[%add3A_78, %dma_wait3A_81] : memref<158x128xi32, #tpu.memory_space<vmem>> -> memref<1x128xi32, #tpu.memory_space<vmem>>
        %dma_wait3A_83 = tpu.memref_squeeze %dma_wait3A_82 : memref<1x128xi32, #tpu.memory_space<vmem>> -> memref<128xi32, #tpu.memory_space<vmem>>
        %dma_wait3A_84 = arith.constant 0 : i32
        %dma_wait3A_85 = arith.constant 0 : i32
        %dma_wait3A_86 = tpu.memref_slice %arg3[%dma_wait3A_84, %dma_wait3A_85] : memref<10240x64xf32, #tpu.memory_space<hbm>> -> memref<10240x64xf32, #tpu.memory_space<hbm>>
        tpu.wait_indirect_dma semaphore(%arg14 : memref<!tpu.dma_semaphore, #tpu.memory_space<semaphore_mem>>) src(%dma_wait3A_86 : memref<10240x64xf32, #tpu.memory_space<hbm>>) dst(%arg11 : memref<128x64xf32, #tpu.memory_space<vmem>>)
        %sub3A = arith.constant 1 : i32
        %sub3A_87 = arith.subi %add3A_78, %sub3A : i32
        %dma_wait3A_88 = arith.constant 0 : i32
        %dma_wait3A_89 = tpu.memref_slice %arg9[%sub3A_87, %dma_wait3A_88] : memref<158x128xi32, #tpu.memory_space<vmem>> -> memref<1x128xi32, #tpu.memory_space<vmem>>
        %dma_wait3A_90 = tpu.memref_squeeze %dma_wait3A_89 : memref<1x128xi32, #tpu.memory_space<vmem>> -> memref<128xi32, #tpu.memory_space<vmem>>
        %dma_wait3A_91 = arith.constant 0 : i32
        %dma_wait3A_92 = arith.constant 0 : i32
        %dma_wait3A_93 = tpu.memref_slice %arg12[%dma_wait3A_91, %dma_wait3A_92] : memref<10240x64xf32, #tpu.memory_space<vmem_shared>> -> memref<10240x64xf32, #tpu.memory_space<vmem_shared>>
        tpu.wait_indirect_dma semaphore(%arg15 : memref<!tpu.dma_semaphore, #tpu.memory_space<semaphore_mem>>) src(%arg10 : memref<128x64xf32, #tpu.memory_space<vmem>>) dst(%dma_wait3A_93 : memref<10240x64xf32, #tpu.memory_space<vmem_shared>>)
        %dma_start3A_94 = arith.constant 0 : i32
        %dma_start3A_95 = tpu.memref_slice %arg9[%add3A_78, %dma_start3A_94] : memref<158x128xi32, #tpu.memory_space<vmem>> -> memref<1x128xi32, #tpu.memory_space<vmem>>
        %dma_start3A_96 = tpu.memref_squeeze %dma_start3A_95 : memref<1x128xi32, #tpu.memory_space<vmem>> -> memref<128xi32, #tpu.memory_space<vmem>>
        %dma_start3A_97 = arith.constant 0 : i32
        %dma_start3A_98 = arith.constant 0 : i32
        %dma_start3A_99 = tpu.memref_slice %arg12[%dma_start3A_97, %dma_start3A_98] : memref<10240x64xf32, #tpu.memory_space<vmem_shared>> -> memref<10240x64xf32, #tpu.memory_space<vmem_shared>>
        tpu.enqueue_indirect_dma source(%arg11 : memref<128x64xf32, #tpu.memory_space<vmem>>) target(%dma_start3A_99 : memref<10240x64xf32, #tpu.memory_space<vmem_shared>>) offsets(%dma_start3A_96 : memref<128xi32, #tpu.memory_space<vmem>>) semaphore(%arg15 : memref<!tpu.dma_semaphore, #tpu.memory_space<semaphore_mem>>) {add = true}
        %add3A_100 = arith.constant 2 : i32
        %add3A_101 = arith.addi %add3A_78, %add3A_100 : i32
        %dma_start3A_102 = arith.constant 0 : i32
        %dma_start3A_103 = tpu.memref_slice %arg8[%add3A_101, %dma_start3A_102] : memref<158x128xi32, #tpu.memory_space<vmem>> -> memref<1x128xi32, #tpu.memory_space<vmem>>
        %dma_start3A_104 = tpu.memref_squeeze %dma_start3A_103 : memref<1x128xi32, #tpu.memory_space<vmem>> -> memref<128xi32, #tpu.memory_space<vmem>>
        %dma_start3A_105 = arith.constant 0 : i32
        %dma_start3A_106 = arith.constant 0 : i32
        %dma_start3A_107 = tpu.memref_slice %arg3[%dma_start3A_105, %dma_start3A_106] : memref<10240x64xf32, #tpu.memory_space<hbm>> -> memref<10240x64xf32, #tpu.memory_space<hbm>>
        tpu.enqueue_indirect_dma source(%dma_start3A_107 : memref<10240x64xf32, #tpu.memory_space<hbm>>) target(%arg11 : memref<128x64xf32, #tpu.memory_space<vmem>>) offsets(%dma_start3A_104 : memref<128xi32, #tpu.memory_space<vmem>>) semaphore(%arg14 : memref<!tpu.dma_semaphore, #tpu.memory_space<semaphore_mem>>)
        %dma_wait3A_108 = arith.constant 0 : i32
        %dma_wait3A_109 = tpu.memref_slice %arg8[%add3A_80, %dma_wait3A_108] : memref<158x128xi32, #tpu.memory_space<vmem>> -> memref<1x128xi32, #tpu.memory_space<vmem>>
        %dma_wait3A_110 = tpu.memref_squeeze %dma_wait3A_109 : memref<1x128xi32, #tpu.memory_space<vmem>> -> memref<128xi32, #tpu.memory_space<vmem>>
        %dma_wait3A_111 = arith.constant 0 : i32
        %dma_wait3A_112 = arith.constant 0 : i32
        %dma_wait3A_113 = tpu.memref_slice %arg3[%dma_wait3A_111, %dma_wait3A_112] : memref<10240x64xf32, #tpu.memory_space<hbm>> -> memref<10240x64xf32, #tpu.memory_space<hbm>>
        tpu.wait_indirect_dma semaphore(%arg13 : memref<!tpu.dma_semaphore, #tpu.memory_space<semaphore_mem>>) src(%dma_wait3A_113 : memref<10240x64xf32, #tpu.memory_space<hbm>>) dst(%arg10 : memref<128x64xf32, #tpu.memory_space<vmem>>)
        %dma_wait3A_114 = arith.constant 0 : i32
        %dma_wait3A_115 = tpu.memref_slice %arg9[%add3A_78, %dma_wait3A_114] : memref<158x128xi32, #tpu.memory_space<vmem>> -> memref<1x128xi32, #tpu.memory_space<vmem>>
        %dma_wait3A_116 = tpu.memref_squeeze %dma_wait3A_115 : memref<1x128xi32, #tpu.memory_space<vmem>> -> memref<128xi32, #tpu.memory_space<vmem>>
        %dma_wait3A_117 = arith.constant 0 : i32
        %dma_wait3A_118 = arith.constant 0 : i32
        %dma_wait3A_119 = tpu.memref_slice %arg12[%dma_wait3A_117, %dma_wait3A_118] : memref<10240x64xf32, #tpu.memory_space<vmem_shared>> -> memref<10240x64xf32, #tpu.memory_space<vmem_shared>>
        tpu.wait_indirect_dma semaphore(%arg15 : memref<!tpu.dma_semaphore, #tpu.memory_space<semaphore_mem>>) src(%arg11 : memref<128x64xf32, #tpu.memory_space<vmem>>) dst(%dma_wait3A_119 : memref<10240x64xf32, #tpu.memory_space<vmem_shared>>)
        %dma_start3A_120 = arith.constant 0 : i32
        %dma_start3A_121 = tpu.memref_slice %arg9[%add3A_80, %dma_start3A_120] : memref<158x128xi32, #tpu.memory_space<vmem>> -> memref<1x128xi32, #tpu.memory_space<vmem>>
        %dma_start3A_122 = tpu.memref_squeeze %dma_start3A_121 : memref<1x128xi32, #tpu.memory_space<vmem>> -> memref<128xi32, #tpu.memory_space<vmem>>
        %dma_start3A_123 = arith.constant 0 : i32
        %dma_start3A_124 = arith.constant 0 : i32
        %dma_start3A_125 = tpu.memref_slice %arg12[%dma_start3A_123, %dma_start3A_124] : memref<10240x64xf32, #tpu.memory_space<vmem_shared>> -> memref<10240x64xf32, #tpu.memory_space<vmem_shared>>
        tpu.enqueue_indirect_dma source(%arg10 : memref<128x64xf32, #tpu.memory_space<vmem>>) target(%dma_start3A_125 : memref<10240x64xf32, #tpu.memory_space<vmem_shared>>) offsets(%dma_start3A_122 : memref<128xi32, #tpu.memory_space<vmem>>) semaphore(%arg15 : memref<!tpu.dma_semaphore, #tpu.memory_space<semaphore_mem>>) {add = true}
        %add3A_126 = arith.constant 2 : i32
        %add3A_127 = arith.addi %add3A_80, %add3A_126 : i32
        %lt3A = arith.constant 158 : i32
        %lt3A_128 = arith.cmpi slt, %add3A_127, %lt3A : i32
        %convert_element_type3A_129 = arith.extui %lt3A_128 : i1 to i32
        %cond3A_130 = arith.constant 0 : i32
        %cond3A_131 = arith.cmpi ne, %convert_element_type3A_129, %cond3A_130 : i32
        scf.if %cond3A_131 {
          %add3A_132 = arith.constant 2 : i32
          %add3A_133 = arith.addi %add3A_80, %add3A_132 : i32
          %dma_start3A_134 = arith.constant 0 : i32
          %dma_start3A_135 = tpu.memref_slice %arg8[%add3A_133, %dma_start3A_134] : memref<158x128xi32, #tpu.memory_space<vmem>> -> memref<1x128xi32, #tpu.memory_space<vmem>>
          %dma_start3A_136 = tpu.memref_squeeze %dma_start3A_135 : memref<1x128xi32, #tpu.memory_space<vmem>> -> memref<128xi32, #tpu.memory_space<vmem>>
          %dma_start3A_137 = arith.constant 0 : i32
          %dma_start3A_138 = arith.constant 0 : i32
          %dma_start3A_139 = tpu.memref_slice %arg3[%dma_start3A_137, %dma_start3A_138] : memref<10240x64xf32, #tpu.memory_space<hbm>> -> memref<10240x64xf32, #tpu.memory_space<hbm>>
          tpu.enqueue_indirect_dma source(%dma_start3A_139 : memref<10240x64xf32, #tpu.memory_space<hbm>>) target(%arg10 : memref<128x64xf32, #tpu.memory_space<vmem>>) offsets(%dma_start3A_136 : memref<128xi32, #tpu.memory_space<vmem>>) semaphore(%arg13 : memref<!tpu.dma_semaphore, #tpu.memory_space<semaphore_mem>>)
        } else {
        }
      }
      %scan3A_46 = arith.constant 78 : i32
      %dma_wait3A_47 = arith.constant 157 : i32
      %dma_wait3A_48 = arith.constant 0 : i32
      %dma_wait3A_49 = tpu.memref_slice %arg8[%dma_wait3A_47, %dma_wait3A_48] : memref<158x128xi32, #tpu.memory_space<vmem>> -> memref<1x128xi32, #tpu.memory_space<vmem>>
      %dma_wait3A_50 = tpu.memref_squeeze %dma_wait3A_49 : memref<1x128xi32, #tpu.memory_space<vmem>> -> memref<128xi32, #tpu.memory_space<vmem>>
      %dma_wait3A_51 = arith.constant 0 : i32
      %dma_wait3A_52 = arith.constant 0 : i32
      %dma_wait3A_53 = tpu.memref_slice %arg3[%dma_wait3A_51, %dma_wait3A_52] : memref<10240x64xf32, #tpu.memory_space<hbm>> -> memref<10240x64xf32, #tpu.memory_space<hbm>>
      tpu.wait_indirect_dma semaphore(%arg14 : memref<!tpu.dma_semaphore, #tpu.memory_space<semaphore_mem>>) src(%dma_wait3A_53 : memref<10240x64xf32, #tpu.memory_space<hbm>>) dst(%arg11 : memref<128x64xf32, #tpu.memory_space<vmem>>)
      %dma_wait3A_54 = arith.constant 156 : i32
      %dma_wait3A_55 = arith.constant 0 : i32
      %dma_wait3A_56 = tpu.memref_slice %arg9[%dma_wait3A_54, %dma_wait3A_55] : memref<158x128xi32, #tpu.memory_space<vmem>> -> memref<1x128xi32, #tpu.memory_space<vmem>>
      %dma_wait3A_57 = tpu.memref_squeeze %dma_wait3A_56 : memref<1x128xi32, #tpu.memory_space<vmem>> -> memref<128xi32, #tpu.memory_space<vmem>>
      %dma_wait3A_58 = arith.constant 0 : i32
      %dma_wait3A_59 = arith.constant 0 : i32
      %dma_wait3A_60 = tpu.memref_slice %arg12[%dma_wait3A_58, %dma_wait3A_59] : memref<10240x64xf32, #tpu.memory_space<vmem_shared>> -> memref<10240x64xf32, #tpu.memory_space<vmem_shared>>
      tpu.wait_indirect_dma semaphore(%arg15 : memref<!tpu.dma_semaphore, #tpu.memory_space<semaphore_mem>>) src(%arg10 : memref<128x64xf32, #tpu.memory_space<vmem>>) dst(%dma_wait3A_60 : memref<10240x64xf32, #tpu.memory_space<vmem_shared>>)
      %dma_start3A_61 = arith.constant 157 : i32
      %dma_start3A_62 = arith.constant 0 : i32
      %dma_start3A_63 = tpu.memref_slice %arg9[%dma_start3A_61, %dma_start3A_62] : memref<158x128xi32, #tpu.memory_space<vmem>> -> memref<1x128xi32, #tpu.memory_space<vmem>>
      %dma_start3A_64 = tpu.memref_squeeze %dma_start3A_63 : memref<1x128xi32, #tpu.memory_space<vmem>> -> memref<128xi32, #tpu.memory_space<vmem>>
      %dma_start3A_65 = arith.constant 0 : i32
      %dma_start3A_66 = arith.constant 0 : i32
      %dma_start3A_67 = tpu.memref_slice %arg12[%dma_start3A_65, %dma_start3A_66] : memref<10240x64xf32, #tpu.memory_space<vmem_shared>> -> memref<10240x64xf32, #tpu.memory_space<vmem_shared>>
      tpu.enqueue_indirect_dma source(%arg11 : memref<128x64xf32, #tpu.memory_space<vmem>>) target(%dma_start3A_67 : memref<10240x64xf32, #tpu.memory_space<vmem_shared>>) offsets(%dma_start3A_64 : memref<128xi32, #tpu.memory_space<vmem>>) semaphore(%arg15 : memref<!tpu.dma_semaphore, #tpu.memory_space<semaphore_mem>>) {add = true}
      %dma_wait3A_68 = arith.constant 157 : i32
      %dma_wait3A_69 = arith.constant 0 : i32
      %dma_wait3A_70 = tpu.memref_slice %arg9[%dma_wait3A_68, %dma_wait3A_69] : memref<158x128xi32, #tpu.memory_space<vmem>> -> memref<1x128xi32, #tpu.memory_space<vmem>>
      %dma_wait3A_71 = tpu.memref_squeeze %dma_wait3A_70 : memref<1x128xi32, #tpu.memory_space<vmem>> -> memref<128xi32, #tpu.memory_space<vmem>>
      %dma_wait3A_72 = arith.constant 0 : i32
      %dma_wait3A_73 = arith.constant 0 : i32
      %dma_wait3A_74 = tpu.memref_slice %arg12[%dma_wait3A_72, %dma_wait3A_73] : memref<10240x64xf32, #tpu.memory_space<vmem_shared>> -> memref<10240x64xf32, #tpu.memory_space<vmem_shared>>
      tpu.wait_indirect_dma semaphore(%arg15 : memref<!tpu.dma_semaphore, #tpu.memory_space<semaphore_mem>>) src(%arg11 : memref<128x64xf32, #tpu.memory_space<vmem>>) dst(%dma_wait3A_74 : memref<10240x64xf32, #tpu.memory_space<vmem_shared>>)
    } else {
    }
    %barrier3A_8 = arith.constant 0 : index
    tpu.barrier barrier_id(%barrier3A_8)
    "tpu.region"() ({
      %run_scoped3A = tpu.sem_alloc : memref<!tpu.dma_semaphore, #tpu.memory_space<semaphore_mem>>
      %dma_start3A = arith.constant 0 : i32
      %dma_start3A_9 = tpu.memref_slice %arg7[%arg0, %mul3A_0, %dma_start3A] : memref<2x10240x64xf32, #tpu.memory_space<hbm>> -> memref<1x640x64xf32, #tpu.memory_space<hbm>>
      %dma_start3A_10 = tpu.memref_squeeze %dma_start3A_9 : memref<1x640x64xf32, #tpu.memory_space<hbm>> -> memref<640x64xf32, #tpu.memory_space<hbm>>
      %dma_start3A_11 = arith.constant 0 : i32
      %dma_start3A_12 = tpu.memref_slice %arg12[%mul3A_0, %dma_start3A_11] : memref<10240x64xf32, #tpu.memory_space<vmem_shared>> -> memref<640x64xf32, #tpu.memory_space<vmem_shared>>
      tpu.enqueue_dma source(%dma_start3A_12 : memref<640x64xf32, #tpu.memory_space<vmem_shared>>) target(%dma_start3A_10 : memref<640x64xf32, #tpu.memory_space<hbm>>) target_semaphore(%run_scoped3A : memref<!tpu.dma_semaphore, #tpu.memory_space<semaphore_mem>>)
      %dma_wait3A = arith.constant 0 : i32
      %dma_wait3A_13 = tpu.memref_slice %arg7[%arg0, %mul3A_0, %dma_wait3A] : memref<2x10240x64xf32, #tpu.memory_space<hbm>> -> memref<1x640x64xf32, #tpu.memory_space<hbm>>
      %dma_wait3A_14 = tpu.memref_squeeze %dma_wait3A_13 : memref<1x640x64xf32, #tpu.memory_space<hbm>> -> memref<640x64xf32, #tpu.memory_space<hbm>>
      %dma_wait3A_15 = arith.constant 0 : i32
      %dma_wait3A_16 = tpu.memref_slice %arg12[%mul3A_0, %dma_wait3A_15] : memref<10240x64xf32, #tpu.memory_space<vmem_shared>> -> memref<640x64xf32, #tpu.memory_space<vmem_shared>>
      tpu.wait_dma2 semaphore(%run_scoped3A : memref<!tpu.dma_semaphore, #tpu.memory_space<semaphore_mem>>) src(%dma_wait3A_16 : memref<640x64xf32, #tpu.memory_space<vmem_shared>>) dst(%dma_wait3A_14 : memref<640x64xf32, #tpu.memory_space<hbm>>)
      tpu.yield
    }) : () -> ()
    return
  }
}

#map = affine_map<(d0, d1) -> (0, 0, 0)>
module attributes {stable_mosaic.version = 14 : i64} {
  func.func @_deg_body(%arg0: i32, %arg1: i32, %arg2: memref<32x79x128xi32, #tpu.memory_space<hbm>>, %arg3: memref<32x79x128xi32, #tpu.memory_space<hbm>>, %arg4: memref<32x640x16xf32, #tpu.memory_space<hbm>>, %arg5: memref<32x640x16xf32, #tpu.memory_space<hbm>>, %arg6: memref<79x128xi32, #tpu.memory_space<vmem>>, %arg7: memref<640x16xf32, #tpu.memory_space<vmem>>) attributes {dimension_semantics = [#tpu.dimension_semantics<core_parallel>, #tpu.dimension_semantics<subcore_parallel>], iteration_bounds = array<i64: 2, 16>, scalar_prefetch = 0 : i64, scratch_operands = 2 : i64, tpu.core_type = #tpu.core_type<sc_vector_subcore>, window_params = [{transform_indices = #map}, {transform_indices = #map}, {transform_indices = #map}, {transform_indices = #map}]} {
    %mul3A = arith.constant 2 : i32
    %mul3A_0 = arith.muli %arg1, %mul3A : i32
    %add3A = arith.addi %mul3A_0, %arg0 : i32
    %broadcast_in_dim3A = arith.constant 1.000000e+00 : f32
    %broadcast_in_dim3A_1 = vector.broadcast %broadcast_in_dim3A : f32 to vector<16xf32>
    %scan3A = arith.constant 0 : i32
    %scan3A_2 = arith.constant 0 : i32
    %scan3A_3 = arith.constant 640 : i32
    %scan3A_4 = arith.addi %scan3A_2, %scan3A_3 : i32
    %scan3A_5 = arith.constant 1 : i32
    scf.for %scan3A_25 = %scan3A_2 to %scan3A_4 step %scan3A_5  : i32 {
      %broadcast_in_dim3A_26 = arith.constant 0.000000e+00 : f32
      %broadcast_in_dim3A_27 = vector.broadcast %broadcast_in_dim3A_26 : f32 to vector<16xf32>
      %swap3A = arith.index_cast %scan3A_25 : i32 to index
      %swap3A_28 = arith.constant 0 : index
      %swap3A_29 = tpu.vector_load %arg7[%swap3A, %swap3A_28] {strides = array<i32>} : memref<640x16xf32, #tpu.memory_space<vmem>>, vector<16xf32>,
      tpu.vector_store %arg7[%swap3A, %swap3A_28], %broadcast_in_dim3A_27 {strides = array<i32>} : memref<640x16xf32, #tpu.memory_space<vmem>>, vector<16xf32>,
    }
    %scan3A_6 = arith.constant 640 : i32
    "tpu.region"() ({
      %run_scoped3A = tpu.sem_alloc : memref<!tpu.dma_semaphore, #tpu.memory_space<semaphore_mem>>
      %dma_start3A = arith.constant 0 : i32
      %dma_start3A_25 = arith.constant 0 : i32
      %dma_start3A_26 = tpu.memref_slice %arg2[%add3A, %dma_start3A, %dma_start3A_25] : memref<32x79x128xi32, #tpu.memory_space<hbm>> -> memref<1x79x128xi32, #tpu.memory_space<hbm>>
      %dma_start3A_27 = tpu.memref_squeeze %dma_start3A_26 : memref<1x79x128xi32, #tpu.memory_space<hbm>> -> memref<79x128xi32, #tpu.memory_space<hbm>>
      %dma_start3A_28 = arith.constant 0 : i32
      %dma_start3A_29 = arith.constant 0 : i32
      %dma_start3A_30 = tpu.memref_slice %arg2[%add3A, %dma_start3A_28, %dma_start3A_29] : memref<32x79x128xi32, #tpu.memory_space<hbm>> -> memref<1x79x128xi32, #tpu.memory_space<hbm>>
      %dma_start3A_31 = tpu.memref_squeeze %dma_start3A_30 : memref<1x79x128xi32, #tpu.memory_space<hbm>> -> memref<79x128xi32, #tpu.memory_space<hbm>>
      tpu.enqueue_dma source(%dma_start3A_31 : memref<79x128xi32, #tpu.memory_space<hbm>>) target(%arg6 : memref<79x128xi32, #tpu.memory_space<vmem>>) target_semaphore(%run_scoped3A : memref<!tpu.dma_semaphore, #tpu.memory_space<semaphore_mem>>)
      %dma_wait3A = arith.constant 0 : i32
      %dma_wait3A_32 = arith.constant 0 : i32
      %dma_wait3A_33 = tpu.memref_slice %arg2[%add3A, %dma_wait3A, %dma_wait3A_32] : memref<32x79x128xi32, #tpu.memory_space<hbm>> -> memref<1x79x128xi32, #tpu.memory_space<hbm>>
      %dma_wait3A_34 = tpu.memref_squeeze %dma_wait3A_33 : memref<1x79x128xi32, #tpu.memory_space<hbm>> -> memref<79x128xi32, #tpu.memory_space<hbm>>
      %dma_wait3A_35 = arith.constant 0 : i32
      %dma_wait3A_36 = arith.constant 0 : i32
      %dma_wait3A_37 = tpu.memref_slice %arg2[%add3A, %dma_wait3A_35, %dma_wait3A_36] : memref<32x79x128xi32, #tpu.memory_space<hbm>> -> memref<1x79x128xi32, #tpu.memory_space<hbm>>
      %dma_wait3A_38 = tpu.memref_squeeze %dma_wait3A_37 : memref<1x79x128xi32, #tpu.memory_space<hbm>> -> memref<79x128xi32, #tpu.memory_space<hbm>>
      tpu.wait_dma2 semaphore(%run_scoped3A : memref<!tpu.dma_semaphore, #tpu.memory_space<semaphore_mem>>) src(%dma_wait3A_38 : memref<79x128xi32, #tpu.memory_space<hbm>>) dst(%arg6 : memref<79x128xi32, #tpu.memory_space<vmem>>)
      tpu.yield
    }) : () -> ()
    %scan3A_7 = arith.constant 0 : i32
    %scan3A_8 = arith.constant 0 : i32
    %scan3A_9 = arith.constant 79 : i32
    %scan3A_10 = arith.addi %scan3A_8, %scan3A_9 : i32
    %scan3A_11 = arith.constant 1 : i32
    scf.for %scan3A_25 = %scan3A_8 to %scan3A_10 step %scan3A_11  : i32 {
      %get3A = arith.index_cast %scan3A_25 : i32 to index
      %get3A_26 = arith.constant 0 : index
      %get3A_27 = tpu.vector_load %arg6[%get3A, %get3A_26] {strides = array<i32>} : memref<79x128xi32, #tpu.memory_space<vmem>>, vector<16xi32>,
      %shift_right_arithmetic3A = arith.constant 4 : i32
      %shift_right_arithmetic3A_28 = vector.broadcast %shift_right_arithmetic3A : i32 to vector<16xi32>
      %shift_right_arithmetic3A_29 = arith.shrsi %get3A_27, %shift_right_arithmetic3A_28 : vector<16xi32>
      %and3A = arith.constant 15 : i32
      %and3A_30 = vector.broadcast %and3A : i32 to vector<16xi32>
      %and3A_31 = arith.andi %get3A_27, %and3A_30 : vector<16xi32>
      tpu.vector_store_idx %arg7[%shift_right_arithmetic3A_29, %and3A_31], %broadcast_in_dim3A_1 {add = true} : memref<640x16xf32, #tpu.memory_space<vmem>>[vector<16xi32>, vector<16xi32>], vector<16xf32>,
      %get3A_32 = arith.index_cast %scan3A_25 : i32 to index
      %get3A_33 = arith.constant 16 : index
      %get3A_34 = tpu.vector_load %arg6[%get3A_32, %get3A_33] {strides = array<i32>} : memref<79x128xi32, #tpu.memory_space<vmem>>, vector<16xi32>,
      %shift_right_arithmetic3A_35 = arith.constant 4 : i32
      %shift_right_arithmetic3A_36 = vector.broadcast %shift_right_arithmetic3A_35 : i32 to vector<16xi32>
      %shift_right_arithmetic3A_37 = arith.shrsi %get3A_34, %shift_right_arithmetic3A_36 : vector<16xi32>
      %and3A_38 = arith.constant 15 : i32
      %and3A_39 = vector.broadcast %and3A_38 : i32 to vector<16xi32>
      %and3A_40 = arith.andi %get3A_34, %and3A_39 : vector<16xi32>
      tpu.vector_store_idx %arg7[%shift_right_arithmetic3A_37, %and3A_40], %broadcast_in_dim3A_1 {add = true} : memref<640x16xf32, #tpu.memory_space<vmem>>[vector<16xi32>, vector<16xi32>], vector<16xf32>,
      %get3A_41 = arith.index_cast %scan3A_25 : i32 to index
      %get3A_42 = arith.constant 32 : index
      %get3A_43 = tpu.vector_load %arg6[%get3A_41, %get3A_42] {strides = array<i32>} : memref<79x128xi32, #tpu.memory_space<vmem>>, vector<16xi32>,
      %shift_right_arithmetic3A_44 = arith.constant 4 : i32
      %shift_right_arithmetic3A_45 = vector.broadcast %shift_right_arithmetic3A_44 : i32 to vector<16xi32>
      %shift_right_arithmetic3A_46 = arith.shrsi %get3A_43, %shift_right_arithmetic3A_45 : vector<16xi32>
      %and3A_47 = arith.constant 15 : i32
      %and3A_48 = vector.broadcast %and3A_47 : i32 to vector<16xi32>
      %and3A_49 = arith.andi %get3A_43, %and3A_48 : vector<16xi32>
      tpu.vector_store_idx %arg7[%shift_right_arithmetic3A_46, %and3A_49], %broadcast_in_dim3A_1 {add = true} : memref<640x16xf32, #tpu.memory_space<vmem>>[vector<16xi32>, vector<16xi32>], vector<16xf32>,
      %get3A_50 = arith.index_cast %scan3A_25 : i32 to index
      %get3A_51 = arith.constant 48 : index
      %get3A_52 = tpu.vector_load %arg6[%get3A_50, %get3A_51] {strides = array<i32>} : memref<79x128xi32, #tpu.memory_space<vmem>>, vector<16xi32>,
      %shift_right_arithmetic3A_53 = arith.constant 4 : i32
      %shift_right_arithmetic3A_54 = vector.broadcast %shift_right_arithmetic3A_53 : i32 to vector<16xi32>
      %shift_right_arithmetic3A_55 = arith.shrsi %get3A_52, %shift_right_arithmetic3A_54 : vector<16xi32>
      %and3A_56 = arith.constant 15 : i32
      %and3A_57 = vector.broadcast %and3A_56 : i32 to vector<16xi32>
      %and3A_58 = arith.andi %get3A_52, %and3A_57 : vector<16xi32>
      tpu.vector_store_idx %arg7[%shift_right_arithmetic3A_55, %and3A_58], %broadcast_in_dim3A_1 {add = true} : memref<640x16xf32, #tpu.memory_space<vmem>>[vector<16xi32>, vector<16xi32>], vector<16xf32>,
      %get3A_59 = arith.index_cast %scan3A_25 : i32 to index
      %get3A_60 = arith.constant 64 : index
      %get3A_61 = tpu.vector_load %arg6[%get3A_59, %get3A_60] {strides = array<i32>} : memref<79x128xi32, #tpu.memory_space<vmem>>, vector<16xi32>,
      %shift_right_arithmetic3A_62 = arith.constant 4 : i32
      %shift_right_arithmetic3A_63 = vector.broadcast %shift_right_arithmetic3A_62 : i32 to vector<16xi32>
      %shift_right_arithmetic3A_64 = arith.shrsi %get3A_61, %shift_right_arithmetic3A_63 : vector<16xi32>
      %and3A_65 = arith.constant 15 : i32
      %and3A_66 = vector.broadcast %and3A_65 : i32 to vector<16xi32>
      %and3A_67 = arith.andi %get3A_61, %and3A_66 : vector<16xi32>
      tpu.vector_store_idx %arg7[%shift_right_arithmetic3A_64, %and3A_67], %broadcast_in_dim3A_1 {add = true} : memref<640x16xf32, #tpu.memory_space<vmem>>[vector<16xi32>, vector<16xi32>], vector<16xf32>,
      %get3A_68 = arith.index_cast %scan3A_25 : i32 to index
      %get3A_69 = arith.constant 80 : index
      %get3A_70 = tpu.vector_load %arg6[%get3A_68, %get3A_69] {strides = array<i32>} : memref<79x128xi32, #tpu.memory_space<vmem>>, vector<16xi32>,
      %shift_right_arithmetic3A_71 = arith.constant 4 : i32
      %shift_right_arithmetic3A_72 = vector.broadcast %shift_right_arithmetic3A_71 : i32 to vector<16xi32>
      %shift_right_arithmetic3A_73 = arith.shrsi %get3A_70, %shift_right_arithmetic3A_72 : vector<16xi32>
      %and3A_74 = arith.constant 15 : i32
      %and3A_75 = vector.broadcast %and3A_74 : i32 to vector<16xi32>
      %and3A_76 = arith.andi %get3A_70, %and3A_75 : vector<16xi32>
      tpu.vector_store_idx %arg7[%shift_right_arithmetic3A_73, %and3A_76], %broadcast_in_dim3A_1 {add = true} : memref<640x16xf32, #tpu.memory_space<vmem>>[vector<16xi32>, vector<16xi32>], vector<16xf32>,
      %get3A_77 = arith.index_cast %scan3A_25 : i32 to index
      %get3A_78 = arith.constant 96 : index
      %get3A_79 = tpu.vector_load %arg6[%get3A_77, %get3A_78] {strides = array<i32>} : memref<79x128xi32, #tpu.memory_space<vmem>>, vector<16xi32>,
      %shift_right_arithmetic3A_80 = arith.constant 4 : i32
      %shift_right_arithmetic3A_81 = vector.broadcast %shift_right_arithmetic3A_80 : i32 to vector<16xi32>
      %shift_right_arithmetic3A_82 = arith.shrsi %get3A_79, %shift_right_arithmetic3A_81 : vector<16xi32>
      %and3A_83 = arith.constant 15 : i32
      %and3A_84 = vector.broadcast %and3A_83 : i32 to vector<16xi32>
      %and3A_85 = arith.andi %get3A_79, %and3A_84 : vector<16xi32>
      tpu.vector_store_idx %arg7[%shift_right_arithmetic3A_82, %and3A_85], %broadcast_in_dim3A_1 {add = true} : memref<640x16xf32, #tpu.memory_space<vmem>>[vector<16xi32>, vector<16xi32>], vector<16xf32>,
      %get3A_86 = arith.index_cast %scan3A_25 : i32 to index
      %get3A_87 = arith.constant 112 : index
      %get3A_88 = tpu.vector_load %arg6[%get3A_86, %get3A_87] {strides = array<i32>} : memref<79x128xi32, #tpu.memory_space<vmem>>, vector<16xi32>,
      %shift_right_arithmetic3A_89 = arith.constant 4 : i32
      %shift_right_arithmetic3A_90 = vector.broadcast %shift_right_arithmetic3A_89 : i32 to vector<16xi32>
      %shift_right_arithmetic3A_91 = arith.shrsi %get3A_88, %shift_right_arithmetic3A_90 : vector<16xi32>
      %and3A_92 = arith.constant 15 : i32
      %and3A_93 = vector.broadcast %and3A_92 : i32 to vector<16xi32>
      %and3A_94 = arith.andi %get3A_88, %and3A_93 : vector<16xi32>
      tpu.vector_store_idx %arg7[%shift_right_arithmetic3A_91, %and3A_94], %broadcast_in_dim3A_1 {add = true} : memref<640x16xf32, #tpu.memory_space<vmem>>[vector<16xi32>, vector<16xi32>], vector<16xf32>,
    }
    %scan3A_12 = arith.constant 79 : i32
    "tpu.region"() ({
      %run_scoped3A = tpu.sem_alloc : memref<!tpu.dma_semaphore, #tpu.memory_space<semaphore_mem>>
      %dma_start3A = arith.constant 0 : i32
      %dma_start3A_25 = arith.constant 0 : i32
      %dma_start3A_26 = tpu.memref_slice %arg4[%add3A, %dma_start3A, %dma_start3A_25] : memref<32x640x16xf32, #tpu.memory_space<hbm>> -> memref<1x640x16xf32, #tpu.memory_space<hbm>>
      %dma_start3A_27 = tpu.memref_squeeze %dma_start3A_26 : memref<1x640x16xf32, #tpu.memory_space<hbm>> -> memref<640x16xf32, #tpu.memory_space<hbm>>
      %dma_start3A_28 = arith.constant 0 : i32
      %dma_start3A_29 = arith.constant 0 : i32
      %dma_start3A_30 = tpu.memref_slice %arg4[%add3A, %dma_start3A_28, %dma_start3A_29] : memref<32x640x16xf32, #tpu.memory_space<hbm>> -> memref<1x640x16xf32, #tpu.memory_space<hbm>>
      %dma_start3A_31 = tpu.memref_squeeze %dma_start3A_30 : memref<1x640x16xf32, #tpu.memory_space<hbm>> -> memref<640x16xf32, #tpu.memory_space<hbm>>
      tpu.enqueue_dma source(%arg7 : memref<640x16xf32, #tpu.memory_space<vmem>>) target(%dma_start3A_31 : memref<640x16xf32, #tpu.memory_space<hbm>>) target_semaphore(%run_scoped3A : memref<!tpu.dma_semaphore, #tpu.memory_space<semaphore_mem>>)
      %dma_wait3A = arith.constant 0 : i32
      %dma_wait3A_32 = arith.constant 0 : i32
      %dma_wait3A_33 = tpu.memref_slice %arg4[%add3A, %dma_wait3A, %dma_wait3A_32] : memref<32x640x16xf32, #tpu.memory_space<hbm>> -> memref<1x640x16xf32, #tpu.memory_space<hbm>>
      %dma_wait3A_34 = tpu.memref_squeeze %dma_wait3A_33 : memref<1x640x16xf32, #tpu.memory_space<hbm>> -> memref<640x16xf32, #tpu.memory_space<hbm>>
      %dma_wait3A_35 = arith.constant 0 : i32
      %dma_wait3A_36 = arith.constant 0 : i32
      %dma_wait3A_37 = tpu.memref_slice %arg4[%add3A, %dma_wait3A_35, %dma_wait3A_36] : memref<32x640x16xf32, #tpu.memory_space<hbm>> -> memref<1x640x16xf32, #tpu.memory_space<hbm>>
      %dma_wait3A_38 = tpu.memref_squeeze %dma_wait3A_37 : memref<1x640x16xf32, #tpu.memory_space<hbm>> -> memref<640x16xf32, #tpu.memory_space<hbm>>
      tpu.wait_dma2 semaphore(%run_scoped3A : memref<!tpu.dma_semaphore, #tpu.memory_space<semaphore_mem>>) src(%arg7 : memref<640x16xf32, #tpu.memory_space<vmem>>) dst(%dma_wait3A_38 : memref<640x16xf32, #tpu.memory_space<hbm>>)
      tpu.yield
    }) : () -> ()
    %scan3A_13 = arith.constant 0 : i32
    %scan3A_14 = arith.constant 0 : i32
    %scan3A_15 = arith.constant 640 : i32
    %scan3A_16 = arith.addi %scan3A_14, %scan3A_15 : i32
    %scan3A_17 = arith.constant 1 : i32
    scf.for %scan3A_25 = %scan3A_14 to %scan3A_16 step %scan3A_17  : i32 {
      %broadcast_in_dim3A_26 = arith.constant 0.000000e+00 : f32
      %broadcast_in_dim3A_27 = vector.broadcast %broadcast_in_dim3A_26 : f32 to vector<16xf32>
      %swap3A = arith.index_cast %scan3A_25 : i32 to index
      %swap3A_28 = arith.constant 0 : index
      %swap3A_29 = tpu.vector_load %arg7[%swap3A, %swap3A_28] {strides = array<i32>} : memref<640x16xf32, #tpu.memory_space<vmem>>, vector<16xf32>,
      tpu.vector_store %arg7[%swap3A, %swap3A_28], %broadcast_in_dim3A_27 {strides = array<i32>} : memref<640x16xf32, #tpu.memory_space<vmem>>, vector<16xf32>,
    }
    %scan3A_18 = arith.constant 640 : i32
    "tpu.region"() ({
      %run_scoped3A = tpu.sem_alloc : memref<!tpu.dma_semaphore, #tpu.memory_space<semaphore_mem>>
      %dma_start3A = arith.constant 0 : i32
      %dma_start3A_25 = arith.constant 0 : i32
      %dma_start3A_26 = tpu.memref_slice %arg3[%add3A, %dma_start3A, %dma_start3A_25] : memref<32x79x128xi32, #tpu.memory_space<hbm>> -> memref<1x79x128xi32, #tpu.memory_space<hbm>>
      %dma_start3A_27 = tpu.memref_squeeze %dma_start3A_26 : memref<1x79x128xi32, #tpu.memory_space<hbm>> -> memref<79x128xi32, #tpu.memory_space<hbm>>
      %dma_start3A_28 = arith.constant 0 : i32
      %dma_start3A_29 = arith.constant 0 : i32
      %dma_start3A_30 = tpu.memref_slice %arg3[%add3A, %dma_start3A_28, %dma_start3A_29] : memref<32x79x128xi32, #tpu.memory_space<hbm>> -> memref<1x79x128xi32, #tpu.memory_space<hbm>>
      %dma_start3A_31 = tpu.memref_squeeze %dma_start3A_30 : memref<1x79x128xi32, #tpu.memory_space<hbm>> -> memref<79x128xi32, #tpu.memory_space<hbm>>
      tpu.enqueue_dma source(%dma_start3A_31 : memref<79x128xi32, #tpu.memory_space<hbm>>) target(%arg6 : memref<79x128xi32, #tpu.memory_space<vmem>>) target_semaphore(%run_scoped3A : memref<!tpu.dma_semaphore, #tpu.memory_space<semaphore_mem>>)
      %dma_wait3A = arith.constant 0 : i32
      %dma_wait3A_32 = arith.constant 0 : i32
      %dma_wait3A_33 = tpu.memref_slice %arg3[%add3A, %dma_wait3A, %dma_wait3A_32] : memref<32x79x128xi32, #tpu.memory_space<hbm>> -> memref<1x79x128xi32, #tpu.memory_space<hbm>>
      %dma_wait3A_34 = tpu.memref_squeeze %dma_wait3A_33 : memref<1x79x128xi32, #tpu.memory_space<hbm>> -> memref<79x128xi32, #tpu.memory_space<hbm>>
      %dma_wait3A_35 = arith.constant 0 : i32
      %dma_wait3A_36 = arith.constant 0 : i32
      %dma_wait3A_37 = tpu.memref_slice %arg3[%add3A, %dma_wait3A_35, %dma_wait3A_36] : memref<32x79x128xi32, #tpu.memory_space<hbm>> -> memref<1x79x128xi32, #tpu.memory_space<hbm>>
      %dma_wait3A_38 = tpu.memref_squeeze %dma_wait3A_37 : memref<1x79x128xi32, #tpu.memory_space<hbm>> -> memref<79x128xi32, #tpu.memory_space<hbm>>
      tpu.wait_dma2 semaphore(%run_scoped3A : memref<!tpu.dma_semaphore, #tpu.memory_space<semaphore_mem>>) src(%dma_wait3A_38 : memref<79x128xi32, #tpu.memory_space<hbm>>) dst(%arg6 : memref<79x128xi32, #tpu.memory_space<vmem>>)
      tpu.yield
    }) : () -> ()
    %scan3A_19 = arith.constant 0 : i32
    %scan3A_20 = arith.constant 0 : i32
    %scan3A_21 = arith.constant 79 : i32
    %scan3A_22 = arith.addi %scan3A_20, %scan3A_21 : i32
    %scan3A_23 = arith.constant 1 : i32
    scf.for %scan3A_25 = %scan3A_20 to %scan3A_22 step %scan3A_23  : i32 {
      %get3A = arith.index_cast %scan3A_25 : i32 to index
      %get3A_26 = arith.constant 0 : index
      %get3A_27 = tpu.vector_load %arg6[%get3A, %get3A_26] {strides = array<i32>} : memref<79x128xi32, #tpu.memory_space<vmem>>, vector<16xi32>,
      %shift_right_arithmetic3A = arith.constant 4 : i32
      %shift_right_arithmetic3A_28 = vector.broadcast %shift_right_arithmetic3A : i32 to vector<16xi32>
      %shift_right_arithmetic3A_29 = arith.shrsi %get3A_27, %shift_right_arithmetic3A_28 : vector<16xi32>
      %and3A = arith.constant 15 : i32
      %and3A_30 = vector.broadcast %and3A : i32 to vector<16xi32>
      %and3A_31 = arith.andi %get3A_27, %and3A_30 : vector<16xi32>
      tpu.vector_store_idx %arg7[%shift_right_arithmetic3A_29, %and3A_31], %broadcast_in_dim3A_1 {add = true} : memref<640x16xf32, #tpu.memory_space<vmem>>[vector<16xi32>, vector<16xi32>], vector<16xf32>,
      %get3A_32 = arith.index_cast %scan3A_25 : i32 to index
      %get3A_33 = arith.constant 16 : index
      %get3A_34 = tpu.vector_load %arg6[%get3A_32, %get3A_33] {strides = array<i32>} : memref<79x128xi32, #tpu.memory_space<vmem>>, vector<16xi32>,
      %shift_right_arithmetic3A_35 = arith.constant 4 : i32
      %shift_right_arithmetic3A_36 = vector.broadcast %shift_right_arithmetic3A_35 : i32 to vector<16xi32>
      %shift_right_arithmetic3A_37 = arith.shrsi %get3A_34, %shift_right_arithmetic3A_36 : vector<16xi32>
      %and3A_38 = arith.constant 15 : i32
      %and3A_39 = vector.broadcast %and3A_38 : i32 to vector<16xi32>
      %and3A_40 = arith.andi %get3A_34, %and3A_39 : vector<16xi32>
      tpu.vector_store_idx %arg7[%shift_right_arithmetic3A_37, %and3A_40], %broadcast_in_dim3A_1 {add = true} : memref<640x16xf32, #tpu.memory_space<vmem>>[vector<16xi32>, vector<16xi32>], vector<16xf32>,
      %get3A_41 = arith.index_cast %scan3A_25 : i32 to index
      %get3A_42 = arith.constant 32 : index
      %get3A_43 = tpu.vector_load %arg6[%get3A_41, %get3A_42] {strides = array<i32>} : memref<79x128xi32, #tpu.memory_space<vmem>>, vector<16xi32>,
      %shift_right_arithmetic3A_44 = arith.constant 4 : i32
      %shift_right_arithmetic3A_45 = vector.broadcast %shift_right_arithmetic3A_44 : i32 to vector<16xi32>
      %shift_right_arithmetic3A_46 = arith.shrsi %get3A_43, %shift_right_arithmetic3A_45 : vector<16xi32>
      %and3A_47 = arith.constant 15 : i32
      %and3A_48 = vector.broadcast %and3A_47 : i32 to vector<16xi32>
      %and3A_49 = arith.andi %get3A_43, %and3A_48 : vector<16xi32>
      tpu.vector_store_idx %arg7[%shift_right_arithmetic3A_46, %and3A_49], %broadcast_in_dim3A_1 {add = true} : memref<640x16xf32, #tpu.memory_space<vmem>>[vector<16xi32>, vector<16xi32>], vector<16xf32>,
      %get3A_50 = arith.index_cast %scan3A_25 : i32 to index
      %get3A_51 = arith.constant 48 : index
      %get3A_52 = tpu.vector_load %arg6[%get3A_50, %get3A_51] {strides = array<i32>} : memref<79x128xi32, #tpu.memory_space<vmem>>, vector<16xi32>,
      %shift_right_arithmetic3A_53 = arith.constant 4 : i32
      %shift_right_arithmetic3A_54 = vector.broadcast %shift_right_arithmetic3A_53 : i32 to vector<16xi32>
      %shift_right_arithmetic3A_55 = arith.shrsi %get3A_52, %shift_right_arithmetic3A_54 : vector<16xi32>
      %and3A_56 = arith.constant 15 : i32
      %and3A_57 = vector.broadcast %and3A_56 : i32 to vector<16xi32>
      %and3A_58 = arith.andi %get3A_52, %and3A_57 : vector<16xi32>
      tpu.vector_store_idx %arg7[%shift_right_arithmetic3A_55, %and3A_58], %broadcast_in_dim3A_1 {add = true} : memref<640x16xf32, #tpu.memory_space<vmem>>[vector<16xi32>, vector<16xi32>], vector<16xf32>,
      %get3A_59 = arith.index_cast %scan3A_25 : i32 to index
      %get3A_60 = arith.constant 64 : index
      %get3A_61 = tpu.vector_load %arg6[%get3A_59, %get3A_60] {strides = array<i32>} : memref<79x128xi32, #tpu.memory_space<vmem>>, vector<16xi32>,
      %shift_right_arithmetic3A_62 = arith.constant 4 : i32
      %shift_right_arithmetic3A_63 = vector.broadcast %shift_right_arithmetic3A_62 : i32 to vector<16xi32>
      %shift_right_arithmetic3A_64 = arith.shrsi %get3A_61, %shift_right_arithmetic3A_63 : vector<16xi32>
      %and3A_65 = arith.constant 15 : i32
      %and3A_66 = vector.broadcast %and3A_65 : i32 to vector<16xi32>
      %and3A_67 = arith.andi %get3A_61, %and3A_66 : vector<16xi32>
      tpu.vector_store_idx %arg7[%shift_right_arithmetic3A_64, %and3A_67], %broadcast_in_dim3A_1 {add = true} : memref<640x16xf32, #tpu.memory_space<vmem>>[vector<16xi32>, vector<16xi32>], vector<16xf32>,
      %get3A_68 = arith.index_cast %scan3A_25 : i32 to index
      %get3A_69 = arith.constant 80 : index
      %get3A_70 = tpu.vector_load %arg6[%get3A_68, %get3A_69] {strides = array<i32>} : memref<79x128xi32, #tpu.memory_space<vmem>>, vector<16xi32>,
      %shift_right_arithmetic3A_71 = arith.constant 4 : i32
      %shift_right_arithmetic3A_72 = vector.broadcast %shift_right_arithmetic3A_71 : i32 to vector<16xi32>
      %shift_right_arithmetic3A_73 = arith.shrsi %get3A_70, %shift_right_arithmetic3A_72 : vector<16xi32>
      %and3A_74 = arith.constant 15 : i32
      %and3A_75 = vector.broadcast %and3A_74 : i32 to vector<16xi32>
      %and3A_76 = arith.andi %get3A_70, %and3A_75 : vector<16xi32>
      tpu.vector_store_idx %arg7[%shift_right_arithmetic3A_73, %and3A_76], %broadcast_in_dim3A_1 {add = true} : memref<640x16xf32, #tpu.memory_space<vmem>>[vector<16xi32>, vector<16xi32>], vector<16xf32>,
      %get3A_77 = arith.index_cast %scan3A_25 : i32 to index
      %get3A_78 = arith.constant 96 : index
      %get3A_79 = tpu.vector_load %arg6[%get3A_77, %get3A_78] {strides = array<i32>} : memref<79x128xi32, #tpu.memory_space<vmem>>, vector<16xi32>,
      %shift_right_arithmetic3A_80 = arith.constant 4 : i32
      %shift_right_arithmetic3A_81 = vector.broadcast %shift_right_arithmetic3A_80 : i32 to vector<16xi32>
      %shift_right_arithmetic3A_82 = arith.shrsi %get3A_79, %shift_right_arithmetic3A_81 : vector<16xi32>
      %and3A_83 = arith.constant 15 : i32
      %and3A_84 = vector.broadcast %and3A_83 : i32 to vector<16xi32>
      %and3A_85 = arith.andi %get3A_79, %and3A_84 : vector<16xi32>
      tpu.vector_store_idx %arg7[%shift_right_arithmetic3A_82, %and3A_85], %broadcast_in_dim3A_1 {add = true} : memref<640x16xf32, #tpu.memory_space<vmem>>[vector<16xi32>, vector<16xi32>], vector<16xf32>,
      %get3A_86 = arith.index_cast %scan3A_25 : i32 to index
      %get3A_87 = arith.constant 112 : index
      %get3A_88 = tpu.vector_load %arg6[%get3A_86, %get3A_87] {strides = array<i32>} : memref<79x128xi32, #tpu.memory_space<vmem>>, vector<16xi32>,
      %shift_right_arithmetic3A_89 = arith.constant 4 : i32
      %shift_right_arithmetic3A_90 = vector.broadcast %shift_right_arithmetic3A_89 : i32 to vector<16xi32>
      %shift_right_arithmetic3A_91 = arith.shrsi %get3A_88, %shift_right_arithmetic3A_90 : vector<16xi32>
      %and3A_92 = arith.constant 15 : i32
      %and3A_93 = vector.broadcast %and3A_92 : i32 to vector<16xi32>
      %and3A_94 = arith.andi %get3A_88, %and3A_93 : vector<16xi32>
      tpu.vector_store_idx %arg7[%shift_right_arithmetic3A_91, %and3A_94], %broadcast_in_dim3A_1 {add = true} : memref<640x16xf32, #tpu.memory_space<vmem>>[vector<16xi32>, vector<16xi32>], vector<16xf32>,
    }
    %scan3A_24 = arith.constant 79 : i32
    "tpu.region"() ({
      %run_scoped3A = tpu.sem_alloc : memref<!tpu.dma_semaphore, #tpu.memory_space<semaphore_mem>>
      %dma_start3A = arith.constant 0 : i32
      %dma_start3A_25 = arith.constant 0 : i32
      %dma_start3A_26 = tpu.memref_slice %arg5[%add3A, %dma_start3A, %dma_start3A_25] : memref<32x640x16xf32, #tpu.memory_space<hbm>> -> memref<1x640x16xf32, #tpu.memory_space<hbm>>
      %dma_start3A_27 = tpu.memref_squeeze %dma_start3A_26 : memref<1x640x16xf32, #tpu.memory_space<hbm>> -> memref<640x16xf32, #tpu.memory_space<hbm>>
      %dma_start3A_28 = arith.constant 0 : i32
      %dma_start3A_29 = arith.constant 0 : i32
      %dma_start3A_30 = tpu.memref_slice %arg5[%add3A, %dma_start3A_28, %dma_start3A_29] : memref<32x640x16xf32, #tpu.memory_space<hbm>> -> memref<1x640x16xf32, #tpu.memory_space<hbm>>
      %dma_start3A_31 = tpu.memref_squeeze %dma_start3A_30 : memref<1x640x16xf32, #tpu.memory_space<hbm>> -> memref<640x16xf32, #tpu.memory_space<hbm>>
      tpu.enqueue_dma source(%arg7 : memref<640x16xf32, #tpu.memory_space<vmem>>) target(%dma_start3A_31 : memref<640x16xf32, #tpu.memory_space<hbm>>) target_semaphore(%run_scoped3A : memref<!tpu.dma_semaphore, #tpu.memory_space<semaphore_mem>>)
      %dma_wait3A = arith.constant 0 : i32
      %dma_wait3A_32 = arith.constant 0 : i32
      %dma_wait3A_33 = tpu.memref_slice %arg5[%add3A, %dma_wait3A, %dma_wait3A_32] : memref<32x640x16xf32, #tpu.memory_space<hbm>> -> memref<1x640x16xf32, #tpu.memory_space<hbm>>
      %dma_wait3A_34 = tpu.memref_squeeze %dma_wait3A_33 : memref<1x640x16xf32, #tpu.memory_space<hbm>> -> memref<640x16xf32, #tpu.memory_space<hbm>>
      %dma_wait3A_35 = arith.constant 0 : i32
      %dma_wait3A_36 = arith.constant 0 : i32
      %dma_wait3A_37 = tpu.memref_slice %arg5[%add3A, %dma_wait3A_35, %dma_wait3A_36] : memref<32x640x16xf32, #tpu.memory_space<hbm>> -> memref<1x640x16xf32, #tpu.memory_space<hbm>>
      %dma_wait3A_38 = tpu.memref_squeeze %dma_wait3A_37 : memref<1x640x16xf32, #tpu.memory_space<hbm>> -> memref<640x16xf32, #tpu.memory_space<hbm>>
      tpu.wait_dma2 semaphore(%run_scoped3A : memref<!tpu.dma_semaphore, #tpu.memory_space<semaphore_mem>>) src(%arg7 : memref<640x16xf32, #tpu.memory_space<vmem>>) dst(%dma_wait3A_38 : memref<640x16xf32, #tpu.memory_space<hbm>>)
      tpu.yield
    }) : () -> ()
    return
  }
}

#map = affine_map<(d0, d1) -> (0, 0)>
#map1 = affine_map<(d0, d1) -> (0, 0, 0)>
module attributes {stable_mosaic.version = 14 : i64} {
  func.func @_agg_body(%arg0: i32, %arg1: i32, %arg2: memref<10240x64xf32, #tpu.memory_space<hbm>>, %arg3: memref<10240x64xf32, #tpu.memory_space<hbm>>, %arg4: memref<16x158x128xi32, #tpu.memory_space<hbm>>, %arg5: memref<16x158x128xi32, #tpu.memory_space<hbm>>, %arg6: memref<640x64xf32, #tpu.memory_space<hbm>>, %arg7: memref<2x10240x64xf32, #tpu.memory_space<hbm>>, %arg8: memref<158x128xi32, #tpu.memory_space<vmem>>, %arg9: memref<158x128xi32, #tpu.memory_space<vmem>>, %arg10: memref<128x64xf32, #tpu.memory_space<vmem>>, %arg11: memref<128x64xf32, #tpu.memory_space<vmem>>, %arg12: memref<10240x64xf32, #tpu.memory_space<vmem_shared>>, %arg13: memref<!tpu.dma_semaphore, #tpu.memory_space<semaphore_mem>>, %arg14: memref<!tpu.dma_semaphore, #tpu.memory_space<semaphore_mem>>, %arg15: memref<!tpu.dma_semaphore, #tpu.memory_space<semaphore_mem>>) attributes {dimension_semantics = [#tpu.dimension_semantics<core_parallel>, #tpu.dimension_semantics<subcore_parallel>], iteration_bounds = array<i64: 2, 16>, scalar_prefetch = 0 : i64, scratch_operands = 8 : i64, tpu.core_type = #tpu.core_type<sc_vector_subcore>, window_params = [{transform_indices = #map}, {transform_indices = #map}, {transform_indices = #map1}, {transform_indices = #map1}, {transform_indices = #map}, {transform_indices = #map1}]} {
    %mul3A = arith.constant 640 : i32
    %mul3A_0 = arith.muli %arg1, %mul3A : i32
    "tpu.region"() ({
      %run_scoped3A = tpu.sem_alloc : memref<!tpu.dma_semaphore, #tpu.memory_space<semaphore_mem>>
      %dma_start3A = arith.constant 0 : i32
      %dma_start3A_9 = tpu.memref_slice %arg12[%mul3A_0, %dma_start3A] : memref<10240x64xf32, #tpu.memory_space<vmem_shared>> -> memref<640x64xf32, #tpu.memory_space<vmem_shared>>
      tpu.enqueue_dma source(%arg6 : memref<640x64xf32, #tpu.memory_space<hbm>>) target(%dma_start3A_9 : memref<640x64xf32, #tpu.memory_space<vmem_shared>>) target_semaphore(%run_scoped3A : memref<!tpu.dma_semaphore, #tpu.memory_space<semaphore_mem>>)
      %dma_wait3A = arith.constant 0 : i32
      %dma_wait3A_10 = tpu.memref_slice %arg12[%mul3A_0, %dma_wait3A] : memref<10240x64xf32, #tpu.memory_space<vmem_shared>> -> memref<640x64xf32, #tpu.memory_space<vmem_shared>>
      tpu.wait_dma2 semaphore(%run_scoped3A : memref<!tpu.dma_semaphore, #tpu.memory_space<semaphore_mem>>) src(%arg6 : memref<640x64xf32, #tpu.memory_space<hbm>>) dst(%dma_wait3A_10 : memref<640x64xf32, #tpu.memory_space<vmem_shared>>)
      tpu.yield
    }) : () -> ()
    %barrier3A = arith.constant 0 : index
    tpu.barrier barrier_id(%barrier3A)
    "tpu.region"() ({
      %run_scoped3A = tpu.sem_alloc : memref<!tpu.dma_semaphore, #tpu.memory_space<semaphore_mem>>
      %dma_start3A = arith.constant 0 : i32
      %dma_start3A_9 = arith.constant 0 : i32
      %dma_start3A_10 = tpu.memref_slice %arg4[%arg1, %dma_start3A, %dma_start3A_9] : memref<16x158x128xi32, #tpu.memory_space<hbm>> -> memref<1x158x128xi32, #tpu.memory_space<hbm>>
      %dma_start3A_11 = tpu.memref_squeeze %dma_start3A_10 : memref<1x158x128xi32, #tpu.memory_space<hbm>> -> memref<158x128xi32, #tpu.memory_space<hbm>>
      %dma_start3A_12 = arith.constant 0 : i32
      %dma_start3A_13 = arith.constant 0 : i32
      %dma_start3A_14 = tpu.memref_slice %arg4[%arg1, %dma_start3A_12, %dma_start3A_13] : memref<16x158x128xi32, #tpu.memory_space<hbm>> -> memref<1x158x128xi32, #tpu.memory_space<hbm>>
      %dma_start3A_15 = tpu.memref_squeeze %dma_start3A_14 : memref<1x158x128xi32, #tpu.memory_space<hbm>> -> memref<158x128xi32, #tpu.memory_space<hbm>>
      tpu.enqueue_dma source(%dma_start3A_15 : memref<158x128xi32, #tpu.memory_space<hbm>>) target(%arg8 : memref<158x128xi32, #tpu.memory_space<vmem>>) target_semaphore(%run_scoped3A : memref<!tpu.dma_semaphore, #tpu.memory_space<semaphore_mem>>)
      %dma_wait3A = arith.constant 0 : i32
      %dma_wait3A_16 = arith.constant 0 : i32
      %dma_wait3A_17 = tpu.memref_slice %arg4[%arg1, %dma_wait3A, %dma_wait3A_16] : memref<16x158x128xi32, #tpu.memory_space<hbm>> -> memref<1x158x128xi32, #tpu.memory_space<hbm>>
      %dma_wait3A_18 = tpu.memref_squeeze %dma_wait3A_17 : memref<1x158x128xi32, #tpu.memory_space<hbm>> -> memref<158x128xi32, #tpu.memory_space<hbm>>
      %dma_wait3A_19 = arith.constant 0 : i32
      %dma_wait3A_20 = arith.constant 0 : i32
      %dma_wait3A_21 = tpu.memref_slice %arg4[%arg1, %dma_wait3A_19, %dma_wait3A_20] : memref<16x158x128xi32, #tpu.memory_space<hbm>> -> memref<1x158x128xi32, #tpu.memory_space<hbm>>
      %dma_wait3A_22 = tpu.memref_squeeze %dma_wait3A_21 : memref<1x158x128xi32, #tpu.memory_space<hbm>> -> memref<158x128xi32, #tpu.memory_space<hbm>>
      tpu.wait_dma2 semaphore(%run_scoped3A : memref<!tpu.dma_semaphore, #tpu.memory_space<semaphore_mem>>) src(%dma_wait3A_22 : memref<158x128xi32, #tpu.memory_space<hbm>>) dst(%arg8 : memref<158x128xi32, #tpu.memory_space<vmem>>)
      tpu.yield
    }) : () -> ()
    "tpu.region"() ({
      %run_scoped3A = tpu.sem_alloc : memref<!tpu.dma_semaphore, #tpu.memory_space<semaphore_mem>>
      %dma_start3A = arith.constant 0 : i32
      %dma_start3A_9 = arith.constant 0 : i32
      %dma_start3A_10 = tpu.memref_slice %arg5[%arg1, %dma_start3A, %dma_start3A_9] : memref<16x158x128xi32, #tpu.memory_space<hbm>> -> memref<1x158x128xi32, #tpu.memory_space<hbm>>
      %dma_start3A_11 = tpu.memref_squeeze %dma_start3A_10 : memref<1x158x128xi32, #tpu.memory_space<hbm>> -> memref<158x128xi32, #tpu.memory_space<hbm>>
      %dma_start3A_12 = arith.constant 0 : i32
      %dma_start3A_13 = arith.constant 0 : i32
      %dma_start3A_14 = tpu.memref_slice %arg5[%arg1, %dma_start3A_12, %dma_start3A_13] : memref<16x158x128xi32, #tpu.memory_space<hbm>> -> memref<1x158x128xi32, #tpu.memory_space<hbm>>
      %dma_start3A_15 = tpu.memref_squeeze %dma_start3A_14 : memref<1x158x128xi32, #tpu.memory_space<hbm>> -> memref<158x128xi32, #tpu.memory_space<hbm>>
      tpu.enqueue_dma source(%dma_start3A_15 : memref<158x128xi32, #tpu.memory_space<hbm>>) target(%arg9 : memref<158x128xi32, #tpu.memory_space<vmem>>) target_semaphore(%run_scoped3A : memref<!tpu.dma_semaphore, #tpu.memory_space<semaphore_mem>>)
      %dma_wait3A = arith.constant 0 : i32
      %dma_wait3A_16 = arith.constant 0 : i32
      %dma_wait3A_17 = tpu.memref_slice %arg5[%arg1, %dma_wait3A, %dma_wait3A_16] : memref<16x158x128xi32, #tpu.memory_space<hbm>> -> memref<1x158x128xi32, #tpu.memory_space<hbm>>
      %dma_wait3A_18 = tpu.memref_squeeze %dma_wait3A_17 : memref<1x158x128xi32, #tpu.memory_space<hbm>> -> memref<158x128xi32, #tpu.memory_space<hbm>>
      %dma_wait3A_19 = arith.constant 0 : i32
      %dma_wait3A_20 = arith.constant 0 : i32
      %dma_wait3A_21 = tpu.memref_slice %arg5[%arg1, %dma_wait3A_19, %dma_wait3A_20] : memref<16x158x128xi32, #tpu.memory_space<hbm>> -> memref<1x158x128xi32, #tpu.memory_space<hbm>>
      %dma_wait3A_22 = tpu.memref_squeeze %dma_wait3A_21 : memref<1x158x128xi32, #tpu.memory_space<hbm>> -> memref<158x128xi32, #tpu.memory_space<hbm>>
      tpu.wait_dma2 semaphore(%run_scoped3A : memref<!tpu.dma_semaphore, #tpu.memory_space<semaphore_mem>>) src(%dma_wait3A_22 : memref<158x128xi32, #tpu.memory_space<hbm>>) dst(%arg9 : memref<158x128xi32, #tpu.memory_space<vmem>>)
      tpu.yield
    }) : () -> ()
    %eq3A = arith.constant 0 : i32
    %eq3A_1 = arith.cmpi eq, %arg0, %eq3A : i32
    %convert_element_type3A = arith.extui %eq3A_1 : i1 to i32
    %cond3A = arith.constant 0 : i32
    %cond3A_2 = arith.cmpi ne, %convert_element_type3A, %cond3A : i32
    scf.if %cond3A_2 {
      %dma_start3A = arith.constant 0 : i32
      %dma_start3A_9 = arith.constant 0 : i32
      %dma_start3A_10 = tpu.memref_slice %arg8[%dma_start3A, %dma_start3A_9] : memref<158x128xi32, #tpu.memory_space<vmem>> -> memref<1x128xi32, #tpu.memory_space<vmem>>
      %dma_start3A_11 = tpu.memref_squeeze %dma_start3A_10 : memref<1x128xi32, #tpu.memory_space<vmem>> -> memref<128xi32, #tpu.memory_space<vmem>>
      %dma_start3A_12 = arith.constant 0 : i32
      %dma_start3A_13 = arith.constant 0 : i32
      %dma_start3A_14 = tpu.memref_slice %arg2[%dma_start3A_12, %dma_start3A_13] : memref<10240x64xf32, #tpu.memory_space<hbm>> -> memref<10240x64xf32, #tpu.memory_space<hbm>>
      tpu.enqueue_indirect_dma source(%dma_start3A_14 : memref<10240x64xf32, #tpu.memory_space<hbm>>) target(%arg10 : memref<128x64xf32, #tpu.memory_space<vmem>>) offsets(%dma_start3A_11 : memref<128xi32, #tpu.memory_space<vmem>>) semaphore(%arg13 : memref<!tpu.dma_semaphore, #tpu.memory_space<semaphore_mem>>)
      %dma_start3A_15 = arith.constant 1 : i32
      %dma_start3A_16 = arith.constant 0 : i32
      %dma_start3A_17 = tpu.memref_slice %arg8[%dma_start3A_15, %dma_start3A_16] : memref<158x128xi32, #tpu.memory_space<vmem>> -> memref<1x128xi32, #tpu.memory_space<vmem>>
      %dma_start3A_18 = tpu.memref_squeeze %dma_start3A_17 : memref<1x128xi32, #tpu.memory_space<vmem>> -> memref<128xi32, #tpu.memory_space<vmem>>
      %dma_start3A_19 = arith.constant 0 : i32
      %dma_start3A_20 = arith.constant 0 : i32
      %dma_start3A_21 = tpu.memref_slice %arg2[%dma_start3A_19, %dma_start3A_20] : memref<10240x64xf32, #tpu.memory_space<hbm>> -> memref<10240x64xf32, #tpu.memory_space<hbm>>
      tpu.enqueue_indirect_dma source(%dma_start3A_21 : memref<10240x64xf32, #tpu.memory_space<hbm>>) target(%arg11 : memref<128x64xf32, #tpu.memory_space<vmem>>) offsets(%dma_start3A_18 : memref<128xi32, #tpu.memory_space<vmem>>) semaphore(%arg14 : memref<!tpu.dma_semaphore, #tpu.memory_space<semaphore_mem>>)
      %dma_wait3A = arith.constant 0 : i32
      %dma_wait3A_22 = arith.constant 0 : i32
      %dma_wait3A_23 = tpu.memref_slice %arg8[%dma_wait3A, %dma_wait3A_22] : memref<158x128xi32, #tpu.memory_space<vmem>> -> memref<1x128xi32, #tpu.memory_space<vmem>>
      %dma_wait3A_24 = tpu.memref_squeeze %dma_wait3A_23 : memref<1x128xi32, #tpu.memory_space<vmem>> -> memref<128xi32, #tpu.memory_space<vmem>>
      %dma_wait3A_25 = arith.constant 0 : i32
      %dma_wait3A_26 = arith.constant 0 : i32
      %dma_wait3A_27 = tpu.memref_slice %arg2[%dma_wait3A_25, %dma_wait3A_26] : memref<10240x64xf32, #tpu.memory_space<hbm>> -> memref<10240x64xf32, #tpu.memory_space<hbm>>
      tpu.wait_indirect_dma semaphore(%arg13 : memref<!tpu.dma_semaphore, #tpu.memory_space<semaphore_mem>>) src(%dma_wait3A_27 : memref<10240x64xf32, #tpu.memory_space<hbm>>) dst(%arg10 : memref<128x64xf32, #tpu.memory_space<vmem>>)
      %dma_start3A_28 = arith.constant 0 : i32
      %dma_start3A_29 = arith.constant 0 : i32
      %dma_start3A_30 = tpu.memref_slice %arg9[%dma_start3A_28, %dma_start3A_29] : memref<158x128xi32, #tpu.memory_space<vmem>> -> memref<1x128xi32, #tpu.memory_space<vmem>>
      %dma_start3A_31 = tpu.memref_squeeze %dma_start3A_30 : memref<1x128xi32, #tpu.memory_space<vmem>> -> memref<128xi32, #tpu.memory_space<vmem>>
      %dma_start3A_32 = arith.constant 0 : i32
      %dma_start3A_33 = arith.constant 0 : i32
      %dma_start3A_34 = tpu.memref_slice %arg12[%dma_start3A_32, %dma_start3A_33] : memref<10240x64xf32, #tpu.memory_space<vmem_shared>> -> memref<10240x64xf32, #tpu.memory_space<vmem_shared>>
      tpu.enqueue_indirect_dma source(%arg10 : memref<128x64xf32, #tpu.memory_space<vmem>>) target(%dma_start3A_34 : memref<10240x64xf32, #tpu.memory_space<vmem_shared>>) offsets(%dma_start3A_31 : memref<128xi32, #tpu.memory_space<vmem>>) semaphore(%arg15 : memref<!tpu.dma_semaphore, #tpu.memory_space<semaphore_mem>>) {add = true}
      %dma_start3A_35 = arith.constant 2 : i32
      %dma_start3A_36 = arith.constant 0 : i32
      %dma_start3A_37 = tpu.memref_slice %arg8[%dma_start3A_35, %dma_start3A_36] : memref<158x128xi32, #tpu.memory_space<vmem>> -> memref<1x128xi32, #tpu.memory_space<vmem>>
      %dma_start3A_38 = tpu.memref_squeeze %dma_start3A_37 : memref<1x128xi32, #tpu.memory_space<vmem>> -> memref<128xi32, #tpu.memory_space<vmem>>
      %dma_start3A_39 = arith.constant 0 : i32
      %dma_start3A_40 = arith.constant 0 : i32
      %dma_start3A_41 = tpu.memref_slice %arg2[%dma_start3A_39, %dma_start3A_40] : memref<10240x64xf32, #tpu.memory_space<hbm>> -> memref<10240x64xf32, #tpu.memory_space<hbm>>
      tpu.enqueue_indirect_dma source(%dma_start3A_41 : memref<10240x64xf32, #tpu.memory_space<hbm>>) target(%arg10 : memref<128x64xf32, #tpu.memory_space<vmem>>) offsets(%dma_start3A_38 : memref<128xi32, #tpu.memory_space<vmem>>) semaphore(%arg13 : memref<!tpu.dma_semaphore, #tpu.memory_space<semaphore_mem>>)
      %scan3A = arith.constant 0 : i32
      %scan3A_42 = arith.constant 0 : i32
      %scan3A_43 = arith.constant 78 : i32
      %scan3A_44 = arith.addi %scan3A_42, %scan3A_43 : i32
      %scan3A_45 = arith.constant 1 : i32
      scf.for %scan3A_75 = %scan3A_42 to %scan3A_44 step %scan3A_45  : i32 {
        %mul3A_76 = arith.constant 2 : i32
        %mul3A_77 = arith.muli %mul3A_76, %scan3A_75 : i32
        %add3A = arith.constant 1 : i32
        %add3A_78 = arith.addi %mul3A_77, %add3A : i32
        %add3A_79 = arith.constant 1 : i32
        %add3A_80 = arith.addi %add3A_78, %add3A_79 : i32
        %dma_wait3A_81 = arith.constant 0 : i32
        %dma_wait3A_82 = tpu.memref_slice %arg8[%add3A_78, %dma_wait3A_81] : memref<158x128xi32, #tpu.memory_space<vmem>> -> memref<1x128xi32, #tpu.memory_space<vmem>>
        %dma_wait3A_83 = tpu.memref_squeeze %dma_wait3A_82 : memref<1x128xi32, #tpu.memory_space<vmem>> -> memref<128xi32, #tpu.memory_space<vmem>>
        %dma_wait3A_84 = arith.constant 0 : i32
        %dma_wait3A_85 = arith.constant 0 : i32
        %dma_wait3A_86 = tpu.memref_slice %arg2[%dma_wait3A_84, %dma_wait3A_85] : memref<10240x64xf32, #tpu.memory_space<hbm>> -> memref<10240x64xf32, #tpu.memory_space<hbm>>
        tpu.wait_indirect_dma semaphore(%arg14 : memref<!tpu.dma_semaphore, #tpu.memory_space<semaphore_mem>>) src(%dma_wait3A_86 : memref<10240x64xf32, #tpu.memory_space<hbm>>) dst(%arg11 : memref<128x64xf32, #tpu.memory_space<vmem>>)
        %sub3A = arith.constant 1 : i32
        %sub3A_87 = arith.subi %add3A_78, %sub3A : i32
        %dma_wait3A_88 = arith.constant 0 : i32
        %dma_wait3A_89 = tpu.memref_slice %arg9[%sub3A_87, %dma_wait3A_88] : memref<158x128xi32, #tpu.memory_space<vmem>> -> memref<1x128xi32, #tpu.memory_space<vmem>>
        %dma_wait3A_90 = tpu.memref_squeeze %dma_wait3A_89 : memref<1x128xi32, #tpu.memory_space<vmem>> -> memref<128xi32, #tpu.memory_space<vmem>>
        %dma_wait3A_91 = arith.constant 0 : i32
        %dma_wait3A_92 = arith.constant 0 : i32
        %dma_wait3A_93 = tpu.memref_slice %arg12[%dma_wait3A_91, %dma_wait3A_92] : memref<10240x64xf32, #tpu.memory_space<vmem_shared>> -> memref<10240x64xf32, #tpu.memory_space<vmem_shared>>
        tpu.wait_indirect_dma semaphore(%arg15 : memref<!tpu.dma_semaphore, #tpu.memory_space<semaphore_mem>>) src(%arg10 : memref<128x64xf32, #tpu.memory_space<vmem>>) dst(%dma_wait3A_93 : memref<10240x64xf32, #tpu.memory_space<vmem_shared>>)
        %dma_start3A_94 = arith.constant 0 : i32
        %dma_start3A_95 = tpu.memref_slice %arg9[%add3A_78, %dma_start3A_94] : memref<158x128xi32, #tpu.memory_space<vmem>> -> memref<1x128xi32, #tpu.memory_space<vmem>>
        %dma_start3A_96 = tpu.memref_squeeze %dma_start3A_95 : memref<1x128xi32, #tpu.memory_space<vmem>> -> memref<128xi32, #tpu.memory_space<vmem>>
        %dma_start3A_97 = arith.constant 0 : i32
        %dma_start3A_98 = arith.constant 0 : i32
        %dma_start3A_99 = tpu.memref_slice %arg12[%dma_start3A_97, %dma_start3A_98] : memref<10240x64xf32, #tpu.memory_space<vmem_shared>> -> memref<10240x64xf32, #tpu.memory_space<vmem_shared>>
        tpu.enqueue_indirect_dma source(%arg11 : memref<128x64xf32, #tpu.memory_space<vmem>>) target(%dma_start3A_99 : memref<10240x64xf32, #tpu.memory_space<vmem_shared>>) offsets(%dma_start3A_96 : memref<128xi32, #tpu.memory_space<vmem>>) semaphore(%arg15 : memref<!tpu.dma_semaphore, #tpu.memory_space<semaphore_mem>>) {add = true}
        %add3A_100 = arith.constant 2 : i32
        %add3A_101 = arith.addi %add3A_78, %add3A_100 : i32
        %dma_start3A_102 = arith.constant 0 : i32
        %dma_start3A_103 = tpu.memref_slice %arg8[%add3A_101, %dma_start3A_102] : memref<158x128xi32, #tpu.memory_space<vmem>> -> memref<1x128xi32, #tpu.memory_space<vmem>>
        %dma_start3A_104 = tpu.memref_squeeze %dma_start3A_103 : memref<1x128xi32, #tpu.memory_space<vmem>> -> memref<128xi32, #tpu.memory_space<vmem>>
        %dma_start3A_105 = arith.constant 0 : i32
        %dma_start3A_106 = arith.constant 0 : i32
        %dma_start3A_107 = tpu.memref_slice %arg2[%dma_start3A_105, %dma_start3A_106] : memref<10240x64xf32, #tpu.memory_space<hbm>> -> memref<10240x64xf32, #tpu.memory_space<hbm>>
        tpu.enqueue_indirect_dma source(%dma_start3A_107 : memref<10240x64xf32, #tpu.memory_space<hbm>>) target(%arg11 : memref<128x64xf32, #tpu.memory_space<vmem>>) offsets(%dma_start3A_104 : memref<128xi32, #tpu.memory_space<vmem>>) semaphore(%arg14 : memref<!tpu.dma_semaphore, #tpu.memory_space<semaphore_mem>>)
        %dma_wait3A_108 = arith.constant 0 : i32
        %dma_wait3A_109 = tpu.memref_slice %arg8[%add3A_80, %dma_wait3A_108] : memref<158x128xi32, #tpu.memory_space<vmem>> -> memref<1x128xi32, #tpu.memory_space<vmem>>
        %dma_wait3A_110 = tpu.memref_squeeze %dma_wait3A_109 : memref<1x128xi32, #tpu.memory_space<vmem>> -> memref<128xi32, #tpu.memory_space<vmem>>
        %dma_wait3A_111 = arith.constant 0 : i32
        %dma_wait3A_112 = arith.constant 0 : i32
        %dma_wait3A_113 = tpu.memref_slice %arg2[%dma_wait3A_111, %dma_wait3A_112] : memref<10240x64xf32, #tpu.memory_space<hbm>> -> memref<10240x64xf32, #tpu.memory_space<hbm>>
        tpu.wait_indirect_dma semaphore(%arg13 : memref<!tpu.dma_semaphore, #tpu.memory_space<semaphore_mem>>) src(%dma_wait3A_113 : memref<10240x64xf32, #tpu.memory_space<hbm>>) dst(%arg10 : memref<128x64xf32, #tpu.memory_space<vmem>>)
        %dma_wait3A_114 = arith.constant 0 : i32
        %dma_wait3A_115 = tpu.memref_slice %arg9[%add3A_78, %dma_wait3A_114] : memref<158x128xi32, #tpu.memory_space<vmem>> -> memref<1x128xi32, #tpu.memory_space<vmem>>
        %dma_wait3A_116 = tpu.memref_squeeze %dma_wait3A_115 : memref<1x128xi32, #tpu.memory_space<vmem>> -> memref<128xi32, #tpu.memory_space<vmem>>
        %dma_wait3A_117 = arith.constant 0 : i32
        %dma_wait3A_118 = arith.constant 0 : i32
        %dma_wait3A_119 = tpu.memref_slice %arg12[%dma_wait3A_117, %dma_wait3A_118] : memref<10240x64xf32, #tpu.memory_space<vmem_shared>> -> memref<10240x64xf32, #tpu.memory_space<vmem_shared>>
        tpu.wait_indirect_dma semaphore(%arg15 : memref<!tpu.dma_semaphore, #tpu.memory_space<semaphore_mem>>) src(%arg11 : memref<128x64xf32, #tpu.memory_space<vmem>>) dst(%dma_wait3A_119 : memref<10240x64xf32, #tpu.memory_space<vmem_shared>>)
        %dma_start3A_120 = arith.constant 0 : i32
        %dma_start3A_121 = tpu.memref_slice %arg9[%add3A_80, %dma_start3A_120] : memref<158x128xi32, #tpu.memory_space<vmem>> -> memref<1x128xi32, #tpu.memory_space<vmem>>
        %dma_start3A_122 = tpu.memref_squeeze %dma_start3A_121 : memref<1x128xi32, #tpu.memory_space<vmem>> -> memref<128xi32, #tpu.memory_space<vmem>>
        %dma_start3A_123 = arith.constant 0 : i32
        %dma_start3A_124 = arith.constant 0 : i32
        %dma_start3A_125 = tpu.memref_slice %arg12[%dma_start3A_123, %dma_start3A_124] : memref<10240x64xf32, #tpu.memory_space<vmem_shared>> -> memref<10240x64xf32, #tpu.memory_space<vmem_shared>>
        tpu.enqueue_indirect_dma source(%arg10 : memref<128x64xf32, #tpu.memory_space<vmem>>) target(%dma_start3A_125 : memref<10240x64xf32, #tpu.memory_space<vmem_shared>>) offsets(%dma_start3A_122 : memref<128xi32, #tpu.memory_space<vmem>>) semaphore(%arg15 : memref<!tpu.dma_semaphore, #tpu.memory_space<semaphore_mem>>) {add = true}
        %add3A_126 = arith.constant 2 : i32
        %add3A_127 = arith.addi %add3A_80, %add3A_126 : i32
        %lt3A = arith.constant 158 : i32
        %lt3A_128 = arith.cmpi slt, %add3A_127, %lt3A : i32
        %convert_element_type3A_129 = arith.extui %lt3A_128 : i1 to i32
        %cond3A_130 = arith.constant 0 : i32
        %cond3A_131 = arith.cmpi ne, %convert_element_type3A_129, %cond3A_130 : i32
        scf.if %cond3A_131 {
          %add3A_132 = arith.constant 2 : i32
          %add3A_133 = arith.addi %add3A_80, %add3A_132 : i32
          %dma_start3A_134 = arith.constant 0 : i32
          %dma_start3A_135 = tpu.memref_slice %arg8[%add3A_133, %dma_start3A_134] : memref<158x128xi32, #tpu.memory_space<vmem>> -> memref<1x128xi32, #tpu.memory_space<vmem>>
          %dma_start3A_136 = tpu.memref_squeeze %dma_start3A_135 : memref<1x128xi32, #tpu.memory_space<vmem>> -> memref<128xi32, #tpu.memory_space<vmem>>
          %dma_start3A_137 = arith.constant 0 : i32
          %dma_start3A_138 = arith.constant 0 : i32
          %dma_start3A_139 = tpu.memref_slice %arg2[%dma_start3A_137, %dma_start3A_138] : memref<10240x64xf32, #tpu.memory_space<hbm>> -> memref<10240x64xf32, #tpu.memory_space<hbm>>
          tpu.enqueue_indirect_dma source(%dma_start3A_139 : memref<10240x64xf32, #tpu.memory_space<hbm>>) target(%arg10 : memref<128x64xf32, #tpu.memory_space<vmem>>) offsets(%dma_start3A_136 : memref<128xi32, #tpu.memory_space<vmem>>) semaphore(%arg13 : memref<!tpu.dma_semaphore, #tpu.memory_space<semaphore_mem>>)
        } else {
        }
      }
      %scan3A_46 = arith.constant 78 : i32
      %dma_wait3A_47 = arith.constant 157 : i32
      %dma_wait3A_48 = arith.constant 0 : i32
      %dma_wait3A_49 = tpu.memref_slice %arg8[%dma_wait3A_47, %dma_wait3A_48] : memref<158x128xi32, #tpu.memory_space<vmem>> -> memref<1x128xi32, #tpu.memory_space<vmem>>
      %dma_wait3A_50 = tpu.memref_squeeze %dma_wait3A_49 : memref<1x128xi32, #tpu.memory_space<vmem>> -> memref<128xi32, #tpu.memory_space<vmem>>
      %dma_wait3A_51 = arith.constant 0 : i32
      %dma_wait3A_52 = arith.constant 0 : i32
      %dma_wait3A_53 = tpu.memref_slice %arg2[%dma_wait3A_51, %dma_wait3A_52] : memref<10240x64xf32, #tpu.memory_space<hbm>> -> memref<10240x64xf32, #tpu.memory_space<hbm>>
      tpu.wait_indirect_dma semaphore(%arg14 : memref<!tpu.dma_semaphore, #tpu.memory_space<semaphore_mem>>) src(%dma_wait3A_53 : memref<10240x64xf32, #tpu.memory_space<hbm>>) dst(%arg11 : memref<128x64xf32, #tpu.memory_space<vmem>>)
      %dma_wait3A_54 = arith.constant 156 : i32
      %dma_wait3A_55 = arith.constant 0 : i32
      %dma_wait3A_56 = tpu.memref_slice %arg9[%dma_wait3A_54, %dma_wait3A_55] : memref<158x128xi32, #tpu.memory_space<vmem>> -> memref<1x128xi32, #tpu.memory_space<vmem>>
      %dma_wait3A_57 = tpu.memref_squeeze %dma_wait3A_56 : memref<1x128xi32, #tpu.memory_space<vmem>> -> memref<128xi32, #tpu.memory_space<vmem>>
      %dma_wait3A_58 = arith.constant 0 : i32
      %dma_wait3A_59 = arith.constant 0 : i32
      %dma_wait3A_60 = tpu.memref_slice %arg12[%dma_wait3A_58, %dma_wait3A_59] : memref<10240x64xf32, #tpu.memory_space<vmem_shared>> -> memref<10240x64xf32, #tpu.memory_space<vmem_shared>>
      tpu.wait_indirect_dma semaphore(%arg15 : memref<!tpu.dma_semaphore, #tpu.memory_space<semaphore_mem>>) src(%arg10 : memref<128x64xf32, #tpu.memory_space<vmem>>) dst(%dma_wait3A_60 : memref<10240x64xf32, #tpu.memory_space<vmem_shared>>)
      %dma_start3A_61 = arith.constant 157 : i32
      %dma_start3A_62 = arith.constant 0 : i32
      %dma_start3A_63 = tpu.memref_slice %arg9[%dma_start3A_61, %dma_start3A_62] : memref<158x128xi32, #tpu.memory_space<vmem>> -> memref<1x128xi32, #tpu.memory_space<vmem>>
      %dma_start3A_64 = tpu.memref_squeeze %dma_start3A_63 : memref<1x128xi32, #tpu.memory_space<vmem>> -> memref<128xi32, #tpu.memory_space<vmem>>
      %dma_start3A_65 = arith.constant 0 : i32
      %dma_start3A_66 = arith.constant 0 : i32
      %dma_start3A_67 = tpu.memref_slice %arg12[%dma_start3A_65, %dma_start3A_66] : memref<10240x64xf32, #tpu.memory_space<vmem_shared>> -> memref<10240x64xf32, #tpu.memory_space<vmem_shared>>
      tpu.enqueue_indirect_dma source(%arg11 : memref<128x64xf32, #tpu.memory_space<vmem>>) target(%dma_start3A_67 : memref<10240x64xf32, #tpu.memory_space<vmem_shared>>) offsets(%dma_start3A_64 : memref<128xi32, #tpu.memory_space<vmem>>) semaphore(%arg15 : memref<!tpu.dma_semaphore, #tpu.memory_space<semaphore_mem>>) {add = true}
      %dma_wait3A_68 = arith.constant 157 : i32
      %dma_wait3A_69 = arith.constant 0 : i32
      %dma_wait3A_70 = tpu.memref_slice %arg9[%dma_wait3A_68, %dma_wait3A_69] : memref<158x128xi32, #tpu.memory_space<vmem>> -> memref<1x128xi32, #tpu.memory_space<vmem>>
      %dma_wait3A_71 = tpu.memref_squeeze %dma_wait3A_70 : memref<1x128xi32, #tpu.memory_space<vmem>> -> memref<128xi32, #tpu.memory_space<vmem>>
      %dma_wait3A_72 = arith.constant 0 : i32
      %dma_wait3A_73 = arith.constant 0 : i32
      %dma_wait3A_74 = tpu.memref_slice %arg12[%dma_wait3A_72, %dma_wait3A_73] : memref<10240x64xf32, #tpu.memory_space<vmem_shared>> -> memref<10240x64xf32, #tpu.memory_space<vmem_shared>>
      tpu.wait_indirect_dma semaphore(%arg15 : memref<!tpu.dma_semaphore, #tpu.memory_space<semaphore_mem>>) src(%arg11 : memref<128x64xf32, #tpu.memory_space<vmem>>) dst(%dma_wait3A_74 : memref<10240x64xf32, #tpu.memory_space<vmem_shared>>)
    } else {
    }
    %eq3A_3 = arith.constant 1 : i32
    %eq3A_4 = arith.cmpi eq, %arg0, %eq3A_3 : i32
    %convert_element_type3A_5 = arith.extui %eq3A_4 : i1 to i32
    %cond3A_6 = arith.constant 0 : i32
    %cond3A_7 = arith.cmpi ne, %convert_element_type3A_5, %cond3A_6 : i32
    scf.if %cond3A_7 {
      %dma_start3A = arith.constant 0 : i32
      %dma_start3A_9 = arith.constant 0 : i32
      %dma_start3A_10 = tpu.memref_slice %arg8[%dma_start3A, %dma_start3A_9] : memref<158x128xi32, #tpu.memory_space<vmem>> -> memref<1x128xi32, #tpu.memory_space<vmem>>
      %dma_start3A_11 = tpu.memref_squeeze %dma_start3A_10 : memref<1x128xi32, #tpu.memory_space<vmem>> -> memref<128xi32, #tpu.memory_space<vmem>>
      %dma_start3A_12 = arith.constant 0 : i32
      %dma_start3A_13 = arith.constant 0 : i32
      %dma_start3A_14 = tpu.memref_slice %arg3[%dma_start3A_12, %dma_start3A_13] : memref<10240x64xf32, #tpu.memory_space<hbm>> -> memref<10240x64xf32, #tpu.memory_space<hbm>>
      tpu.enqueue_indirect_dma source(%dma_start3A_14 : memref<10240x64xf32, #tpu.memory_space<hbm>>) target(%arg10 : memref<128x64xf32, #tpu.memory_space<vmem>>) offsets(%dma_start3A_11 : memref<128xi32, #tpu.memory_space<vmem>>) semaphore(%arg13 : memref<!tpu.dma_semaphore, #tpu.memory_space<semaphore_mem>>)
      %dma_start3A_15 = arith.constant 1 : i32
      %dma_start3A_16 = arith.constant 0 : i32
      %dma_start3A_17 = tpu.memref_slice %arg8[%dma_start3A_15, %dma_start3A_16] : memref<158x128xi32, #tpu.memory_space<vmem>> -> memref<1x128xi32, #tpu.memory_space<vmem>>
      %dma_start3A_18 = tpu.memref_squeeze %dma_start3A_17 : memref<1x128xi32, #tpu.memory_space<vmem>> -> memref<128xi32, #tpu.memory_space<vmem>>
      %dma_start3A_19 = arith.constant 0 : i32
      %dma_start3A_20 = arith.constant 0 : i32
      %dma_start3A_21 = tpu.memref_slice %arg3[%dma_start3A_19, %dma_start3A_20] : memref<10240x64xf32, #tpu.memory_space<hbm>> -> memref<10240x64xf32, #tpu.memory_space<hbm>>
      tpu.enqueue_indirect_dma source(%dma_start3A_21 : memref<10240x64xf32, #tpu.memory_space<hbm>>) target(%arg11 : memref<128x64xf32, #tpu.memory_space<vmem>>) offsets(%dma_start3A_18 : memref<128xi32, #tpu.memory_space<vmem>>) semaphore(%arg14 : memref<!tpu.dma_semaphore, #tpu.memory_space<semaphore_mem>>)
      %dma_wait3A = arith.constant 0 : i32
      %dma_wait3A_22 = arith.constant 0 : i32
      %dma_wait3A_23 = tpu.memref_slice %arg8[%dma_wait3A, %dma_wait3A_22] : memref<158x128xi32, #tpu.memory_space<vmem>> -> memref<1x128xi32, #tpu.memory_space<vmem>>
      %dma_wait3A_24 = tpu.memref_squeeze %dma_wait3A_23 : memref<1x128xi32, #tpu.memory_space<vmem>> -> memref<128xi32, #tpu.memory_space<vmem>>
      %dma_wait3A_25 = arith.constant 0 : i32
      %dma_wait3A_26 = arith.constant 0 : i32
      %dma_wait3A_27 = tpu.memref_slice %arg3[%dma_wait3A_25, %dma_wait3A_26] : memref<10240x64xf32, #tpu.memory_space<hbm>> -> memref<10240x64xf32, #tpu.memory_space<hbm>>
      tpu.wait_indirect_dma semaphore(%arg13 : memref<!tpu.dma_semaphore, #tpu.memory_space<semaphore_mem>>) src(%dma_wait3A_27 : memref<10240x64xf32, #tpu.memory_space<hbm>>) dst(%arg10 : memref<128x64xf32, #tpu.memory_space<vmem>>)
      %dma_start3A_28 = arith.constant 0 : i32
      %dma_start3A_29 = arith.constant 0 : i32
      %dma_start3A_30 = tpu.memref_slice %arg9[%dma_start3A_28, %dma_start3A_29] : memref<158x128xi32, #tpu.memory_space<vmem>> -> memref<1x128xi32, #tpu.memory_space<vmem>>
      %dma_start3A_31 = tpu.memref_squeeze %dma_start3A_30 : memref<1x128xi32, #tpu.memory_space<vmem>> -> memref<128xi32, #tpu.memory_space<vmem>>
      %dma_start3A_32 = arith.constant 0 : i32
      %dma_start3A_33 = arith.constant 0 : i32
      %dma_start3A_34 = tpu.memref_slice %arg12[%dma_start3A_32, %dma_start3A_33] : memref<10240x64xf32, #tpu.memory_space<vmem_shared>> -> memref<10240x64xf32, #tpu.memory_space<vmem_shared>>
      tpu.enqueue_indirect_dma source(%arg10 : memref<128x64xf32, #tpu.memory_space<vmem>>) target(%dma_start3A_34 : memref<10240x64xf32, #tpu.memory_space<vmem_shared>>) offsets(%dma_start3A_31 : memref<128xi32, #tpu.memory_space<vmem>>) semaphore(%arg15 : memref<!tpu.dma_semaphore, #tpu.memory_space<semaphore_mem>>) {add = true}
      %dma_start3A_35 = arith.constant 2 : i32
      %dma_start3A_36 = arith.constant 0 : i32
      %dma_start3A_37 = tpu.memref_slice %arg8[%dma_start3A_35, %dma_start3A_36] : memref<158x128xi32, #tpu.memory_space<vmem>> -> memref<1x128xi32, #tpu.memory_space<vmem>>
      %dma_start3A_38 = tpu.memref_squeeze %dma_start3A_37 : memref<1x128xi32, #tpu.memory_space<vmem>> -> memref<128xi32, #tpu.memory_space<vmem>>
      %dma_start3A_39 = arith.constant 0 : i32
      %dma_start3A_40 = arith.constant 0 : i32
      %dma_start3A_41 = tpu.memref_slice %arg3[%dma_start3A_39, %dma_start3A_40] : memref<10240x64xf32, #tpu.memory_space<hbm>> -> memref<10240x64xf32, #tpu.memory_space<hbm>>
      tpu.enqueue_indirect_dma source(%dma_start3A_41 : memref<10240x64xf32, #tpu.memory_space<hbm>>) target(%arg10 : memref<128x64xf32, #tpu.memory_space<vmem>>) offsets(%dma_start3A_38 : memref<128xi32, #tpu.memory_space<vmem>>) semaphore(%arg13 : memref<!tpu.dma_semaphore, #tpu.memory_space<semaphore_mem>>)
      %scan3A = arith.constant 0 : i32
      %scan3A_42 = arith.constant 0 : i32
      %scan3A_43 = arith.constant 78 : i32
      %scan3A_44 = arith.addi %scan3A_42, %scan3A_43 : i32
      %scan3A_45 = arith.constant 1 : i32
      scf.for %scan3A_75 = %scan3A_42 to %scan3A_44 step %scan3A_45  : i32 {
        %mul3A_76 = arith.constant 2 : i32
        %mul3A_77 = arith.muli %mul3A_76, %scan3A_75 : i32
        %add3A = arith.constant 1 : i32
        %add3A_78 = arith.addi %mul3A_77, %add3A : i32
        %add3A_79 = arith.constant 1 : i32
        %add3A_80 = arith.addi %add3A_78, %add3A_79 : i32
        %dma_wait3A_81 = arith.constant 0 : i32
        %dma_wait3A_82 = tpu.memref_slice %arg8[%add3A_78, %dma_wait3A_81] : memref<158x128xi32, #tpu.memory_space<vmem>> -> memref<1x128xi32, #tpu.memory_space<vmem>>
        %dma_wait3A_83 = tpu.memref_squeeze %dma_wait3A_82 : memref<1x128xi32, #tpu.memory_space<vmem>> -> memref<128xi32, #tpu.memory_space<vmem>>
        %dma_wait3A_84 = arith.constant 0 : i32
        %dma_wait3A_85 = arith.constant 0 : i32
        %dma_wait3A_86 = tpu.memref_slice %arg3[%dma_wait3A_84, %dma_wait3A_85] : memref<10240x64xf32, #tpu.memory_space<hbm>> -> memref<10240x64xf32, #tpu.memory_space<hbm>>
        tpu.wait_indirect_dma semaphore(%arg14 : memref<!tpu.dma_semaphore, #tpu.memory_space<semaphore_mem>>) src(%dma_wait3A_86 : memref<10240x64xf32, #tpu.memory_space<hbm>>) dst(%arg11 : memref<128x64xf32, #tpu.memory_space<vmem>>)
        %sub3A = arith.constant 1 : i32
        %sub3A_87 = arith.subi %add3A_78, %sub3A : i32
        %dma_wait3A_88 = arith.constant 0 : i32
        %dma_wait3A_89 = tpu.memref_slice %arg9[%sub3A_87, %dma_wait3A_88] : memref<158x128xi32, #tpu.memory_space<vmem>> -> memref<1x128xi32, #tpu.memory_space<vmem>>
        %dma_wait3A_90 = tpu.memref_squeeze %dma_wait3A_89 : memref<1x128xi32, #tpu.memory_space<vmem>> -> memref<128xi32, #tpu.memory_space<vmem>>
        %dma_wait3A_91 = arith.constant 0 : i32
        %dma_wait3A_92 = arith.constant 0 : i32
        %dma_wait3A_93 = tpu.memref_slice %arg12[%dma_wait3A_91, %dma_wait3A_92] : memref<10240x64xf32, #tpu.memory_space<vmem_shared>> -> memref<10240x64xf32, #tpu.memory_space<vmem_shared>>
        tpu.wait_indirect_dma semaphore(%arg15 : memref<!tpu.dma_semaphore, #tpu.memory_space<semaphore_mem>>) src(%arg10 : memref<128x64xf32, #tpu.memory_space<vmem>>) dst(%dma_wait3A_93 : memref<10240x64xf32, #tpu.memory_space<vmem_shared>>)
        %dma_start3A_94 = arith.constant 0 : i32
        %dma_start3A_95 = tpu.memref_slice %arg9[%add3A_78, %dma_start3A_94] : memref<158x128xi32, #tpu.memory_space<vmem>> -> memref<1x128xi32, #tpu.memory_space<vmem>>
        %dma_start3A_96 = tpu.memref_squeeze %dma_start3A_95 : memref<1x128xi32, #tpu.memory_space<vmem>> -> memref<128xi32, #tpu.memory_space<vmem>>
        %dma_start3A_97 = arith.constant 0 : i32
        %dma_start3A_98 = arith.constant 0 : i32
        %dma_start3A_99 = tpu.memref_slice %arg12[%dma_start3A_97, %dma_start3A_98] : memref<10240x64xf32, #tpu.memory_space<vmem_shared>> -> memref<10240x64xf32, #tpu.memory_space<vmem_shared>>
        tpu.enqueue_indirect_dma source(%arg11 : memref<128x64xf32, #tpu.memory_space<vmem>>) target(%dma_start3A_99 : memref<10240x64xf32, #tpu.memory_space<vmem_shared>>) offsets(%dma_start3A_96 : memref<128xi32, #tpu.memory_space<vmem>>) semaphore(%arg15 : memref<!tpu.dma_semaphore, #tpu.memory_space<semaphore_mem>>) {add = true}
        %add3A_100 = arith.constant 2 : i32
        %add3A_101 = arith.addi %add3A_78, %add3A_100 : i32
        %dma_start3A_102 = arith.constant 0 : i32
        %dma_start3A_103 = tpu.memref_slice %arg8[%add3A_101, %dma_start3A_102] : memref<158x128xi32, #tpu.memory_space<vmem>> -> memref<1x128xi32, #tpu.memory_space<vmem>>
        %dma_start3A_104 = tpu.memref_squeeze %dma_start3A_103 : memref<1x128xi32, #tpu.memory_space<vmem>> -> memref<128xi32, #tpu.memory_space<vmem>>
        %dma_start3A_105 = arith.constant 0 : i32
        %dma_start3A_106 = arith.constant 0 : i32
        %dma_start3A_107 = tpu.memref_slice %arg3[%dma_start3A_105, %dma_start3A_106] : memref<10240x64xf32, #tpu.memory_space<hbm>> -> memref<10240x64xf32, #tpu.memory_space<hbm>>
        tpu.enqueue_indirect_dma source(%dma_start3A_107 : memref<10240x64xf32, #tpu.memory_space<hbm>>) target(%arg11 : memref<128x64xf32, #tpu.memory_space<vmem>>) offsets(%dma_start3A_104 : memref<128xi32, #tpu.memory_space<vmem>>) semaphore(%arg14 : memref<!tpu.dma_semaphore, #tpu.memory_space<semaphore_mem>>)
        %dma_wait3A_108 = arith.constant 0 : i32
        %dma_wait3A_109 = tpu.memref_slice %arg8[%add3A_80, %dma_wait3A_108] : memref<158x128xi32, #tpu.memory_space<vmem>> -> memref<1x128xi32, #tpu.memory_space<vmem>>
        %dma_wait3A_110 = tpu.memref_squeeze %dma_wait3A_109 : memref<1x128xi32, #tpu.memory_space<vmem>> -> memref<128xi32, #tpu.memory_space<vmem>>
        %dma_wait3A_111 = arith.constant 0 : i32
        %dma_wait3A_112 = arith.constant 0 : i32
        %dma_wait3A_113 = tpu.memref_slice %arg3[%dma_wait3A_111, %dma_wait3A_112] : memref<10240x64xf32, #tpu.memory_space<hbm>> -> memref<10240x64xf32, #tpu.memory_space<hbm>>
        tpu.wait_indirect_dma semaphore(%arg13 : memref<!tpu.dma_semaphore, #tpu.memory_space<semaphore_mem>>) src(%dma_wait3A_113 : memref<10240x64xf32, #tpu.memory_space<hbm>>) dst(%arg10 : memref<128x64xf32, #tpu.memory_space<vmem>>)
        %dma_wait3A_114 = arith.constant 0 : i32
        %dma_wait3A_115 = tpu.memref_slice %arg9[%add3A_78, %dma_wait3A_114] : memref<158x128xi32, #tpu.memory_space<vmem>> -> memref<1x128xi32, #tpu.memory_space<vmem>>
        %dma_wait3A_116 = tpu.memref_squeeze %dma_wait3A_115 : memref<1x128xi32, #tpu.memory_space<vmem>> -> memref<128xi32, #tpu.memory_space<vmem>>
        %dma_wait3A_117 = arith.constant 0 : i32
        %dma_wait3A_118 = arith.constant 0 : i32
        %dma_wait3A_119 = tpu.memref_slice %arg12[%dma_wait3A_117, %dma_wait3A_118] : memref<10240x64xf32, #tpu.memory_space<vmem_shared>> -> memref<10240x64xf32, #tpu.memory_space<vmem_shared>>
        tpu.wait_indirect_dma semaphore(%arg15 : memref<!tpu.dma_semaphore, #tpu.memory_space<semaphore_mem>>) src(%arg11 : memref<128x64xf32, #tpu.memory_space<vmem>>) dst(%dma_wait3A_119 : memref<10240x64xf32, #tpu.memory_space<vmem_shared>>)
        %dma_start3A_120 = arith.constant 0 : i32
        %dma_start3A_121 = tpu.memref_slice %arg9[%add3A_80, %dma_start3A_120] : memref<158x128xi32, #tpu.memory_space<vmem>> -> memref<1x128xi32, #tpu.memory_space<vmem>>
        %dma_start3A_122 = tpu.memref_squeeze %dma_start3A_121 : memref<1x128xi32, #tpu.memory_space<vmem>> -> memref<128xi32, #tpu.memory_space<vmem>>
        %dma_start3A_123 = arith.constant 0 : i32
        %dma_start3A_124 = arith.constant 0 : i32
        %dma_start3A_125 = tpu.memref_slice %arg12[%dma_start3A_123, %dma_start3A_124] : memref<10240x64xf32, #tpu.memory_space<vmem_shared>> -> memref<10240x64xf32, #tpu.memory_space<vmem_shared>>
        tpu.enqueue_indirect_dma source(%arg10 : memref<128x64xf32, #tpu.memory_space<vmem>>) target(%dma_start3A_125 : memref<10240x64xf32, #tpu.memory_space<vmem_shared>>) offsets(%dma_start3A_122 : memref<128xi32, #tpu.memory_space<vmem>>) semaphore(%arg15 : memref<!tpu.dma_semaphore, #tpu.memory_space<semaphore_mem>>) {add = true}
        %add3A_126 = arith.constant 2 : i32
        %add3A_127 = arith.addi %add3A_80, %add3A_126 : i32
        %lt3A = arith.constant 158 : i32
        %lt3A_128 = arith.cmpi slt, %add3A_127, %lt3A : i32
        %convert_element_type3A_129 = arith.extui %lt3A_128 : i1 to i32
        %cond3A_130 = arith.constant 0 : i32
        %cond3A_131 = arith.cmpi ne, %convert_element_type3A_129, %cond3A_130 : i32
        scf.if %cond3A_131 {
          %add3A_132 = arith.constant 2 : i32
          %add3A_133 = arith.addi %add3A_80, %add3A_132 : i32
          %dma_start3A_134 = arith.constant 0 : i32
          %dma_start3A_135 = tpu.memref_slice %arg8[%add3A_133, %dma_start3A_134] : memref<158x128xi32, #tpu.memory_space<vmem>> -> memref<1x128xi32, #tpu.memory_space<vmem>>
          %dma_start3A_136 = tpu.memref_squeeze %dma_start3A_135 : memref<1x128xi32, #tpu.memory_space<vmem>> -> memref<128xi32, #tpu.memory_space<vmem>>
          %dma_start3A_137 = arith.constant 0 : i32
          %dma_start3A_138 = arith.constant 0 : i32
          %dma_start3A_139 = tpu.memref_slice %arg3[%dma_start3A_137, %dma_start3A_138] : memref<10240x64xf32, #tpu.memory_space<hbm>> -> memref<10240x64xf32, #tpu.memory_space<hbm>>
          tpu.enqueue_indirect_dma source(%dma_start3A_139 : memref<10240x64xf32, #tpu.memory_space<hbm>>) target(%arg10 : memref<128x64xf32, #tpu.memory_space<vmem>>) offsets(%dma_start3A_136 : memref<128xi32, #tpu.memory_space<vmem>>) semaphore(%arg13 : memref<!tpu.dma_semaphore, #tpu.memory_space<semaphore_mem>>)
        } else {
        }
      }
      %scan3A_46 = arith.constant 78 : i32
      %dma_wait3A_47 = arith.constant 157 : i32
      %dma_wait3A_48 = arith.constant 0 : i32
      %dma_wait3A_49 = tpu.memref_slice %arg8[%dma_wait3A_47, %dma_wait3A_48] : memref<158x128xi32, #tpu.memory_space<vmem>> -> memref<1x128xi32, #tpu.memory_space<vmem>>
      %dma_wait3A_50 = tpu.memref_squeeze %dma_wait3A_49 : memref<1x128xi32, #tpu.memory_space<vmem>> -> memref<128xi32, #tpu.memory_space<vmem>>
      %dma_wait3A_51 = arith.constant 0 : i32
      %dma_wait3A_52 = arith.constant 0 : i32
      %dma_wait3A_53 = tpu.memref_slice %arg3[%dma_wait3A_51, %dma_wait3A_52] : memref<10240x64xf32, #tpu.memory_space<hbm>> -> memref<10240x64xf32, #tpu.memory_space<hbm>>
      tpu.wait_indirect_dma semaphore(%arg14 : memref<!tpu.dma_semaphore, #tpu.memory_space<semaphore_mem>>) src(%dma_wait3A_53 : memref<10240x64xf32, #tpu.memory_space<hbm>>) dst(%arg11 : memref<128x64xf32, #tpu.memory_space<vmem>>)
      %dma_wait3A_54 = arith.constant 156 : i32
      %dma_wait3A_55 = arith.constant 0 : i32
      %dma_wait3A_56 = tpu.memref_slice %arg9[%dma_wait3A_54, %dma_wait3A_55] : memref<158x128xi32, #tpu.memory_space<vmem>> -> memref<1x128xi32, #tpu.memory_space<vmem>>
      %dma_wait3A_57 = tpu.memref_squeeze %dma_wait3A_56 : memref<1x128xi32, #tpu.memory_space<vmem>> -> memref<128xi32, #tpu.memory_space<vmem>>
      %dma_wait3A_58 = arith.constant 0 : i32
      %dma_wait3A_59 = arith.constant 0 : i32
      %dma_wait3A_60 = tpu.memref_slice %arg12[%dma_wait3A_58, %dma_wait3A_59] : memref<10240x64xf32, #tpu.memory_space<vmem_shared>> -> memref<10240x64xf32, #tpu.memory_space<vmem_shared>>
      tpu.wait_indirect_dma semaphore(%arg15 : memref<!tpu.dma_semaphore, #tpu.memory_space<semaphore_mem>>) src(%arg10 : memref<128x64xf32, #tpu.memory_space<vmem>>) dst(%dma_wait3A_60 : memref<10240x64xf32, #tpu.memory_space<vmem_shared>>)
      %dma_start3A_61 = arith.constant 157 : i32
      %dma_start3A_62 = arith.constant 0 : i32
      %dma_start3A_63 = tpu.memref_slice %arg9[%dma_start3A_61, %dma_start3A_62] : memref<158x128xi32, #tpu.memory_space<vmem>> -> memref<1x128xi32, #tpu.memory_space<vmem>>
      %dma_start3A_64 = tpu.memref_squeeze %dma_start3A_63 : memref<1x128xi32, #tpu.memory_space<vmem>> -> memref<128xi32, #tpu.memory_space<vmem>>
      %dma_start3A_65 = arith.constant 0 : i32
      %dma_start3A_66 = arith.constant 0 : i32
      %dma_start3A_67 = tpu.memref_slice %arg12[%dma_start3A_65, %dma_start3A_66] : memref<10240x64xf32, #tpu.memory_space<vmem_shared>> -> memref<10240x64xf32, #tpu.memory_space<vmem_shared>>
      tpu.enqueue_indirect_dma source(%arg11 : memref<128x64xf32, #tpu.memory_space<vmem>>) target(%dma_start3A_67 : memref<10240x64xf32, #tpu.memory_space<vmem_shared>>) offsets(%dma_start3A_64 : memref<128xi32, #tpu.memory_space<vmem>>) semaphore(%arg15 : memref<!tpu.dma_semaphore, #tpu.memory_space<semaphore_mem>>) {add = true}
      %dma_wait3A_68 = arith.constant 157 : i32
      %dma_wait3A_69 = arith.constant 0 : i32
      %dma_wait3A_70 = tpu.memref_slice %arg9[%dma_wait3A_68, %dma_wait3A_69] : memref<158x128xi32, #tpu.memory_space<vmem>> -> memref<1x128xi32, #tpu.memory_space<vmem>>
      %dma_wait3A_71 = tpu.memref_squeeze %dma_wait3A_70 : memref<1x128xi32, #tpu.memory_space<vmem>> -> memref<128xi32, #tpu.memory_space<vmem>>
      %dma_wait3A_72 = arith.constant 0 : i32
      %dma_wait3A_73 = arith.constant 0 : i32
      %dma_wait3A_74 = tpu.memref_slice %arg12[%dma_wait3A_72, %dma_wait3A_73] : memref<10240x64xf32, #tpu.memory_space<vmem_shared>> -> memref<10240x64xf32, #tpu.memory_space<vmem_shared>>
      tpu.wait_indirect_dma semaphore(%arg15 : memref<!tpu.dma_semaphore, #tpu.memory_space<semaphore_mem>>) src(%arg11 : memref<128x64xf32, #tpu.memory_space<vmem>>) dst(%dma_wait3A_74 : memref<10240x64xf32, #tpu.memory_space<vmem_shared>>)
    } else {
    }
    %barrier3A_8 = arith.constant 0 : index
    tpu.barrier barrier_id(%barrier3A_8)
    "tpu.region"() ({
      %run_scoped3A = tpu.sem_alloc : memref<!tpu.dma_semaphore, #tpu.memory_space<semaphore_mem>>
      %dma_start3A = arith.constant 0 : i32
      %dma_start3A_9 = tpu.memref_slice %arg7[%arg0, %mul3A_0, %dma_start3A] : memref<2x10240x64xf32, #tpu.memory_space<hbm>> -> memref<1x640x64xf32, #tpu.memory_space<hbm>>
      %dma_start3A_10 = tpu.memref_squeeze %dma_start3A_9 : memref<1x640x64xf32, #tpu.memory_space<hbm>> -> memref<640x64xf32, #tpu.memory_space<hbm>>
      %dma_start3A_11 = arith.constant 0 : i32
      %dma_start3A_12 = tpu.memref_slice %arg12[%mul3A_0, %dma_start3A_11] : memref<10240x64xf32, #tpu.memory_space<vmem_shared>> -> memref<640x64xf32, #tpu.memory_space<vmem_shared>>
      tpu.enqueue_dma source(%dma_start3A_12 : memref<640x64xf32, #tpu.memory_space<vmem_shared>>) target(%dma_start3A_10 : memref<640x64xf32, #tpu.memory_space<hbm>>) target_semaphore(%run_scoped3A : memref<!tpu.dma_semaphore, #tpu.memory_space<semaphore_mem>>)
      %dma_wait3A = arith.constant 0 : i32
      %dma_wait3A_13 = tpu.memref_slice %arg7[%arg0, %mul3A_0, %dma_wait3A] : memref<2x10240x64xf32, #tpu.memory_space<hbm>> -> memref<1x640x64xf32, #tpu.memory_space<hbm>>
      %dma_wait3A_14 = tpu.memref_squeeze %dma_wait3A_13 : memref<1x640x64xf32, #tpu.memory_space<hbm>> -> memref<640x64xf32, #tpu.memory_space<hbm>>
      %dma_wait3A_15 = arith.constant 0 : i32
      %dma_wait3A_16 = tpu.memref_slice %arg12[%mul3A_0, %dma_wait3A_15] : memref<10240x64xf32, #tpu.memory_space<vmem_shared>> -> memref<640x64xf32, #tpu.memory_space<vmem_shared>>
      tpu.wait_dma2 semaphore(%run_scoped3A : memref<!tpu.dma_semaphore, #tpu.memory_space<semaphore_mem>>) src(%dma_wait3A_16 : memref<640x64xf32, #tpu.memory_space<vmem_shared>>) dst(%dma_wait3A_14 : memref<640x64xf32, #tpu.memory_space<hbm>>)
      tpu.yield
    }) : () -> ()
    return
  }
}

#map = affine_map<(d0, d1) -> (0, 0)>
#map1 = affine_map<(d0, d1) -> (0, 0, 0)>
module attributes {stable_mosaic.version = 14 : i64} {
  func.func @_agg_body(%arg0: i32, %arg1: i32, %arg2: memref<10240x64xf32, #tpu.memory_space<hbm>>, %arg3: memref<10240x64xf32, #tpu.memory_space<hbm>>, %arg4: memref<16x158x128xi32, #tpu.memory_space<hbm>>, %arg5: memref<16x158x128xi32, #tpu.memory_space<hbm>>, %arg6: memref<640x64xf32, #tpu.memory_space<hbm>>, %arg7: memref<2x10240x64xf32, #tpu.memory_space<hbm>>, %arg8: memref<158x128xi32, #tpu.memory_space<vmem>>, %arg9: memref<158x128xi32, #tpu.memory_space<vmem>>, %arg10: memref<128x64xf32, #tpu.memory_space<vmem>>, %arg11: memref<128x64xf32, #tpu.memory_space<vmem>>, %arg12: memref<10240x64xf32, #tpu.memory_space<vmem_shared>>, %arg13: memref<!tpu.dma_semaphore, #tpu.memory_space<semaphore_mem>>, %arg14: memref<!tpu.dma_semaphore, #tpu.memory_space<semaphore_mem>>, %arg15: memref<!tpu.dma_semaphore, #tpu.memory_space<semaphore_mem>>) attributes {dimension_semantics = [#tpu.dimension_semantics<core_parallel>, #tpu.dimension_semantics<subcore_parallel>], iteration_bounds = array<i64: 2, 16>, scalar_prefetch = 0 : i64, scratch_operands = 8 : i64, tpu.core_type = #tpu.core_type<sc_vector_subcore>, window_params = [{transform_indices = #map}, {transform_indices = #map}, {transform_indices = #map1}, {transform_indices = #map1}, {transform_indices = #map}, {transform_indices = #map1}]} {
    %mul3A = arith.constant 640 : i32
    %mul3A_0 = arith.muli %arg1, %mul3A : i32
    "tpu.region"() ({
      %run_scoped3A = tpu.sem_alloc : memref<!tpu.dma_semaphore, #tpu.memory_space<semaphore_mem>>
      %dma_start3A = arith.constant 0 : i32
      %dma_start3A_9 = tpu.memref_slice %arg12[%mul3A_0, %dma_start3A] : memref<10240x64xf32, #tpu.memory_space<vmem_shared>> -> memref<640x64xf32, #tpu.memory_space<vmem_shared>>
      tpu.enqueue_dma source(%arg6 : memref<640x64xf32, #tpu.memory_space<hbm>>) target(%dma_start3A_9 : memref<640x64xf32, #tpu.memory_space<vmem_shared>>) target_semaphore(%run_scoped3A : memref<!tpu.dma_semaphore, #tpu.memory_space<semaphore_mem>>)
      %dma_wait3A = arith.constant 0 : i32
      %dma_wait3A_10 = tpu.memref_slice %arg12[%mul3A_0, %dma_wait3A] : memref<10240x64xf32, #tpu.memory_space<vmem_shared>> -> memref<640x64xf32, #tpu.memory_space<vmem_shared>>
      tpu.wait_dma2 semaphore(%run_scoped3A : memref<!tpu.dma_semaphore, #tpu.memory_space<semaphore_mem>>) src(%arg6 : memref<640x64xf32, #tpu.memory_space<hbm>>) dst(%dma_wait3A_10 : memref<640x64xf32, #tpu.memory_space<vmem_shared>>)
      tpu.yield
    }) : () -> ()
    %barrier3A = arith.constant 0 : index
    tpu.barrier barrier_id(%barrier3A)
    "tpu.region"() ({
      %run_scoped3A = tpu.sem_alloc : memref<!tpu.dma_semaphore, #tpu.memory_space<semaphore_mem>>
      %dma_start3A = arith.constant 0 : i32
      %dma_start3A_9 = arith.constant 0 : i32
      %dma_start3A_10 = tpu.memref_slice %arg4[%arg1, %dma_start3A, %dma_start3A_9] : memref<16x158x128xi32, #tpu.memory_space<hbm>> -> memref<1x158x128xi32, #tpu.memory_space<hbm>>
      %dma_start3A_11 = tpu.memref_squeeze %dma_start3A_10 : memref<1x158x128xi32, #tpu.memory_space<hbm>> -> memref<158x128xi32, #tpu.memory_space<hbm>>
      %dma_start3A_12 = arith.constant 0 : i32
      %dma_start3A_13 = arith.constant 0 : i32
      %dma_start3A_14 = tpu.memref_slice %arg4[%arg1, %dma_start3A_12, %dma_start3A_13] : memref<16x158x128xi32, #tpu.memory_space<hbm>> -> memref<1x158x128xi32, #tpu.memory_space<hbm>>
      %dma_start3A_15 = tpu.memref_squeeze %dma_start3A_14 : memref<1x158x128xi32, #tpu.memory_space<hbm>> -> memref<158x128xi32, #tpu.memory_space<hbm>>
      tpu.enqueue_dma source(%dma_start3A_15 : memref<158x128xi32, #tpu.memory_space<hbm>>) target(%arg8 : memref<158x128xi32, #tpu.memory_space<vmem>>) target_semaphore(%run_scoped3A : memref<!tpu.dma_semaphore, #tpu.memory_space<semaphore_mem>>)
      %dma_wait3A = arith.constant 0 : i32
      %dma_wait3A_16 = arith.constant 0 : i32
      %dma_wait3A_17 = tpu.memref_slice %arg4[%arg1, %dma_wait3A, %dma_wait3A_16] : memref<16x158x128xi32, #tpu.memory_space<hbm>> -> memref<1x158x128xi32, #tpu.memory_space<hbm>>
      %dma_wait3A_18 = tpu.memref_squeeze %dma_wait3A_17 : memref<1x158x128xi32, #tpu.memory_space<hbm>> -> memref<158x128xi32, #tpu.memory_space<hbm>>
      %dma_wait3A_19 = arith.constant 0 : i32
      %dma_wait3A_20 = arith.constant 0 : i32
      %dma_wait3A_21 = tpu.memref_slice %arg4[%arg1, %dma_wait3A_19, %dma_wait3A_20] : memref<16x158x128xi32, #tpu.memory_space<hbm>> -> memref<1x158x128xi32, #tpu.memory_space<hbm>>
      %dma_wait3A_22 = tpu.memref_squeeze %dma_wait3A_21 : memref<1x158x128xi32, #tpu.memory_space<hbm>> -> memref<158x128xi32, #tpu.memory_space<hbm>>
      tpu.wait_dma2 semaphore(%run_scoped3A : memref<!tpu.dma_semaphore, #tpu.memory_space<semaphore_mem>>) src(%dma_wait3A_22 : memref<158x128xi32, #tpu.memory_space<hbm>>) dst(%arg8 : memref<158x128xi32, #tpu.memory_space<vmem>>)
      tpu.yield
    }) : () -> ()
    "tpu.region"() ({
      %run_scoped3A = tpu.sem_alloc : memref<!tpu.dma_semaphore, #tpu.memory_space<semaphore_mem>>
      %dma_start3A = arith.constant 0 : i32
      %dma_start3A_9 = arith.constant 0 : i32
      %dma_start3A_10 = tpu.memref_slice %arg5[%arg1, %dma_start3A, %dma_start3A_9] : memref<16x158x128xi32, #tpu.memory_space<hbm>> -> memref<1x158x128xi32, #tpu.memory_space<hbm>>
      %dma_start3A_11 = tpu.memref_squeeze %dma_start3A_10 : memref<1x158x128xi32, #tpu.memory_space<hbm>> -> memref<158x128xi32, #tpu.memory_space<hbm>>
      %dma_start3A_12 = arith.constant 0 : i32
      %dma_start3A_13 = arith.constant 0 : i32
      %dma_start3A_14 = tpu.memref_slice %arg5[%arg1, %dma_start3A_12, %dma_start3A_13] : memref<16x158x128xi32, #tpu.memory_space<hbm>> -> memref<1x158x128xi32, #tpu.memory_space<hbm>>
      %dma_start3A_15 = tpu.memref_squeeze %dma_start3A_14 : memref<1x158x128xi32, #tpu.memory_space<hbm>> -> memref<158x128xi32, #tpu.memory_space<hbm>>
      tpu.enqueue_dma source(%dma_start3A_15 : memref<158x128xi32, #tpu.memory_space<hbm>>) target(%arg9 : memref<158x128xi32, #tpu.memory_space<vmem>>) target_semaphore(%run_scoped3A : memref<!tpu.dma_semaphore, #tpu.memory_space<semaphore_mem>>)
      %dma_wait3A = arith.constant 0 : i32
      %dma_wait3A_16 = arith.constant 0 : i32
      %dma_wait3A_17 = tpu.memref_slice %arg5[%arg1, %dma_wait3A, %dma_wait3A_16] : memref<16x158x128xi32, #tpu.memory_space<hbm>> -> memref<1x158x128xi32, #tpu.memory_space<hbm>>
      %dma_wait3A_18 = tpu.memref_squeeze %dma_wait3A_17 : memref<1x158x128xi32, #tpu.memory_space<hbm>> -> memref<158x128xi32, #tpu.memory_space<hbm>>
      %dma_wait3A_19 = arith.constant 0 : i32
      %dma_wait3A_20 = arith.constant 0 : i32
      %dma_wait3A_21 = tpu.memref_slice %arg5[%arg1, %dma_wait3A_19, %dma_wait3A_20] : memref<16x158x128xi32, #tpu.memory_space<hbm>> -> memref<1x158x128xi32, #tpu.memory_space<hbm>>
      %dma_wait3A_22 = tpu.memref_squeeze %dma_wait3A_21 : memref<1x158x128xi32, #tpu.memory_space<hbm>> -> memref<158x128xi32, #tpu.memory_space<hbm>>
      tpu.wait_dma2 semaphore(%run_scoped3A : memref<!tpu.dma_semaphore, #tpu.memory_space<semaphore_mem>>) src(%dma_wait3A_22 : memref<158x128xi32, #tpu.memory_space<hbm>>) dst(%arg9 : memref<158x128xi32, #tpu.memory_space<vmem>>)
      tpu.yield
    }) : () -> ()
    %eq3A = arith.constant 0 : i32
    %eq3A_1 = arith.cmpi eq, %arg0, %eq3A : i32
    %convert_element_type3A = arith.extui %eq3A_1 : i1 to i32
    %cond3A = arith.constant 0 : i32
    %cond3A_2 = arith.cmpi ne, %convert_element_type3A, %cond3A : i32
    scf.if %cond3A_2 {
      %dma_start3A = arith.constant 0 : i32
      %dma_start3A_9 = arith.constant 0 : i32
      %dma_start3A_10 = tpu.memref_slice %arg8[%dma_start3A, %dma_start3A_9] : memref<158x128xi32, #tpu.memory_space<vmem>> -> memref<1x128xi32, #tpu.memory_space<vmem>>
      %dma_start3A_11 = tpu.memref_squeeze %dma_start3A_10 : memref<1x128xi32, #tpu.memory_space<vmem>> -> memref<128xi32, #tpu.memory_space<vmem>>
      %dma_start3A_12 = arith.constant 0 : i32
      %dma_start3A_13 = arith.constant 0 : i32
      %dma_start3A_14 = tpu.memref_slice %arg2[%dma_start3A_12, %dma_start3A_13] : memref<10240x64xf32, #tpu.memory_space<hbm>> -> memref<10240x64xf32, #tpu.memory_space<hbm>>
      tpu.enqueue_indirect_dma source(%dma_start3A_14 : memref<10240x64xf32, #tpu.memory_space<hbm>>) target(%arg10 : memref<128x64xf32, #tpu.memory_space<vmem>>) offsets(%dma_start3A_11 : memref<128xi32, #tpu.memory_space<vmem>>) semaphore(%arg13 : memref<!tpu.dma_semaphore, #tpu.memory_space<semaphore_mem>>)
      %dma_start3A_15 = arith.constant 1 : i32
      %dma_start3A_16 = arith.constant 0 : i32
      %dma_start3A_17 = tpu.memref_slice %arg8[%dma_start3A_15, %dma_start3A_16] : memref<158x128xi32, #tpu.memory_space<vmem>> -> memref<1x128xi32, #tpu.memory_space<vmem>>
      %dma_start3A_18 = tpu.memref_squeeze %dma_start3A_17 : memref<1x128xi32, #tpu.memory_space<vmem>> -> memref<128xi32, #tpu.memory_space<vmem>>
      %dma_start3A_19 = arith.constant 0 : i32
      %dma_start3A_20 = arith.constant 0 : i32
      %dma_start3A_21 = tpu.memref_slice %arg2[%dma_start3A_19, %dma_start3A_20] : memref<10240x64xf32, #tpu.memory_space<hbm>> -> memref<10240x64xf32, #tpu.memory_space<hbm>>
      tpu.enqueue_indirect_dma source(%dma_start3A_21 : memref<10240x64xf32, #tpu.memory_space<hbm>>) target(%arg11 : memref<128x64xf32, #tpu.memory_space<vmem>>) offsets(%dma_start3A_18 : memref<128xi32, #tpu.memory_space<vmem>>) semaphore(%arg14 : memref<!tpu.dma_semaphore, #tpu.memory_space<semaphore_mem>>)
      %dma_wait3A = arith.constant 0 : i32
      %dma_wait3A_22 = arith.constant 0 : i32
      %dma_wait3A_23 = tpu.memref_slice %arg8[%dma_wait3A, %dma_wait3A_22] : memref<158x128xi32, #tpu.memory_space<vmem>> -> memref<1x128xi32, #tpu.memory_space<vmem>>
      %dma_wait3A_24 = tpu.memref_squeeze %dma_wait3A_23 : memref<1x128xi32, #tpu.memory_space<vmem>> -> memref<128xi32, #tpu.memory_space<vmem>>
      %dma_wait3A_25 = arith.constant 0 : i32
      %dma_wait3A_26 = arith.constant 0 : i32
      %dma_wait3A_27 = tpu.memref_slice %arg2[%dma_wait3A_25, %dma_wait3A_26] : memref<10240x64xf32, #tpu.memory_space<hbm>> -> memref<10240x64xf32, #tpu.memory_space<hbm>>
      tpu.wait_indirect_dma semaphore(%arg13 : memref<!tpu.dma_semaphore, #tpu.memory_space<semaphore_mem>>) src(%dma_wait3A_27 : memref<10240x64xf32, #tpu.memory_space<hbm>>) dst(%arg10 : memref<128x64xf32, #tpu.memory_space<vmem>>)
      %dma_start3A_28 = arith.constant 0 : i32
      %dma_start3A_29 = arith.constant 0 : i32
      %dma_start3A_30 = tpu.memref_slice %arg9[%dma_start3A_28, %dma_start3A_29] : memref<158x128xi32, #tpu.memory_space<vmem>> -> memref<1x128xi32, #tpu.memory_space<vmem>>
      %dma_start3A_31 = tpu.memref_squeeze %dma_start3A_30 : memref<1x128xi32, #tpu.memory_space<vmem>> -> memref<128xi32, #tpu.memory_space<vmem>>
      %dma_start3A_32 = arith.constant 0 : i32
      %dma_start3A_33 = arith.constant 0 : i32
      %dma_start3A_34 = tpu.memref_slice %arg12[%dma_start3A_32, %dma_start3A_33] : memref<10240x64xf32, #tpu.memory_space<vmem_shared>> -> memref<10240x64xf32, #tpu.memory_space<vmem_shared>>
      tpu.enqueue_indirect_dma source(%arg10 : memref<128x64xf32, #tpu.memory_space<vmem>>) target(%dma_start3A_34 : memref<10240x64xf32, #tpu.memory_space<vmem_shared>>) offsets(%dma_start3A_31 : memref<128xi32, #tpu.memory_space<vmem>>) semaphore(%arg15 : memref<!tpu.dma_semaphore, #tpu.memory_space<semaphore_mem>>) {add = true}
      %dma_start3A_35 = arith.constant 2 : i32
      %dma_start3A_36 = arith.constant 0 : i32
      %dma_start3A_37 = tpu.memref_slice %arg8[%dma_start3A_35, %dma_start3A_36] : memref<158x128xi32, #tpu.memory_space<vmem>> -> memref<1x128xi32, #tpu.memory_space<vmem>>
      %dma_start3A_38 = tpu.memref_squeeze %dma_start3A_37 : memref<1x128xi32, #tpu.memory_space<vmem>> -> memref<128xi32, #tpu.memory_space<vmem>>
      %dma_start3A_39 = arith.constant 0 : i32
      %dma_start3A_40 = arith.constant 0 : i32
      %dma_start3A_41 = tpu.memref_slice %arg2[%dma_start3A_39, %dma_start3A_40] : memref<10240x64xf32, #tpu.memory_space<hbm>> -> memref<10240x64xf32, #tpu.memory_space<hbm>>
      tpu.enqueue_indirect_dma source(%dma_start3A_41 : memref<10240x64xf32, #tpu.memory_space<hbm>>) target(%arg10 : memref<128x64xf32, #tpu.memory_space<vmem>>) offsets(%dma_start3A_38 : memref<128xi32, #tpu.memory_space<vmem>>) semaphore(%arg13 : memref<!tpu.dma_semaphore, #tpu.memory_space<semaphore_mem>>)
      %scan3A = arith.constant 0 : i32
      %scan3A_42 = arith.constant 0 : i32
      %scan3A_43 = arith.constant 78 : i32
      %scan3A_44 = arith.addi %scan3A_42, %scan3A_43 : i32
      %scan3A_45 = arith.constant 1 : i32
      scf.for %scan3A_75 = %scan3A_42 to %scan3A_44 step %scan3A_45  : i32 {
        %mul3A_76 = arith.constant 2 : i32
        %mul3A_77 = arith.muli %mul3A_76, %scan3A_75 : i32
        %add3A = arith.constant 1 : i32
        %add3A_78 = arith.addi %mul3A_77, %add3A : i32
        %add3A_79 = arith.constant 1 : i32
        %add3A_80 = arith.addi %add3A_78, %add3A_79 : i32
        %dma_wait3A_81 = arith.constant 0 : i32
        %dma_wait3A_82 = tpu.memref_slice %arg8[%add3A_78, %dma_wait3A_81] : memref<158x128xi32, #tpu.memory_space<vmem>> -> memref<1x128xi32, #tpu.memory_space<vmem>>
        %dma_wait3A_83 = tpu.memref_squeeze %dma_wait3A_82 : memref<1x128xi32, #tpu.memory_space<vmem>> -> memref<128xi32, #tpu.memory_space<vmem>>
        %dma_wait3A_84 = arith.constant 0 : i32
        %dma_wait3A_85 = arith.constant 0 : i32
        %dma_wait3A_86 = tpu.memref_slice %arg2[%dma_wait3A_84, %dma_wait3A_85] : memref<10240x64xf32, #tpu.memory_space<hbm>> -> memref<10240x64xf32, #tpu.memory_space<hbm>>
        tpu.wait_indirect_dma semaphore(%arg14 : memref<!tpu.dma_semaphore, #tpu.memory_space<semaphore_mem>>) src(%dma_wait3A_86 : memref<10240x64xf32, #tpu.memory_space<hbm>>) dst(%arg11 : memref<128x64xf32, #tpu.memory_space<vmem>>)
        %sub3A = arith.constant 1 : i32
        %sub3A_87 = arith.subi %add3A_78, %sub3A : i32
        %dma_wait3A_88 = arith.constant 0 : i32
        %dma_wait3A_89 = tpu.memref_slice %arg9[%sub3A_87, %dma_wait3A_88] : memref<158x128xi32, #tpu.memory_space<vmem>> -> memref<1x128xi32, #tpu.memory_space<vmem>>
        %dma_wait3A_90 = tpu.memref_squeeze %dma_wait3A_89 : memref<1x128xi32, #tpu.memory_space<vmem>> -> memref<128xi32, #tpu.memory_space<vmem>>
        %dma_wait3A_91 = arith.constant 0 : i32
        %dma_wait3A_92 = arith.constant 0 : i32
        %dma_wait3A_93 = tpu.memref_slice %arg12[%dma_wait3A_91, %dma_wait3A_92] : memref<10240x64xf32, #tpu.memory_space<vmem_shared>> -> memref<10240x64xf32, #tpu.memory_space<vmem_shared>>
        tpu.wait_indirect_dma semaphore(%arg15 : memref<!tpu.dma_semaphore, #tpu.memory_space<semaphore_mem>>) src(%arg10 : memref<128x64xf32, #tpu.memory_space<vmem>>) dst(%dma_wait3A_93 : memref<10240x64xf32, #tpu.memory_space<vmem_shared>>)
        %dma_start3A_94 = arith.constant 0 : i32
        %dma_start3A_95 = tpu.memref_slice %arg9[%add3A_78, %dma_start3A_94] : memref<158x128xi32, #tpu.memory_space<vmem>> -> memref<1x128xi32, #tpu.memory_space<vmem>>
        %dma_start3A_96 = tpu.memref_squeeze %dma_start3A_95 : memref<1x128xi32, #tpu.memory_space<vmem>> -> memref<128xi32, #tpu.memory_space<vmem>>
        %dma_start3A_97 = arith.constant 0 : i32
        %dma_start3A_98 = arith.constant 0 : i32
        %dma_start3A_99 = tpu.memref_slice %arg12[%dma_start3A_97, %dma_start3A_98] : memref<10240x64xf32, #tpu.memory_space<vmem_shared>> -> memref<10240x64xf32, #tpu.memory_space<vmem_shared>>
        tpu.enqueue_indirect_dma source(%arg11 : memref<128x64xf32, #tpu.memory_space<vmem>>) target(%dma_start3A_99 : memref<10240x64xf32, #tpu.memory_space<vmem_shared>>) offsets(%dma_start3A_96 : memref<128xi32, #tpu.memory_space<vmem>>) semaphore(%arg15 : memref<!tpu.dma_semaphore, #tpu.memory_space<semaphore_mem>>) {add = true}
        %add3A_100 = arith.constant 2 : i32
        %add3A_101 = arith.addi %add3A_78, %add3A_100 : i32
        %dma_start3A_102 = arith.constant 0 : i32
        %dma_start3A_103 = tpu.memref_slice %arg8[%add3A_101, %dma_start3A_102] : memref<158x128xi32, #tpu.memory_space<vmem>> -> memref<1x128xi32, #tpu.memory_space<vmem>>
        %dma_start3A_104 = tpu.memref_squeeze %dma_start3A_103 : memref<1x128xi32, #tpu.memory_space<vmem>> -> memref<128xi32, #tpu.memory_space<vmem>>
        %dma_start3A_105 = arith.constant 0 : i32
        %dma_start3A_106 = arith.constant 0 : i32
        %dma_start3A_107 = tpu.memref_slice %arg2[%dma_start3A_105, %dma_start3A_106] : memref<10240x64xf32, #tpu.memory_space<hbm>> -> memref<10240x64xf32, #tpu.memory_space<hbm>>
        tpu.enqueue_indirect_dma source(%dma_start3A_107 : memref<10240x64xf32, #tpu.memory_space<hbm>>) target(%arg11 : memref<128x64xf32, #tpu.memory_space<vmem>>) offsets(%dma_start3A_104 : memref<128xi32, #tpu.memory_space<vmem>>) semaphore(%arg14 : memref<!tpu.dma_semaphore, #tpu.memory_space<semaphore_mem>>)
        %dma_wait3A_108 = arith.constant 0 : i32
        %dma_wait3A_109 = tpu.memref_slice %arg8[%add3A_80, %dma_wait3A_108] : memref<158x128xi32, #tpu.memory_space<vmem>> -> memref<1x128xi32, #tpu.memory_space<vmem>>
        %dma_wait3A_110 = tpu.memref_squeeze %dma_wait3A_109 : memref<1x128xi32, #tpu.memory_space<vmem>> -> memref<128xi32, #tpu.memory_space<vmem>>
        %dma_wait3A_111 = arith.constant 0 : i32
        %dma_wait3A_112 = arith.constant 0 : i32
        %dma_wait3A_113 = tpu.memref_slice %arg2[%dma_wait3A_111, %dma_wait3A_112] : memref<10240x64xf32, #tpu.memory_space<hbm>> -> memref<10240x64xf32, #tpu.memory_space<hbm>>
        tpu.wait_indirect_dma semaphore(%arg13 : memref<!tpu.dma_semaphore, #tpu.memory_space<semaphore_mem>>) src(%dma_wait3A_113 : memref<10240x64xf32, #tpu.memory_space<hbm>>) dst(%arg10 : memref<128x64xf32, #tpu.memory_space<vmem>>)
        %dma_wait3A_114 = arith.constant 0 : i32
        %dma_wait3A_115 = tpu.memref_slice %arg9[%add3A_78, %dma_wait3A_114] : memref<158x128xi32, #tpu.memory_space<vmem>> -> memref<1x128xi32, #tpu.memory_space<vmem>>
        %dma_wait3A_116 = tpu.memref_squeeze %dma_wait3A_115 : memref<1x128xi32, #tpu.memory_space<vmem>> -> memref<128xi32, #tpu.memory_space<vmem>>
        %dma_wait3A_117 = arith.constant 0 : i32
        %dma_wait3A_118 = arith.constant 0 : i32
        %dma_wait3A_119 = tpu.memref_slice %arg12[%dma_wait3A_117, %dma_wait3A_118] : memref<10240x64xf32, #tpu.memory_space<vmem_shared>> -> memref<10240x64xf32, #tpu.memory_space<vmem_shared>>
        tpu.wait_indirect_dma semaphore(%arg15 : memref<!tpu.dma_semaphore, #tpu.memory_space<semaphore_mem>>) src(%arg11 : memref<128x64xf32, #tpu.memory_space<vmem>>) dst(%dma_wait3A_119 : memref<10240x64xf32, #tpu.memory_space<vmem_shared>>)
        %dma_start3A_120 = arith.constant 0 : i32
        %dma_start3A_121 = tpu.memref_slice %arg9[%add3A_80, %dma_start3A_120] : memref<158x128xi32, #tpu.memory_space<vmem>> -> memref<1x128xi32, #tpu.memory_space<vmem>>
        %dma_start3A_122 = tpu.memref_squeeze %dma_start3A_121 : memref<1x128xi32, #tpu.memory_space<vmem>> -> memref<128xi32, #tpu.memory_space<vmem>>
        %dma_start3A_123 = arith.constant 0 : i32
        %dma_start3A_124 = arith.constant 0 : i32
        %dma_start3A_125 = tpu.memref_slice %arg12[%dma_start3A_123, %dma_start3A_124] : memref<10240x64xf32, #tpu.memory_space<vmem_shared>> -> memref<10240x64xf32, #tpu.memory_space<vmem_shared>>
        tpu.enqueue_indirect_dma source(%arg10 : memref<128x64xf32, #tpu.memory_space<vmem>>) target(%dma_start3A_125 : memref<10240x64xf32, #tpu.memory_space<vmem_shared>>) offsets(%dma_start3A_122 : memref<128xi32, #tpu.memory_space<vmem>>) semaphore(%arg15 : memref<!tpu.dma_semaphore, #tpu.memory_space<semaphore_mem>>) {add = true}
        %add3A_126 = arith.constant 2 : i32
        %add3A_127 = arith.addi %add3A_80, %add3A_126 : i32
        %lt3A = arith.constant 158 : i32
        %lt3A_128 = arith.cmpi slt, %add3A_127, %lt3A : i32
        %convert_element_type3A_129 = arith.extui %lt3A_128 : i1 to i32
        %cond3A_130 = arith.constant 0 : i32
        %cond3A_131 = arith.cmpi ne, %convert_element_type3A_129, %cond3A_130 : i32
        scf.if %cond3A_131 {
          %add3A_132 = arith.constant 2 : i32
          %add3A_133 = arith.addi %add3A_80, %add3A_132 : i32
          %dma_start3A_134 = arith.constant 0 : i32
          %dma_start3A_135 = tpu.memref_slice %arg8[%add3A_133, %dma_start3A_134] : memref<158x128xi32, #tpu.memory_space<vmem>> -> memref<1x128xi32, #tpu.memory_space<vmem>>
          %dma_start3A_136 = tpu.memref_squeeze %dma_start3A_135 : memref<1x128xi32, #tpu.memory_space<vmem>> -> memref<128xi32, #tpu.memory_space<vmem>>
          %dma_start3A_137 = arith.constant 0 : i32
          %dma_start3A_138 = arith.constant 0 : i32
          %dma_start3A_139 = tpu.memref_slice %arg2[%dma_start3A_137, %dma_start3A_138] : memref<10240x64xf32, #tpu.memory_space<hbm>> -> memref<10240x64xf32, #tpu.memory_space<hbm>>
          tpu.enqueue_indirect_dma source(%dma_start3A_139 : memref<10240x64xf32, #tpu.memory_space<hbm>>) target(%arg10 : memref<128x64xf32, #tpu.memory_space<vmem>>) offsets(%dma_start3A_136 : memref<128xi32, #tpu.memory_space<vmem>>) semaphore(%arg13 : memref<!tpu.dma_semaphore, #tpu.memory_space<semaphore_mem>>)
        } else {
        }
      }
      %scan3A_46 = arith.constant 78 : i32
      %dma_wait3A_47 = arith.constant 157 : i32
      %dma_wait3A_48 = arith.constant 0 : i32
      %dma_wait3A_49 = tpu.memref_slice %arg8[%dma_wait3A_47, %dma_wait3A_48] : memref<158x128xi32, #tpu.memory_space<vmem>> -> memref<1x128xi32, #tpu.memory_space<vmem>>
      %dma_wait3A_50 = tpu.memref_squeeze %dma_wait3A_49 : memref<1x128xi32, #tpu.memory_space<vmem>> -> memref<128xi32, #tpu.memory_space<vmem>>
      %dma_wait3A_51 = arith.constant 0 : i32
      %dma_wait3A_52 = arith.constant 0 : i32
      %dma_wait3A_53 = tpu.memref_slice %arg2[%dma_wait3A_51, %dma_wait3A_52] : memref<10240x64xf32, #tpu.memory_space<hbm>> -> memref<10240x64xf32, #tpu.memory_space<hbm>>
      tpu.wait_indirect_dma semaphore(%arg14 : memref<!tpu.dma_semaphore, #tpu.memory_space<semaphore_mem>>) src(%dma_wait3A_53 : memref<10240x64xf32, #tpu.memory_space<hbm>>) dst(%arg11 : memref<128x64xf32, #tpu.memory_space<vmem>>)
      %dma_wait3A_54 = arith.constant 156 : i32
      %dma_wait3A_55 = arith.constant 0 : i32
      %dma_wait3A_56 = tpu.memref_slice %arg9[%dma_wait3A_54, %dma_wait3A_55] : memref<158x128xi32, #tpu.memory_space<vmem>> -> memref<1x128xi32, #tpu.memory_space<vmem>>
      %dma_wait3A_57 = tpu.memref_squeeze %dma_wait3A_56 : memref<1x128xi32, #tpu.memory_space<vmem>> -> memref<128xi32, #tpu.memory_space<vmem>>
      %dma_wait3A_58 = arith.constant 0 : i32
      %dma_wait3A_59 = arith.constant 0 : i32
      %dma_wait3A_60 = tpu.memref_slice %arg12[%dma_wait3A_58, %dma_wait3A_59] : memref<10240x64xf32, #tpu.memory_space<vmem_shared>> -> memref<10240x64xf32, #tpu.memory_space<vmem_shared>>
      tpu.wait_indirect_dma semaphore(%arg15 : memref<!tpu.dma_semaphore, #tpu.memory_space<semaphore_mem>>) src(%arg10 : memref<128x64xf32, #tpu.memory_space<vmem>>) dst(%dma_wait3A_60 : memref<10240x64xf32, #tpu.memory_space<vmem_shared>>)
      %dma_start3A_61 = arith.constant 157 : i32
      %dma_start3A_62 = arith.constant 0 : i32
      %dma_start3A_63 = tpu.memref_slice %arg9[%dma_start3A_61, %dma_start3A_62] : memref<158x128xi32, #tpu.memory_space<vmem>> -> memref<1x128xi32, #tpu.memory_space<vmem>>
      %dma_start3A_64 = tpu.memref_squeeze %dma_start3A_63 : memref<1x128xi32, #tpu.memory_space<vmem>> -> memref<128xi32, #tpu.memory_space<vmem>>
      %dma_start3A_65 = arith.constant 0 : i32
      %dma_start3A_66 = arith.constant 0 : i32
      %dma_start3A_67 = tpu.memref_slice %arg12[%dma_start3A_65, %dma_start3A_66] : memref<10240x64xf32, #tpu.memory_space<vmem_shared>> -> memref<10240x64xf32, #tpu.memory_space<vmem_shared>>
      tpu.enqueue_indirect_dma source(%arg11 : memref<128x64xf32, #tpu.memory_space<vmem>>) target(%dma_start3A_67 : memref<10240x64xf32, #tpu.memory_space<vmem_shared>>) offsets(%dma_start3A_64 : memref<128xi32, #tpu.memory_space<vmem>>) semaphore(%arg15 : memref<!tpu.dma_semaphore, #tpu.memory_space<semaphore_mem>>) {add = true}
      %dma_wait3A_68 = arith.constant 157 : i32
      %dma_wait3A_69 = arith.constant 0 : i32
      %dma_wait3A_70 = tpu.memref_slice %arg9[%dma_wait3A_68, %dma_wait3A_69] : memref<158x128xi32, #tpu.memory_space<vmem>> -> memref<1x128xi32, #tpu.memory_space<vmem>>
      %dma_wait3A_71 = tpu.memref_squeeze %dma_wait3A_70 : memref<1x128xi32, #tpu.memory_space<vmem>> -> memref<128xi32, #tpu.memory_space<vmem>>
      %dma_wait3A_72 = arith.constant 0 : i32
      %dma_wait3A_73 = arith.constant 0 : i32
      %dma_wait3A_74 = tpu.memref_slice %arg12[%dma_wait3A_72, %dma_wait3A_73] : memref<10240x64xf32, #tpu.memory_space<vmem_shared>> -> memref<10240x64xf32, #tpu.memory_space<vmem_shared>>
      tpu.wait_indirect_dma semaphore(%arg15 : memref<!tpu.dma_semaphore, #tpu.memory_space<semaphore_mem>>) src(%arg11 : memref<128x64xf32, #tpu.memory_space<vmem>>) dst(%dma_wait3A_74 : memref<10240x64xf32, #tpu.memory_space<vmem_shared>>)
    } else {
    }
    %eq3A_3 = arith.constant 1 : i32
    %eq3A_4 = arith.cmpi eq, %arg0, %eq3A_3 : i32
    %convert_element_type3A_5 = arith.extui %eq3A_4 : i1 to i32
    %cond3A_6 = arith.constant 0 : i32
    %cond3A_7 = arith.cmpi ne, %convert_element_type3A_5, %cond3A_6 : i32
    scf.if %cond3A_7 {
      %dma_start3A = arith.constant 0 : i32
      %dma_start3A_9 = arith.constant 0 : i32
      %dma_start3A_10 = tpu.memref_slice %arg8[%dma_start3A, %dma_start3A_9] : memref<158x128xi32, #tpu.memory_space<vmem>> -> memref<1x128xi32, #tpu.memory_space<vmem>>
      %dma_start3A_11 = tpu.memref_squeeze %dma_start3A_10 : memref<1x128xi32, #tpu.memory_space<vmem>> -> memref<128xi32, #tpu.memory_space<vmem>>
      %dma_start3A_12 = arith.constant 0 : i32
      %dma_start3A_13 = arith.constant 0 : i32
      %dma_start3A_14 = tpu.memref_slice %arg3[%dma_start3A_12, %dma_start3A_13] : memref<10240x64xf32, #tpu.memory_space<hbm>> -> memref<10240x64xf32, #tpu.memory_space<hbm>>
      tpu.enqueue_indirect_dma source(%dma_start3A_14 : memref<10240x64xf32, #tpu.memory_space<hbm>>) target(%arg10 : memref<128x64xf32, #tpu.memory_space<vmem>>) offsets(%dma_start3A_11 : memref<128xi32, #tpu.memory_space<vmem>>) semaphore(%arg13 : memref<!tpu.dma_semaphore, #tpu.memory_space<semaphore_mem>>)
      %dma_start3A_15 = arith.constant 1 : i32
      %dma_start3A_16 = arith.constant 0 : i32
      %dma_start3A_17 = tpu.memref_slice %arg8[%dma_start3A_15, %dma_start3A_16] : memref<158x128xi32, #tpu.memory_space<vmem>> -> memref<1x128xi32, #tpu.memory_space<vmem>>
      %dma_start3A_18 = tpu.memref_squeeze %dma_start3A_17 : memref<1x128xi32, #tpu.memory_space<vmem>> -> memref<128xi32, #tpu.memory_space<vmem>>
      %dma_start3A_19 = arith.constant 0 : i32
      %dma_start3A_20 = arith.constant 0 : i32
      %dma_start3A_21 = tpu.memref_slice %arg3[%dma_start3A_19, %dma_start3A_20] : memref<10240x64xf32, #tpu.memory_space<hbm>> -> memref<10240x64xf32, #tpu.memory_space<hbm>>
      tpu.enqueue_indirect_dma source(%dma_start3A_21 : memref<10240x64xf32, #tpu.memory_space<hbm>>) target(%arg11 : memref<128x64xf32, #tpu.memory_space<vmem>>) offsets(%dma_start3A_18 : memref<128xi32, #tpu.memory_space<vmem>>) semaphore(%arg14 : memref<!tpu.dma_semaphore, #tpu.memory_space<semaphore_mem>>)
      %dma_wait3A = arith.constant 0 : i32
      %dma_wait3A_22 = arith.constant 0 : i32
      %dma_wait3A_23 = tpu.memref_slice %arg8[%dma_wait3A, %dma_wait3A_22] : memref<158x128xi32, #tpu.memory_space<vmem>> -> memref<1x128xi32, #tpu.memory_space<vmem>>
      %dma_wait3A_24 = tpu.memref_squeeze %dma_wait3A_23 : memref<1x128xi32, #tpu.memory_space<vmem>> -> memref<128xi32, #tpu.memory_space<vmem>>
      %dma_wait3A_25 = arith.constant 0 : i32
      %dma_wait3A_26 = arith.constant 0 : i32
      %dma_wait3A_27 = tpu.memref_slice %arg3[%dma_wait3A_25, %dma_wait3A_26] : memref<10240x64xf32, #tpu.memory_space<hbm>> -> memref<10240x64xf32, #tpu.memory_space<hbm>>
      tpu.wait_indirect_dma semaphore(%arg13 : memref<!tpu.dma_semaphore, #tpu.memory_space<semaphore_mem>>) src(%dma_wait3A_27 : memref<10240x64xf32, #tpu.memory_space<hbm>>) dst(%arg10 : memref<128x64xf32, #tpu.memory_space<vmem>>)
      %dma_start3A_28 = arith.constant 0 : i32
      %dma_start3A_29 = arith.constant 0 : i32
      %dma_start3A_30 = tpu.memref_slice %arg9[%dma_start3A_28, %dma_start3A_29] : memref<158x128xi32, #tpu.memory_space<vmem>> -> memref<1x128xi32, #tpu.memory_space<vmem>>
      %dma_start3A_31 = tpu.memref_squeeze %dma_start3A_30 : memref<1x128xi32, #tpu.memory_space<vmem>> -> memref<128xi32, #tpu.memory_space<vmem>>
      %dma_start3A_32 = arith.constant 0 : i32
      %dma_start3A_33 = arith.constant 0 : i32
      %dma_start3A_34 = tpu.memref_slice %arg12[%dma_start3A_32, %dma_start3A_33] : memref<10240x64xf32, #tpu.memory_space<vmem_shared>> -> memref<10240x64xf32, #tpu.memory_space<vmem_shared>>
      tpu.enqueue_indirect_dma source(%arg10 : memref<128x64xf32, #tpu.memory_space<vmem>>) target(%dma_start3A_34 : memref<10240x64xf32, #tpu.memory_space<vmem_shared>>) offsets(%dma_start3A_31 : memref<128xi32, #tpu.memory_space<vmem>>) semaphore(%arg15 : memref<!tpu.dma_semaphore, #tpu.memory_space<semaphore_mem>>) {add = true}
      %dma_start3A_35 = arith.constant 2 : i32
      %dma_start3A_36 = arith.constant 0 : i32
      %dma_start3A_37 = tpu.memref_slice %arg8[%dma_start3A_35, %dma_start3A_36] : memref<158x128xi32, #tpu.memory_space<vmem>> -> memref<1x128xi32, #tpu.memory_space<vmem>>
      %dma_start3A_38 = tpu.memref_squeeze %dma_start3A_37 : memref<1x128xi32, #tpu.memory_space<vmem>> -> memref<128xi32, #tpu.memory_space<vmem>>
      %dma_start3A_39 = arith.constant 0 : i32
      %dma_start3A_40 = arith.constant 0 : i32
      %dma_start3A_41 = tpu.memref_slice %arg3[%dma_start3A_39, %dma_start3A_40] : memref<10240x64xf32, #tpu.memory_space<hbm>> -> memref<10240x64xf32, #tpu.memory_space<hbm>>
      tpu.enqueue_indirect_dma source(%dma_start3A_41 : memref<10240x64xf32, #tpu.memory_space<hbm>>) target(%arg10 : memref<128x64xf32, #tpu.memory_space<vmem>>) offsets(%dma_start3A_38 : memref<128xi32, #tpu.memory_space<vmem>>) semaphore(%arg13 : memref<!tpu.dma_semaphore, #tpu.memory_space<semaphore_mem>>)
      %scan3A = arith.constant 0 : i32
      %scan3A_42 = arith.constant 0 : i32
      %scan3A_43 = arith.constant 78 : i32
      %scan3A_44 = arith.addi %scan3A_42, %scan3A_43 : i32
      %scan3A_45 = arith.constant 1 : i32
      scf.for %scan3A_75 = %scan3A_42 to %scan3A_44 step %scan3A_45  : i32 {
        %mul3A_76 = arith.constant 2 : i32
        %mul3A_77 = arith.muli %mul3A_76, %scan3A_75 : i32
        %add3A = arith.constant 1 : i32
        %add3A_78 = arith.addi %mul3A_77, %add3A : i32
        %add3A_79 = arith.constant 1 : i32
        %add3A_80 = arith.addi %add3A_78, %add3A_79 : i32
        %dma_wait3A_81 = arith.constant 0 : i32
        %dma_wait3A_82 = tpu.memref_slice %arg8[%add3A_78, %dma_wait3A_81] : memref<158x128xi32, #tpu.memory_space<vmem>> -> memref<1x128xi32, #tpu.memory_space<vmem>>
        %dma_wait3A_83 = tpu.memref_squeeze %dma_wait3A_82 : memref<1x128xi32, #tpu.memory_space<vmem>> -> memref<128xi32, #tpu.memory_space<vmem>>
        %dma_wait3A_84 = arith.constant 0 : i32
        %dma_wait3A_85 = arith.constant 0 : i32
        %dma_wait3A_86 = tpu.memref_slice %arg3[%dma_wait3A_84, %dma_wait3A_85] : memref<10240x64xf32, #tpu.memory_space<hbm>> -> memref<10240x64xf32, #tpu.memory_space<hbm>>
        tpu.wait_indirect_dma semaphore(%arg14 : memref<!tpu.dma_semaphore, #tpu.memory_space<semaphore_mem>>) src(%dma_wait3A_86 : memref<10240x64xf32, #tpu.memory_space<hbm>>) dst(%arg11 : memref<128x64xf32, #tpu.memory_space<vmem>>)
        %sub3A = arith.constant 1 : i32
        %sub3A_87 = arith.subi %add3A_78, %sub3A : i32
        %dma_wait3A_88 = arith.constant 0 : i32
        %dma_wait3A_89 = tpu.memref_slice %arg9[%sub3A_87, %dma_wait3A_88] : memref<158x128xi32, #tpu.memory_space<vmem>> -> memref<1x128xi32, #tpu.memory_space<vmem>>
        %dma_wait3A_90 = tpu.memref_squeeze %dma_wait3A_89 : memref<1x128xi32, #tpu.memory_space<vmem>> -> memref<128xi32, #tpu.memory_space<vmem>>
        %dma_wait3A_91 = arith.constant 0 : i32
        %dma_wait3A_92 = arith.constant 0 : i32
        %dma_wait3A_93 = tpu.memref_slice %arg12[%dma_wait3A_91, %dma_wait3A_92] : memref<10240x64xf32, #tpu.memory_space<vmem_shared>> -> memref<10240x64xf32, #tpu.memory_space<vmem_shared>>
        tpu.wait_indirect_dma semaphore(%arg15 : memref<!tpu.dma_semaphore, #tpu.memory_space<semaphore_mem>>) src(%arg10 : memref<128x64xf32, #tpu.memory_space<vmem>>) dst(%dma_wait3A_93 : memref<10240x64xf32, #tpu.memory_space<vmem_shared>>)
        %dma_start3A_94 = arith.constant 0 : i32
        %dma_start3A_95 = tpu.memref_slice %arg9[%add3A_78, %dma_start3A_94] : memref<158x128xi32, #tpu.memory_space<vmem>> -> memref<1x128xi32, #tpu.memory_space<vmem>>
        %dma_start3A_96 = tpu.memref_squeeze %dma_start3A_95 : memref<1x128xi32, #tpu.memory_space<vmem>> -> memref<128xi32, #tpu.memory_space<vmem>>
        %dma_start3A_97 = arith.constant 0 : i32
        %dma_start3A_98 = arith.constant 0 : i32
        %dma_start3A_99 = tpu.memref_slice %arg12[%dma_start3A_97, %dma_start3A_98] : memref<10240x64xf32, #tpu.memory_space<vmem_shared>> -> memref<10240x64xf32, #tpu.memory_space<vmem_shared>>
        tpu.enqueue_indirect_dma source(%arg11 : memref<128x64xf32, #tpu.memory_space<vmem>>) target(%dma_start3A_99 : memref<10240x64xf32, #tpu.memory_space<vmem_shared>>) offsets(%dma_start3A_96 : memref<128xi32, #tpu.memory_space<vmem>>) semaphore(%arg15 : memref<!tpu.dma_semaphore, #tpu.memory_space<semaphore_mem>>) {add = true}
        %add3A_100 = arith.constant 2 : i32
        %add3A_101 = arith.addi %add3A_78, %add3A_100 : i32
        %dma_start3A_102 = arith.constant 0 : i32
        %dma_start3A_103 = tpu.memref_slice %arg8[%add3A_101, %dma_start3A_102] : memref<158x128xi32, #tpu.memory_space<vmem>> -> memref<1x128xi32, #tpu.memory_space<vmem>>
        %dma_start3A_104 = tpu.memref_squeeze %dma_start3A_103 : memref<1x128xi32, #tpu.memory_space<vmem>> -> memref<128xi32, #tpu.memory_space<vmem>>
        %dma_start3A_105 = arith.constant 0 : i32
        %dma_start3A_106 = arith.constant 0 : i32
        %dma_start3A_107 = tpu.memref_slice %arg3[%dma_start3A_105, %dma_start3A_106] : memref<10240x64xf32, #tpu.memory_space<hbm>> -> memref<10240x64xf32, #tpu.memory_space<hbm>>
        tpu.enqueue_indirect_dma source(%dma_start3A_107 : memref<10240x64xf32, #tpu.memory_space<hbm>>) target(%arg11 : memref<128x64xf32, #tpu.memory_space<vmem>>) offsets(%dma_start3A_104 : memref<128xi32, #tpu.memory_space<vmem>>) semaphore(%arg14 : memref<!tpu.dma_semaphore, #tpu.memory_space<semaphore_mem>>)
        %dma_wait3A_108 = arith.constant 0 : i32
        %dma_wait3A_109 = tpu.memref_slice %arg8[%add3A_80, %dma_wait3A_108] : memref<158x128xi32, #tpu.memory_space<vmem>> -> memref<1x128xi32, #tpu.memory_space<vmem>>
        %dma_wait3A_110 = tpu.memref_squeeze %dma_wait3A_109 : memref<1x128xi32, #tpu.memory_space<vmem>> -> memref<128xi32, #tpu.memory_space<vmem>>
        %dma_wait3A_111 = arith.constant 0 : i32
        %dma_wait3A_112 = arith.constant 0 : i32
        %dma_wait3A_113 = tpu.memref_slice %arg3[%dma_wait3A_111, %dma_wait3A_112] : memref<10240x64xf32, #tpu.memory_space<hbm>> -> memref<10240x64xf32, #tpu.memory_space<hbm>>
        tpu.wait_indirect_dma semaphore(%arg13 : memref<!tpu.dma_semaphore, #tpu.memory_space<semaphore_mem>>) src(%dma_wait3A_113 : memref<10240x64xf32, #tpu.memory_space<hbm>>) dst(%arg10 : memref<128x64xf32, #tpu.memory_space<vmem>>)
        %dma_wait3A_114 = arith.constant 0 : i32
        %dma_wait3A_115 = tpu.memref_slice %arg9[%add3A_78, %dma_wait3A_114] : memref<158x128xi32, #tpu.memory_space<vmem>> -> memref<1x128xi32, #tpu.memory_space<vmem>>
        %dma_wait3A_116 = tpu.memref_squeeze %dma_wait3A_115 : memref<1x128xi32, #tpu.memory_space<vmem>> -> memref<128xi32, #tpu.memory_space<vmem>>
        %dma_wait3A_117 = arith.constant 0 : i32
        %dma_wait3A_118 = arith.constant 0 : i32
        %dma_wait3A_119 = tpu.memref_slice %arg12[%dma_wait3A_117, %dma_wait3A_118] : memref<10240x64xf32, #tpu.memory_space<vmem_shared>> -> memref<10240x64xf32, #tpu.memory_space<vmem_shared>>
        tpu.wait_indirect_dma semaphore(%arg15 : memref<!tpu.dma_semaphore, #tpu.memory_space<semaphore_mem>>) src(%arg11 : memref<128x64xf32, #tpu.memory_space<vmem>>) dst(%dma_wait3A_119 : memref<10240x64xf32, #tpu.memory_space<vmem_shared>>)
        %dma_start3A_120 = arith.constant 0 : i32
        %dma_start3A_121 = tpu.memref_slice %arg9[%add3A_80, %dma_start3A_120] : memref<158x128xi32, #tpu.memory_space<vmem>> -> memref<1x128xi32, #tpu.memory_space<vmem>>
        %dma_start3A_122 = tpu.memref_squeeze %dma_start3A_121 : memref<1x128xi32, #tpu.memory_space<vmem>> -> memref<128xi32, #tpu.memory_space<vmem>>
        %dma_start3A_123 = arith.constant 0 : i32
        %dma_start3A_124 = arith.constant 0 : i32
        %dma_start3A_125 = tpu.memref_slice %arg12[%dma_start3A_123, %dma_start3A_124] : memref<10240x64xf32, #tpu.memory_space<vmem_shared>> -> memref<10240x64xf32, #tpu.memory_space<vmem_shared>>
        tpu.enqueue_indirect_dma source(%arg10 : memref<128x64xf32, #tpu.memory_space<vmem>>) target(%dma_start3A_125 : memref<10240x64xf32, #tpu.memory_space<vmem_shared>>) offsets(%dma_start3A_122 : memref<128xi32, #tpu.memory_space<vmem>>) semaphore(%arg15 : memref<!tpu.dma_semaphore, #tpu.memory_space<semaphore_mem>>) {add = true}
        %add3A_126 = arith.constant 2 : i32
        %add3A_127 = arith.addi %add3A_80, %add3A_126 : i32
        %lt3A = arith.constant 158 : i32
        %lt3A_128 = arith.cmpi slt, %add3A_127, %lt3A : i32
        %convert_element_type3A_129 = arith.extui %lt3A_128 : i1 to i32
        %cond3A_130 = arith.constant 0 : i32
        %cond3A_131 = arith.cmpi ne, %convert_element_type3A_129, %cond3A_130 : i32
        scf.if %cond3A_131 {
          %add3A_132 = arith.constant 2 : i32
          %add3A_133 = arith.addi %add3A_80, %add3A_132 : i32
          %dma_start3A_134 = arith.constant 0 : i32
          %dma_start3A_135 = tpu.memref_slice %arg8[%add3A_133, %dma_start3A_134] : memref<158x128xi32, #tpu.memory_space<vmem>> -> memref<1x128xi32, #tpu.memory_space<vmem>>
          %dma_start3A_136 = tpu.memref_squeeze %dma_start3A_135 : memref<1x128xi32, #tpu.memory_space<vmem>> -> memref<128xi32, #tpu.memory_space<vmem>>
          %dma_start3A_137 = arith.constant 0 : i32
          %dma_start3A_138 = arith.constant 0 : i32
          %dma_start3A_139 = tpu.memref_slice %arg3[%dma_start3A_137, %dma_start3A_138] : memref<10240x64xf32, #tpu.memory_space<hbm>> -> memref<10240x64xf32, #tpu.memory_space<hbm>>
          tpu.enqueue_indirect_dma source(%dma_start3A_139 : memref<10240x64xf32, #tpu.memory_space<hbm>>) target(%arg10 : memref<128x64xf32, #tpu.memory_space<vmem>>) offsets(%dma_start3A_136 : memref<128xi32, #tpu.memory_space<vmem>>) semaphore(%arg13 : memref<!tpu.dma_semaphore, #tpu.memory_space<semaphore_mem>>)
        } else {
        }
      }
      %scan3A_46 = arith.constant 78 : i32
      %dma_wait3A_47 = arith.constant 157 : i32
      %dma_wait3A_48 = arith.constant 0 : i32
      %dma_wait3A_49 = tpu.memref_slice %arg8[%dma_wait3A_47, %dma_wait3A_48] : memref<158x128xi32, #tpu.memory_space<vmem>> -> memref<1x128xi32, #tpu.memory_space<vmem>>
      %dma_wait3A_50 = tpu.memref_squeeze %dma_wait3A_49 : memref<1x128xi32, #tpu.memory_space<vmem>> -> memref<128xi32, #tpu.memory_space<vmem>>
      %dma_wait3A_51 = arith.constant 0 : i32
      %dma_wait3A_52 = arith.constant 0 : i32
      %dma_wait3A_53 = tpu.memref_slice %arg3[%dma_wait3A_51, %dma_wait3A_52] : memref<10240x64xf32, #tpu.memory_space<hbm>> -> memref<10240x64xf32, #tpu.memory_space<hbm>>
      tpu.wait_indirect_dma semaphore(%arg14 : memref<!tpu.dma_semaphore, #tpu.memory_space<semaphore_mem>>) src(%dma_wait3A_53 : memref<10240x64xf32, #tpu.memory_space<hbm>>) dst(%arg11 : memref<128x64xf32, #tpu.memory_space<vmem>>)
      %dma_wait3A_54 = arith.constant 156 : i32
      %dma_wait3A_55 = arith.constant 0 : i32
      %dma_wait3A_56 = tpu.memref_slice %arg9[%dma_wait3A_54, %dma_wait3A_55] : memref<158x128xi32, #tpu.memory_space<vmem>> -> memref<1x128xi32, #tpu.memory_space<vmem>>
      %dma_wait3A_57 = tpu.memref_squeeze %dma_wait3A_56 : memref<1x128xi32, #tpu.memory_space<vmem>> -> memref<128xi32, #tpu.memory_space<vmem>>
      %dma_wait3A_58 = arith.constant 0 : i32
      %dma_wait3A_59 = arith.constant 0 : i32
      %dma_wait3A_60 = tpu.memref_slice %arg12[%dma_wait3A_58, %dma_wait3A_59] : memref<10240x64xf32, #tpu.memory_space<vmem_shared>> -> memref<10240x64xf32, #tpu.memory_space<vmem_shared>>
      tpu.wait_indirect_dma semaphore(%arg15 : memref<!tpu.dma_semaphore, #tpu.memory_space<semaphore_mem>>) src(%arg10 : memref<128x64xf32, #tpu.memory_space<vmem>>) dst(%dma_wait3A_60 : memref<10240x64xf32, #tpu.memory_space<vmem_shared>>)
      %dma_start3A_61 = arith.constant 157 : i32
      %dma_start3A_62 = arith.constant 0 : i32
      %dma_start3A_63 = tpu.memref_slice %arg9[%dma_start3A_61, %dma_start3A_62] : memref<158x128xi32, #tpu.memory_space<vmem>> -> memref<1x128xi32, #tpu.memory_space<vmem>>
      %dma_start3A_64 = tpu.memref_squeeze %dma_start3A_63 : memref<1x128xi32, #tpu.memory_space<vmem>> -> memref<128xi32, #tpu.memory_space<vmem>>
      %dma_start3A_65 = arith.constant 0 : i32
      %dma_start3A_66 = arith.constant 0 : i32
      %dma_start3A_67 = tpu.memref_slice %arg12[%dma_start3A_65, %dma_start3A_66] : memref<10240x64xf32, #tpu.memory_space<vmem_shared>> -> memref<10240x64xf32, #tpu.memory_space<vmem_shared>>
      tpu.enqueue_indirect_dma source(%arg11 : memref<128x64xf32, #tpu.memory_space<vmem>>) target(%dma_start3A_67 : memref<10240x64xf32, #tpu.memory_space<vmem_shared>>) offsets(%dma_start3A_64 : memref<128xi32, #tpu.memory_space<vmem>>) semaphore(%arg15 : memref<!tpu.dma_semaphore, #tpu.memory_space<semaphore_mem>>) {add = true}
      %dma_wait3A_68 = arith.constant 157 : i32
      %dma_wait3A_69 = arith.constant 0 : i32
      %dma_wait3A_70 = tpu.memref_slice %arg9[%dma_wait3A_68, %dma_wait3A_69] : memref<158x128xi32, #tpu.memory_space<vmem>> -> memref<1x128xi32, #tpu.memory_space<vmem>>
      %dma_wait3A_71 = tpu.memref_squeeze %dma_wait3A_70 : memref<1x128xi32, #tpu.memory_space<vmem>> -> memref<128xi32, #tpu.memory_space<vmem>>
      %dma_wait3A_72 = arith.constant 0 : i32
      %dma_wait3A_73 = arith.constant 0 : i32
      %dma_wait3A_74 = tpu.memref_slice %arg12[%dma_wait3A_72, %dma_wait3A_73] : memref<10240x64xf32, #tpu.memory_space<vmem_shared>> -> memref<10240x64xf32, #tpu.memory_space<vmem_shared>>
      tpu.wait_indirect_dma semaphore(%arg15 : memref<!tpu.dma_semaphore, #tpu.memory_space<semaphore_mem>>) src(%arg11 : memref<128x64xf32, #tpu.memory_space<vmem>>) dst(%dma_wait3A_74 : memref<10240x64xf32, #tpu.memory_space<vmem_shared>>)
    } else {
    }
    %barrier3A_8 = arith.constant 0 : index
    tpu.barrier barrier_id(%barrier3A_8)
    "tpu.region"() ({
      %run_scoped3A = tpu.sem_alloc : memref<!tpu.dma_semaphore, #tpu.memory_space<semaphore_mem>>
      %dma_start3A = arith.constant 0 : i32
      %dma_start3A_9 = tpu.memref_slice %arg7[%arg0, %mul3A_0, %dma_start3A] : memref<2x10240x64xf32, #tpu.memory_space<hbm>> -> memref<1x640x64xf32, #tpu.memory_space<hbm>>
      %dma_start3A_10 = tpu.memref_squeeze %dma_start3A_9 : memref<1x640x64xf32, #tpu.memory_space<hbm>> -> memref<640x64xf32, #tpu.memory_space<hbm>>
      %dma_start3A_11 = arith.constant 0 : i32
      %dma_start3A_12 = tpu.memref_slice %arg12[%mul3A_0, %dma_start3A_11] : memref<10240x64xf32, #tpu.memory_space<vmem_shared>> -> memref<640x64xf32, #tpu.memory_space<vmem_shared>>
      tpu.enqueue_dma source(%dma_start3A_12 : memref<640x64xf32, #tpu.memory_space<vmem_shared>>) target(%dma_start3A_10 : memref<640x64xf32, #tpu.memory_space<hbm>>) target_semaphore(%run_scoped3A : memref<!tpu.dma_semaphore, #tpu.memory_space<semaphore_mem>>)
      %dma_wait3A = arith.constant 0 : i32
      %dma_wait3A_13 = tpu.memref_slice %arg7[%arg0, %mul3A_0, %dma_wait3A] : memref<2x10240x64xf32, #tpu.memory_space<hbm>> -> memref<1x640x64xf32, #tpu.memory_space<hbm>>
      %dma_wait3A_14 = tpu.memref_squeeze %dma_wait3A_13 : memref<1x640x64xf32, #tpu.memory_space<hbm>> -> memref<640x64xf32, #tpu.memory_space<hbm>>
      %dma_wait3A_15 = arith.constant 0 : i32
      %dma_wait3A_16 = tpu.memref_slice %arg12[%mul3A_0, %dma_wait3A_15] : memref<10240x64xf32, #tpu.memory_space<vmem_shared>> -> memref<640x64xf32, #tpu.memory_space<vmem_shared>>
      tpu.wait_dma2 semaphore(%run_scoped3A : memref<!tpu.dma_semaphore, #tpu.memory_space<semaphore_mem>>) src(%dma_wait3A_16 : memref<640x64xf32, #tpu.memory_space<vmem_shared>>) dst(%dma_wait3A_14 : memref<640x64xf32, #tpu.memory_space<hbm>>)
      tpu.yield
    }) : () -> ()
    return
  }
}

#map = affine_map<(d0, d1) -> (0, 0)>
#map1 = affine_map<(d0, d1) -> (0, 0, 0)>
module attributes {stable_mosaic.version = 14 : i64} {
  func.func @_agg_body(%arg0: i32, %arg1: i32, %arg2: memref<10240x64xf32, #tpu.memory_space<hbm>>, %arg3: memref<10240x64xf32, #tpu.memory_space<hbm>>, %arg4: memref<16x158x128xi32, #tpu.memory_space<hbm>>, %arg5: memref<16x158x128xi32, #tpu.memory_space<hbm>>, %arg6: memref<640x64xf32, #tpu.memory_space<hbm>>, %arg7: memref<2x10240x64xf32, #tpu.memory_space<hbm>>, %arg8: memref<158x128xi32, #tpu.memory_space<vmem>>, %arg9: memref<158x128xi32, #tpu.memory_space<vmem>>, %arg10: memref<128x64xf32, #tpu.memory_space<vmem>>, %arg11: memref<128x64xf32, #tpu.memory_space<vmem>>, %arg12: memref<10240x64xf32, #tpu.memory_space<vmem_shared>>, %arg13: memref<!tpu.dma_semaphore, #tpu.memory_space<semaphore_mem>>, %arg14: memref<!tpu.dma_semaphore, #tpu.memory_space<semaphore_mem>>, %arg15: memref<!tpu.dma_semaphore, #tpu.memory_space<semaphore_mem>>) attributes {dimension_semantics = [#tpu.dimension_semantics<core_parallel>, #tpu.dimension_semantics<subcore_parallel>], iteration_bounds = array<i64: 2, 16>, scalar_prefetch = 0 : i64, scratch_operands = 8 : i64, tpu.core_type = #tpu.core_type<sc_vector_subcore>, window_params = [{transform_indices = #map}, {transform_indices = #map}, {transform_indices = #map1}, {transform_indices = #map1}, {transform_indices = #map}, {transform_indices = #map1}]} {
    %mul3A = arith.constant 640 : i32
    %mul3A_0 = arith.muli %arg1, %mul3A : i32
    "tpu.region"() ({
      %run_scoped3A = tpu.sem_alloc : memref<!tpu.dma_semaphore, #tpu.memory_space<semaphore_mem>>
      %dma_start3A = arith.constant 0 : i32
      %dma_start3A_9 = tpu.memref_slice %arg12[%mul3A_0, %dma_start3A] : memref<10240x64xf32, #tpu.memory_space<vmem_shared>> -> memref<640x64xf32, #tpu.memory_space<vmem_shared>>
      tpu.enqueue_dma source(%arg6 : memref<640x64xf32, #tpu.memory_space<hbm>>) target(%dma_start3A_9 : memref<640x64xf32, #tpu.memory_space<vmem_shared>>) target_semaphore(%run_scoped3A : memref<!tpu.dma_semaphore, #tpu.memory_space<semaphore_mem>>)
      %dma_wait3A = arith.constant 0 : i32
      %dma_wait3A_10 = tpu.memref_slice %arg12[%mul3A_0, %dma_wait3A] : memref<10240x64xf32, #tpu.memory_space<vmem_shared>> -> memref<640x64xf32, #tpu.memory_space<vmem_shared>>
      tpu.wait_dma2 semaphore(%run_scoped3A : memref<!tpu.dma_semaphore, #tpu.memory_space<semaphore_mem>>) src(%arg6 : memref<640x64xf32, #tpu.memory_space<hbm>>) dst(%dma_wait3A_10 : memref<640x64xf32, #tpu.memory_space<vmem_shared>>)
      tpu.yield
    }) : () -> ()
    %barrier3A = arith.constant 0 : index
    tpu.barrier barrier_id(%barrier3A)
    "tpu.region"() ({
      %run_scoped3A = tpu.sem_alloc : memref<!tpu.dma_semaphore, #tpu.memory_space<semaphore_mem>>
      %dma_start3A = arith.constant 0 : i32
      %dma_start3A_9 = arith.constant 0 : i32
      %dma_start3A_10 = tpu.memref_slice %arg4[%arg1, %dma_start3A, %dma_start3A_9] : memref<16x158x128xi32, #tpu.memory_space<hbm>> -> memref<1x158x128xi32, #tpu.memory_space<hbm>>
      %dma_start3A_11 = tpu.memref_squeeze %dma_start3A_10 : memref<1x158x128xi32, #tpu.memory_space<hbm>> -> memref<158x128xi32, #tpu.memory_space<hbm>>
      %dma_start3A_12 = arith.constant 0 : i32
      %dma_start3A_13 = arith.constant 0 : i32
      %dma_start3A_14 = tpu.memref_slice %arg4[%arg1, %dma_start3A_12, %dma_start3A_13] : memref<16x158x128xi32, #tpu.memory_space<hbm>> -> memref<1x158x128xi32, #tpu.memory_space<hbm>>
      %dma_start3A_15 = tpu.memref_squeeze %dma_start3A_14 : memref<1x158x128xi32, #tpu.memory_space<hbm>> -> memref<158x128xi32, #tpu.memory_space<hbm>>
      tpu.enqueue_dma source(%dma_start3A_15 : memref<158x128xi32, #tpu.memory_space<hbm>>) target(%arg8 : memref<158x128xi32, #tpu.memory_space<vmem>>) target_semaphore(%run_scoped3A : memref<!tpu.dma_semaphore, #tpu.memory_space<semaphore_mem>>)
      %dma_wait3A = arith.constant 0 : i32
      %dma_wait3A_16 = arith.constant 0 : i32
      %dma_wait3A_17 = tpu.memref_slice %arg4[%arg1, %dma_wait3A, %dma_wait3A_16] : memref<16x158x128xi32, #tpu.memory_space<hbm>> -> memref<1x158x128xi32, #tpu.memory_space<hbm>>
      %dma_wait3A_18 = tpu.memref_squeeze %dma_wait3A_17 : memref<1x158x128xi32, #tpu.memory_space<hbm>> -> memref<158x128xi32, #tpu.memory_space<hbm>>
      %dma_wait3A_19 = arith.constant 0 : i32
      %dma_wait3A_20 = arith.constant 0 : i32
      %dma_wait3A_21 = tpu.memref_slice %arg4[%arg1, %dma_wait3A_19, %dma_wait3A_20] : memref<16x158x128xi32, #tpu.memory_space<hbm>> -> memref<1x158x128xi32, #tpu.memory_space<hbm>>
      %dma_wait3A_22 = tpu.memref_squeeze %dma_wait3A_21 : memref<1x158x128xi32, #tpu.memory_space<hbm>> -> memref<158x128xi32, #tpu.memory_space<hbm>>
      tpu.wait_dma2 semaphore(%run_scoped3A : memref<!tpu.dma_semaphore, #tpu.memory_space<semaphore_mem>>) src(%dma_wait3A_22 : memref<158x128xi32, #tpu.memory_space<hbm>>) dst(%arg8 : memref<158x128xi32, #tpu.memory_space<vmem>>)
      tpu.yield
    }) : () -> ()
    "tpu.region"() ({
      %run_scoped3A = tpu.sem_alloc : memref<!tpu.dma_semaphore, #tpu.memory_space<semaphore_mem>>
      %dma_start3A = arith.constant 0 : i32
      %dma_start3A_9 = arith.constant 0 : i32
      %dma_start3A_10 = tpu.memref_slice %arg5[%arg1, %dma_start3A, %dma_start3A_9] : memref<16x158x128xi32, #tpu.memory_space<hbm>> -> memref<1x158x128xi32, #tpu.memory_space<hbm>>
      %dma_start3A_11 = tpu.memref_squeeze %dma_start3A_10 : memref<1x158x128xi32, #tpu.memory_space<hbm>> -> memref<158x128xi32, #tpu.memory_space<hbm>>
      %dma_start3A_12 = arith.constant 0 : i32
      %dma_start3A_13 = arith.constant 0 : i32
      %dma_start3A_14 = tpu.memref_slice %arg5[%arg1, %dma_start3A_12, %dma_start3A_13] : memref<16x158x128xi32, #tpu.memory_space<hbm>> -> memref<1x158x128xi32, #tpu.memory_space<hbm>>
      %dma_start3A_15 = tpu.memref_squeeze %dma_start3A_14 : memref<1x158x128xi32, #tpu.memory_space<hbm>> -> memref<158x128xi32, #tpu.memory_space<hbm>>
      tpu.enqueue_dma source(%dma_start3A_15 : memref<158x128xi32, #tpu.memory_space<hbm>>) target(%arg9 : memref<158x128xi32, #tpu.memory_space<vmem>>) target_semaphore(%run_scoped3A : memref<!tpu.dma_semaphore, #tpu.memory_space<semaphore_mem>>)
      %dma_wait3A = arith.constant 0 : i32
      %dma_wait3A_16 = arith.constant 0 : i32
      %dma_wait3A_17 = tpu.memref_slice %arg5[%arg1, %dma_wait3A, %dma_wait3A_16] : memref<16x158x128xi32, #tpu.memory_space<hbm>> -> memref<1x158x128xi32, #tpu.memory_space<hbm>>
      %dma_wait3A_18 = tpu.memref_squeeze %dma_wait3A_17 : memref<1x158x128xi32, #tpu.memory_space<hbm>> -> memref<158x128xi32, #tpu.memory_space<hbm>>
      %dma_wait3A_19 = arith.constant 0 : i32
      %dma_wait3A_20 = arith.constant 0 : i32
      %dma_wait3A_21 = tpu.memref_slice %arg5[%arg1, %dma_wait3A_19, %dma_wait3A_20] : memref<16x158x128xi32, #tpu.memory_space<hbm>> -> memref<1x158x128xi32, #tpu.memory_space<hbm>>
      %dma_wait3A_22 = tpu.memref_squeeze %dma_wait3A_21 : memref<1x158x128xi32, #tpu.memory_space<hbm>> -> memref<158x128xi32, #tpu.memory_space<hbm>>
      tpu.wait_dma2 semaphore(%run_scoped3A : memref<!tpu.dma_semaphore, #tpu.memory_space<semaphore_mem>>) src(%dma_wait3A_22 : memref<158x128xi32, #tpu.memory_space<hbm>>) dst(%arg9 : memref<158x128xi32, #tpu.memory_space<vmem>>)
      tpu.yield
    }) : () -> ()
    %eq3A = arith.constant 0 : i32
    %eq3A_1 = arith.cmpi eq, %arg0, %eq3A : i32
    %convert_element_type3A = arith.extui %eq3A_1 : i1 to i32
    %cond3A = arith.constant 0 : i32
    %cond3A_2 = arith.cmpi ne, %convert_element_type3A, %cond3A : i32
    scf.if %cond3A_2 {
      %dma_start3A = arith.constant 0 : i32
      %dma_start3A_9 = arith.constant 0 : i32
      %dma_start3A_10 = tpu.memref_slice %arg8[%dma_start3A, %dma_start3A_9] : memref<158x128xi32, #tpu.memory_space<vmem>> -> memref<1x128xi32, #tpu.memory_space<vmem>>
      %dma_start3A_11 = tpu.memref_squeeze %dma_start3A_10 : memref<1x128xi32, #tpu.memory_space<vmem>> -> memref<128xi32, #tpu.memory_space<vmem>>
      %dma_start3A_12 = arith.constant 0 : i32
      %dma_start3A_13 = arith.constant 0 : i32
      %dma_start3A_14 = tpu.memref_slice %arg2[%dma_start3A_12, %dma_start3A_13] : memref<10240x64xf32, #tpu.memory_space<hbm>> -> memref<10240x64xf32, #tpu.memory_space<hbm>>
      tpu.enqueue_indirect_dma source(%dma_start3A_14 : memref<10240x64xf32, #tpu.memory_space<hbm>>) target(%arg10 : memref<128x64xf32, #tpu.memory_space<vmem>>) offsets(%dma_start3A_11 : memref<128xi32, #tpu.memory_space<vmem>>) semaphore(%arg13 : memref<!tpu.dma_semaphore, #tpu.memory_space<semaphore_mem>>)
      %dma_start3A_15 = arith.constant 1 : i32
      %dma_start3A_16 = arith.constant 0 : i32
      %dma_start3A_17 = tpu.memref_slice %arg8[%dma_start3A_15, %dma_start3A_16] : memref<158x128xi32, #tpu.memory_space<vmem>> -> memref<1x128xi32, #tpu.memory_space<vmem>>
      %dma_start3A_18 = tpu.memref_squeeze %dma_start3A_17 : memref<1x128xi32, #tpu.memory_space<vmem>> -> memref<128xi32, #tpu.memory_space<vmem>>
      %dma_start3A_19 = arith.constant 0 : i32
      %dma_start3A_20 = arith.constant 0 : i32
      %dma_start3A_21 = tpu.memref_slice %arg2[%dma_start3A_19, %dma_start3A_20] : memref<10240x64xf32, #tpu.memory_space<hbm>> -> memref<10240x64xf32, #tpu.memory_space<hbm>>
      tpu.enqueue_indirect_dma source(%dma_start3A_21 : memref<10240x64xf32, #tpu.memory_space<hbm>>) target(%arg11 : memref<128x64xf32, #tpu.memory_space<vmem>>) offsets(%dma_start3A_18 : memref<128xi32, #tpu.memory_space<vmem>>) semaphore(%arg14 : memref<!tpu.dma_semaphore, #tpu.memory_space<semaphore_mem>>)
      %dma_wait3A = arith.constant 0 : i32
      %dma_wait3A_22 = arith.constant 0 : i32
      %dma_wait3A_23 = tpu.memref_slice %arg8[%dma_wait3A, %dma_wait3A_22] : memref<158x128xi32, #tpu.memory_space<vmem>> -> memref<1x128xi32, #tpu.memory_space<vmem>>
      %dma_wait3A_24 = tpu.memref_squeeze %dma_wait3A_23 : memref<1x128xi32, #tpu.memory_space<vmem>> -> memref<128xi32, #tpu.memory_space<vmem>>
      %dma_wait3A_25 = arith.constant 0 : i32
      %dma_wait3A_26 = arith.constant 0 : i32
      %dma_wait3A_27 = tpu.memref_slice %arg2[%dma_wait3A_25, %dma_wait3A_26] : memref<10240x64xf32, #tpu.memory_space<hbm>> -> memref<10240x64xf32, #tpu.memory_space<hbm>>
      tpu.wait_indirect_dma semaphore(%arg13 : memref<!tpu.dma_semaphore, #tpu.memory_space<semaphore_mem>>) src(%dma_wait3A_27 : memref<10240x64xf32, #tpu.memory_space<hbm>>) dst(%arg10 : memref<128x64xf32, #tpu.memory_space<vmem>>)
      %dma_start3A_28 = arith.constant 0 : i32
      %dma_start3A_29 = arith.constant 0 : i32
      %dma_start3A_30 = tpu.memref_slice %arg9[%dma_start3A_28, %dma_start3A_29] : memref<158x128xi32, #tpu.memory_space<vmem>> -> memref<1x128xi32, #tpu.memory_space<vmem>>
      %dma_start3A_31 = tpu.memref_squeeze %dma_start3A_30 : memref<1x128xi32, #tpu.memory_space<vmem>> -> memref<128xi32, #tpu.memory_space<vmem>>
      %dma_start3A_32 = arith.constant 0 : i32
      %dma_start3A_33 = arith.constant 0 : i32
      %dma_start3A_34 = tpu.memref_slice %arg12[%dma_start3A_32, %dma_start3A_33] : memref<10240x64xf32, #tpu.memory_space<vmem_shared>> -> memref<10240x64xf32, #tpu.memory_space<vmem_shared>>
      tpu.enqueue_indirect_dma source(%arg10 : memref<128x64xf32, #tpu.memory_space<vmem>>) target(%dma_start3A_34 : memref<10240x64xf32, #tpu.memory_space<vmem_shared>>) offsets(%dma_start3A_31 : memref<128xi32, #tpu.memory_space<vmem>>) semaphore(%arg15 : memref<!tpu.dma_semaphore, #tpu.memory_space<semaphore_mem>>) {add = true}
      %dma_start3A_35 = arith.constant 2 : i32
      %dma_start3A_36 = arith.constant 0 : i32
      %dma_start3A_37 = tpu.memref_slice %arg8[%dma_start3A_35, %dma_start3A_36] : memref<158x128xi32, #tpu.memory_space<vmem>> -> memref<1x128xi32, #tpu.memory_space<vmem>>
      %dma_start3A_38 = tpu.memref_squeeze %dma_start3A_37 : memref<1x128xi32, #tpu.memory_space<vmem>> -> memref<128xi32, #tpu.memory_space<vmem>>
      %dma_start3A_39 = arith.constant 0 : i32
      %dma_start3A_40 = arith.constant 0 : i32
      %dma_start3A_41 = tpu.memref_slice %arg2[%dma_start3A_39, %dma_start3A_40] : memref<10240x64xf32, #tpu.memory_space<hbm>> -> memref<10240x64xf32, #tpu.memory_space<hbm>>
      tpu.enqueue_indirect_dma source(%dma_start3A_41 : memref<10240x64xf32, #tpu.memory_space<hbm>>) target(%arg10 : memref<128x64xf32, #tpu.memory_space<vmem>>) offsets(%dma_start3A_38 : memref<128xi32, #tpu.memory_space<vmem>>) semaphore(%arg13 : memref<!tpu.dma_semaphore, #tpu.memory_space<semaphore_mem>>)
      %scan3A = arith.constant 0 : i32
      %scan3A_42 = arith.constant 0 : i32
      %scan3A_43 = arith.constant 78 : i32
      %scan3A_44 = arith.addi %scan3A_42, %scan3A_43 : i32
      %scan3A_45 = arith.constant 1 : i32
      scf.for %scan3A_75 = %scan3A_42 to %scan3A_44 step %scan3A_45  : i32 {
        %mul3A_76 = arith.constant 2 : i32
        %mul3A_77 = arith.muli %mul3A_76, %scan3A_75 : i32
        %add3A = arith.constant 1 : i32
        %add3A_78 = arith.addi %mul3A_77, %add3A : i32
        %add3A_79 = arith.constant 1 : i32
        %add3A_80 = arith.addi %add3A_78, %add3A_79 : i32
        %dma_wait3A_81 = arith.constant 0 : i32
        %dma_wait3A_82 = tpu.memref_slice %arg8[%add3A_78, %dma_wait3A_81] : memref<158x128xi32, #tpu.memory_space<vmem>> -> memref<1x128xi32, #tpu.memory_space<vmem>>
        %dma_wait3A_83 = tpu.memref_squeeze %dma_wait3A_82 : memref<1x128xi32, #tpu.memory_space<vmem>> -> memref<128xi32, #tpu.memory_space<vmem>>
        %dma_wait3A_84 = arith.constant 0 : i32
        %dma_wait3A_85 = arith.constant 0 : i32
        %dma_wait3A_86 = tpu.memref_slice %arg2[%dma_wait3A_84, %dma_wait3A_85] : memref<10240x64xf32, #tpu.memory_space<hbm>> -> memref<10240x64xf32, #tpu.memory_space<hbm>>
        tpu.wait_indirect_dma semaphore(%arg14 : memref<!tpu.dma_semaphore, #tpu.memory_space<semaphore_mem>>) src(%dma_wait3A_86 : memref<10240x64xf32, #tpu.memory_space<hbm>>) dst(%arg11 : memref<128x64xf32, #tpu.memory_space<vmem>>)
        %sub3A = arith.constant 1 : i32
        %sub3A_87 = arith.subi %add3A_78, %sub3A : i32
        %dma_wait3A_88 = arith.constant 0 : i32
        %dma_wait3A_89 = tpu.memref_slice %arg9[%sub3A_87, %dma_wait3A_88] : memref<158x128xi32, #tpu.memory_space<vmem>> -> memref<1x128xi32, #tpu.memory_space<vmem>>
        %dma_wait3A_90 = tpu.memref_squeeze %dma_wait3A_89 : memref<1x128xi32, #tpu.memory_space<vmem>> -> memref<128xi32, #tpu.memory_space<vmem>>
        %dma_wait3A_91 = arith.constant 0 : i32
        %dma_wait3A_92 = arith.constant 0 : i32
        %dma_wait3A_93 = tpu.memref_slice %arg12[%dma_wait3A_91, %dma_wait3A_92] : memref<10240x64xf32, #tpu.memory_space<vmem_shared>> -> memref<10240x64xf32, #tpu.memory_space<vmem_shared>>
        tpu.wait_indirect_dma semaphore(%arg15 : memref<!tpu.dma_semaphore, #tpu.memory_space<semaphore_mem>>) src(%arg10 : memref<128x64xf32, #tpu.memory_space<vmem>>) dst(%dma_wait3A_93 : memref<10240x64xf32, #tpu.memory_space<vmem_shared>>)
        %dma_start3A_94 = arith.constant 0 : i32
        %dma_start3A_95 = tpu.memref_slice %arg9[%add3A_78, %dma_start3A_94] : memref<158x128xi32, #tpu.memory_space<vmem>> -> memref<1x128xi32, #tpu.memory_space<vmem>>
        %dma_start3A_96 = tpu.memref_squeeze %dma_start3A_95 : memref<1x128xi32, #tpu.memory_space<vmem>> -> memref<128xi32, #tpu.memory_space<vmem>>
        %dma_start3A_97 = arith.constant 0 : i32
        %dma_start3A_98 = arith.constant 0 : i32
        %dma_start3A_99 = tpu.memref_slice %arg12[%dma_start3A_97, %dma_start3A_98] : memref<10240x64xf32, #tpu.memory_space<vmem_shared>> -> memref<10240x64xf32, #tpu.memory_space<vmem_shared>>
        tpu.enqueue_indirect_dma source(%arg11 : memref<128x64xf32, #tpu.memory_space<vmem>>) target(%dma_start3A_99 : memref<10240x64xf32, #tpu.memory_space<vmem_shared>>) offsets(%dma_start3A_96 : memref<128xi32, #tpu.memory_space<vmem>>) semaphore(%arg15 : memref<!tpu.dma_semaphore, #tpu.memory_space<semaphore_mem>>) {add = true}
        %add3A_100 = arith.constant 2 : i32
        %add3A_101 = arith.addi %add3A_78, %add3A_100 : i32
        %dma_start3A_102 = arith.constant 0 : i32
        %dma_start3A_103 = tpu.memref_slice %arg8[%add3A_101, %dma_start3A_102] : memref<158x128xi32, #tpu.memory_space<vmem>> -> memref<1x128xi32, #tpu.memory_space<vmem>>
        %dma_start3A_104 = tpu.memref_squeeze %dma_start3A_103 : memref<1x128xi32, #tpu.memory_space<vmem>> -> memref<128xi32, #tpu.memory_space<vmem>>
        %dma_start3A_105 = arith.constant 0 : i32
        %dma_start3A_106 = arith.constant 0 : i32
        %dma_start3A_107 = tpu.memref_slice %arg2[%dma_start3A_105, %dma_start3A_106] : memref<10240x64xf32, #tpu.memory_space<hbm>> -> memref<10240x64xf32, #tpu.memory_space<hbm>>
        tpu.enqueue_indirect_dma source(%dma_start3A_107 : memref<10240x64xf32, #tpu.memory_space<hbm>>) target(%arg11 : memref<128x64xf32, #tpu.memory_space<vmem>>) offsets(%dma_start3A_104 : memref<128xi32, #tpu.memory_space<vmem>>) semaphore(%arg14 : memref<!tpu.dma_semaphore, #tpu.memory_space<semaphore_mem>>)
        %dma_wait3A_108 = arith.constant 0 : i32
        %dma_wait3A_109 = tpu.memref_slice %arg8[%add3A_80, %dma_wait3A_108] : memref<158x128xi32, #tpu.memory_space<vmem>> -> memref<1x128xi32, #tpu.memory_space<vmem>>
        %dma_wait3A_110 = tpu.memref_squeeze %dma_wait3A_109 : memref<1x128xi32, #tpu.memory_space<vmem>> -> memref<128xi32, #tpu.memory_space<vmem>>
        %dma_wait3A_111 = arith.constant 0 : i32
        %dma_wait3A_112 = arith.constant 0 : i32
        %dma_wait3A_113 = tpu.memref_slice %arg2[%dma_wait3A_111, %dma_wait3A_112] : memref<10240x64xf32, #tpu.memory_space<hbm>> -> memref<10240x64xf32, #tpu.memory_space<hbm>>
        tpu.wait_indirect_dma semaphore(%arg13 : memref<!tpu.dma_semaphore, #tpu.memory_space<semaphore_mem>>) src(%dma_wait3A_113 : memref<10240x64xf32, #tpu.memory_space<hbm>>) dst(%arg10 : memref<128x64xf32, #tpu.memory_space<vmem>>)
        %dma_wait3A_114 = arith.constant 0 : i32
        %dma_wait3A_115 = tpu.memref_slice %arg9[%add3A_78, %dma_wait3A_114] : memref<158x128xi32, #tpu.memory_space<vmem>> -> memref<1x128xi32, #tpu.memory_space<vmem>>
        %dma_wait3A_116 = tpu.memref_squeeze %dma_wait3A_115 : memref<1x128xi32, #tpu.memory_space<vmem>> -> memref<128xi32, #tpu.memory_space<vmem>>
        %dma_wait3A_117 = arith.constant 0 : i32
        %dma_wait3A_118 = arith.constant 0 : i32
        %dma_wait3A_119 = tpu.memref_slice %arg12[%dma_wait3A_117, %dma_wait3A_118] : memref<10240x64xf32, #tpu.memory_space<vmem_shared>> -> memref<10240x64xf32, #tpu.memory_space<vmem_shared>>
        tpu.wait_indirect_dma semaphore(%arg15 : memref<!tpu.dma_semaphore, #tpu.memory_space<semaphore_mem>>) src(%arg11 : memref<128x64xf32, #tpu.memory_space<vmem>>) dst(%dma_wait3A_119 : memref<10240x64xf32, #tpu.memory_space<vmem_shared>>)
        %dma_start3A_120 = arith.constant 0 : i32
        %dma_start3A_121 = tpu.memref_slice %arg9[%add3A_80, %dma_start3A_120] : memref<158x128xi32, #tpu.memory_space<vmem>> -> memref<1x128xi32, #tpu.memory_space<vmem>>
        %dma_start3A_122 = tpu.memref_squeeze %dma_start3A_121 : memref<1x128xi32, #tpu.memory_space<vmem>> -> memref<128xi32, #tpu.memory_space<vmem>>
        %dma_start3A_123 = arith.constant 0 : i32
        %dma_start3A_124 = arith.constant 0 : i32
        %dma_start3A_125 = tpu.memref_slice %arg12[%dma_start3A_123, %dma_start3A_124] : memref<10240x64xf32, #tpu.memory_space<vmem_shared>> -> memref<10240x64xf32, #tpu.memory_space<vmem_shared>>
        tpu.enqueue_indirect_dma source(%arg10 : memref<128x64xf32, #tpu.memory_space<vmem>>) target(%dma_start3A_125 : memref<10240x64xf32, #tpu.memory_space<vmem_shared>>) offsets(%dma_start3A_122 : memref<128xi32, #tpu.memory_space<vmem>>) semaphore(%arg15 : memref<!tpu.dma_semaphore, #tpu.memory_space<semaphore_mem>>) {add = true}
        %add3A_126 = arith.constant 2 : i32
        %add3A_127 = arith.addi %add3A_80, %add3A_126 : i32
        %lt3A = arith.constant 158 : i32
        %lt3A_128 = arith.cmpi slt, %add3A_127, %lt3A : i32
        %convert_element_type3A_129 = arith.extui %lt3A_128 : i1 to i32
        %cond3A_130 = arith.constant 0 : i32
        %cond3A_131 = arith.cmpi ne, %convert_element_type3A_129, %cond3A_130 : i32
        scf.if %cond3A_131 {
          %add3A_132 = arith.constant 2 : i32
          %add3A_133 = arith.addi %add3A_80, %add3A_132 : i32
          %dma_start3A_134 = arith.constant 0 : i32
          %dma_start3A_135 = tpu.memref_slice %arg8[%add3A_133, %dma_start3A_134] : memref<158x128xi32, #tpu.memory_space<vmem>> -> memref<1x128xi32, #tpu.memory_space<vmem>>
          %dma_start3A_136 = tpu.memref_squeeze %dma_start3A_135 : memref<1x128xi32, #tpu.memory_space<vmem>> -> memref<128xi32, #tpu.memory_space<vmem>>
          %dma_start3A_137 = arith.constant 0 : i32
          %dma_start3A_138 = arith.constant 0 : i32
          %dma_start3A_139 = tpu.memref_slice %arg2[%dma_start3A_137, %dma_start3A_138] : memref<10240x64xf32, #tpu.memory_space<hbm>> -> memref<10240x64xf32, #tpu.memory_space<hbm>>
          tpu.enqueue_indirect_dma source(%dma_start3A_139 : memref<10240x64xf32, #tpu.memory_space<hbm>>) target(%arg10 : memref<128x64xf32, #tpu.memory_space<vmem>>) offsets(%dma_start3A_136 : memref<128xi32, #tpu.memory_space<vmem>>) semaphore(%arg13 : memref<!tpu.dma_semaphore, #tpu.memory_space<semaphore_mem>>)
        } else {
        }
      }
      %scan3A_46 = arith.constant 78 : i32
      %dma_wait3A_47 = arith.constant 157 : i32
      %dma_wait3A_48 = arith.constant 0 : i32
      %dma_wait3A_49 = tpu.memref_slice %arg8[%dma_wait3A_47, %dma_wait3A_48] : memref<158x128xi32, #tpu.memory_space<vmem>> -> memref<1x128xi32, #tpu.memory_space<vmem>>
      %dma_wait3A_50 = tpu.memref_squeeze %dma_wait3A_49 : memref<1x128xi32, #tpu.memory_space<vmem>> -> memref<128xi32, #tpu.memory_space<vmem>>
      %dma_wait3A_51 = arith.constant 0 : i32
      %dma_wait3A_52 = arith.constant 0 : i32
      %dma_wait3A_53 = tpu.memref_slice %arg2[%dma_wait3A_51, %dma_wait3A_52] : memref<10240x64xf32, #tpu.memory_space<hbm>> -> memref<10240x64xf32, #tpu.memory_space<hbm>>
      tpu.wait_indirect_dma semaphore(%arg14 : memref<!tpu.dma_semaphore, #tpu.memory_space<semaphore_mem>>) src(%dma_wait3A_53 : memref<10240x64xf32, #tpu.memory_space<hbm>>) dst(%arg11 : memref<128x64xf32, #tpu.memory_space<vmem>>)
      %dma_wait3A_54 = arith.constant 156 : i32
      %dma_wait3A_55 = arith.constant 0 : i32
      %dma_wait3A_56 = tpu.memref_slice %arg9[%dma_wait3A_54, %dma_wait3A_55] : memref<158x128xi32, #tpu.memory_space<vmem>> -> memref<1x128xi32, #tpu.memory_space<vmem>>
      %dma_wait3A_57 = tpu.memref_squeeze %dma_wait3A_56 : memref<1x128xi32, #tpu.memory_space<vmem>> -> memref<128xi32, #tpu.memory_space<vmem>>
      %dma_wait3A_58 = arith.constant 0 : i32
      %dma_wait3A_59 = arith.constant 0 : i32
      %dma_wait3A_60 = tpu.memref_slice %arg12[%dma_wait3A_58, %dma_wait3A_59] : memref<10240x64xf32, #tpu.memory_space<vmem_shared>> -> memref<10240x64xf32, #tpu.memory_space<vmem_shared>>
      tpu.wait_indirect_dma semaphore(%arg15 : memref<!tpu.dma_semaphore, #tpu.memory_space<semaphore_mem>>) src(%arg10 : memref<128x64xf32, #tpu.memory_space<vmem>>) dst(%dma_wait3A_60 : memref<10240x64xf32, #tpu.memory_space<vmem_shared>>)
      %dma_start3A_61 = arith.constant 157 : i32
      %dma_start3A_62 = arith.constant 0 : i32
      %dma_start3A_63 = tpu.memref_slice %arg9[%dma_start3A_61, %dma_start3A_62] : memref<158x128xi32, #tpu.memory_space<vmem>> -> memref<1x128xi32, #tpu.memory_space<vmem>>
      %dma_start3A_64 = tpu.memref_squeeze %dma_start3A_63 : memref<1x128xi32, #tpu.memory_space<vmem>> -> memref<128xi32, #tpu.memory_space<vmem>>
      %dma_start3A_65 = arith.constant 0 : i32
      %dma_start3A_66 = arith.constant 0 : i32
      %dma_start3A_67 = tpu.memref_slice %arg12[%dma_start3A_65, %dma_start3A_66] : memref<10240x64xf32, #tpu.memory_space<vmem_shared>> -> memref<10240x64xf32, #tpu.memory_space<vmem_shared>>
      tpu.enqueue_indirect_dma source(%arg11 : memref<128x64xf32, #tpu.memory_space<vmem>>) target(%dma_start3A_67 : memref<10240x64xf32, #tpu.memory_space<vmem_shared>>) offsets(%dma_start3A_64 : memref<128xi32, #tpu.memory_space<vmem>>) semaphore(%arg15 : memref<!tpu.dma_semaphore, #tpu.memory_space<semaphore_mem>>) {add = true}
      %dma_wait3A_68 = arith.constant 157 : i32
      %dma_wait3A_69 = arith.constant 0 : i32
      %dma_wait3A_70 = tpu.memref_slice %arg9[%dma_wait3A_68, %dma_wait3A_69] : memref<158x128xi32, #tpu.memory_space<vmem>> -> memref<1x128xi32, #tpu.memory_space<vmem>>
      %dma_wait3A_71 = tpu.memref_squeeze %dma_wait3A_70 : memref<1x128xi32, #tpu.memory_space<vmem>> -> memref<128xi32, #tpu.memory_space<vmem>>
      %dma_wait3A_72 = arith.constant 0 : i32
      %dma_wait3A_73 = arith.constant 0 : i32
      %dma_wait3A_74 = tpu.memref_slice %arg12[%dma_wait3A_72, %dma_wait3A_73] : memref<10240x64xf32, #tpu.memory_space<vmem_shared>> -> memref<10240x64xf32, #tpu.memory_space<vmem_shared>>
      tpu.wait_indirect_dma semaphore(%arg15 : memref<!tpu.dma_semaphore, #tpu.memory_space<semaphore_mem>>) src(%arg11 : memref<128x64xf32, #tpu.memory_space<vmem>>) dst(%dma_wait3A_74 : memref<10240x64xf32, #tpu.memory_space<vmem_shared>>)
    } else {
    }
    %eq3A_3 = arith.constant 1 : i32
    %eq3A_4 = arith.cmpi eq, %arg0, %eq3A_3 : i32
    %convert_element_type3A_5 = arith.extui %eq3A_4 : i1 to i32
    %cond3A_6 = arith.constant 0 : i32
    %cond3A_7 = arith.cmpi ne, %convert_element_type3A_5, %cond3A_6 : i32
    scf.if %cond3A_7 {
      %dma_start3A = arith.constant 0 : i32
      %dma_start3A_9 = arith.constant 0 : i32
      %dma_start3A_10 = tpu.memref_slice %arg8[%dma_start3A, %dma_start3A_9] : memref<158x128xi32, #tpu.memory_space<vmem>> -> memref<1x128xi32, #tpu.memory_space<vmem>>
      %dma_start3A_11 = tpu.memref_squeeze %dma_start3A_10 : memref<1x128xi32, #tpu.memory_space<vmem>> -> memref<128xi32, #tpu.memory_space<vmem>>
      %dma_start3A_12 = arith.constant 0 : i32
      %dma_start3A_13 = arith.constant 0 : i32
      %dma_start3A_14 = tpu.memref_slice %arg3[%dma_start3A_12, %dma_start3A_13] : memref<10240x64xf32, #tpu.memory_space<hbm>> -> memref<10240x64xf32, #tpu.memory_space<hbm>>
      tpu.enqueue_indirect_dma source(%dma_start3A_14 : memref<10240x64xf32, #tpu.memory_space<hbm>>) target(%arg10 : memref<128x64xf32, #tpu.memory_space<vmem>>) offsets(%dma_start3A_11 : memref<128xi32, #tpu.memory_space<vmem>>) semaphore(%arg13 : memref<!tpu.dma_semaphore, #tpu.memory_space<semaphore_mem>>)
      %dma_start3A_15 = arith.constant 1 : i32
      %dma_start3A_16 = arith.constant 0 : i32
      %dma_start3A_17 = tpu.memref_slice %arg8[%dma_start3A_15, %dma_start3A_16] : memref<158x128xi32, #tpu.memory_space<vmem>> -> memref<1x128xi32, #tpu.memory_space<vmem>>
      %dma_start3A_18 = tpu.memref_squeeze %dma_start3A_17 : memref<1x128xi32, #tpu.memory_space<vmem>> -> memref<128xi32, #tpu.memory_space<vmem>>
      %dma_start3A_19 = arith.constant 0 : i32
      %dma_start3A_20 = arith.constant 0 : i32
      %dma_start3A_21 = tpu.memref_slice %arg3[%dma_start3A_19, %dma_start3A_20] : memref<10240x64xf32, #tpu.memory_space<hbm>> -> memref<10240x64xf32, #tpu.memory_space<hbm>>
      tpu.enqueue_indirect_dma source(%dma_start3A_21 : memref<10240x64xf32, #tpu.memory_space<hbm>>) target(%arg11 : memref<128x64xf32, #tpu.memory_space<vmem>>) offsets(%dma_start3A_18 : memref<128xi32, #tpu.memory_space<vmem>>) semaphore(%arg14 : memref<!tpu.dma_semaphore, #tpu.memory_space<semaphore_mem>>)
      %dma_wait3A = arith.constant 0 : i32
      %dma_wait3A_22 = arith.constant 0 : i32
      %dma_wait3A_23 = tpu.memref_slice %arg8[%dma_wait3A, %dma_wait3A_22] : memref<158x128xi32, #tpu.memory_space<vmem>> -> memref<1x128xi32, #tpu.memory_space<vmem>>
      %dma_wait3A_24 = tpu.memref_squeeze %dma_wait3A_23 : memref<1x128xi32, #tpu.memory_space<vmem>> -> memref<128xi32, #tpu.memory_space<vmem>>
      %dma_wait3A_25 = arith.constant 0 : i32
      %dma_wait3A_26 = arith.constant 0 : i32
      %dma_wait3A_27 = tpu.memref_slice %arg3[%dma_wait3A_25, %dma_wait3A_26] : memref<10240x64xf32, #tpu.memory_space<hbm>> -> memref<10240x64xf32, #tpu.memory_space<hbm>>
      tpu.wait_indirect_dma semaphore(%arg13 : memref<!tpu.dma_semaphore, #tpu.memory_space<semaphore_mem>>) src(%dma_wait3A_27 : memref<10240x64xf32, #tpu.memory_space<hbm>>) dst(%arg10 : memref<128x64xf32, #tpu.memory_space<vmem>>)
      %dma_start3A_28 = arith.constant 0 : i32
      %dma_start3A_29 = arith.constant 0 : i32
      %dma_start3A_30 = tpu.memref_slice %arg9[%dma_start3A_28, %dma_start3A_29] : memref<158x128xi32, #tpu.memory_space<vmem>> -> memref<1x128xi32, #tpu.memory_space<vmem>>
      %dma_start3A_31 = tpu.memref_squeeze %dma_start3A_30 : memref<1x128xi32, #tpu.memory_space<vmem>> -> memref<128xi32, #tpu.memory_space<vmem>>
      %dma_start3A_32 = arith.constant 0 : i32
      %dma_start3A_33 = arith.constant 0 : i32
      %dma_start3A_34 = tpu.memref_slice %arg12[%dma_start3A_32, %dma_start3A_33] : memref<10240x64xf32, #tpu.memory_space<vmem_shared>> -> memref<10240x64xf32, #tpu.memory_space<vmem_shared>>
      tpu.enqueue_indirect_dma source(%arg10 : memref<128x64xf32, #tpu.memory_space<vmem>>) target(%dma_start3A_34 : memref<10240x64xf32, #tpu.memory_space<vmem_shared>>) offsets(%dma_start3A_31 : memref<128xi32, #tpu.memory_space<vmem>>) semaphore(%arg15 : memref<!tpu.dma_semaphore, #tpu.memory_space<semaphore_mem>>) {add = true}
      %dma_start3A_35 = arith.constant 2 : i32
      %dma_start3A_36 = arith.constant 0 : i32
      %dma_start3A_37 = tpu.memref_slice %arg8[%dma_start3A_35, %dma_start3A_36] : memref<158x128xi32, #tpu.memory_space<vmem>> -> memref<1x128xi32, #tpu.memory_space<vmem>>
      %dma_start3A_38 = tpu.memref_squeeze %dma_start3A_37 : memref<1x128xi32, #tpu.memory_space<vmem>> -> memref<128xi32, #tpu.memory_space<vmem>>
      %dma_start3A_39 = arith.constant 0 : i32
      %dma_start3A_40 = arith.constant 0 : i32
      %dma_start3A_41 = tpu.memref_slice %arg3[%dma_start3A_39, %dma_start3A_40] : memref<10240x64xf32, #tpu.memory_space<hbm>> -> memref<10240x64xf32, #tpu.memory_space<hbm>>
      tpu.enqueue_indirect_dma source(%dma_start3A_41 : memref<10240x64xf32, #tpu.memory_space<hbm>>) target(%arg10 : memref<128x64xf32, #tpu.memory_space<vmem>>) offsets(%dma_start3A_38 : memref<128xi32, #tpu.memory_space<vmem>>) semaphore(%arg13 : memref<!tpu.dma_semaphore, #tpu.memory_space<semaphore_mem>>)
      %scan3A = arith.constant 0 : i32
      %scan3A_42 = arith.constant 0 : i32
      %scan3A_43 = arith.constant 78 : i32
      %scan3A_44 = arith.addi %scan3A_42, %scan3A_43 : i32
      %scan3A_45 = arith.constant 1 : i32
      scf.for %scan3A_75 = %scan3A_42 to %scan3A_44 step %scan3A_45  : i32 {
        %mul3A_76 = arith.constant 2 : i32
        %mul3A_77 = arith.muli %mul3A_76, %scan3A_75 : i32
        %add3A = arith.constant 1 : i32
        %add3A_78 = arith.addi %mul3A_77, %add3A : i32
        %add3A_79 = arith.constant 1 : i32
        %add3A_80 = arith.addi %add3A_78, %add3A_79 : i32
        %dma_wait3A_81 = arith.constant 0 : i32
        %dma_wait3A_82 = tpu.memref_slice %arg8[%add3A_78, %dma_wait3A_81] : memref<158x128xi32, #tpu.memory_space<vmem>> -> memref<1x128xi32, #tpu.memory_space<vmem>>
        %dma_wait3A_83 = tpu.memref_squeeze %dma_wait3A_82 : memref<1x128xi32, #tpu.memory_space<vmem>> -> memref<128xi32, #tpu.memory_space<vmem>>
        %dma_wait3A_84 = arith.constant 0 : i32
        %dma_wait3A_85 = arith.constant 0 : i32
        %dma_wait3A_86 = tpu.memref_slice %arg3[%dma_wait3A_84, %dma_wait3A_85] : memref<10240x64xf32, #tpu.memory_space<hbm>> -> memref<10240x64xf32, #tpu.memory_space<hbm>>
        tpu.wait_indirect_dma semaphore(%arg14 : memref<!tpu.dma_semaphore, #tpu.memory_space<semaphore_mem>>) src(%dma_wait3A_86 : memref<10240x64xf32, #tpu.memory_space<hbm>>) dst(%arg11 : memref<128x64xf32, #tpu.memory_space<vmem>>)
        %sub3A = arith.constant 1 : i32
        %sub3A_87 = arith.subi %add3A_78, %sub3A : i32
        %dma_wait3A_88 = arith.constant 0 : i32
        %dma_wait3A_89 = tpu.memref_slice %arg9[%sub3A_87, %dma_wait3A_88] : memref<158x128xi32, #tpu.memory_space<vmem>> -> memref<1x128xi32, #tpu.memory_space<vmem>>
        %dma_wait3A_90 = tpu.memref_squeeze %dma_wait3A_89 : memref<1x128xi32, #tpu.memory_space<vmem>> -> memref<128xi32, #tpu.memory_space<vmem>>
        %dma_wait3A_91 = arith.constant 0 : i32
        %dma_wait3A_92 = arith.constant 0 : i32
        %dma_wait3A_93 = tpu.memref_slice %arg12[%dma_wait3A_91, %dma_wait3A_92] : memref<10240x64xf32, #tpu.memory_space<vmem_shared>> -> memref<10240x64xf32, #tpu.memory_space<vmem_shared>>
        tpu.wait_indirect_dma semaphore(%arg15 : memref<!tpu.dma_semaphore, #tpu.memory_space<semaphore_mem>>) src(%arg10 : memref<128x64xf32, #tpu.memory_space<vmem>>) dst(%dma_wait3A_93 : memref<10240x64xf32, #tpu.memory_space<vmem_shared>>)
        %dma_start3A_94 = arith.constant 0 : i32
        %dma_start3A_95 = tpu.memref_slice %arg9[%add3A_78, %dma_start3A_94] : memref<158x128xi32, #tpu.memory_space<vmem>> -> memref<1x128xi32, #tpu.memory_space<vmem>>
        %dma_start3A_96 = tpu.memref_squeeze %dma_start3A_95 : memref<1x128xi32, #tpu.memory_space<vmem>> -> memref<128xi32, #tpu.memory_space<vmem>>
        %dma_start3A_97 = arith.constant 0 : i32
        %dma_start3A_98 = arith.constant 0 : i32
        %dma_start3A_99 = tpu.memref_slice %arg12[%dma_start3A_97, %dma_start3A_98] : memref<10240x64xf32, #tpu.memory_space<vmem_shared>> -> memref<10240x64xf32, #tpu.memory_space<vmem_shared>>
        tpu.enqueue_indirect_dma source(%arg11 : memref<128x64xf32, #tpu.memory_space<vmem>>) target(%dma_start3A_99 : memref<10240x64xf32, #tpu.memory_space<vmem_shared>>) offsets(%dma_start3A_96 : memref<128xi32, #tpu.memory_space<vmem>>) semaphore(%arg15 : memref<!tpu.dma_semaphore, #tpu.memory_space<semaphore_mem>>) {add = true}
        %add3A_100 = arith.constant 2 : i32
        %add3A_101 = arith.addi %add3A_78, %add3A_100 : i32
        %dma_start3A_102 = arith.constant 0 : i32
        %dma_start3A_103 = tpu.memref_slice %arg8[%add3A_101, %dma_start3A_102] : memref<158x128xi32, #tpu.memory_space<vmem>> -> memref<1x128xi32, #tpu.memory_space<vmem>>
        %dma_start3A_104 = tpu.memref_squeeze %dma_start3A_103 : memref<1x128xi32, #tpu.memory_space<vmem>> -> memref<128xi32, #tpu.memory_space<vmem>>
        %dma_start3A_105 = arith.constant 0 : i32
        %dma_start3A_106 = arith.constant 0 : i32
        %dma_start3A_107 = tpu.memref_slice %arg3[%dma_start3A_105, %dma_start3A_106] : memref<10240x64xf32, #tpu.memory_space<hbm>> -> memref<10240x64xf32, #tpu.memory_space<hbm>>
        tpu.enqueue_indirect_dma source(%dma_start3A_107 : memref<10240x64xf32, #tpu.memory_space<hbm>>) target(%arg11 : memref<128x64xf32, #tpu.memory_space<vmem>>) offsets(%dma_start3A_104 : memref<128xi32, #tpu.memory_space<vmem>>) semaphore(%arg14 : memref<!tpu.dma_semaphore, #tpu.memory_space<semaphore_mem>>)
        %dma_wait3A_108 = arith.constant 0 : i32
        %dma_wait3A_109 = tpu.memref_slice %arg8[%add3A_80, %dma_wait3A_108] : memref<158x128xi32, #tpu.memory_space<vmem>> -> memref<1x128xi32, #tpu.memory_space<vmem>>
        %dma_wait3A_110 = tpu.memref_squeeze %dma_wait3A_109 : memref<1x128xi32, #tpu.memory_space<vmem>> -> memref<128xi32, #tpu.memory_space<vmem>>
        %dma_wait3A_111 = arith.constant 0 : i32
        %dma_wait3A_112 = arith.constant 0 : i32
        %dma_wait3A_113 = tpu.memref_slice %arg3[%dma_wait3A_111, %dma_wait3A_112] : memref<10240x64xf32, #tpu.memory_space<hbm>> -> memref<10240x64xf32, #tpu.memory_space<hbm>>
        tpu.wait_indirect_dma semaphore(%arg13 : memref<!tpu.dma_semaphore, #tpu.memory_space<semaphore_mem>>) src(%dma_wait3A_113 : memref<10240x64xf32, #tpu.memory_space<hbm>>) dst(%arg10 : memref<128x64xf32, #tpu.memory_space<vmem>>)
        %dma_wait3A_114 = arith.constant 0 : i32
        %dma_wait3A_115 = tpu.memref_slice %arg9[%add3A_78, %dma_wait3A_114] : memref<158x128xi32, #tpu.memory_space<vmem>> -> memref<1x128xi32, #tpu.memory_space<vmem>>
        %dma_wait3A_116 = tpu.memref_squeeze %dma_wait3A_115 : memref<1x128xi32, #tpu.memory_space<vmem>> -> memref<128xi32, #tpu.memory_space<vmem>>
        %dma_wait3A_117 = arith.constant 0 : i32
        %dma_wait3A_118 = arith.constant 0 : i32
        %dma_wait3A_119 = tpu.memref_slice %arg12[%dma_wait3A_117, %dma_wait3A_118] : memref<10240x64xf32, #tpu.memory_space<vmem_shared>> -> memref<10240x64xf32, #tpu.memory_space<vmem_shared>>
        tpu.wait_indirect_dma semaphore(%arg15 : memref<!tpu.dma_semaphore, #tpu.memory_space<semaphore_mem>>) src(%arg11 : memref<128x64xf32, #tpu.memory_space<vmem>>) dst(%dma_wait3A_119 : memref<10240x64xf32, #tpu.memory_space<vmem_shared>>)
        %dma_start3A_120 = arith.constant 0 : i32
        %dma_start3A_121 = tpu.memref_slice %arg9[%add3A_80, %dma_start3A_120] : memref<158x128xi32, #tpu.memory_space<vmem>> -> memref<1x128xi32, #tpu.memory_space<vmem>>
        %dma_start3A_122 = tpu.memref_squeeze %dma_start3A_121 : memref<1x128xi32, #tpu.memory_space<vmem>> -> memref<128xi32, #tpu.memory_space<vmem>>
        %dma_start3A_123 = arith.constant 0 : i32
        %dma_start3A_124 = arith.constant 0 : i32
        %dma_start3A_125 = tpu.memref_slice %arg12[%dma_start3A_123, %dma_start3A_124] : memref<10240x64xf32, #tpu.memory_space<vmem_shared>> -> memref<10240x64xf32, #tpu.memory_space<vmem_shared>>
        tpu.enqueue_indirect_dma source(%arg10 : memref<128x64xf32, #tpu.memory_space<vmem>>) target(%dma_start3A_125 : memref<10240x64xf32, #tpu.memory_space<vmem_shared>>) offsets(%dma_start3A_122 : memref<128xi32, #tpu.memory_space<vmem>>) semaphore(%arg15 : memref<!tpu.dma_semaphore, #tpu.memory_space<semaphore_mem>>) {add = true}
        %add3A_126 = arith.constant 2 : i32
        %add3A_127 = arith.addi %add3A_80, %add3A_126 : i32
        %lt3A = arith.constant 158 : i32
        %lt3A_128 = arith.cmpi slt, %add3A_127, %lt3A : i32
        %convert_element_type3A_129 = arith.extui %lt3A_128 : i1 to i32
        %cond3A_130 = arith.constant 0 : i32
        %cond3A_131 = arith.cmpi ne, %convert_element_type3A_129, %cond3A_130 : i32
        scf.if %cond3A_131 {
          %add3A_132 = arith.constant 2 : i32
          %add3A_133 = arith.addi %add3A_80, %add3A_132 : i32
          %dma_start3A_134 = arith.constant 0 : i32
          %dma_start3A_135 = tpu.memref_slice %arg8[%add3A_133, %dma_start3A_134] : memref<158x128xi32, #tpu.memory_space<vmem>> -> memref<1x128xi32, #tpu.memory_space<vmem>>
          %dma_start3A_136 = tpu.memref_squeeze %dma_start3A_135 : memref<1x128xi32, #tpu.memory_space<vmem>> -> memref<128xi32, #tpu.memory_space<vmem>>
          %dma_start3A_137 = arith.constant 0 : i32
          %dma_start3A_138 = arith.constant 0 : i32
          %dma_start3A_139 = tpu.memref_slice %arg3[%dma_start3A_137, %dma_start3A_138] : memref<10240x64xf32, #tpu.memory_space<hbm>> -> memref<10240x64xf32, #tpu.memory_space<hbm>>
          tpu.enqueue_indirect_dma source(%dma_start3A_139 : memref<10240x64xf32, #tpu.memory_space<hbm>>) target(%arg10 : memref<128x64xf32, #tpu.memory_space<vmem>>) offsets(%dma_start3A_136 : memref<128xi32, #tpu.memory_space<vmem>>) semaphore(%arg13 : memref<!tpu.dma_semaphore, #tpu.memory_space<semaphore_mem>>)
        } else {
        }
      }
      %scan3A_46 = arith.constant 78 : i32
      %dma_wait3A_47 = arith.constant 157 : i32
      %dma_wait3A_48 = arith.constant 0 : i32
      %dma_wait3A_49 = tpu.memref_slice %arg8[%dma_wait3A_47, %dma_wait3A_48] : memref<158x128xi32, #tpu.memory_space<vmem>> -> memref<1x128xi32, #tpu.memory_space<vmem>>
      %dma_wait3A_50 = tpu.memref_squeeze %dma_wait3A_49 : memref<1x128xi32, #tpu.memory_space<vmem>> -> memref<128xi32, #tpu.memory_space<vmem>>
      %dma_wait3A_51 = arith.constant 0 : i32
      %dma_wait3A_52 = arith.constant 0 : i32
      %dma_wait3A_53 = tpu.memref_slice %arg3[%dma_wait3A_51, %dma_wait3A_52] : memref<10240x64xf32, #tpu.memory_space<hbm>> -> memref<10240x64xf32, #tpu.memory_space<hbm>>
      tpu.wait_indirect_dma semaphore(%arg14 : memref<!tpu.dma_semaphore, #tpu.memory_space<semaphore_mem>>) src(%dma_wait3A_53 : memref<10240x64xf32, #tpu.memory_space<hbm>>) dst(%arg11 : memref<128x64xf32, #tpu.memory_space<vmem>>)
      %dma_wait3A_54 = arith.constant 156 : i32
      %dma_wait3A_55 = arith.constant 0 : i32
      %dma_wait3A_56 = tpu.memref_slice %arg9[%dma_wait3A_54, %dma_wait3A_55] : memref<158x128xi32, #tpu.memory_space<vmem>> -> memref<1x128xi32, #tpu.memory_space<vmem>>
      %dma_wait3A_57 = tpu.memref_squeeze %dma_wait3A_56 : memref<1x128xi32, #tpu.memory_space<vmem>> -> memref<128xi32, #tpu.memory_space<vmem>>
      %dma_wait3A_58 = arith.constant 0 : i32
      %dma_wait3A_59 = arith.constant 0 : i32
      %dma_wait3A_60 = tpu.memref_slice %arg12[%dma_wait3A_58, %dma_wait3A_59] : memref<10240x64xf32, #tpu.memory_space<vmem_shared>> -> memref<10240x64xf32, #tpu.memory_space<vmem_shared>>
      tpu.wait_indirect_dma semaphore(%arg15 : memref<!tpu.dma_semaphore, #tpu.memory_space<semaphore_mem>>) src(%arg10 : memref<128x64xf32, #tpu.memory_space<vmem>>) dst(%dma_wait3A_60 : memref<10240x64xf32, #tpu.memory_space<vmem_shared>>)
      %dma_start3A_61 = arith.constant 157 : i32
      %dma_start3A_62 = arith.constant 0 : i32
      %dma_start3A_63 = tpu.memref_slice %arg9[%dma_start3A_61, %dma_start3A_62] : memref<158x128xi32, #tpu.memory_space<vmem>> -> memref<1x128xi32, #tpu.memory_space<vmem>>
      %dma_start3A_64 = tpu.memref_squeeze %dma_start3A_63 : memref<1x128xi32, #tpu.memory_space<vmem>> -> memref<128xi32, #tpu.memory_space<vmem>>
      %dma_start3A_65 = arith.constant 0 : i32
      %dma_start3A_66 = arith.constant 0 : i32
      %dma_start3A_67 = tpu.memref_slice %arg12[%dma_start3A_65, %dma_start3A_66] : memref<10240x64xf32, #tpu.memory_space<vmem_shared>> -> memref<10240x64xf32, #tpu.memory_space<vmem_shared>>
      tpu.enqueue_indirect_dma source(%arg11 : memref<128x64xf32, #tpu.memory_space<vmem>>) target(%dma_start3A_67 : memref<10240x64xf32, #tpu.memory_space<vmem_shared>>) offsets(%dma_start3A_64 : memref<128xi32, #tpu.memory_space<vmem>>) semaphore(%arg15 : memref<!tpu.dma_semaphore, #tpu.memory_space<semaphore_mem>>) {add = true}
      %dma_wait3A_68 = arith.constant 157 : i32
      %dma_wait3A_69 = arith.constant 0 : i32
      %dma_wait3A_70 = tpu.memref_slice %arg9[%dma_wait3A_68, %dma_wait3A_69] : memref<158x128xi32, #tpu.memory_space<vmem>> -> memref<1x128xi32, #tpu.memory_space<vmem>>
      %dma_wait3A_71 = tpu.memref_squeeze %dma_wait3A_70 : memref<1x128xi32, #tpu.memory_space<vmem>> -> memref<128xi32, #tpu.memory_space<vmem>>
      %dma_wait3A_72 = arith.constant 0 : i32
      %dma_wait3A_73 = arith.constant 0 : i32
      %dma_wait3A_74 = tpu.memref_slice %arg12[%dma_wait3A_72, %dma_wait3A_73] : memref<10240x64xf32, #tpu.memory_space<vmem_shared>> -> memref<10240x64xf32, #tpu.memory_space<vmem_shared>>
      tpu.wait_indirect_dma semaphore(%arg15 : memref<!tpu.dma_semaphore, #tpu.memory_space<semaphore_mem>>) src(%arg11 : memref<128x64xf32, #tpu.memory_space<vmem>>) dst(%dma_wait3A_74 : memref<10240x64xf32, #tpu.memory_space<vmem_shared>>)
    } else {
    }
    %barrier3A_8 = arith.constant 0 : index
    tpu.barrier barrier_id(%barrier3A_8)
    "tpu.region"() ({
      %run_scoped3A = tpu.sem_alloc : memref<!tpu.dma_semaphore, #tpu.memory_space<semaphore_mem>>
      %dma_start3A = arith.constant 0 : i32
      %dma_start3A_9 = tpu.memref_slice %arg7[%arg0, %mul3A_0, %dma_start3A] : memref<2x10240x64xf32, #tpu.memory_space<hbm>> -> memref<1x640x64xf32, #tpu.memory_space<hbm>>
      %dma_start3A_10 = tpu.memref_squeeze %dma_start3A_9 : memref<1x640x64xf32, #tpu.memory_space<hbm>> -> memref<640x64xf32, #tpu.memory_space<hbm>>
      %dma_start3A_11 = arith.constant 0 : i32
      %dma_start3A_12 = tpu.memref_slice %arg12[%mul3A_0, %dma_start3A_11] : memref<10240x64xf32, #tpu.memory_space<vmem_shared>> -> memref<640x64xf32, #tpu.memory_space<vmem_shared>>
      tpu.enqueue_dma source(%dma_start3A_12 : memref<640x64xf32, #tpu.memory_space<vmem_shared>>) target(%dma_start3A_10 : memref<640x64xf32, #tpu.memory_space<hbm>>) target_semaphore(%run_scoped3A : memref<!tpu.dma_semaphore, #tpu.memory_space<semaphore_mem>>)
      %dma_wait3A = arith.constant 0 : i32
      %dma_wait3A_13 = tpu.memref_slice %arg7[%arg0, %mul3A_0, %dma_wait3A] : memref<2x10240x64xf32, #tpu.memory_space<hbm>> -> memref<1x640x64xf32, #tpu.memory_space<hbm>>
      %dma_wait3A_14 = tpu.memref_squeeze %dma_wait3A_13 : memref<1x640x64xf32, #tpu.memory_space<hbm>> -> memref<640x64xf32, #tpu.memory_space<hbm>>
      %dma_wait3A_15 = arith.constant 0 : i32
      %dma_wait3A_16 = tpu.memref_slice %arg12[%mul3A_0, %dma_wait3A_15] : memref<10240x64xf32, #tpu.memory_space<vmem_shared>> -> memref<640x64xf32, #tpu.memory_space<vmem_shared>>
      tpu.wait_dma2 semaphore(%run_scoped3A : memref<!tpu.dma_semaphore, #tpu.memory_space<semaphore_mem>>) src(%dma_wait3A_16 : memref<640x64xf32, #tpu.memory_space<vmem_shared>>) dst(%dma_wait3A_14 : memref<640x64xf32, #tpu.memory_space<hbm>>)
      tpu.yield
    }) : () -> ()
    return
  }
}

#map = affine_map<(d0, d1) -> (0, 0)>
module attributes {stable_mosaic.version = 14 : i64} {
  func.func @_lookup_body(%arg0: i32, %arg1: i32, %arg2: memref<10240x128xf32, #tpu.memory_space<hbm>>, %arg3: memref<10240x128xf32, #tpu.memory_space<hbm>>, %arg4: memref<1000x128xf32, #tpu.memory_space<hbm>>, %arg5: memref<1000x128xf32, #tpu.memory_space<hbm>>, %arg6: memref<32x128xi32, #tpu.memory_space<hbm>>, %arg7: memref<32x128xi32, #tpu.memory_space<hbm>>, %arg8: memref<32x128xi32, #tpu.memory_space<hbm>>, %arg9: memref<32x128xi32, #tpu.memory_space<hbm>>, %arg10: memref<4096x128xf32, #tpu.memory_space<hbm>>, %arg11: memref<4096x128xf32, #tpu.memory_space<hbm>>, %arg12: memref<4096x128xf32, #tpu.memory_space<hbm>>, %arg13: memref<4096x128xf32, #tpu.memory_space<hbm>>, %arg14: memref<128xi32, #tpu.memory_space<vmem>>, %arg15: memref<128x128xf32, #tpu.memory_space<vmem>>, %arg16: memref<!tpu.dma_semaphore, #tpu.memory_space<semaphore_mem>>) attributes {dimension_semantics = [#tpu.dimension_semantics<core_parallel>, #tpu.dimension_semantics<subcore_parallel>], iteration_bounds = array<i64: 2, 16>, scalar_prefetch = 0 : i64, scratch_operands = 3 : i64, tpu.core_type = #tpu.core_type<sc_vector_subcore>, window_params = [{transform_indices = #map}, {transform_indices = #map}, {transform_indices = #map}, {transform_indices = #map}, {transform_indices = #map}, {transform_indices = #map}, {transform_indices = #map}, {transform_indices = #map}, {transform_indices = #map}, {transform_indices = #map}, {transform_indices = #map}, {transform_indices = #map}]} {
    %mul3A = arith.constant 2 : i32
    %mul3A_0 = arith.muli %arg1, %mul3A : i32
    %add3A = arith.addi %mul3A_0, %arg0 : i32
    "tpu.region"() ({
      %run_scoped3A = tpu.sem_alloc : memref<!tpu.dma_semaphore, #tpu.memory_space<semaphore_mem>>
      %dma_start3A_31 = arith.constant 0 : i32
      %dma_start3A_32 = tpu.memref_slice %arg6[%add3A, %dma_start3A_31] : memref<32x128xi32, #tpu.memory_space<hbm>> -> memref<1x128xi32, #tpu.memory_space<hbm>>
      %dma_start3A_33 = tpu.memref_squeeze %dma_start3A_32 : memref<1x128xi32, #tpu.memory_space<hbm>> -> memref<128xi32, #tpu.memory_space<hbm>>
      %dma_start3A_34 = arith.constant 0 : i32
      %dma_start3A_35 = tpu.memref_slice %arg6[%add3A, %dma_start3A_34] : memref<32x128xi32, #tpu.memory_space<hbm>> -> memref<1x128xi32, #tpu.memory_space<hbm>>
      %dma_start3A_36 = tpu.memref_squeeze %dma_start3A_35 : memref<1x128xi32, #tpu.memory_space<hbm>> -> memref<128xi32, #tpu.memory_space<hbm>>
      tpu.enqueue_dma source(%dma_start3A_36 : memref<128xi32, #tpu.memory_space<hbm>>) target(%arg14 : memref<128xi32, #tpu.memory_space<vmem>>) target_semaphore(%run_scoped3A : memref<!tpu.dma_semaphore, #tpu.memory_space<semaphore_mem>>)
      %dma_wait3A_37 = arith.constant 0 : i32
      %dma_wait3A_38 = tpu.memref_slice %arg6[%add3A, %dma_wait3A_37] : memref<32x128xi32, #tpu.memory_space<hbm>> -> memref<1x128xi32, #tpu.memory_space<hbm>>
      %dma_wait3A_39 = tpu.memref_squeeze %dma_wait3A_38 : memref<1x128xi32, #tpu.memory_space<hbm>> -> memref<128xi32, #tpu.memory_space<hbm>>
      %dma_wait3A_40 = arith.constant 0 : i32
      %dma_wait3A_41 = tpu.memref_slice %arg6[%add3A, %dma_wait3A_40] : memref<32x128xi32, #tpu.memory_space<hbm>> -> memref<1x128xi32, #tpu.memory_space<hbm>>
      %dma_wait3A_42 = tpu.memref_squeeze %dma_wait3A_41 : memref<1x128xi32, #tpu.memory_space<hbm>> -> memref<128xi32, #tpu.memory_space<hbm>>
      tpu.wait_dma2 semaphore(%run_scoped3A : memref<!tpu.dma_semaphore, #tpu.memory_space<semaphore_mem>>) src(%dma_wait3A_42 : memref<128xi32, #tpu.memory_space<hbm>>) dst(%arg14 : memref<128xi32, #tpu.memory_space<vmem>>)
      tpu.yield
    }) : () -> ()
    %dma_start3A = arith.constant 0 : i32
    %dma_start3A_1 = arith.constant 0 : i32
    %dma_start3A_2 = tpu.memref_slice %arg2[%dma_start3A, %dma_start3A_1] : memref<10240x128xf32, #tpu.memory_space<hbm>> -> memref<10240x128xf32, #tpu.memory_space<hbm>>
    tpu.enqueue_indirect_dma source(%dma_start3A_2 : memref<10240x128xf32, #tpu.memory_space<hbm>>) target(%arg15 : memref<128x128xf32, #tpu.memory_space<vmem>>) offsets(%arg14 : memref<128xi32, #tpu.memory_space<vmem>>) semaphore(%arg16 : memref<!tpu.dma_semaphore, #tpu.memory_space<semaphore_mem>>)
    %dma_wait3A = arith.constant 0 : i32
    %dma_wait3A_3 = arith.constant 0 : i32
    %dma_wait3A_4 = tpu.memref_slice %arg2[%dma_wait3A, %dma_wait3A_3] : memref<10240x128xf32, #tpu.memory_space<hbm>> -> memref<10240x128xf32, #tpu.memory_space<hbm>>
    tpu.wait_indirect_dma semaphore(%arg16 : memref<!tpu.dma_semaphore, #tpu.memory_space<semaphore_mem>>) src(%dma_wait3A_4 : memref<10240x128xf32, #tpu.memory_space<hbm>>) dst(%arg15 : memref<128x128xf32, #tpu.memory_space<vmem>>)
    %mul3A_5 = arith.constant 128 : i32
    %mul3A_6 = arith.muli %add3A, %mul3A_5 : i32
    "tpu.region"() ({
      %run_scoped3A = tpu.sem_alloc : memref<!tpu.dma_semaphore, #tpu.memory_space<semaphore_mem>>
      %dma_start3A_31 = arith.constant 0 : i32
      %dma_start3A_32 = tpu.memref_slice %arg10[%mul3A_6, %dma_start3A_31] : memref<4096x128xf32, #tpu.memory_space<hbm>> -> memref<128x128xf32, #tpu.memory_space<hbm>>
      %dma_start3A_33 = arith.constant 0 : i32
      %dma_start3A_34 = tpu.memref_slice %arg10[%mul3A_6, %dma_start3A_33] : memref<4096x128xf32, #tpu.memory_space<hbm>> -> memref<128x128xf32, #tpu.memory_space<hbm>>
      tpu.enqueue_dma source(%arg15 : memref<128x128xf32, #tpu.memory_space<vmem>>) target(%dma_start3A_34 : memref<128x128xf32, #tpu.memory_space<hbm>>) target_semaphore(%run_scoped3A : memref<!tpu.dma_semaphore, #tpu.memory_space<semaphore_mem>>)
      %dma_wait3A_35 = arith.constant 0 : i32
      %dma_wait3A_36 = tpu.memref_slice %arg10[%mul3A_6, %dma_wait3A_35] : memref<4096x128xf32, #tpu.memory_space<hbm>> -> memref<128x128xf32, #tpu.memory_space<hbm>>
      %dma_wait3A_37 = arith.constant 0 : i32
      %dma_wait3A_38 = tpu.memref_slice %arg10[%mul3A_6, %dma_wait3A_37] : memref<4096x128xf32, #tpu.memory_space<hbm>> -> memref<128x128xf32, #tpu.memory_space<hbm>>
      tpu.wait_dma2 semaphore(%run_scoped3A : memref<!tpu.dma_semaphore, #tpu.memory_space<semaphore_mem>>) src(%arg15 : memref<128x128xf32, #tpu.memory_space<vmem>>) dst(%dma_wait3A_38 : memref<128x128xf32, #tpu.memory_space<hbm>>)
      tpu.yield
    }) : () -> ()
    "tpu.region"() ({
      %run_scoped3A = tpu.sem_alloc : memref<!tpu.dma_semaphore, #tpu.memory_space<semaphore_mem>>
      %dma_start3A_31 = arith.constant 0 : i32
      %dma_start3A_32 = tpu.memref_slice %arg7[%add3A, %dma_start3A_31] : memref<32x128xi32, #tpu.memory_space<hbm>> -> memref<1x128xi32, #tpu.memory_space<hbm>>
      %dma_start3A_33 = tpu.memref_squeeze %dma_start3A_32 : memref<1x128xi32, #tpu.memory_space<hbm>> -> memref<128xi32, #tpu.memory_space<hbm>>
      %dma_start3A_34 = arith.constant 0 : i32
      %dma_start3A_35 = tpu.memref_slice %arg7[%add3A, %dma_start3A_34] : memref<32x128xi32, #tpu.memory_space<hbm>> -> memref<1x128xi32, #tpu.memory_space<hbm>>
      %dma_start3A_36 = tpu.memref_squeeze %dma_start3A_35 : memref<1x128xi32, #tpu.memory_space<hbm>> -> memref<128xi32, #tpu.memory_space<hbm>>
      tpu.enqueue_dma source(%dma_start3A_36 : memref<128xi32, #tpu.memory_space<hbm>>) target(%arg14 : memref<128xi32, #tpu.memory_space<vmem>>) target_semaphore(%run_scoped3A : memref<!tpu.dma_semaphore, #tpu.memory_space<semaphore_mem>>)
      %dma_wait3A_37 = arith.constant 0 : i32
      %dma_wait3A_38 = tpu.memref_slice %arg7[%add3A, %dma_wait3A_37] : memref<32x128xi32, #tpu.memory_space<hbm>> -> memref<1x128xi32, #tpu.memory_space<hbm>>
      %dma_wait3A_39 = tpu.memref_squeeze %dma_wait3A_38 : memref<1x128xi32, #tpu.memory_space<hbm>> -> memref<128xi32, #tpu.memory_space<hbm>>
      %dma_wait3A_40 = arith.constant 0 : i32
      %dma_wait3A_41 = tpu.memref_slice %arg7[%add3A, %dma_wait3A_40] : memref<32x128xi32, #tpu.memory_space<hbm>> -> memref<1x128xi32, #tpu.memory_space<hbm>>
      %dma_wait3A_42 = tpu.memref_squeeze %dma_wait3A_41 : memref<1x128xi32, #tpu.memory_space<hbm>> -> memref<128xi32, #tpu.memory_space<hbm>>
      tpu.wait_dma2 semaphore(%run_scoped3A : memref<!tpu.dma_semaphore, #tpu.memory_space<semaphore_mem>>) src(%dma_wait3A_42 : memref<128xi32, #tpu.memory_space<hbm>>) dst(%arg14 : memref<128xi32, #tpu.memory_space<vmem>>)
      tpu.yield
    }) : () -> ()
    %dma_start3A_7 = arith.constant 0 : i32
    %dma_start3A_8 = arith.constant 0 : i32
    %dma_start3A_9 = tpu.memref_slice %arg3[%dma_start3A_7, %dma_start3A_8] : memref<10240x128xf32, #tpu.memory_space<hbm>> -> memref<10240x128xf32, #tpu.memory_space<hbm>>
    tpu.enqueue_indirect_dma source(%dma_start3A_9 : memref<10240x128xf32, #tpu.memory_space<hbm>>) target(%arg15 : memref<128x128xf32, #tpu.memory_space<vmem>>) offsets(%arg14 : memref<128xi32, #tpu.memory_space<vmem>>) semaphore(%arg16 : memref<!tpu.dma_semaphore, #tpu.memory_space<semaphore_mem>>)
    %dma_wait3A_10 = arith.constant 0 : i32
    %dma_wait3A_11 = arith.constant 0 : i32
    %dma_wait3A_12 = tpu.memref_slice %arg3[%dma_wait3A_10, %dma_wait3A_11] : memref<10240x128xf32, #tpu.memory_space<hbm>> -> memref<10240x128xf32, #tpu.memory_space<hbm>>
    tpu.wait_indirect_dma semaphore(%arg16 : memref<!tpu.dma_semaphore, #tpu.memory_space<semaphore_mem>>) src(%dma_wait3A_12 : memref<10240x128xf32, #tpu.memory_space<hbm>>) dst(%arg15 : memref<128x128xf32, #tpu.memory_space<vmem>>)
    %mul3A_13 = arith.constant 128 : i32
    %mul3A_14 = arith.muli %add3A, %mul3A_13 : i32
    "tpu.region"() ({
      %run_scoped3A = tpu.sem_alloc : memref<!tpu.dma_semaphore, #tpu.memory_space<semaphore_mem>>
      %dma_start3A_31 = arith.constant 0 : i32
      %dma_start3A_32 = tpu.memref_slice %arg11[%mul3A_14, %dma_start3A_31] : memref<4096x128xf32, #tpu.memory_space<hbm>> -> memref<128x128xf32, #tpu.memory_space<hbm>>
      %dma_start3A_33 = arith.constant 0 : i32
      %dma_start3A_34 = tpu.memref_slice %arg11[%mul3A_14, %dma_start3A_33] : memref<4096x128xf32, #tpu.memory_space<hbm>> -> memref<128x128xf32, #tpu.memory_space<hbm>>
      tpu.enqueue_dma source(%arg15 : memref<128x128xf32, #tpu.memory_space<vmem>>) target(%dma_start3A_34 : memref<128x128xf32, #tpu.memory_space<hbm>>) target_semaphore(%run_scoped3A : memref<!tpu.dma_semaphore, #tpu.memory_space<semaphore_mem>>)
      %dma_wait3A_35 = arith.constant 0 : i32
      %dma_wait3A_36 = tpu.memref_slice %arg11[%mul3A_14, %dma_wait3A_35] : memref<4096x128xf32, #tpu.memory_space<hbm>> -> memref<128x128xf32, #tpu.memory_space<hbm>>
      %dma_wait3A_37 = arith.constant 0 : i32
      %dma_wait3A_38 = tpu.memref_slice %arg11[%mul3A_14, %dma_wait3A_37] : memref<4096x128xf32, #tpu.memory_space<hbm>> -> memref<128x128xf32, #tpu.memory_space<hbm>>
      tpu.wait_dma2 semaphore(%run_scoped3A : memref<!tpu.dma_semaphore, #tpu.memory_space<semaphore_mem>>) src(%arg15 : memref<128x128xf32, #tpu.memory_space<vmem>>) dst(%dma_wait3A_38 : memref<128x128xf32, #tpu.memory_space<hbm>>)
      tpu.yield
    }) : () -> ()
    "tpu.region"() ({
      %run_scoped3A = tpu.sem_alloc : memref<!tpu.dma_semaphore, #tpu.memory_space<semaphore_mem>>
      %dma_start3A_31 = arith.constant 0 : i32
      %dma_start3A_32 = tpu.memref_slice %arg8[%add3A, %dma_start3A_31] : memref<32x128xi32, #tpu.memory_space<hbm>> -> memref<1x128xi32, #tpu.memory_space<hbm>>
      %dma_start3A_33 = tpu.memref_squeeze %dma_start3A_32 : memref<1x128xi32, #tpu.memory_space<hbm>> -> memref<128xi32, #tpu.memory_space<hbm>>
      %dma_start3A_34 = arith.constant 0 : i32
      %dma_start3A_35 = tpu.memref_slice %arg8[%add3A, %dma_start3A_34] : memref<32x128xi32, #tpu.memory_space<hbm>> -> memref<1x128xi32, #tpu.memory_space<hbm>>
      %dma_start3A_36 = tpu.memref_squeeze %dma_start3A_35 : memref<1x128xi32, #tpu.memory_space<hbm>> -> memref<128xi32, #tpu.memory_space<hbm>>
      tpu.enqueue_dma source(%dma_start3A_36 : memref<128xi32, #tpu.memory_space<hbm>>) target(%arg14 : memref<128xi32, #tpu.memory_space<vmem>>) target_semaphore(%run_scoped3A : memref<!tpu.dma_semaphore, #tpu.memory_space<semaphore_mem>>)
      %dma_wait3A_37 = arith.constant 0 : i32
      %dma_wait3A_38 = tpu.memref_slice %arg8[%add3A, %dma_wait3A_37] : memref<32x128xi32, #tpu.memory_space<hbm>> -> memref<1x128xi32, #tpu.memory_space<hbm>>
      %dma_wait3A_39 = tpu.memref_squeeze %dma_wait3A_38 : memref<1x128xi32, #tpu.memory_space<hbm>> -> memref<128xi32, #tpu.memory_space<hbm>>
      %dma_wait3A_40 = arith.constant 0 : i32
      %dma_wait3A_41 = tpu.memref_slice %arg8[%add3A, %dma_wait3A_40] : memref<32x128xi32, #tpu.memory_space<hbm>> -> memref<1x128xi32, #tpu.memory_space<hbm>>
      %dma_wait3A_42 = tpu.memref_squeeze %dma_wait3A_41 : memref<1x128xi32, #tpu.memory_space<hbm>> -> memref<128xi32, #tpu.memory_space<hbm>>
      tpu.wait_dma2 semaphore(%run_scoped3A : memref<!tpu.dma_semaphore, #tpu.memory_space<semaphore_mem>>) src(%dma_wait3A_42 : memref<128xi32, #tpu.memory_space<hbm>>) dst(%arg14 : memref<128xi32, #tpu.memory_space<vmem>>)
      tpu.yield
    }) : () -> ()
    %dma_start3A_15 = arith.constant 0 : i32
    %dma_start3A_16 = arith.constant 0 : i32
    %dma_start3A_17 = tpu.memref_slice %arg4[%dma_start3A_15, %dma_start3A_16] : memref<1000x128xf32, #tpu.memory_space<hbm>> -> memref<1000x128xf32, #tpu.memory_space<hbm>>
    tpu.enqueue_indirect_dma source(%dma_start3A_17 : memref<1000x128xf32, #tpu.memory_space<hbm>>) target(%arg15 : memref<128x128xf32, #tpu.memory_space<vmem>>) offsets(%arg14 : memref<128xi32, #tpu.memory_space<vmem>>) semaphore(%arg16 : memref<!tpu.dma_semaphore, #tpu.memory_space<semaphore_mem>>)
    %dma_wait3A_18 = arith.constant 0 : i32
    %dma_wait3A_19 = arith.constant 0 : i32
    %dma_wait3A_20 = tpu.memref_slice %arg4[%dma_wait3A_18, %dma_wait3A_19] : memref<1000x128xf32, #tpu.memory_space<hbm>> -> memref<1000x128xf32, #tpu.memory_space<hbm>>
    tpu.wait_indirect_dma semaphore(%arg16 : memref<!tpu.dma_semaphore, #tpu.memory_space<semaphore_mem>>) src(%dma_wait3A_20 : memref<1000x128xf32, #tpu.memory_space<hbm>>) dst(%arg15 : memref<128x128xf32, #tpu.memory_space<vmem>>)
    %mul3A_21 = arith.constant 128 : i32
    %mul3A_22 = arith.muli %add3A, %mul3A_21 : i32
    "tpu.region"() ({
      %run_scoped3A = tpu.sem_alloc : memref<!tpu.dma_semaphore, #tpu.memory_space<semaphore_mem>>
      %dma_start3A_31 = arith.constant 0 : i32
      %dma_start3A_32 = tpu.memref_slice %arg12[%mul3A_22, %dma_start3A_31] : memref<4096x128xf32, #tpu.memory_space<hbm>> -> memref<128x128xf32, #tpu.memory_space<hbm>>
      %dma_start3A_33 = arith.constant 0 : i32
      %dma_start3A_34 = tpu.memref_slice %arg12[%mul3A_22, %dma_start3A_33] : memref<4096x128xf32, #tpu.memory_space<hbm>> -> memref<128x128xf32, #tpu.memory_space<hbm>>
      tpu.enqueue_dma source(%arg15 : memref<128x128xf32, #tpu.memory_space<vmem>>) target(%dma_start3A_34 : memref<128x128xf32, #tpu.memory_space<hbm>>) target_semaphore(%run_scoped3A : memref<!tpu.dma_semaphore, #tpu.memory_space<semaphore_mem>>)
      %dma_wait3A_35 = arith.constant 0 : i32
      %dma_wait3A_36 = tpu.memref_slice %arg12[%mul3A_22, %dma_wait3A_35] : memref<4096x128xf32, #tpu.memory_space<hbm>> -> memref<128x128xf32, #tpu.memory_space<hbm>>
      %dma_wait3A_37 = arith.constant 0 : i32
      %dma_wait3A_38 = tpu.memref_slice %arg12[%mul3A_22, %dma_wait3A_37] : memref<4096x128xf32, #tpu.memory_space<hbm>> -> memref<128x128xf32, #tpu.memory_space<hbm>>
      tpu.wait_dma2 semaphore(%run_scoped3A : memref<!tpu.dma_semaphore, #tpu.memory_space<semaphore_mem>>) src(%arg15 : memref<128x128xf32, #tpu.memory_space<vmem>>) dst(%dma_wait3A_38 : memref<128x128xf32, #tpu.memory_space<hbm>>)
      tpu.yield
    }) : () -> ()
    "tpu.region"() ({
      %run_scoped3A = tpu.sem_alloc : memref<!tpu.dma_semaphore, #tpu.memory_space<semaphore_mem>>
      %dma_start3A_31 = arith.constant 0 : i32
      %dma_start3A_32 = tpu.memref_slice %arg9[%add3A, %dma_start3A_31] : memref<32x128xi32, #tpu.memory_space<hbm>> -> memref<1x128xi32, #tpu.memory_space<hbm>>
      %dma_start3A_33 = tpu.memref_squeeze %dma_start3A_32 : memref<1x128xi32, #tpu.memory_space<hbm>> -> memref<128xi32, #tpu.memory_space<hbm>>
      %dma_start3A_34 = arith.constant 0 : i32
      %dma_start3A_35 = tpu.memref_slice %arg9[%add3A, %dma_start3A_34] : memref<32x128xi32, #tpu.memory_space<hbm>> -> memref<1x128xi32, #tpu.memory_space<hbm>>
      %dma_start3A_36 = tpu.memref_squeeze %dma_start3A_35 : memref<1x128xi32, #tpu.memory_space<hbm>> -> memref<128xi32, #tpu.memory_space<hbm>>
      tpu.enqueue_dma source(%dma_start3A_36 : memref<128xi32, #tpu.memory_space<hbm>>) target(%arg14 : memref<128xi32, #tpu.memory_space<vmem>>) target_semaphore(%run_scoped3A : memref<!tpu.dma_semaphore, #tpu.memory_space<semaphore_mem>>)
      %dma_wait3A_37 = arith.constant 0 : i32
      %dma_wait3A_38 = tpu.memref_slice %arg9[%add3A, %dma_wait3A_37] : memref<32x128xi32, #tpu.memory_space<hbm>> -> memref<1x128xi32, #tpu.memory_space<hbm>>
      %dma_wait3A_39 = tpu.memref_squeeze %dma_wait3A_38 : memref<1x128xi32, #tpu.memory_space<hbm>> -> memref<128xi32, #tpu.memory_space<hbm>>
      %dma_wait3A_40 = arith.constant 0 : i32
      %dma_wait3A_41 = tpu.memref_slice %arg9[%add3A, %dma_wait3A_40] : memref<32x128xi32, #tpu.memory_space<hbm>> -> memref<1x128xi32, #tpu.memory_space<hbm>>
      %dma_wait3A_42 = tpu.memref_squeeze %dma_wait3A_41 : memref<1x128xi32, #tpu.memory_space<hbm>> -> memref<128xi32, #tpu.memory_space<hbm>>
      tpu.wait_dma2 semaphore(%run_scoped3A : memref<!tpu.dma_semaphore, #tpu.memory_space<semaphore_mem>>) src(%dma_wait3A_42 : memref<128xi32, #tpu.memory_space<hbm>>) dst(%arg14 : memref<128xi32, #tpu.memory_space<vmem>>)
      tpu.yield
    }) : () -> ()
    %dma_start3A_23 = arith.constant 0 : i32
    %dma_start3A_24 = arith.constant 0 : i32
    %dma_start3A_25 = tpu.memref_slice %arg5[%dma_start3A_23, %dma_start3A_24] : memref<1000x128xf32, #tpu.memory_space<hbm>> -> memref<1000x128xf32, #tpu.memory_space<hbm>>
    tpu.enqueue_indirect_dma source(%dma_start3A_25 : memref<1000x128xf32, #tpu.memory_space<hbm>>) target(%arg15 : memref<128x128xf32, #tpu.memory_space<vmem>>) offsets(%arg14 : memref<128xi32, #tpu.memory_space<vmem>>) semaphore(%arg16 : memref<!tpu.dma_semaphore, #tpu.memory_space<semaphore_mem>>)
    %dma_wait3A_26 = arith.constant 0 : i32
    %dma_wait3A_27 = arith.constant 0 : i32
    %dma_wait3A_28 = tpu.memref_slice %arg5[%dma_wait3A_26, %dma_wait3A_27] : memref<1000x128xf32, #tpu.memory_space<hbm>> -> memref<1000x128xf32, #tpu.memory_space<hbm>>
    tpu.wait_indirect_dma semaphore(%arg16 : memref<!tpu.dma_semaphore, #tpu.memory_space<semaphore_mem>>) src(%dma_wait3A_28 : memref<1000x128xf32, #tpu.memory_space<hbm>>) dst(%arg15 : memref<128x128xf32, #tpu.memory_space<vmem>>)
    %mul3A_29 = arith.constant 128 : i32
    %mul3A_30 = arith.muli %add3A, %mul3A_29 : i32
    "tpu.region"() ({
      %run_scoped3A = tpu.sem_alloc : memref<!tpu.dma_semaphore, #tpu.memory_space<semaphore_mem>>
      %dma_start3A_31 = arith.constant 0 : i32
      %dma_start3A_32 = tpu.memref_slice %arg13[%mul3A_30, %dma_start3A_31] : memref<4096x128xf32, #tpu.memory_space<hbm>> -> memref<128x128xf32, #tpu.memory_space<hbm>>
      %dma_start3A_33 = arith.constant 0 : i32
      %dma_start3A_34 = tpu.memref_slice %arg13[%mul3A_30, %dma_start3A_33] : memref<4096x128xf32, #tpu.memory_space<hbm>> -> memref<128x128xf32, #tpu.memory_space<hbm>>
      tpu.enqueue_dma source(%arg15 : memref<128x128xf32, #tpu.memory_space<vmem>>) target(%dma_start3A_34 : memref<128x128xf32, #tpu.memory_space<hbm>>) target_semaphore(%run_scoped3A : memref<!tpu.dma_semaphore, #tpu.memory_space<semaphore_mem>>)
      %dma_wait3A_35 = arith.constant 0 : i32
      %dma_wait3A_36 = tpu.memref_slice %arg13[%mul3A_30, %dma_wait3A_35] : memref<4096x128xf32, #tpu.memory_space<hbm>> -> memref<128x128xf32, #tpu.memory_space<hbm>>
      %dma_wait3A_37 = arith.constant 0 : i32
      %dma_wait3A_38 = tpu.memref_slice %arg13[%mul3A_30, %dma_wait3A_37] : memref<4096x128xf32, #tpu.memory_space<hbm>> -> memref<128x128xf32, #tpu.memory_space<hbm>>
      tpu.wait_dma2 semaphore(%run_scoped3A : memref<!tpu.dma_semaphore, #tpu.memory_space<semaphore_mem>>) src(%arg15 : memref<128x128xf32, #tpu.memory_space<vmem>>) dst(%dma_wait3A_38 : memref<128x128xf32, #tpu.memory_space<hbm>>)
      tpu.yield
    }) : () -> ()
    return
  }
}

module attributes {stable_mosaic.version = 14 : i64} {
  func.func @_mm_body(%arg0: i32, %arg1: memref<1024x128xf32, #tpu.memory_space<vmem>>, %arg2: memref<128x128xf32, #tpu.memory_space<vmem>>, %arg3: memref<32x1024xf32, #tpu.memory_space<vmem>>, %arg4: memref<2x1024x64xf32, #tpu.memory_space<vmem>>) attributes {dimension_semantics = [#tpu.dimension_semantics<arbitrary>], iteration_bounds = array<i64: 10>, scalar_prefetch = 0 : i64, scratch_operands = 0 : i64, tpu.core_type = #tpu.core_type<tc>, window_params = [{transform_indices = @transform_0, window_bounds = array<i64: 1024, 128>}, {pipeline_mode = #tpu.pipeline_mode<synchronous>, transform_indices = @transform_1, window_bounds = array<i64: 128, 128>}, {transform_indices = @transform_2, window_bounds = array<i64: 32, 1024>}, {transform_indices = @transform_3, window_bounds = array<i64: 2, 1024, 64>}]} {
    %get3A = arith.constant 0 : index
    %get3A_0 = arith.constant 0 : index
    %get3A_1 = vector.load %arg3[%get3A, %get3A_0] : memref<32x1024xf32, #tpu.memory_space<vmem>>, vector<32x1024xf32>
    %reduce_sum3A = arith.constant dense<0.000000e+00> : vector<1024xf32>
    %reduce_sum3A_2 = vector.multi_reduction <add>, %get3A_1, %reduce_sum3A [0] : vector<32x1024xf32> to vector<1024xf32>
    %broadcast_in_dim3A = vector.shape_cast %reduce_sum3A_2 : vector<1024xf32> to vector<1024x1xf32>
    %add3A = arith.constant 1.000000e+00 : f32
    %add3A_3 = vector.broadcast %add3A : f32 to vector<1024x1xf32>
    %add3A_4 = arith.addf %broadcast_in_dim3A, %add3A_3 : vector<1024x1xf32>
    %rsqrt3A = math.rsqrt %add3A_4 : vector<1024x1xf32>
    %get3A_5 = arith.constant 0 : index
    %get3A_6 = arith.constant 0 : index
    %get3A_7 = vector.load %arg1[%get3A_5, %get3A_6] : memref<1024x128xf32, #tpu.memory_space<vmem>>, vector<1024x128xf32>
    %get3A_8 = arith.constant 0 : index
    %get3A_9 = arith.constant 0 : index
    %get3A_10 = vector.load %arg2[%get3A_8, %get3A_9] : memref<128x128xf32, #tpu.memory_space<vmem>>, vector<128x128xf32>
    %dot_general3A = arith.constant dense<0.000000e+00> : vector<1024x128xf32>
    %dot_general3A_11 = tpu.matmul %get3A_7, %get3A_10, %dot_general3A {dimension_numbers = #tpu.dot_dimension_numbers<[1], [0], [0], [1], [0, 0, 1, 1], [], []>, transpose_lhs_hint = false} : vector<1024x128xf32>, vector<128x128xf32>, vector<1024x128xf32> -> vector<1024x128xf32>
    %mul3A = vector.broadcast %rsqrt3A : vector<1024x1xf32> to vector<1024x128xf32>
    %mul3A_12 = arith.mulf %dot_general3A_11, %mul3A : vector<1024x128xf32>
    %slice3A = vector.extract_strided_slice %mul3A_12 {offsets = [0, 0], sizes = [1024, 64], strides = [1, 1]} : vector<1024x128xf32> to vector<1024x64xf32>
    %swap3A = arith.constant 0 : index
    %swap3A_13 = arith.constant 0 : index
    %swap3A_14 = arith.constant 0 : index
    %swap3A_15 = vector.load %arg4[%swap3A, %swap3A_13, %swap3A_14] : memref<2x1024x64xf32, #tpu.memory_space<vmem>>, vector<1x1024x64xf32>
    %swap3A_16 = vector.shape_cast %swap3A_15 : vector<1x1024x64xf32> to vector<1024x64xf32>
    %swap3A_17 = vector.shape_cast %slice3A : vector<1024x64xf32> to vector<1x1024x64xf32>
    tpu.vector_store %arg4[%swap3A, %swap3A_13, %swap3A_14], %swap3A_17 {strides = array<i32>} : memref<2x1024x64xf32, #tpu.memory_space<vmem>>, vector<1x1024x64xf32>,
    %slice3A_18 = vector.extract_strided_slice %mul3A_12 {offsets = [0, 64], sizes = [1024, 64], strides = [1, 1]} : vector<1024x128xf32> to vector<1024x64xf32>
    %swap3A_19 = arith.constant 1 : index
    %swap3A_20 = arith.constant 0 : index
    %swap3A_21 = arith.constant 0 : index
    %swap3A_22 = vector.load %arg4[%swap3A_19, %swap3A_20, %swap3A_21] : memref<2x1024x64xf32, #tpu.memory_space<vmem>>, vector<1x1024x64xf32>
    %swap3A_23 = vector.shape_cast %swap3A_22 : vector<1x1024x64xf32> to vector<1024x64xf32>
    %swap3A_24 = vector.shape_cast %slice3A_18 : vector<1024x64xf32> to vector<1x1024x64xf32>
    tpu.vector_store %arg4[%swap3A_19, %swap3A_20, %swap3A_21], %swap3A_24 {strides = array<i32>} : memref<2x1024x64xf32, #tpu.memory_space<vmem>>, vector<1x1024x64xf32>,
    return
  }
  func.func @transform_0(%arg0: i32) -> (i32, i32) {
    %c0_i32 = arith.constant 0 : i32
    %c0_i32_0 = arith.constant 0 : i32
    return %arg0, %c0_i32 : i32, i32
  }
  func.func @transform_1(%arg0: i32) -> (i32, i32) {
    %c0_i32 = arith.constant 0 : i32
    %c0_i32_0 = arith.constant 0 : i32
    %c0_i32_1 = arith.constant 0 : i32
    return %c0_i32, %c0_i32_0 : i32, i32
  }
  func.func @transform_2(%arg0: i32) -> (i32, i32) {
    %c0_i32 = arith.constant 0 : i32
    %c0_i32_0 = arith.constant 0 : i32
    return %c0_i32, %arg0 : i32, i32
  }
  func.func @transform_3(%arg0: i32) -> (i32, i32, i32) {
    %c0_i32 = arith.constant 0 : i32
    %c0_i32_0 = arith.constant 0 : i32
    %c0_i32_1 = arith.constant 0 : i32
    return %c0_i32, %arg0, %c0_i32_0 : i32, i32, i32
  }
}

module attributes {stable_mosaic.version = 14 : i64} {
  func.func @_mid_body(%arg0: i32, %arg1: memref<2x1024x64xf32, #tpu.memory_space<vmem>>, %arg2: memref<2x1024x64xf32, #tpu.memory_space<vmem>>, %arg3: memref<128x128xf32, #tpu.memory_space<vmem>>, %arg4: memref<32x1024xf32, #tpu.memory_space<vmem>>, %arg5: memref<2x1024x64xf32, #tpu.memory_space<vmem>>) attributes {dimension_semantics = [#tpu.dimension_semantics<arbitrary>], iteration_bounds = array<i64: 10>, scalar_prefetch = 0 : i64, scratch_operands = 0 : i64, tpu.core_type = #tpu.core_type<tc>, window_params = [{transform_indices = @transform_0, window_bounds = array<i64: 2, 1024, 64>}, {transform_indices = @transform_1, window_bounds = array<i64: 2, 1024, 64>}, {pipeline_mode = #tpu.pipeline_mode<synchronous>, transform_indices = @transform_2, window_bounds = array<i64: 128, 128>}, {transform_indices = @transform_3, window_bounds = array<i64: 32, 1024>}, {transform_indices = @transform_4, window_bounds = array<i64: 2, 1024, 64>}]} {
    %get3A = arith.constant 0 : index
    %get3A_0 = arith.constant 0 : index
    %get3A_1 = vector.load %arg4[%get3A, %get3A_0] : memref<32x1024xf32, #tpu.memory_space<vmem>>, vector<32x1024xf32>
    %reduce_sum3A = arith.constant dense<0.000000e+00> : vector<1024xf32>
    %reduce_sum3A_2 = vector.multi_reduction <add>, %get3A_1, %reduce_sum3A [0] : vector<32x1024xf32> to vector<1024xf32>
    %broadcast_in_dim3A = vector.shape_cast %reduce_sum3A_2 : vector<1024xf32> to vector<1024x1xf32>
    %add3A = arith.constant 1.000000e+00 : f32
    %add3A_3 = vector.broadcast %add3A : f32 to vector<1024x1xf32>
    %add3A_4 = arith.addf %broadcast_in_dim3A, %add3A_3 : vector<1024x1xf32>
    %rsqrt3A = math.rsqrt %add3A_4 : vector<1024x1xf32>
    %get3A_5 = arith.constant 0 : index
    %get3A_6 = arith.constant 0 : index
    %get3A_7 = arith.constant 0 : index
    %get3A_8 = vector.load %arg1[%get3A_5, %get3A_6, %get3A_7] : memref<2x1024x64xf32, #tpu.memory_space<vmem>>, vector<1x1024x64xf32>
    %get3A_9 = vector.shape_cast %get3A_8 : vector<1x1024x64xf32> to vector<1024x64xf32>
    %get3A_10 = arith.constant 0 : index
    %get3A_11 = arith.constant 0 : index
    %get3A_12 = arith.constant 0 : index
    %get3A_13 = vector.load %arg2[%get3A_10, %get3A_11, %get3A_12] : memref<2x1024x64xf32, #tpu.memory_space<vmem>>, vector<1x1024x64xf32>
    %get3A_14 = vector.shape_cast %get3A_13 : vector<1x1024x64xf32> to vector<1024x64xf32>
    %add3A_15 = arith.addf %get3A_9, %get3A_14 : vector<1024x64xf32>
    %mul3A = vector.broadcast %rsqrt3A : vector<1024x1xf32> to vector<1024x64xf32>
    %mul3A_16 = arith.mulf %add3A_15, %mul3A : vector<1024x64xf32>
    %max3A = arith.constant 0.000000e+00 : f32
    %max3A_17 = vector.broadcast %max3A : f32 to vector<1024x64xf32>
    %max3A_18 = arith.maximumf %mul3A_16, %max3A_17 : vector<1024x64xf32>
    %get3A_19 = arith.constant 1 : index
    %get3A_20 = arith.constant 0 : index
    %get3A_21 = arith.constant 0 : index
    %get3A_22 = vector.load %arg1[%get3A_19, %get3A_20, %get3A_21] : memref<2x1024x64xf32, #tpu.memory_space<vmem>>, vector<1x1024x64xf32>
    %get3A_23 = vector.shape_cast %get3A_22 : vector<1x1024x64xf32> to vector<1024x64xf32>
    %get3A_24 = arith.constant 1 : index
    %get3A_25 = arith.constant 0 : index
    %get3A_26 = arith.constant 0 : index
    %get3A_27 = vector.load %arg2[%get3A_24, %get3A_25, %get3A_26] : memref<2x1024x64xf32, #tpu.memory_space<vmem>>, vector<1x1024x64xf32>
    %get3A_28 = vector.shape_cast %get3A_27 : vector<1x1024x64xf32> to vector<1024x64xf32>
    %add3A_29 = arith.addf %get3A_23, %get3A_28 : vector<1024x64xf32>
    %mul3A_30 = vector.broadcast %rsqrt3A : vector<1024x1xf32> to vector<1024x64xf32>
    %mul3A_31 = arith.mulf %add3A_29, %mul3A_30 : vector<1024x64xf32>
    %max3A_32 = arith.constant 0.000000e+00 : f32
    %max3A_33 = vector.broadcast %max3A_32 : f32 to vector<1024x64xf32>
    %max3A_34 = arith.maximumf %mul3A_31, %max3A_33 : vector<1024x64xf32>
    %get3A_35 = arith.constant 0 : index
    %get3A_36 = arith.constant 0 : index
    %get3A_37 = vector.load %arg3[%get3A_35, %get3A_36] : memref<128x128xf32, #tpu.memory_space<vmem>>, vector<64x128xf32>
    %dot_general3A = arith.constant dense<0.000000e+00> : vector<1024x128xf32>
    %dot_general3A_38 = tpu.matmul %max3A_18, %get3A_37, %dot_general3A {dimension_numbers = #tpu.dot_dimension_numbers<[1], [0], [0], [1], [0, 0, 1, 1], [], []>, transpose_lhs_hint = false} : vector<1024x64xf32>, vector<64x128xf32>, vector<1024x128xf32> -> vector<1024x128xf32>
    %get3A_39 = arith.constant 64 : index
    %get3A_40 = arith.constant 0 : index
    %get3A_41 = vector.load %arg3[%get3A_39, %get3A_40] : memref<128x128xf32, #tpu.memory_space<vmem>>, vector<64x128xf32>
    %dot_general3A_42 = arith.constant dense<0.000000e+00> : vector<1024x128xf32>
    %dot_general3A_43 = tpu.matmul %max3A_34, %get3A_41, %dot_general3A_42 {dimension_numbers = #tpu.dot_dimension_numbers<[1], [0], [0], [1], [0, 0, 1, 1], [], []>, transpose_lhs_hint = false} : vector<1024x64xf32>, vector<64x128xf32>, vector<1024x128xf32> -> vector<1024x128xf32>
    %add3A_44 = arith.addf %dot_general3A_38, %dot_general3A_43 : vector<1024x128xf32>
    %mul3A_45 = vector.broadcast %rsqrt3A : vector<1024x1xf32> to vector<1024x128xf32>
    %mul3A_46 = arith.mulf %add3A_44, %mul3A_45 : vector<1024x128xf32>
    %slice3A = vector.extract_strided_slice %mul3A_46 {offsets = [0, 0], sizes = [1024, 64], strides = [1, 1]} : vector<1024x128xf32> to vector<1024x64xf32>
    %swap3A = arith.constant 0 : index
    %swap3A_47 = arith.constant 0 : index
    %swap3A_48 = arith.constant 0 : index
    %swap3A_49 = vector.load %arg5[%swap3A, %swap3A_47, %swap3A_48] : memref<2x1024x64xf32, #tpu.memory_space<vmem>>, vector<1x1024x64xf32>
    %swap3A_50 = vector.shape_cast %swap3A_49 : vector<1x1024x64xf32> to vector<1024x64xf32>
    %swap3A_51 = vector.shape_cast %slice3A : vector<1024x64xf32> to vector<1x1024x64xf32>
    tpu.vector_store %arg5[%swap3A, %swap3A_47, %swap3A_48], %swap3A_51 {strides = array<i32>} : memref<2x1024x64xf32, #tpu.memory_space<vmem>>, vector<1x1024x64xf32>,
    %slice3A_52 = vector.extract_strided_slice %mul3A_46 {offsets = [0, 64], sizes = [1024, 64], strides = [1, 1]} : vector<1024x128xf32> to vector<1024x64xf32>
    %swap3A_53 = arith.constant 1 : index
    %swap3A_54 = arith.constant 0 : index
    %swap3A_55 = arith.constant 0 : index
    %swap3A_56 = vector.load %arg5[%swap3A_53, %swap3A_54, %swap3A_55] : memref<2x1024x64xf32, #tpu.memory_space<vmem>>, vector<1x1024x64xf32>
    %swap3A_57 = vector.shape_cast %swap3A_56 : vector<1x1024x64xf32> to vector<1024x64xf32>
    %swap3A_58 = vector.shape_cast %slice3A_52 : vector<1024x64xf32> to vector<1x1024x64xf32>
    tpu.vector_store %arg5[%swap3A_53, %swap3A_54, %swap3A_55], %swap3A_58 {strides = array<i32>} : memref<2x1024x64xf32, #tpu.memory_space<vmem>>, vector<1x1024x64xf32>,
    return
  }
  func.func @transform_0(%arg0: i32) -> (i32, i32, i32) {
    %c0_i32 = arith.constant 0 : i32
    %c0_i32_0 = arith.constant 0 : i32
    %c0_i32_1 = arith.constant 0 : i32
    return %c0_i32, %arg0, %c0_i32_0 : i32, i32, i32
  }
  func.func @transform_1(%arg0: i32) -> (i32, i32, i32) {
    %c0_i32 = arith.constant 0 : i32
    %c0_i32_0 = arith.constant 0 : i32
    %c0_i32_1 = arith.constant 0 : i32
    return %c0_i32, %arg0, %c0_i32_0 : i32, i32, i32
  }
  func.func @transform_2(%arg0: i32) -> (i32, i32) {
    %c0_i32 = arith.constant 0 : i32
    %c0_i32_0 = arith.constant 0 : i32
    %c0_i32_1 = arith.constant 0 : i32
    return %c0_i32, %c0_i32_0 : i32, i32
  }
  func.func @transform_3(%arg0: i32) -> (i32, i32) {
    %c0_i32 = arith.constant 0 : i32
    %c0_i32_0 = arith.constant 0 : i32
    return %c0_i32, %arg0 : i32, i32
  }
  func.func @transform_4(%arg0: i32) -> (i32, i32, i32) {
    %c0_i32 = arith.constant 0 : i32
    %c0_i32_0 = arith.constant 0 : i32
    %c0_i32_1 = arith.constant 0 : i32
    return %c0_i32, %arg0, %c0_i32_0 : i32, i32, i32
  }
}

module attributes {stable_mosaic.version = 14 : i64} {
  func.func @_fin_body(%arg0: i32, %arg1: memref<2x1024x64xf32, #tpu.memory_space<vmem>>, %arg2: memref<2x1024x64xf32, #tpu.memory_space<vmem>>, %arg3: memref<32x1024xf32, #tpu.memory_space<vmem>>, %arg4: memref<1024x128xf32, #tpu.memory_space<vmem>>) attributes {dimension_semantics = [#tpu.dimension_semantics<arbitrary>], iteration_bounds = array<i64: 10>, scalar_prefetch = 0 : i64, scratch_operands = 0 : i64, tpu.core_type = #tpu.core_type<tc>, window_params = [{transform_indices = @transform_0, window_bounds = array<i64: 2, 1024, 64>}, {transform_indices = @transform_1, window_bounds = array<i64: 2, 1024, 64>}, {transform_indices = @transform_2, window_bounds = array<i64: 32, 1024>}, {transform_indices = @transform_3, window_bounds = array<i64: 1024, 128>}]} {
    %get3A = arith.constant 0 : index
    %get3A_0 = arith.constant 0 : index
    %get3A_1 = vector.load %arg3[%get3A, %get3A_0] : memref<32x1024xf32, #tpu.memory_space<vmem>>, vector<32x1024xf32>
    %reduce_sum3A = arith.constant dense<0.000000e+00> : vector<1024xf32>
    %reduce_sum3A_2 = vector.multi_reduction <add>, %get3A_1, %reduce_sum3A [0] : vector<32x1024xf32> to vector<1024xf32>
    %broadcast_in_dim3A = vector.shape_cast %reduce_sum3A_2 : vector<1024xf32> to vector<1024x1xf32>
    %add3A = arith.constant 1.000000e+00 : f32
    %add3A_3 = vector.broadcast %add3A : f32 to vector<1024x1xf32>
    %add3A_4 = arith.addf %broadcast_in_dim3A, %add3A_3 : vector<1024x1xf32>
    %rsqrt3A = math.rsqrt %add3A_4 : vector<1024x1xf32>
    %get3A_5 = arith.constant 0 : index
    %get3A_6 = arith.constant 0 : index
    %get3A_7 = arith.constant 0 : index
    %get3A_8 = vector.load %arg1[%get3A_5, %get3A_6, %get3A_7] : memref<2x1024x64xf32, #tpu.memory_space<vmem>>, vector<1x1024x64xf32>
    %get3A_9 = vector.shape_cast %get3A_8 : vector<1x1024x64xf32> to vector<1024x64xf32>
    %get3A_10 = arith.constant 0 : index
    %get3A_11 = arith.constant 0 : index
    %get3A_12 = arith.constant 0 : index
    %get3A_13 = vector.load %arg2[%get3A_10, %get3A_11, %get3A_12] : memref<2x1024x64xf32, #tpu.memory_space<vmem>>, vector<1x1024x64xf32>
    %get3A_14 = vector.shape_cast %get3A_13 : vector<1x1024x64xf32> to vector<1024x64xf32>
    %add3A_15 = arith.addf %get3A_9, %get3A_14 : vector<1024x64xf32>
    %mul3A = vector.broadcast %rsqrt3A : vector<1024x1xf32> to vector<1024x64xf32>
    %mul3A_16 = arith.mulf %add3A_15, %mul3A : vector<1024x64xf32>
    %max3A = arith.constant 0.000000e+00 : f32
    %max3A_17 = vector.broadcast %max3A : f32 to vector<1024x64xf32>
    %max3A_18 = arith.maximumf %mul3A_16, %max3A_17 : vector<1024x64xf32>
    %get3A_19 = arith.constant 1 : index
    %get3A_20 = arith.constant 0 : index
    %get3A_21 = arith.constant 0 : index
    %get3A_22 = vector.load %arg1[%get3A_19, %get3A_20, %get3A_21] : memref<2x1024x64xf32, #tpu.memory_space<vmem>>, vector<1x1024x64xf32>
    %get3A_23 = vector.shape_cast %get3A_22 : vector<1x1024x64xf32> to vector<1024x64xf32>
    %get3A_24 = arith.constant 1 : index
    %get3A_25 = arith.constant 0 : index
    %get3A_26 = arith.constant 0 : index
    %get3A_27 = vector.load %arg2[%get3A_24, %get3A_25, %get3A_26] : memref<2x1024x64xf32, #tpu.memory_space<vmem>>, vector<1x1024x64xf32>
    %get3A_28 = vector.shape_cast %get3A_27 : vector<1x1024x64xf32> to vector<1024x64xf32>
    %add3A_29 = arith.addf %get3A_23, %get3A_28 : vector<1024x64xf32>
    %mul3A_30 = vector.broadcast %rsqrt3A : vector<1024x1xf32> to vector<1024x64xf32>
    %mul3A_31 = arith.mulf %add3A_29, %mul3A_30 : vector<1024x64xf32>
    %max3A_32 = arith.constant 0.000000e+00 : f32
    %max3A_33 = vector.broadcast %max3A_32 : f32 to vector<1024x64xf32>
    %max3A_34 = arith.maximumf %mul3A_31, %max3A_33 : vector<1024x64xf32>
    %swap3A = arith.constant 0 : index
    %swap3A_35 = arith.constant 0 : index
    %swap3A_36 = vector.load %arg4[%swap3A, %swap3A_35] : memref<1024x128xf32, #tpu.memory_space<vmem>>, vector<1024x64xf32>
    tpu.vector_store %arg4[%swap3A, %swap3A_35], %max3A_18 {strides = array<i32>} : memref<1024x128xf32, #tpu.memory_space<vmem>>, vector<1024x64xf32>,
    %swap3A_37 = arith.constant 0 : index
    %swap3A_38 = arith.constant 64 : index
    %swap3A_39 = vector.load %arg4[%swap3A_37, %swap3A_38] : memref<1024x128xf32, #tpu.memory_space<vmem>>, vector<1024x64xf32>
    tpu.vector_store %arg4[%swap3A_37, %swap3A_38], %max3A_34 {strides = array<i32>} : memref<1024x128xf32, #tpu.memory_space<vmem>>, vector<1024x64xf32>,
    return
  }
  func.func @transform_0(%arg0: i32) -> (i32, i32, i32) {
    %c0_i32 = arith.constant 0 : i32
    %c0_i32_0 = arith.constant 0 : i32
    %c0_i32_1 = arith.constant 0 : i32
    return %c0_i32, %arg0, %c0_i32_0 : i32, i32, i32
  }
  func.func @transform_1(%arg0: i32) -> (i32, i32, i32) {
    %c0_i32 = arith.constant 0 : i32
    %c0_i32_0 = arith.constant 0 : i32
    %c0_i32_1 = arith.constant 0 : i32
    return %c0_i32, %arg0, %c0_i32_0 : i32, i32, i32
  }
  func.func @transform_2(%arg0: i32) -> (i32, i32) {
    %c0_i32 = arith.constant 0 : i32
    %c0_i32_0 = arith.constant 0 : i32
    return %c0_i32, %arg0 : i32, i32
  }
  func.func @transform_3(%arg0: i32) -> (i32, i32) {
    %c0_i32 = arith.constant 0 : i32
    %c0_i32_0 = arith.constant 0 : i32
    return %arg0, %c0_i32 : i32, i32
  }
}

</mosaic_0001>

<sc_bundles>
// kernel: kernel.14.cloned.1.call-start
scs
__scs_entry_jumppad:
0x0: {  	(pc) =	sbr.rel $0x88, $3  }
0x1: {  	(tag) =	ssettag $0x0;
	lr =	simm.s32 $0x1  }
0x2: {  	[smem:$0x3F95] =	sst lr;
	_ =	strace $0xD0000000  }
0x3: {  	_ = 	snop  }
0x4: {  	_ = 	snop  }
0x5: {  	_ = 	snop  }
0x6: {  	_ = 	snop  }
0x7: {  	_ = 	snop  }
__scs_overlays_trampoline_lowered:
0x8: {  	[smem:$0x3FA4] =	sst s0  }
0x9: {  	[smem:$0x3FA5] =	sst s1  }
0xa: {  	[smem:$0x3FA6] =	sst s2  }
0xb: {  	[smem:$0x3FA7] =	sst s3  }
0xc: {  	[smem:$0x3FA8] =	sst s4  }
0xd: {  	[smem:$0x3FA9] =	sst s5  }
0xe: {  	[smem:$0x3FAA] =	sst s6  }
0xf: {  	[smem:$0x3FAB] =	sst s7  }
0x10: {  	[smem:$0x3FAC] =	sst s8  }
0x11: {  	[smem:$0x3FAD] =	sst s9;
	s0 =	simm.s32 @!p0 $0x0  }
0x12: {  	s1 =	sld [smem:$0x3F93];
	s0 =	simm.s32 @p0 $0x1  }
0x13: {  	[smem:$0x3FAE] =	sst s0;
	s0 =	simm.s32 @!p1 $0x0  }
0x14: {  	s2 =	sld [smem:$0x3F92];
	s0 =	simm.s32 @p1 $0x1  }
0x15: {  	[smem:$0x3FAF] =	sst s0;
	s0 =	simm.s32 @!p2 $0x0  }
0x16: {  	s3 =	sld [smem:$0x3FDB];
	s0 =	simm.s32 @p2 $0x1  }
0x17: {  	s4 =	simm.s32 $0x1BF5;
	[smem:$0x3FB1] =	sst s0  }
0x18: {  	s0 =	sld [smem:$0x3F94];
	_ =	swait.ge [sflag:s4], $0x0  }
0x19: {  	s7 =	sld [smem:$0x3F95]  }
0x1a: {  	s8 =	sadd.s32 $0xFFFFE003, lr  }
0x1b: {  	s9 =	sadd.s32 $0xFFFFFEF7, lr;
	s5 =	simm.s32 $0xFFFFFFFF;
	p2 =	slt.u32 s8, $0xFFFFF086  }
0x1c: {  	p1 =	slt.u32 s9, $0xF7A;
	s5 =	simm.s32 @!p2 $0x0  }
0x1d: {  	s5 =	simm.s32 @p1 $0x1;
	p0 =	seq.s32 s7, s2  }
0x1e: {  	s7 =	smul.u32 @!p0 $0xF7A, s2;
	p2 =	seq.s32 @!p0 s5, $0x0  }
0x1f: {  	s9 =	smul.u32 $0xF7A, s1;
	s8 =	simm.s32 @!p0 $0x1BF5;
	p2 =	por !p2, p0  }
0x20: {  	[sflag:s8] =	ssyncset.s32 @!p0 $0xFFFFF086;
	s6 =	sadd.s32 @!p0 s3, s7;
	s7 =	simm.s32 @!p0 $0x108  }
0x21: {  	s3 =	sadd.s32 s3, s9;
	s6 =	sadd.s32 @!p0 $0x88, s6;
	s7 =	simm.s32 @p2 $0x1082  }
0x22: {  	[simem:s7], [sflag:s8] =	dma.local @!p0 [hbm:s6], $0xF7A  }
0x23: {  	s9 =	sor.u32 $0xD0000000, s2;
	s6 =	simm.s32 $0x108;
	_ =	swait.ge @!p0 [sflag:s8], $0x0  }
0x24: {  	s3 =	sadd.s32 $0x88, s3;
	s6 =	simm.s32 @!p1 $0x1082;
	[sflag:s4] =	ssyncset.s32 $0xFFFFF086  }
0x25: {  	[simem:s6], [sflag:s4] =	dma.local [hbm:s3], $0xF7A  }
0x26: {  	[smem:$0x3F95] =	sst s1;
	(tag) =	ssettag s2;
	_ =	strace s9  }
0x27: {  	s1 =	sld [smem:$0x3FA5]  }
0x28: {  	s2 =	sld [smem:$0x3FA6]  }
0x29: {  	s4 =	sld [smem:$0x3FA8]  }
0x2a: {  	p0 =	seq.s32 s5, $0x0;
	s5 =	sld [smem:$0x3FA9]  }
0x2b: {  	s6 =	sld [smem:$0x3FAA]  }
0x2c: {  	s7 =	sld [smem:$0x3FAB]  }
0x2d: {  	s3 =	simm.s32 $0x108;
	s8 =	sld [smem:$0x3FAC]  }
0x2e: {  	s3 =	simm.s32 @!p0 $0x1082;
	s9 =	sld [smem:$0x3FAD]  }
0x2f: {  	lr =	sadd.s32 s0, s3;
	s0 =	sld [smem:$0x3FA4]  }
0x30: {  	s3 =	sld [smem:$0x3FA7]  }
0x31: {  	[smem:$0x3FB0] =	sst s10  }
0x32: {  	s10 =	sld [smem:$0x3FAE];
	_ =	sdelay $0x3  }
0x33: {  	p0 =	seq.s32 s10, $0x1;
	s10 =	sld [smem:$0x3FB0];
	_ =	sdelay $0x3  }
0x34: {  	[smem:$0x3FB0] =	sst s10  }
0x35: {  	s10 =	sld [smem:$0x3FAF];
	_ =	sdelay $0x3  }
0x36: {  	p1 =	seq.s32 s10, $0x1;
	s10 =	sld [smem:$0x3FB0];
	_ =	sdelay $0x3  }
0x37: {  	[smem:$0x3FB0] =	sst s10  }
0x38: {  	s10 =	sld [smem:$0x3FB1]  }
0x39: {  	_ = 	snop;
	(pc) =	sbr.ind lr, $3  }
0x3a: {  	_ = 	snop  }
0x3b: {  	_ = 	snop  }
0x3c: {  	p2 =	seq.s32 s10, $0x1;
	s10 =	sld [smem:$0x3FB0]  }
0x3d: {  	_ =	shalt  }
0x3e: {  	_ =	shalt  }
0x3f: {  	_ =	shalt  }
0x40: {  	_ =	shalt  }
0x41: {  	_ =	shalt  }
0x42: {  	_ =	shalt  }
0x43: {  	_ =	shalt  }
0x44: {  	_ =	shalt  }
0x45: {  	_ =	shalt  }
0x46: {  	_ =	shalt  }
0x47: {  	_ =	shalt  }
0x48: {  	_ =	shalt  }
0x49: {  	_ =	shalt  }
0x4a: {  	_ =	shalt  }
0x4b: {  	_ =	shalt  }
0x4c: {  	_ =	shalt  }
0x4d: {  	_ =	shalt  }
0x4e: {  	_ =	shalt  }
0x4f: {  	_ =	shalt  }
0x50: {  	_ =	shalt  }
0x51: {  	_ =	shalt  }
0x52: {  	_ =	shalt  }
0x53: {  	_ =	shalt  }
0x54: {  	_ =	shalt  }
0x55: {  	_ =	shalt  }
0x56: {  	_ =	shalt  }
0x57: {  	_ =	shalt  }
0x58: {  	_ =	shalt  }
0x59: {  	_ =	shalt  }
0x5a: {  	_ =	shalt  }
0x5b: {  	_ =	shalt  }
0x5c: {  	_ =	shalt  }
0x5d: {  	_ =	shalt  }
0x5e: {  	_ =	shalt  }
0x5f: {  	_ =	shalt  }
0x60: {  	_ =	shalt  }
0x61: {  	_ =	shalt  }
0x62: {  	_ =	shalt  }
0x63: {  	_ =	shalt  }
0x64: {  	_ =	shalt  }
0x65: {  	_ =	shalt  }
0x66: {  	_ =	shalt  }
0x67: {  	_ =	shalt  }
0x68: {  	_ =	shalt  }
0x69: {  	_ =	shalt  }
0x6a: {  	_ =	shalt  }
0x6b: {  	_ =	shalt  }
0x6c: {  	_ =	shalt  }
0x6d: {  	_ =	shalt  }
0x6e: {  	_ =	shalt  }
0x6f: {  	_ =	shalt  }
0x70: {  	_ =	shalt  }
0x71: {  	_ =	shalt  }
0x72: {  	_ =	shalt  }
0x73: {  	_ =	shalt  }
0x74: {  	_ =	shalt  }
0x75: {  	_ =	shalt  }
0x76: {  	_ =	shalt  }
0x77: {  	_ =	shalt  }
0x78: {  	_ =	shalt  }
0x79: {  	_ =	shalt  }
0x7a: {  	_ =	shalt  }
0x7b: {  	_ =	shalt  }
0x7c: {  	_ =	shalt  }
0x7d: {  	_ =	shalt  }
0x7e: {  	_ =	shalt  }
0x7f: {  	_ =	shalt  }
0x80: {  	_ =	shalt  }
0x81: {  	_ =	shalt  }
0x82: {  	_ =	shalt  }
0x83: {  	_ =	shalt  }
0x84: {  	_ =	shalt  }
0x85: {  	_ =	shalt  }
0x86: {  	_ =	shalt  }
0x87: {  	_ =	shalt  }
.Lfunc_end0:
.L_simem_size_0:
called_computation_lowered:
.L_overlay_start_0:
0x88: {  	s2 =	sld [smem:$0x3FD9]  }
0x89: {  	s3 =	sld [smem:$0x3FFE];
	_ =	sdelay $0x1  }
0x8a: {  	s1 =	srdreg.scid  }
0x8b: {  	s0 =	sand.u32 $0x1, s1  }
0x8c: {  	s15 =	sshll.u32 s0, $0xA;
	s2 =	sadd.s32 s3, s2  }
0x8d: {  	s2 =	sadd.s32 s2, s15  }
0x8e: {  	[smem:$0x3FBC] =	sst s2  }
0x8f: {  	_ = 	snop  }
0x90: {  	s2 =	sld [smem:$0x3FD0];
	_ =	sdelay $0x2  }
0x91: {  	s16 =	simm.s32 $0xB;
	s4 =	simm.s32 $0x10  }
0x92: {  	[smem:s4], [sflag:s16] =	dma.local [hbm:s2], $0x1  }
0x93: {  	_ =	swait.eq [sflag:s16], $0x1  }
0x94: {  	s17 =	sld [smem:$0x10]  }
0x95: {  	s18 =	sld [smem:$0x11];
	[sflag:s16] =	ssyncset.done $0x0  }
0x96: {  	s5 =	sld [smem:$0x12];
	[sflag:s16] =	ssyncadd.s32 $0xFFFFFFFF  }
0x97: {  	s19 =	sld [smem:$0x13];
	(tm) =	ssettm $0x1  }
0x98: {  	s6 =	sld [smem:$0x3FFB];
	_ =	sdelay $0x3  }
0x99: {  	_ =	strace s6  }
0x9a: {  	s6 =	sld [smem:$0x3FFC];
	_ =	sdelay $0x3  }
0x9b: {  	_ =	strace s6  }
0x9c: {  	s6 =	sld [smem:$0x3FFD];
	_ =	sdelay $0x3  }
0x9d: {  	_ =	strace s6  }
0x9e: {  	_ =	strace $0x8FFFFFFF  }
0x9f: {  	s20 =	sld [smem:$0x3FDB];
	_ =	sdelay $0x1  }
0xa0: {  	s7 =	simm.s32 $_scs_section_size  }
0xa1: {  	s8 =	simm.s32 $_size__tile_overlayer_lowered;
	s9 =	simm.s32 $_tile_overlayer_lowered  }
0xa2: {  	s23 =	simm.s32 $0x1BFF;
	s22 =	sshll.u32 s9, $0x1;
	s6 =	sadd.s32 s7, s20  }
0xa3: {  	s10 =	simm.s32 $0x0;
	s21 =	sshll.u32 s8, $0x1;
	s8 =	sadd.s32 s22, s6  }
0xa4: {  	[timem:s10], [sflag:s23] =	dma.local [hbm:s8], s21  }
0xa5: {  	_ =	swait.ge [sflag:s23], s21  }
0xa6: {  	s7 =	ssub.s32 $0x0, s21;
	[sflag:s23] =	ssyncset.done $0x0  }
0xa7: {  	[sflag:s23] =	ssyncadd.s32 s7;
	_ =	sdelay $0x1  }
0xa8: {  	s24 =	simm.s32 $0x1B8B  }
0xa9: {  	_ =	swait.ge [sflag:s24], $0x1  }
0xaa: {  	[sflag:s24] =	ssyncset.done $0x0  }
0xab: {  	s25 =	simm.s32 $0x1B8E;
	[sflag:s24] =	ssyncadd.s32 $0xFFFFFFFF  }
0xac: {  	s26 =	simm.s32 $execute0_lowered;
	[smem:$0x3FD2] =	sst s25  }
0xad: {  	s7 =	sshll.u32 s26, $0x1;
	_ =	strace $0x80000046;
	[dreg:$0x1] =	wrdreg $0xFFFFFFFF  }
0xae: {  	s28 =	simm.s32 $_size_execute0_lowered;
	s6 =	sadd.s32 s6, s7;
	[dreg:$0x0] =	wrdreg $0x0  }
0xaf: {  	s7 =	sshll.u32 s28, $0x1;
	[dreg:$0x2] =	wrdreg s6  }
0xb0: {  	[dreg:$0x3] =	wrdreg s7  }
0xb1: {  	[dreg:$0x4] =	wrdreg $0xC0  }
0xb2: {  	_ =	task [dreg:s10], $0x5FFFF  }
0xb3: {  	[dreg:$0x1] =	wrdreg $0xFFFFFFFF  }
0xb4: {  	[dreg:$0x0] =	wrdreg $0x60  }
0xb5: {  	[dreg:$0x2] =	wrdreg s18  }
0xb6: {  	[dreg:$0x3] =	wrdreg s17  }
0xb7: {  	[dreg:$0x4] =	wrdreg s19  }
0xb8: {  	[dreg:$0x5] =	wrdreg s5  }
0xb9: {  	[dreg:$0x6] =	wrdreg $0x9  }
0xba: {  	_ =	task.clear_ibuf [dreg:s10], $0x7FFFF;
	_ =	strace $0x90000046  }
0xbb: {  	s29 =	simm.s32 $0x9;
	_ =	strace $0x80000048  }
0xbc: {  	_ =	swait.ge [sflag:s29], $0x1  }
0xbd: {  	[sflag:s29] =	ssyncadd.s32 $0xFFFFFFFF  }
0xbe: {  	_ =	strace $0x90000048  }
0xbf: {  	_ =	sfence  }
0xc0: {  	s30 =	sld [smem:$0x0];
	_ =	sdelay $0x2  }
0xc1: {  	s31 =	sshll.u32 s1, $0xD;
	s1 =	sshrl.u32 s1, $0x2  }
0xc2: {  	s3 =	sand.u32 $0x4000, s31;
	s1 =	sadd.s32 s1, s30  }
0xc3: {  	s0 =	sor.u32 s3, s0;
	s1 =	sshll.u32 s1, $0x11  }
0xc4: {  	s0 =	sor.u32 s1, s0  }
0xc5: {  	s0 =	sadd.s32 $0x8F2B, s0  }
0xc6: {  	[sflag:s0] =	ssyncadd.remote.s32 $0x1  }
0xc7: {  	_ =	sfence.sel $0xFFFF  }
0xc8: {  	[dreg:$0x0] =	wrdreg $0xFFFFFFFF;
	(pc) =	sbr.abs _section_cstart, $3  }
0xc9: {  	[dreg:$0x1] =	wrdreg $0xFFFFFFFF  }
0xca: {  	_ =	task.clear_ibuf [dreg:s10], $0x2FFFF;
	_ =	strace $0x9FFFFFFF  }
0xcb: {  	(tm) =	ssettm $0x7FFFFFFF  }
tec
execute0_lowered:
.L_overlay_start_1:
0x0: {  	(tag) =	ssettag $0x1  }
0x1: {  	s3 =	rddreg [dreg:$0x0]  }
0x2: {  	s1 =	srdreg.scid;
	s0 =	stileid.u32  }
0x3: {  	s5 =	rddreg [dreg:$0x1];
	s6 =	sand.u32 $0x1, s1;
	s31 =	sshll.u32 s0, $0x1  }
0x4: {  	s4 =	rddreg [dreg:$0x2];
	s8 =	sor.u32 s6, s31  }
0x5: {  	s7 =	rddreg [dreg:$0x3];
	s2 =	simm.s32 $0x0;
	s9 =	smul.u32 $0x4F0, s8  }
0x6: {  	[smem:$0x7FF] =	sst s2;
	s6 =	ssub.s32 $0x2, s6;
	s8 =	smul.u32 $0x500, s8  }
0x7: {  	s1 =	rddreg [dreg:$0x4];
	_ =	strace $0x80000047;
	s10 =	sshrl.u32 s6, $0x1  }
0x8: {  	s10 =	ssub.s32 s6, s10;
	s3 =	sadd.s32 s3, s9;
	s4 =	sadd.s32 s4, s8  }
0x9: {  	s5 =	sadd.s32 s5, s9;
	s6 =	sadd.s32 s7, s8;
	s7 =	smax.u32 s10, $0x1  }
0xa: {  	v0 =	vimm.f32 $0.0e+00;
	v1 =	vimm.f32 $1.000000000e+00;
	s8 =	simm.s32 $0x1;
	s9 =	simm.s32 $0x2780;
	s10 =	simm.s32 $0x0  }
.LBB2_1:
0xb: {  	s11 =	simm.s32 $0x40;
	s12 =	simm.s32 $0x0  }
.LBB2_2:
0xc: {  	p0 =	sne.s32 s11, $0x9FC0;
	[tilespmem:s12+$0x2780] =	vst v0;
	s12 =	smov.u32 s11;
	s11 =	sadd.s32 $0x40, s11  }
.Ltmp0:
0xd: {  	(pc) =	sbr.rel @p0 .LBB2_2-.Ltmp0, $2  }
0xe: {  	_ =	sdelay $0x2  }
0xf: {  	s12 =	sshra.s32 s12, $0x2  }
0x10: {  	[tilespmem:s12+$0x2780] =	vst v0;
	s11 =	simm.s32 $0x0  }
0x11: {  	[tilespmem:s11], [sflag:$0x1] =	stream.linear.gather [hbm4b:s3+s11], $0x2780, $0x38;
	[tilespmem:$0x4F80] =	vst v63  }
0x12: {  	_ =	swait.ge [sflag:s8], $0x2780  }
0x13: {  	[sflag:s8] =	ssyncset.done $0x0  }
0x14: {  	[sflag:s8] =	ssyncadd.s32 $0xFFFFD880  }
.LBB2_4:
0x15: {  	s12 =	sshra.s32 s11, $0x2  }
0x16: {  	v2 =	vld [tilespmem:s12+$0x0];
	_ =	sdelay $0x7  }
0x17: {  	[tilespmem:v2+s9+$0x0] =	vst.idx.add.f32.msk $0xffff, v1  }
0x18: {  	v2 =	vld [tilespmem:s12+$0x10];
	_ =	sdelay $0x7  }
0x19: {  	[tilespmem:v2+s9+$0x0] =	vst.idx.add.f32.msk $0xffff, v1  }
0x1a: {  	v2 =	vld [tilespmem:s12+$0x20];
	_ =	sdelay $0x7  }
0x1b: {  	[tilespmem:v2+s9+$0x0] =	vst.idx.add.f32.msk $0xffff, v1  }
0x1c: {  	v2 =	vld [tilespmem:s12+$0x30];
	_ =	sdelay $0x7  }
0x1d: {  	[tilespmem:v2+s9+$0x0] =	vst.idx.add.f32.msk $0xffff, v1  }
0x1e: {  	v2 =	vld [tilespmem:s12+$0x40];
	_ =	sdelay $0x7  }
0x1f: {  	[tilespmem:v2+s9+$0x0] =	vst.idx.add.f32.msk $0xffff, v1  }
0x20: {  	v2 =	vld [tilespmem:s12+$0x50];
	_ =	sdelay $0x7  }
0x21: {  	[tilespmem:v2+s9+$0x0] =	vst.idx.add.f32.msk $0xffff, v1  }
0x22: {  	v2 =	vld [tilespmem:s12+$0x60];
	_ =	sdelay $0x7  }
0x23: {  	[tilespmem:v2+s9+$0x0] =	vst.idx.add.f32.msk $0xffff, v1  }
0x24: {  	v2 =	vld [tilespmem:s12+$0x70];
	_ =	sdelay $0x2  }
0x25: {  	p0 =	sne.s32 s11, $0x9C00  }
.Ltmp1:
0x26: {  	_ = 	snop;
	(pc) =	sbr.rel @p0 .LBB2_4-.Ltmp1, $2  }
0x27: {  	_ =	sdelay $0x2  }
0x28: {  	s11 =	sadd.s32 $0x200, s11;
	[tilespmem:v2+s9+$0x0] =	vst.idx.add.f32.msk $0xffff, v1  }
0x29: {  	s11 =	simm.s32 $0x0  }
0x2a: {  	[hbm4b:s4+s11] =	stream.linear.scatter [tilespmem:s9], [sflag:$0x1], $0x2800, $0x38;
	[tilespmem:$0x4F80] =	vst v63  }
0x2b: {  	_ =	swait.ge [sflag:s8], $0x2800  }
0x2c: {  	[sflag:s8] =	ssyncset.done $0x0  }
0x2d: {  	s12 =	simm.s32 $0x0;
	s11 =	simm.s32 $0x40;
	[sflag:s8] =	ssyncadd.s32 $0xFFFFD800  }
.LBB2_6:
0x2e: {  	p0 =	sne.s32 s11, $0x9FC0;
	[tilespmem:s12+$0x2780] =	vst v0;
	s12 =	smov.u32 s11;
	s11 =	sadd.s32 $0x40, s11  }
.Ltmp2:
0x2f: {  	(pc) =	sbr.rel @p0 .LBB2_6-.Ltmp2, $2  }
0x30: {  	_ =	sdelay $0x2  }
0x31: {  	s12 =	sshra.s32 s12, $0x2  }
0x32: {  	[tilespmem:s12+$0x2780] =	vst v0;
	s11 =	simm.s32 $0x0  }
0x33: {  	[tilespmem:s11], [sflag:$0x1] =	stream.linear.gather [hbm4b:s5+s11], $0x2780, $0x38;
	[tilespmem:$0x4F80] =	vst v63  }
0x34: {  	_ =	swait.ge [sflag:s8], $0x2780  }
0x35: {  	[sflag:s8] =	ssyncset.done $0x0  }
0x36: {  	[sflag:s8] =	ssyncadd.s32 $0xFFFFD880  }
.LBB2_8:
0x37: {  	s12 =	sshra.s32 s11, $0x2  }
0x38: {  	v2 =	vld [tilespmem:s12+$0x0];
	_ =	sdelay $0x7  }
0x39: {  	[tilespmem:v2+s9+$0x0] =	vst.idx.add.f32.msk $0xffff, v1  }
0x3a: {  	v2 =	vld [tilespmem:s12+$0x10];
	_ =	sdelay $0x7  }
0x3b: {  	[tilespmem:v2+s9+$0x0] =	vst.idx.add.f32.msk $0xffff, v1  }
0x3c: {  	v2 =	vld [tilespmem:s12+$0x20];
	_ =	sdelay $0x7  }
0x3d: {  	[tilespmem:v2+s9+$0x0] =	vst.idx.add.f32.msk $0xffff, v1  }
0x3e: {  	v2 =	vld [tilespmem:s12+$0x30];
	_ =	sdelay $0x7  }
0x3f: {  	[tilespmem:v2+s9+$0x0] =	vst.idx.add.f32.msk $0xffff, v1  }
0x40: {  	v2 =	vld [tilespmem:s12+$0x40];
	_ =	sdelay $0x7  }
0x41: {  	[tilespmem:v2+s9+$0x0] =	vst.idx.add.f32.msk $0xffff, v1  }
0x42: {  	v2 =	vld [tilespmem:s12+$0x50];
	_ =	sdelay $0x7  }
0x43: {  	[tilespmem:v2+s9+$0x0] =	vst.idx.add.f32.msk $0xffff, v1  }
0x44: {  	v2 =	vld [tilespmem:s12+$0x60];
	_ =	sdelay $0x7  }
0x45: {  	[tilespmem:v2+s9+$0x0] =	vst.idx.add.f32.msk $0xffff, v1  }
0x46: {  	v2 =	vld [tilespmem:s12+$0x70];
	_ =	sdelay $0x2  }
0x47: {  	p0 =	sne.s32 s11, $0x9C00  }
.Ltmp3:
0x48: {  	_ = 	snop;
	(pc) =	sbr.rel @p0 .LBB2_8-.Ltmp3, $2  }
0x49: {  	_ =	sdelay $0x2  }
0x4a: {  	s11 =	sadd.s32 $0x200, s11;
	[tilespmem:v2+s9+$0x0] =	vst.idx.add.f32.msk $0xffff, v1  }
0x4b: {  	s10 =	sadd.s32 $0x1, s10  }
0x4c: {  	p0 =	sne.s32 s10, s7  }
.Ltmp4:
0x4d: {  	_ = 	snop;
	(pc) =	sbr.rel @p0 .LBB2_1-.Ltmp4, $4  }
0x4e: {  	[hbm4b:s6+s2] =	stream.linear.scatter [tilespmem:s9], [sflag:$0x1], $0x2800, $0x38;
	[tilespmem:$0x4F80] =	vst v63  }
0x4f: {  	_ =	swait.ge [sflag:s8], $0x2800  }
0x50: {  	[sflag:s8] =	ssyncset.done $0x0  }
0x51: {  	[sflag:s8] =	ssyncadd.s32 $0xFFFFD800  }
0x52: {  	_ =	sfence.sel $0x180000  }
0x53: {  	[bflag:$0x0] =	sbarrier.arrive $0xFFFF  }
0x54: {  	p0 =	sne.s32 s0, $0x0;
	_ =	strace $0x90000047  }
0x55: {  	s0 =	sadd.s32 @!p0 $0x100000, s1;
	[bflag:$0x2] =	sbarrier.arrive $0xFFFF  }
0x56: {  	[sflag:s0] =	ssyncadd.tile.s32 @!p0 $0x1;
	_ =	shalt  }
.Lfunc_end2:
_tile_overlayer_lowered:
.L_overlay_start_2:
0x57: {  	(tag) =	ssettag $0x2  }
0x58: {  	s0 =	rddreg [dreg:$0x0];
	s2 =	stileid.u32  }
0x59: {  	s1 =	rddreg [dreg:$0x1];
	p0 =	sne.s32 s2, $0x0  }
0x5a: {  	s3 =	rddreg [dreg:$0x2];
	[bflag:$0x3] =	sbarrier.arrive $0xFFFF;
	s2 =	simm.s32 @!p0 $0x1C01  }
0x5b: {  	[timem:s3], [sflag:s2] =	dma.local @!p0 [hbm:s0], s1  }
0x5c: {  	s0 =	simm.s32 @!p0 $0x1  }
0x5d: {  	_ =	swait.ge @!p0 [sflag:s0], s1  }
0x5e: {  	s1 =	ssub.s32 @!p0 $0x0, s1;
	[sflag:s0] =	ssyncset.done @!p0 $0x0  }
0x5f: {  	[sflag:s0] =	ssyncadd.s32 @!p0 s1  }
0x60: {  	[bflag:$0x3] =	sbarrier.arrive $0xFFFF  }
0x61: {  	_ =	shalt  }

// kernel: kernel.17.cloned.1.call-start
scs
__scs_entry_jumppad:
0x0: {  	(pc) =	sbr.rel $0x88, $3  }
0x1: {  	(tag) =	ssettag $0x0;
	lr =	simm.s32 $0x1  }
0x2: {  	[smem:$0x3F95] =	sst lr;
	_ =	strace $0xD0000000  }
0x3: {  	_ = 	snop  }
0x4: {  	_ = 	snop  }
0x5: {  	_ = 	snop  }
0x6: {  	_ = 	snop  }
0x7: {  	_ = 	snop  }
__scs_overlays_trampoline_lowered:
0x8: {  	[smem:$0x3FA4] =	sst s0  }
0x9: {  	[smem:$0x3FA5] =	sst s1  }
0xa: {  	[smem:$0x3FA6] =	sst s2  }
0xb: {  	[smem:$0x3FA7] =	sst s3  }
0xc: {  	[smem:$0x3FA8] =	sst s4  }
0xd: {  	[smem:$0x3FA9] =	sst s5  }
0xe: {  	[smem:$0x3FAA] =	sst s6  }
0xf: {  	[smem:$0x3FAB] =	sst s7  }
0x10: {  	[smem:$0x3FAC] =	sst s8  }
0x11: {  	[smem:$0x3FAD] =	sst s9;
	s0 =	simm.s32 @!p0 $0x0  }
0x12: {  	s1 =	sld [smem:$0x3F93];
	s0 =	simm.s32 @p0 $0x1  }
0x13: {  	[smem:$0x3FAE] =	sst s0;
	s0 =	simm.s32 @!p1 $0x0  }
0x14: {  	s2 =	sld [smem:$0x3F92];
	s0 =	simm.s32 @p1 $0x1  }
0x15: {  	[smem:$0x3FAF] =	sst s0;
	s0 =	simm.s32 @!p2 $0x0  }
0x16: {  	s3 =	sld [smem:$0x3FDB];
	s0 =	simm.s32 @p2 $0x1  }
0x17: {  	s4 =	simm.s32 $0x1BF5;
	[smem:$0x3FB1] =	sst s0  }
0x18: {  	s0 =	sld [smem:$0x3F94];
	_ =	swait.ge [sflag:s4], $0x0  }
0x19: {  	s7 =	sld [smem:$0x3F95]  }
0x1a: {  	s8 =	sadd.s32 $0xFFFFE003, lr  }
0x1b: {  	s9 =	sadd.s32 $0xFFFFFEF7, lr;
	s5 =	simm.s32 $0xFFFFFFFF;
	p2 =	slt.u32 s8, $0xFFFFF086  }
0x1c: {  	p1 =	slt.u32 s9, $0xF7A;
	s5 =	simm.s32 @!p2 $0x0  }
0x1d: {  	s5 =	simm.s32 @p1 $0x1;
	p0 =	seq.s32 s7, s2  }
0x1e: {  	s7 =	smul.u32 @!p0 $0xF7A, s2;
	p2 =	seq.s32 @!p0 s5, $0x0  }
0x1f: {  	s9 =	smul.u32 $0xF7A, s1;
	s8 =	simm.s32 @!p0 $0x1BF5;
	p2 =	por !p2, p0  }
0x20: {  	[sflag:s8] =	ssyncset.s32 @!p0 $0xFFFFF086;
	s6 =	sadd.s32 @!p0 s3, s7;
	s7 =	simm.s32 @!p0 $0x108  }
0x21: {  	s3 =	sadd.s32 s3, s9;
	s6 =	sadd.s32 @!p0 $0x88, s6;
	s7 =	simm.s32 @p2 $0x1082  }
0x22: {  	[simem:s7], [sflag:s8] =	dma.local @!p0 [hbm:s6], $0xF7A  }
0x23: {  	s9 =	sor.u32 $0xD0000000, s2;
	s6 =	simm.s32 $0x108;
	_ =	swait.ge @!p0 [sflag:s8], $0x0  }
0x24: {  	s3 =	sadd.s32 $0x88, s3;
	s6 =	simm.s32 @!p1 $0x1082;
	[sflag:s4] =	ssyncset.s32 $0xFFFFF086  }
0x25: {  	[simem:s6], [sflag:s4] =	dma.local [hbm:s3], $0xF7A  }
0x26: {  	[smem:$0x3F95] =	sst s1;
	(tag) =	ssettag s2;
	_ =	strace s9  }
0x27: {  	s1 =	sld [smem:$0x3FA5]  }
0x28: {  	s2 =	sld [smem:$0x3FA6]  }
0x29: {  	s4 =	sld [smem:$0x3FA8]  }
0x2a: {  	p0 =	seq.s32 s5, $0x0;
	s5 =	sld [smem:$0x3FA9]  }
0x2b: {  	s6 =	sld [smem:$0x3FAA]  }
0x2c: {  	s7 =	sld [smem:$0x3FAB]  }
0x2d: {  	s3 =	simm.s32 $0x108;
	s8 =	sld [smem:$0x3FAC]  }
0x2e: {  	s3 =	simm.s32 @!p0 $0x1082;
	s9 =	sld [smem:$0x3FAD]  }
0x2f: {  	lr =	sadd.s32 s0, s3;
	s0 =	sld [smem:$0x3FA4]  }
0x30: {  	s3 =	sld [smem:$0x3FA7]  }
0x31: {  	[smem:$0x3FB0] =	sst s10  }
0x32: {  	s10 =	sld [smem:$0x3FAE];
	_ =	sdelay $0x3  }
0x33: {  	p0 =	seq.s32 s10, $0x1;
	s10 =	sld [smem:$0x3FB0];
	_ =	sdelay $0x3  }
0x34: {  	[smem:$0x3FB0] =	sst s10  }
0x35: {  	s10 =	sld [smem:$0x3FAF];
	_ =	sdelay $0x3  }
0x36: {  	p1 =	seq.s32 s10, $0x1;
	s10 =	sld [smem:$0x3FB0];
	_ =	sdelay $0x3  }
0x37: {  	[smem:$0x3FB0] =	sst s10  }
0x38: {  	s10 =	sld [smem:$0x3FB1]  }
0x39: {  	_ = 	snop;
	(pc) =	sbr.ind lr, $3  }
0x3a: {  	_ = 	snop  }
0x3b: {  	_ = 	snop  }
0x3c: {  	p2 =	seq.s32 s10, $0x1;
	s10 =	sld [smem:$0x3FB0]  }
0x3d: {  	_ =	shalt  }
0x3e: {  	_ =	shalt  }
0x3f: {  	_ =	shalt  }
0x40: {  	_ =	shalt  }
0x41: {  	_ =	shalt  }
0x42: {  	_ =	shalt  }
0x43: {  	_ =	shalt  }
0x44: {  	_ =	shalt  }
0x45: {  	_ =	shalt  }
0x46: {  	_ =	shalt  }
0x47: {  	_ =	shalt  }
0x48: {  	_ =	shalt  }
0x49: {  	_ =	shalt  }
0x4a: {  	_ =	shalt  }
0x4b: {  	_ =	shalt  }
0x4c: {  	_ =	shalt  }
0x4d: {  	_ =	shalt  }
0x4e: {  	_ =	shalt  }
0x4f: {  	_ =	shalt  }
0x50: {  	_ =	shalt  }
0x51: {  	_ =	shalt  }
0x52: {  	_ =	shalt  }
0x53: {  	_ =	shalt  }
0x54: {  	_ =	shalt  }
0x55: {  	_ =	shalt  }
0x56: {  	_ =	shalt  }
0x57: {  	_ =	shalt  }
0x58: {  	_ =	shalt  }
0x59: {  	_ =	shalt  }
0x5a: {  	_ =	shalt  }
0x5b: {  	_ =	shalt  }
0x5c: {  	_ =	shalt  }
0x5d: {  	_ =	shalt  }
0x5e: {  	_ =	shalt  }
0x5f: {  	_ =	shalt  }
0x60: {  	_ =	shalt  }
0x61: {  	_ =	shalt  }
0x62: {  	_ =	shalt  }
0x63: {  	_ =	shalt  }
0x64: {  	_ =	shalt  }
0x65: {  	_ =	shalt  }
0x66: {  	_ =	shalt  }
0x67: {  	_ =	shalt  }
0x68: {  	_ =	shalt  }
0x69: {  	_ =	shalt  }
0x6a: {  	_ =	shalt  }
0x6b: {  	_ =	shalt  }
0x6c: {  	_ =	shalt  }
0x6d: {  	_ =	shalt  }
0x6e: {  	_ =	shalt  }
0x6f: {  	_ =	shalt  }
0x70: {  	_ =	shalt  }
0x71: {  	_ =	shalt  }
0x72: {  	_ =	shalt  }
0x73: {  	_ =	shalt  }
0x74: {  	_ =	shalt  }
0x75: {  	_ =	shalt  }
0x76: {  	_ =	shalt  }
0x77: {  	_ =	shalt  }
0x78: {  	_ =	shalt  }
0x79: {  	_ =	shalt  }
0x7a: {  	_ =	shalt  }
0x7b: {  	_ =	shalt  }
0x7c: {  	_ =	shalt  }
0x7d: {  	_ =	shalt  }
0x7e: {  	_ =	shalt  }
0x7f: {  	_ =	shalt  }
0x80: {  	_ =	shalt  }
0x81: {  	_ =	shalt  }
0x82: {  	_ =	shalt  }
0x83: {  	_ =	shalt  }
0x84: {  	_ =	shalt  }
0x85: {  	_ =	shalt  }
0x86: {  	_ =	shalt  }
0x87: {  	_ =	shalt  }
.Lfunc_end0:
.L_simem_size_0:
called_computation.1_lowered:
.L_overlay_start_0:
0x88: {  	s2 =	sld [smem:$0x3FD9]  }
0x89: {  	s3 =	sld [smem:$0x3FFE];
	_ =	sdelay $0x1  }
0x8a: {  	s1 =	srdreg.scid  }
0x8b: {  	s0 =	sand.u32 $0x1, s1  }
0x8c: {  	s15 =	sshll.u32 s0, $0xA;
	s2 =	sadd.s32 s3, s2  }
0x8d: {  	s2 =	sadd.s32 s2, s15  }
0x8e: {  	[smem:$0x3FBC] =	sst s2  }
0x8f: {  	_ = 	snop  }
0x90: {  	s2 =	sld [smem:$0x3FD0];
	_ =	sdelay $0x2  }
0x91: {  	s16 =	simm.s32 $0xB;
	s4 =	simm.s32 $0x10  }
0x92: {  	[smem:s4], [sflag:s16] =	dma.local [hbm:s2], $0x1  }
0x93: {  	_ =	swait.eq [sflag:s16], $0x1  }
0x94: {  	[sflag:s16] =	ssyncset.done $0x0  }
0x95: {  	[sflag:s16] =	ssyncadd.s32 $0xFFFFFFFF  }
0x96: {  	s17 =	sld [smem:$0x11];
	(tm) =	ssettm $0x1  }
0x97: {  	s18 =	sld [smem:$0x3FFB];
	_ =	sdelay $0x3  }
0x98: {  	_ =	strace s18  }
0x99: {  	s2 =	sld [smem:$0x3FFC];
	_ =	sdelay $0x3  }
0x9a: {  	_ =	strace s2  }
0x9b: {  	s2 =	sld [smem:$0x3FFD];
	_ =	sdelay $0x3  }
0x9c: {  	_ =	strace s2  }
0x9d: {  	_ =	strace $0x8FFFFFFF  }
0x9e: {  	s19 =	sld [smem:$0x3FDB];
	_ =	sdelay $0x1  }
0x9f: {  	s20 =	simm.s32 $_scs_section_size  }
0xa0: {  	s5 =	simm.s32 $_size__tile_overlayer_lowered;
	s6 =	simm.s32 $_tile_overlayer_lowered  }
0xa1: {  	s7 =	simm.s32 $0x1BFF;
	s21 =	sshll.u32 s6, $0x1;
	s4 =	sadd.s32 s20, s19  }
0xa2: {  	s22 =	simm.s32 $0x0;
	s5 =	sshll.u32 s5, $0x1;
	s6 =	sadd.s32 s21, s4  }
0xa3: {  	[timem:s22], [sflag:s7] =	dma.local [hbm:s6], s5  }
0xa4: {  	_ =	swait.ge [sflag:s7], s5  }
0xa5: {  	s5 =	ssub.s32 $0x0, s5;
	[sflag:s7] =	ssyncset.done $0x0  }
0xa6: {  	[sflag:s7] =	ssyncadd.s32 s5;
	_ =	sdelay $0x1  }
0xa7: {  	s23 =	simm.s32 $0x1B8B  }
0xa8: {  	_ =	swait.ge [sflag:s23], $0x1  }
0xa9: {  	[sflag:s23] =	ssyncset.done $0x0  }
0xaa: {  	[sflag:s23] =	ssyncadd.s32 $0xFFFFFFFF  }
0xab: {  	s5 =	sld [smem:$0x0]  }
0xac: {  	s6 =	sand.u32 $0xFFFFFFFE, s1  }
0xad: {  	p0 =	sne.s32 s1, s6  }
0xae: {  	s6 =	sshll.u32 @p0 s6, $0xE  }
0xaf: {  	s6 =	sadd.s32 @p0 $0x11B8D, s6;
	s7 =	sshll.u32 @p0 s5, $0x11  }
0xb0: {  	s6 =	sor.u32 @p0 s7, s6  }
0xb1: {  	[sflag:s6] =	ssyncadd.remote.s32 @p0 $0x1;
	_ =	sdelay $0x1  }
0xb2: {  	s6 =	simm.s32 @p0 $0x1B8D  }
0xb3: {  	_ =	swait.eq @p0 [sflag:s6], $0x1  }
0xb4: {  	[sflag:s6] =	ssyncadd.s32 @p0 $0xFFFFFFFF  }
0xb5: {  	s7 =	sshll.u32 @!p0 s1, $0xE  }
0xb6: {  	s7 =	sor.u32 @!p0 $0x4000, s7;
	s6 =	simm.s32 @!p0 $0x1B8D  }
0xb7: {  	s5 =	sshll.u32 @!p0 s5, $0x11;
	s7 =	sadd.s32 @!p0 $0x11B8D, s7;
	_ =	swait.eq @!p0 [sflag:s6], $0x1  }
0xb8: {  	s5 =	sor.u32 @!p0 s5, s7;
	[sflag:s6] =	ssyncadd.s32 @!p0 $0xFFFFFFFF  }
0xb9: {  	s25 =	simm.s32 $0x1B8E;
	s24 =	sld [smem:$0x3FFE];
	[sflag:s5] =	ssyncadd.remote.s32 @!p0 $0x1  }
0xba: {  	s26 =	simm.s32 $execute0_lowered;
	[smem:$0x3FD2] =	sst s25  }
0xbb: {  	s6 =	sshll.u32 s26, $0x1;
	_ =	strace $0x8000004C;
	[dreg:$0x1] =	wrdreg $0xFFFFFFFF  }
0xbc: {  	s28 =	simm.s32 $_size_execute0_lowered;
	s4 =	sadd.s32 s4, s6;
	[dreg:$0x0] =	wrdreg $0x0  }
0xbd: {  	s6 =	sshll.u32 s28, $0x1;
	[dreg:$0x2] =	wrdreg s4  }
0xbe: {  	[dreg:$0x3] =	wrdreg s6  }
0xbf: {  	[dreg:$0x4] =	wrdreg $0xC0  }
0xc0: {  	_ =	task [dreg:s22], $0x5FFFF  }
0xc1: {  	[dreg:$0x1] =	wrdreg $0xFFFFFFFF  }
0xc2: {  	[dreg:$0x0] =	wrdreg $0x60  }
0xc3: {  	[dreg:$0x2] =	wrdreg s24  }
0xc4: {  	[dreg:$0x3] =	wrdreg s17  }
0xc5: {  	[dreg:$0x4] =	wrdreg $0xDE000  }
0xc6: {  	[dreg:$0x5] =	wrdreg $0x9  }
0xc7: {  	_ =	task.clear_ibuf [dreg:s22], $0x6FFFF;
	_ =	strace $0x9000004C  }
0xc8: {  	s29 =	simm.s32 $0x9;
	_ =	strace $0x8000004E  }
0xc9: {  	_ =	swait.ge [sflag:s29], $0x1  }
0xca: {  	[sflag:s29] =	ssyncadd.s32 $0xFFFFFFFF  }
0xcb: {  	_ =	strace $0x9000004E  }
0xcc: {  	_ =	sfence  }
0xcd: {  	s30 =	sld [smem:$0x0];
	_ =	sdelay $0x2  }
0xce: {  	s31 =	sshll.u32 s1, $0xD;
	s1 =	sshrl.u32 s1, $0x2  }
0xcf: {  	s4 =	sand.u32 $0x4000, s31;
	s1 =	sadd.s32 s1, s30  }
0xd0: {  	s0 =	sor.u32 s4, s0;
	s1 =	sshll.u32 s1, $0x11  }
0xd1: {  	s0 =	sor.u32 s1, s0  }
0xd2: {  	s0 =	sadd.s32 $0x8F2B, s0  }
0xd3: {  	[sflag:s0] =	ssyncadd.remote.s32 $0x1  }
0xd4: {  	_ =	sfence.sel $0xFFFF  }
0xd5: {  	[dreg:$0x0] =	wrdreg $0xFFFFFFFF;
	(pc) =	sbr.abs _section_cstart, $3  }
0xd6: {  	[dreg:$0x1] =	wrdreg $0xFFFFFFFF  }
0xd7: {  	_ =	task.clear_ibuf [dreg:s22], $0x2FFFF;
	_ =	strace $0x9FFFFFFF  }
0xd8: {  	(tm) =	ssettm $0x7FFFFFFF  }
0xd9: {  	_ =	shalt  }
tec
execute0_lowered:
.L_overlay_start_1:
0x0: {  	(tag) =	ssettag $0x1  }
0x1: {  	s7 =	rddreg [dreg:$0x0]  }
0x2: {  	s9 =	rddreg [dreg:$0x1]  }
0x3: {  	s2 =	rddreg [dreg:$0x2]  }
0x4: {  	s0 =	rddreg [dreg:$0x3];
	s1 =	stileid.u32  }
0x5: {  	s4 =	srdreg.scid;
	s3 =	simm.s32 $0x0;
	s16 =	simm.s32 $0x9E00  }
0x6: {  	s17 =	simm.s32 $0xBE00;
	s18 =	simm.s32 $0x1;
	s19 =	simm.s32 $0x100  }
0x7: {  	s20 =	simm.s32 $0x2;
	s21 =	simm.s32 $0x3;
	s22 =	simm.s32 $0x9C80  }
0x8: {  	s23 =	simm.s32 $0x4E80;
	s24 =	simm.s32 $0x9D00;
	s25 =	simm.s32 $0x9D80  }
0x9: {  	s26 =	simm.s32 $0x0;
	s10 =	sand.u32 $0x1, s4;
	s8 =	smul.u32 $0xA000, s1  }
0xa: {  	[smem:$0x7FF] =	sst s3;
	s11 =	smul.u32 $0x9E0, s1;
	s4 =	sadd.s32 $0x11D200, s7  }
0xb: {  	s5 =	sadd.s32 $0x109200, s7;
	s31 =	sshll.u32 s1, $0x6;
	s6 =	smul.u32 $0xA0000, s10  }
0xc: {  	_ =	strace $0x8000004D;
	s14 =	ssub.s32 $0x2, s10;
	p0 =	seq.s32 s10, $0x1  }
0xd: {  	s12 =	sadd.s32 s11, s7;
	s30 =	sshrl.u32 s14, $0x1;
	s15 =	sadd.s32 s8, s2  }
.Ltmp0:
0xe: {  	s9 =	sadd.s32 s9, s11;
	s6 =	sadd.s32 s8, s6;
	(pc) =	sbr.rel .LBB2_1-.Ltmp0, $4  }
0xf: {  	s14 =	ssub.s32 s14, s30;
	s8 =	sadd.s32 $0xAF400, s12;
	s12 =	sshrl.u32 s15, $0x3  }
0x10: {  	s15 =	simm.s32 $0x80;
	s13 =	sshrl.u32 s6, $0x3;
	s6 =	sadd.s32 $0x86000, s7  }
0x11: {  	s11 =	smax.u32 s14, $0x1;
	s14 =	simm.s32 $0x4F00;
	s13 =	sadd.s32 s13, s7  }
0x12: {  	s7 =	sor.u32 $0x1C04, s31;
	s10 =	sadd.s32 $0x131200, s13;
	s13 =	simm.s32 $0x4  }
.LBB2_7:
0x13: {  	[tilespmem:s16], [sflag:$0x1] =	stream.indirect.gather [hbm4b:s5+s15], $0x40, s29, s15, $0xb8;
	[tilespmem:$0x17E00] =	vst v63  }
0x14: {  	_ =	swait.ge [sflag:s20], $0x2000  }
0x15: {  	[sflag:s20] =	ssyncset.done $0x0  }
0x16: {  	[sflag:s20] =	ssyncadd.s32 $0xFFFFE000  }
0x17: {  	_ =	swait.ge [sflag:s21], $0x2000  }
0x18: {  	[sflag:s21] =	ssyncset.done $0x0  }
0x19: {  	[sflag:s21] =	ssyncadd.s32 $0xFFFFE000  }
0x1a: {  	[spmem:s2] =	stream.indirect.scatter.add.f32 [tilespmem:s17], [sflag:$0x3], $0x40, s22, s15, $0xb8;
	[tilespmem:$0x17E00] =	vst v63  }
0x1b: {  	_ = 	snop  }
0x1c: {  	[tilespmem:s17], [sflag:$0x2] =	stream.indirect.gather [hbm4b:s5+s15], $0x40, s23, s15, $0xb8;
	[tilespmem:$0x17E00] =	vst v63  }
.LBB2_8:
0x1d: {  	_ =	swait.ge [sflag:s18], $0x2000  }
0x1e: {  	[sflag:s18] =	ssyncset.done $0x0  }
0x1f: {  	[sflag:s18] =	ssyncadd.s32 $0xFFFFE000  }
0x20: {  	_ =	swait.ge [sflag:s21], $0x2000  }
0x21: {  	[sflag:s21] =	ssyncset.done $0x0  }
0x22: {  	[sflag:s21] =	ssyncadd.s32 $0xFFFFE000  }
0x23: {  	[spmem:s2] =	stream.indirect.scatter.add.f32 [tilespmem:s16], [sflag:$0x3], $0x40, s24, s15, $0xb8;
	[tilespmem:$0x17E00] =	vst v63  }
0x24: {  	_ =	swait.ge [sflag:s20], $0x2000  }
0x25: {  	[sflag:s20] =	ssyncset.done $0x0  }
0x26: {  	[sflag:s20] =	ssyncadd.s32 $0xFFFFE000  }
0x27: {  	_ =	swait.ge [sflag:s21], $0x2000  }
0x28: {  	[sflag:s21] =	ssyncset.done $0x0  }
0x29: {  	[sflag:s21] =	ssyncadd.s32 $0xFFFFE000  }
0x2a: {  	[spmem:s2] =	stream.indirect.scatter.add.f32 [tilespmem:s17], [sflag:$0x3], $0x40, s25, s15, $0xb8;
	[tilespmem:$0x17E00] =	vst v63  }
0x2b: {  	_ =	swait.ge [sflag:s21], $0x2000  }
0x2c: {  	s26 =	sadd.s32 $0x1, s26;
	[sflag:s21] =	ssyncset.done $0x0  }
0x2d: {  	p1 =	sne.s32 s26, s11;
	[sflag:s21] =	ssyncadd.s32 $0xFFFFE000  }
.Ltmp1:
0x2e: {  	[bflag:$0x0] =	sbarrier.arrive $0xFFFF;
	(pc) =	sbr.rel @!p1 .LBB2_9-.Ltmp1, $4  }
0x2f: {  	[hbm:s10], [sflag:s7] =	dma.local [spmem:s12], $0x1400  }
0x30: {  	_ =	swait.ge [sflag:s13], $0x1400  }
0x31: {  	[sflag:s13] =	ssyncset.done $0x0  }
0x32: {  	[sflag:s13] =	ssyncadd.s32 $0xFFFFEC00  }
.LBB2_1:
0x33: {  	[spmem:s12], [sflag:s7] =	dma.local [hbm:s6], $0x1400  }
0x34: {  	_ =	swait.ge [sflag:s13], $0x1400  }
0x35: {  	[sflag:s13] =	ssyncset.done $0x0  }
0x36: {  	[sflag:s13] =	ssyncadd.s32 $0xFFFFEC00  }
0x37: {  	[bflag:$0x0] =	sbarrier.arrive $0xFFFF  }
0x38: {  	[tilespmem:s3], [sflag:$0x4] =	stream.linear.gather [hbm4b:s8+s3], $0x4F00, $0x38;
	[tilespmem:$0x17E00] =	vst v63  }
0x39: {  	_ =	swait.ge [sflag:s13], $0x4F00  }
0x3a: {  	[sflag:s13] =	ssyncset.done $0x0  }
.Ltmp2:
0x3b: {  	[sflag:s13] =	ssyncadd.s32 $0xFFFFB100;
	(pc) =	sbr.rel @!p0 .LBB2_2-.Ltmp2, $4  }
0x3c: {  	[tilespmem:s14], [sflag:$0x4] =	stream.linear.gather [hbm4b:s9+s3], $0x4F00, $0x38;
	[tilespmem:$0x17E00] =	vst v63  }
0x3d: {  	_ =	swait.ge [sflag:s13], $0x4F00  }
0x3e: {  	[sflag:s13] =	ssyncset.done $0x0  }
0x3f: {  	[sflag:s13] =	ssyncadd.s32 $0xFFFFB100  }
0x40: {  	[tilespmem:s16], [sflag:$0x1] =	stream.indirect.gather [hbm4b:s5+s15], $0x40, s3, s15, $0xb8;
	[tilespmem:$0x17E00] =	vst v63  }
0x41: {  	_ = 	snop  }
0x42: {  	[tilespmem:s17], [sflag:$0x2] =	stream.indirect.gather [hbm4b:s5+s15], $0x40, s15, s15, $0xb8;
	[tilespmem:$0x17E00] =	vst v63  }
0x43: {  	_ =	swait.ge [sflag:s18], $0x2000  }
0x44: {  	[sflag:s18] =	ssyncset.done $0x0  }
0x45: {  	[sflag:s18] =	ssyncadd.s32 $0xFFFFE000  }
0x46: {  	[spmem:s2] =	stream.indirect.scatter.add.f32 [tilespmem:s16], [sflag:$0x3], $0x40, s14, s15, $0xb8;
	[tilespmem:$0x17E00] =	vst v63  }
0x47: {  	_ = 	snop  }
0x48: {  	[tilespmem:s16], [sflag:$0x1] =	stream.indirect.gather [hbm4b:s5+s15], $0x40, s19, s15, $0xb8;
	[tilespmem:$0x17E00] =	vst v63  }
0x49: {  	_ =	swait.ge [sflag:s20], $0x2000  }
0x4a: {  	[sflag:s20] =	ssyncset.done $0x0  }
0x4b: {  	[sflag:s20] =	ssyncadd.s32 $0xFFFFE000  }
0x4c: {  	_ =	swait.ge [sflag:s21], $0x2000  }
0x4d: {  	[sflag:s21] =	ssyncset.done $0x0  }
0x4e: {  	s28 =	simm.s32 $0x4F80;
	[sflag:s21] =	ssyncadd.s32 $0xFFFFE000  }
0x4f: {  	[spmem:s2] =	stream.indirect.scatter.add.f32 [tilespmem:s17], [sflag:$0x3], $0x40, s28, s15, $0xb8;
	[tilespmem:$0x17E00] =	vst v63  }
0x50: {  	s28 =	simm.s32 $0x180  }
0x51: {  	[tilespmem:s17], [sflag:$0x2] =	stream.indirect.gather [hbm4b:s5+s15], $0x40, s28, s15, $0xb8;
	[tilespmem:$0x17E00] =	vst v63  }
0x52: {  	_ =	swait.ge [sflag:s18], $0x2000  }
0x53: {  	[sflag:s18] =	ssyncset.done $0x0  }
0x54: {  	[sflag:s18] =	ssyncadd.s32 $0xFFFFE000  }
0x55: {  	_ =	swait.ge [sflag:s21], $0x2000  }
0x56: {  	[sflag:s21] =	ssyncset.done $0x0  }
0x57: {  	s28 =	simm.s32 $0x5000;
	[sflag:s21] =	ssyncadd.s32 $0xFFFFE000  }
0x58: {  	[spmem:s2] =	stream.indirect.scatter.add.f32 [tilespmem:s16], [sflag:$0x3], $0x40, s28, s15, $0xb8;
	[tilespmem:$0x17E00] =	vst v63  }
0x59: {  	s29 =	simm.s32 $0x200;
	s28 =	simm.s32 $0xFFFED000  }
.LBB2_6:
0x5a: {  	[tilespmem:s16], [sflag:$0x1] =	stream.indirect.gather [hbm4b:s5+s15], $0x40, s29, s15, $0xb8;
	[tilespmem:$0x17E00] =	vst v63  }
0x5b: {  	s29 =	smov.u32 s28  }
0x5c: {  	p1 =	sne.s32 s28, $0xFFFFFC00;
	s28 =	sadd.s32 $0x400, s28;
	_ =	swait.ge [sflag:s20], $0x2000  }
0x5d: {  	[sflag:s20] =	ssyncset.done $0x0  }
0x5e: {  	[sflag:s20] =	ssyncadd.s32 $0xFFFFE000  }
0x5f: {  	_ =	swait.ge [sflag:s21], $0x2000  }
0x60: {  	s29 =	sshra.s32 s29, $0x2;
	[sflag:s21] =	ssyncset.done $0x0  }
0x61: {  	s30 =	sadd.s32 $0x9C80, s29;
	[sflag:s21] =	ssyncadd.s32 $0xFFFFE000  }
0x62: {  	[spmem:s2] =	stream.indirect.scatter.add.f32 [tilespmem:s17], [sflag:$0x3], $0x40, s30, s15, $0xb8;
	[tilespmem:$0x17E00] =	vst v63  }
0x63: {  	s30 =	sadd.s32 $0x4E80, s29  }
0x64: {  	[tilespmem:s17], [sflag:$0x2] =	stream.indirect.gather [hbm4b:s5+s15], $0x40, s30, s15, $0xb8;
	[tilespmem:$0x17E00] =	vst v63  }
0x65: {  	_ =	swait.ge [sflag:s18], $0x2000  }
0x66: {  	[sflag:s18] =	ssyncset.done $0x0  }
0x67: {  	[sflag:s18] =	ssyncadd.s32 $0xFFFFE000  }
.Ltmp3:
0x68: {  	_ =	swait.ge [sflag:s21], $0x2000;
	(pc) =	sbr.rel @p1 .LBB2_6-.Ltmp3, $4  }
0x69: {  	[sflag:s21] =	ssyncset.done $0x0  }
0x6a: {  	s30 =	sadd.s32 $0x9D00, s29;
	[sflag:s21] =	ssyncadd.s32 $0xFFFFE000  }
0x6b: {  	[spmem:s2] =	stream.indirect.scatter.add.f32 [tilespmem:s16], [sflag:$0x3], $0x40, s30, s15, $0xb8;
	[tilespmem:$0x17E00] =	vst v63  }
0x6c: {  	s29 =	sadd.s32 $0x4F00, s29  }
.Ltmp4:
0x6d: {  	_ = 	snop;
	(pc) =	sbr.rel .LBB2_7-.Ltmp4, $1  }
0x6e: {  	_ =	sdelay $0x3  }
.LBB2_2:
0x6f: {  	[tilespmem:s16], [sflag:$0x1] =	stream.indirect.gather [hbm4b:s4+s15], $0x40, s3, s15, $0xb8;
	[tilespmem:$0x17E00] =	vst v63  }
0x70: {  	_ = 	snop  }
0x71: {  	[tilespmem:s17], [sflag:$0x2] =	stream.indirect.gather [hbm4b:s4+s15], $0x40, s15, s15, $0xb8;
	[tilespmem:$0x17E00] =	vst v63  }
0x72: {  	_ =	swait.ge [sflag:s18], $0x2000  }
0x73: {  	[sflag:s18] =	ssyncset.done $0x0  }
0x74: {  	[sflag:s18] =	ssyncadd.s32 $0xFFFFE000  }
0x75: {  	[spmem:s2] =	stream.indirect.scatter.add.f32 [tilespmem:s16], [sflag:$0x3], $0x40, s14, s15, $0xb8;
	[tilespmem:$0x17E00] =	vst v63  }
0x76: {  	_ = 	snop  }
0x77: {  	[tilespmem:s16], [sflag:$0x1] =	stream.indirect.gather [hbm4b:s4+s15], $0x40, s19, s15, $0xb8;
	[tilespmem:$0x17E00] =	vst v63  }
0x78: {  	_ =	swait.ge [sflag:s20], $0x2000  }
0x79: {  	[sflag:s20] =	ssyncset.done $0x0  }
0x7a: {  	[sflag:s20] =	ssyncadd.s32 $0xFFFFE000  }
0x7b: {  	_ =	swait.ge [sflag:s21], $0x2000  }
0x7c: {  	[sflag:s21] =	ssyncset.done $0x0  }
0x7d: {  	s28 =	simm.s32 $0x4F80;
	[sflag:s21] =	ssyncadd.s32 $0xFFFFE000  }
0x7e: {  	[spmem:s2] =	stream.indirect.scatter.add.f32 [tilespmem:s17], [sflag:$0x3], $0x40, s28, s15, $0xb8;
	[tilespmem:$0x17E00] =	vst v63  }
0x7f: {  	s28 =	simm.s32 $0x180  }
0x80: {  	[tilespmem:s17], [sflag:$0x2] =	stream.indirect.gather [hbm4b:s4+s15], $0x40, s28, s15, $0xb8;
	[tilespmem:$0x17E00] =	vst v63  }
0x81: {  	_ =	swait.ge [sflag:s18], $0x2000  }
0x82: {  	[sflag:s18] =	ssyncset.done $0x0  }
0x83: {  	[sflag:s18] =	ssyncadd.s32 $0xFFFFE000  }
0x84: {  	_ =	swait.ge [sflag:s21], $0x2000  }
0x85: {  	[sflag:s21] =	ssyncset.done $0x0  }
0x86: {  	s28 =	simm.s32 $0x5000;
	[sflag:s21] =	ssyncadd.s32 $0xFFFFE000  }
0x87: {  	[spmem:s2] =	stream.indirect.scatter.add.f32 [tilespmem:s16], [sflag:$0x3], $0x40, s28, s15, $0xb8;
	[tilespmem:$0x17E00] =	vst v63  }
0x88: {  	s29 =	simm.s32 $0x200;
	s28 =	simm.s32 $0xFFFED000  }
.LBB2_3:
0x89: {  	[tilespmem:s16], [sflag:$0x1] =	stream.indirect.gather [hbm4b:s4+s15], $0x40, s29, s15, $0xb8;
	[tilespmem:$0x17E00] =	vst v63  }
0x8a: {  	s29 =	smov.u32 s28  }
0x8b: {  	p1 =	sne.s32 s28, $0xFFFFFC00;
	s28 =	sadd.s32 $0x400, s28;
	_ =	swait.ge [sflag:s20], $0x2000  }
0x8c: {  	[sflag:s20] =	ssyncset.done $0x0  }
0x8d: {  	[sflag:s20] =	ssyncadd.s32 $0xFFFFE000  }
0x8e: {  	_ =	swait.ge [sflag:s21], $0x2000  }
0x8f: {  	s29 =	sshra.s32 s29, $0x2;
	[sflag:s21] =	ssyncset.done $0x0  }
0x90: {  	s30 =	sadd.s32 $0x9C80, s29;
	[sflag:s21] =	ssyncadd.s32 $0xFFFFE000  }
0x91: {  	[spmem:s2] =	stream.indirect.scatter.add.f32 [tilespmem:s17], [sflag:$0x3], $0x40, s30, s15, $0xb8;
	[tilespmem:$0x17E00] =	vst v63  }
0x92: {  	s30 =	sadd.s32 $0x4E80, s29  }
0x93: {  	[tilespmem:s17], [sflag:$0x2] =	stream.indirect.gather [hbm4b:s4+s15], $0x40, s30, s15, $0xb8;
	[tilespmem:$0x17E00] =	vst v63  }
0x94: {  	_ =	swait.ge [sflag:s18], $0x2000  }
0x95: {  	[sflag:s18] =	ssyncset.done $0x0  }
0x96: {  	[sflag:s18] =	ssyncadd.s32 $0xFFFFE000  }
.Ltmp5:
0x97: {  	_ =	swait.ge [sflag:s21], $0x2000;
	(pc) =	sbr.rel @p1 .LBB2_3-.Ltmp5, $4  }
0x98: {  	[sflag:s21] =	ssyncset.done $0x0  }
0x99: {  	s30 =	sadd.s32 $0x9D00, s29;
	[sflag:s21] =	ssyncadd.s32 $0xFFFFE000  }
0x9a: {  	[spmem:s2] =	stream.indirect.scatter.add.f32 [tilespmem:s16], [sflag:$0x3], $0x40, s30, s15, $0xb8;
	[tilespmem:$0x17E00] =	vst v63  }
0x9b: {  	s29 =	sadd.s32 $0x4F00, s29  }
0x9c: {  	[tilespmem:s16], [sflag:$0x1] =	stream.indirect.gather [hbm4b:s4+s15], $0x40, s29, s15, $0xb8;
	[tilespmem:$0x17E00] =	vst v63  }
0x9d: {  	_ =	swait.ge [sflag:s20], $0x2000  }
0x9e: {  	[sflag:s20] =	ssyncset.done $0x0  }
0x9f: {  	[sflag:s20] =	ssyncadd.s32 $0xFFFFE000  }
0xa0: {  	_ =	swait.ge [sflag:s21], $0x2000  }
.Ltmp6:
0xa1: {  	[sflag:s21] =	ssyncset.done $0x0;
	(pc) =	sbr.rel .LBB2_8-.Ltmp6, $4  }
0xa2: {  	[sflag:s21] =	ssyncadd.s32 $0xFFFFE000  }
0xa3: {  	[spmem:s2] =	stream.indirect.scatter.add.f32 [tilespmem:s17], [sflag:$0x3], $0x40, s22, s15, $0xb8;
	[tilespmem:$0x17E00] =	vst v63  }
0xa4: {  	_ = 	snop  }
0xa5: {  	[tilespmem:s17], [sflag:$0x2] =	stream.indirect.gather [hbm4b:s4+s15], $0x40, s23, s15, $0xb8;
	[tilespmem:$0x17E00] =	vst v63  }
.LBB2_9:
0xa6: {  	_ =	sfence.sel $0x180000  }
0xa7: {  	[bflag:$0x0] =	sbarrier.arrive $0xFFFF  }
0xa8: {  	p0 =	sne.s32 s1, $0x0;
	_ =	strace $0x9000004D  }
0xa9: {  	s0 =	sadd.s32 @!p0 $0x100000, s0;
	[bflag:$0x2] =	sbarrier.arrive $0xFFFF  }
0xaa: {  	[sflag:s0] =	ssyncadd.tile.s32 @!p0 $0x1;
	_ =	shalt  }
.Lfunc_end2:
_tile_overlayer_lowered:
.L_overlay_start_2:
0xab: {  	(tag) =	ssettag $0x2  }
0xac: {  	s0 =	rddreg [dreg:$0x0];
	s2 =	stileid.u32  }
0xad: {  	s1 =	rddreg [dreg:$0x1];
	p0 =	sne.s32 s2, $0x0  }
0xae: {  	s3 =	rddreg [dreg:$0x2];
	[bflag:$0x3] =	sbarrier.arrive $0xFFFF;
	s2 =	simm.s32 @!p0 $0x1C04  }
0xaf: {  	[timem:s3], [sflag:s2] =	dma.local @!p0 [hbm:s0], s1  }
0xb0: {  	s0 =	simm.s32 @!p0 $0x4  }
0xb1: {  	_ =	swait.ge @!p0 [sflag:s0], s1  }
0xb2: {  	s1 =	ssub.s32 @!p0 $0x0, s1;
	[sflag:s0] =	ssyncset.done @!p0 $0x0  }
0xb3: {  	[sflag:s0] =	ssyncadd.s32 @!p0 s1  }
0xb4: {  	[bflag:$0x3] =	sbarrier.arrive $0xFFFF  }
0xb5: {  	_ =	shalt  }

// kernel: kernel.20.cloned.1.call-start
scs
__scs_entry_jumppad:
0x0: {  	(pc) =	sbr.rel $0x88, $3  }
0x1: {  	(tag) =	ssettag $0x0;
	lr =	simm.s32 $0x1  }
0x2: {  	[smem:$0x3F95] =	sst lr;
	_ =	strace $0xD0000000  }
0x3: {  	_ = 	snop  }
0x4: {  	_ = 	snop  }
0x5: {  	_ = 	snop  }
0x6: {  	_ = 	snop  }
0x7: {  	_ = 	snop  }
__scs_overlays_trampoline_lowered:
0x8: {  	[smem:$0x3FA4] =	sst s0  }
0x9: {  	[smem:$0x3FA5] =	sst s1  }
0xa: {  	[smem:$0x3FA6] =	sst s2  }
0xb: {  	[smem:$0x3FA7] =	sst s3  }
0xc: {  	[smem:$0x3FA8] =	sst s4  }
0xd: {  	[smem:$0x3FA9] =	sst s5  }
0xe: {  	[smem:$0x3FAA] =	sst s6  }
0xf: {  	[smem:$0x3FAB] =	sst s7  }
0x10: {  	[smem:$0x3FAC] =	sst s8  }
0x11: {  	[smem:$0x3FAD] =	sst s9;
	s0 =	simm.s32 @!p0 $0x0  }
0x12: {  	s1 =	sld [smem:$0x3F93];
	s0 =	simm.s32 @p0 $0x1  }
0x13: {  	[smem:$0x3FAE] =	sst s0;
	s0 =	simm.s32 @!p1 $0x0  }
0x14: {  	s2 =	sld [smem:$0x3F92];
	s0 =	simm.s32 @p1 $0x1  }
0x15: {  	[smem:$0x3FAF] =	sst s0;
	s0 =	simm.s32 @!p2 $0x0  }
0x16: {  	s3 =	sld [smem:$0x3FDB];
	s0 =	simm.s32 @p2 $0x1  }
0x17: {  	s4 =	simm.s32 $0x1BF5;
	[smem:$0x3FB1] =	sst s0  }
0x18: {  	s0 =	sld [smem:$0x3F94];
	_ =	swait.ge [sflag:s4], $0x0  }
0x19: {  	s7 =	sld [smem:$0x3F95]  }
0x1a: {  	s8 =	sadd.s32 $0xFFFFE003, lr  }
0x1b: {  	s9 =	sadd.s32 $0xFFFFFEF7, lr;
	s5 =	simm.s32 $0xFFFFFFFF;
	p2 =	slt.u32 s8, $0xFFFFF086  }
0x1c: {  	p1 =	slt.u32 s9, $0xF7A;
	s5 =	simm.s32 @!p2 $0x0  }
0x1d: {  	s5 =	simm.s32 @p1 $0x1;
	p0 =	seq.s32 s7, s2  }
0x1e: {  	s7 =	smul.u32 @!p0 $0xF7A, s2;
	p2 =	seq.s32 @!p0 s5, $0x0  }
0x1f: {  	s9 =	smul.u32 $0xF7A, s1;
	s8 =	simm.s32 @!p0 $0x1BF5;
	p2 =	por !p2, p0  }
0x20: {  	[sflag:s8] =	ssyncset.s32 @!p0 $0xFFFFF086;
	s6 =	sadd.s32 @!p0 s3, s7;
	s7 =	simm.s32 @!p0 $0x108  }
0x21: {  	s3 =	sadd.s32 s3, s9;
	s6 =	sadd.s32 @!p0 $0x88, s6;
	s7 =	simm.s32 @p2 $0x1082  }
0x22: {  	[simem:s7], [sflag:s8] =	dma.local @!p0 [hbm:s6], $0xF7A  }
0x23: {  	s9 =	sor.u32 $0xD0000000, s2;
	s6 =	simm.s32 $0x108;
	_ =	swait.ge @!p0 [sflag:s8], $0x0  }
0x24: {  	s3 =	sadd.s32 $0x88, s3;
	s6 =	simm.s32 @!p1 $0x1082;
	[sflag:s4] =	ssyncset.s32 $0xFFFFF086  }
0x25: {  	[simem:s6], [sflag:s4] =	dma.local [hbm:s3], $0xF7A  }
0x26: {  	[smem:$0x3F95] =	sst s1;
	(tag) =	ssettag s2;
	_ =	strace s9  }
0x27: {  	s1 =	sld [smem:$0x3FA5]  }
0x28: {  	s2 =	sld [smem:$0x3FA6]  }
0x29: {  	s4 =	sld [smem:$0x3FA8]  }
0x2a: {  	p0 =	seq.s32 s5, $0x0;
	s5 =	sld [smem:$0x3FA9]  }
0x2b: {  	s6 =	sld [smem:$0x3FAA]  }
0x2c: {  	s7 =	sld [smem:$0x3FAB]  }
0x2d: {  	s3 =	simm.s32 $0x108;
	s8 =	sld [smem:$0x3FAC]  }
0x2e: {  	s3 =	simm.s32 @!p0 $0x1082;
	s9 =	sld [smem:$0x3FAD]  }
0x2f: {  	lr =	sadd.s32 s0, s3;
	s0 =	sld [smem:$0x3FA4]  }
0x30: {  	s3 =	sld [smem:$0x3FA7]  }
0x31: {  	[smem:$0x3FB0] =	sst s10  }
0x32: {  	s10 =	sld [smem:$0x3FAE];
	_ =	sdelay $0x3  }
0x33: {  	p0 =	seq.s32 s10, $0x1;
	s10 =	sld [smem:$0x3FB0];
	_ =	sdelay $0x3  }
0x34: {  	[smem:$0x3FB0] =	sst s10  }
0x35: {  	s10 =	sld [smem:$0x3FAF];
	_ =	sdelay $0x3  }
0x36: {  	p1 =	seq.s32 s10, $0x1;
	s10 =	sld [smem:$0x3FB0];
	_ =	sdelay $0x3  }
0x37: {  	[smem:$0x3FB0] =	sst s10  }
0x38: {  	s10 =	sld [smem:$0x3FB1]  }
0x39: {  	_ = 	snop;
	(pc) =	sbr.ind lr, $3  }
0x3a: {  	_ = 	snop  }
0x3b: {  	_ = 	snop  }
0x3c: {  	p2 =	seq.s32 s10, $0x1;
	s10 =	sld [smem:$0x3FB0]  }
0x3d: {  	_ =	shalt  }
0x3e: {  	_ =	shalt  }
0x3f: {  	_ =	shalt  }
0x40: {  	_ =	shalt  }
0x41: {  	_ =	shalt  }
0x42: {  	_ =	shalt  }
0x43: {  	_ =	shalt  }
0x44: {  	_ =	shalt  }
0x45: {  	_ =	shalt  }
0x46: {  	_ =	shalt  }
0x47: {  	_ =	shalt  }
0x48: {  	_ =	shalt  }
0x49: {  	_ =	shalt  }
0x4a: {  	_ =	shalt  }
0x4b: {  	_ =	shalt  }
0x4c: {  	_ =	shalt  }
0x4d: {  	_ =	shalt  }
0x4e: {  	_ =	shalt  }
0x4f: {  	_ =	shalt  }
0x50: {  	_ =	shalt  }
0x51: {  	_ =	shalt  }
0x52: {  	_ =	shalt  }
0x53: {  	_ =	shalt  }
0x54: {  	_ =	shalt  }
0x55: {  	_ =	shalt  }
0x56: {  	_ =	shalt  }
0x57: {  	_ =	shalt  }
0x58: {  	_ =	shalt  }
0x59: {  	_ =	shalt  }
0x5a: {  	_ =	shalt  }
0x5b: {  	_ =	shalt  }
0x5c: {  	_ =	shalt  }
0x5d: {  	_ =	shalt  }
0x5e: {  	_ =	shalt  }
0x5f: {  	_ =	shalt  }
0x60: {  	_ =	shalt  }
0x61: {  	_ =	shalt  }
0x62: {  	_ =	shalt  }
0x63: {  	_ =	shalt  }
0x64: {  	_ =	shalt  }
0x65: {  	_ =	shalt  }
0x66: {  	_ =	shalt  }
0x67: {  	_ =	shalt  }
0x68: {  	_ =	shalt  }
0x69: {  	_ =	shalt  }
0x6a: {  	_ =	shalt  }
0x6b: {  	_ =	shalt  }
0x6c: {  	_ =	shalt  }
0x6d: {  	_ =	shalt  }
0x6e: {  	_ =	shalt  }
0x6f: {  	_ =	shalt  }
0x70: {  	_ =	shalt  }
0x71: {  	_ =	shalt  }
0x72: {  	_ =	shalt  }
0x73: {  	_ =	shalt  }
0x74: {  	_ =	shalt  }
0x75: {  	_ =	shalt  }
0x76: {  	_ =	shalt  }
0x77: {  	_ =	shalt  }
0x78: {  	_ =	shalt  }
0x79: {  	_ =	shalt  }
0x7a: {  	_ =	shalt  }
0x7b: {  	_ =	shalt  }
0x7c: {  	_ =	shalt  }
0x7d: {  	_ =	shalt  }
0x7e: {  	_ =	shalt  }
0x7f: {  	_ =	shalt  }
0x80: {  	_ =	shalt  }
0x81: {  	_ =	shalt  }
0x82: {  	_ =	shalt  }
0x83: {  	_ =	shalt  }
0x84: {  	_ =	shalt  }
0x85: {  	_ =	shalt  }
0x86: {  	_ =	shalt  }
0x87: {  	_ =	shalt  }
.Lfunc_end0:
.L_simem_size_0:
called_computation.2_lowered:
.L_overlay_start_0:
0x88: {  	s2 =	sld [smem:$0x3FD9]  }
0x89: {  	s3 =	sld [smem:$0x3FFE];
	_ =	sdelay $0x1  }
0x8a: {  	s1 =	srdreg.scid  }
0x8b: {  	s0 =	sand.u32 $0x1, s1  }
0x8c: {  	s14 =	sshll.u32 s0, $0xA;
	s2 =	sadd.s32 s3, s2  }
0x8d: {  	s2 =	sadd.s32 s2, s14  }
0x8e: {  	[smem:$0x3FBC] =	sst s2  }
0x8f: {  	_ = 	snop  }
0x90: {  	s2 =	sld [smem:$0x3FD0];
	_ =	sdelay $0x2  }
0x91: {  	s15 =	simm.s32 $0xB;
	s4 =	simm.s32 $0x10  }
0x92: {  	[smem:s4], [sflag:s15] =	dma.local [hbm:s2], $0x1  }
0x93: {  	_ =	swait.eq [sflag:s15], $0x1  }
0x94: {  	[sflag:s15] =	ssyncset.done $0x0  }
0x95: {  	[sflag:s15] =	ssyncadd.s32 $0xFFFFFFFF  }
0x96: {  	s16 =	sld [smem:$0x10];
	(tm) =	ssettm $0x1  }
0x97: {  	s17 =	sld [smem:$0x3FFB];
	_ =	sdelay $0x3  }
0x98: {  	_ =	strace s17  }
0x99: {  	s3 =	sld [smem:$0x3FFC];
	_ =	sdelay $0x3  }
0x9a: {  	_ =	strace s3  }
0x9b: {  	s3 =	sld [smem:$0x3FFD];
	_ =	sdelay $0x3  }
0x9c: {  	_ =	strace s3  }
0x9d: {  	_ =	strace $0x8FFFFFFF  }
0x9e: {  	s18 =	sld [smem:$0x3FDB];
	_ =	sdelay $0x1  }
0x9f: {  	s19 =	simm.s32 $_scs_section_size  }
0xa0: {  	s5 =	simm.s32 $_size__tile_overlayer_lowered;
	s6 =	simm.s32 $_tile_overlayer_lowered  }
0xa1: {  	s22 =	simm.s32 $0x1BFF;
	s21 =	sshll.u32 s6, $0x1;
	s3 =	sadd.s32 s19, s18  }
0xa2: {  	s7 =	simm.s32 $0x0;
	s20 =	sshll.u32 s5, $0x1;
	s5 =	sadd.s32 s21, s3  }
0xa3: {  	[timem:s7], [sflag:s22] =	dma.local [hbm:s5], s20  }
0xa4: {  	_ =	swait.ge [sflag:s22], s20  }
0xa5: {  	s4 =	ssub.s32 $0x0, s20;
	[sflag:s22] =	ssyncset.done $0x0  }
0xa6: {  	[sflag:s22] =	ssyncadd.s32 s4;
	_ =	sdelay $0x1  }
0xa7: {  	s23 =	simm.s32 $0x1B8B  }
0xa8: {  	_ =	swait.ge [sflag:s23], $0x1  }
0xa9: {  	[sflag:s23] =	ssyncset.done $0x0  }
0xaa: {  	s25 =	simm.s32 $0x1B8E;
	s24 =	sld [smem:$0x3FFE];
	[sflag:s23] =	ssyncadd.s32 $0xFFFFFFFF  }
0xab: {  	s26 =	simm.s32 $execute0_lowered;
	[smem:$0x3FD2] =	sst s25  }
0xac: {  	s5 =	sshll.u32 s26, $0x1;
	_ =	strace $0x80000049;
	[dreg:$0x1] =	wrdreg $0xFFFFFFFF  }
0xad: {  	s28 =	simm.s32 $_size_execute0_lowered;
	s3 =	sadd.s32 s3, s5;
	[dreg:$0x0] =	wrdreg $0x0  }
0xae: {  	s5 =	sshll.u32 s28, $0x1;
	[dreg:$0x2] =	wrdreg s3  }
0xaf: {  	[dreg:$0x3] =	wrdreg s5  }
0xb0: {  	[dreg:$0x4] =	wrdreg $0xC0  }
0xb1: {  	_ =	task [dreg:s7], $0x5FFFF  }
0xb2: {  	[dreg:$0x1] =	wrdreg $0xFFFFFFFF  }
0xb3: {  	[dreg:$0x0] =	wrdreg $0x60  }
0xb4: {  	[dreg:$0x2] =	wrdreg s24  }
0xb5: {  	[dreg:$0x3] =	wrdreg s16  }
0xb6: {  	[dreg:$0x4] =	wrdreg $0xDE000  }
0xb7: {  	[dreg:$0x5] =	wrdreg $0xA  }
0xb8: {  	_ =	task.clear_ibuf [dreg:s7], $0x6FFFF;
	_ =	strace $0x90000049  }
0xb9: {  	s29 =	simm.s32 $0xA;
	_ =	strace $0x8000004B  }
0xba: {  	_ =	swait.ge [sflag:s29], $0x1  }
0xbb: {  	[sflag:s29] =	ssyncadd.s32 $0xFFFFFFFF  }
0xbc: {  	_ =	strace $0x9000004B  }
0xbd: {  	_ =	sfence  }
0xbe: {  	s30 =	sld [smem:$0x0];
	_ =	sdelay $0x2  }
0xbf: {  	s31 =	sshll.u32 s1, $0xD;
	s1 =	sshrl.u32 s1, $0x2  }
0xc0: {  	s3 =	sand.u32 $0x4000, s31;
	s1 =	sadd.s32 s1, s30  }
0xc1: {  	s0 =	sor.u32 s3, s0;
	s1 =	sshll.u32 s1, $0x11  }
0xc2: {  	s0 =	sor.u32 s1, s0  }
0xc3: {  	s0 =	sadd.s32 $0x8F2B, s0  }
0xc4: {  	[sflag:s0] =	ssyncadd.remote.s32 $0x1  }
0xc5: {  	_ =	sfence.sel $0xFFFF  }
0xc6: {  	[dreg:$0x0] =	wrdreg $0xFFFFFFFF;
	(pc) =	sbr.abs _section_cstart, $3  }
0xc7: {  	[dreg:$0x1] =	wrdreg $0xFFFFFFFF  }
0xc8: {  	_ =	task.clear_ibuf [dreg:s7], $0x2FFFF;
	_ =	strace $0x9FFFFFFF  }
0xc9: {  	(tm) =	ssettm $0x7FFFFFFF  }
tec
execute0_lowered:
.L_overlay_start_1:
0x0: {  	(tag) =	ssettag $0x1  }
0x1: {  	s7 =	rddreg [dreg:$0x0]  }
0x2: {  	s9 =	rddreg [dreg:$0x1]  }
0x3: {  	s2 =	rddreg [dreg:$0x2]  }
0x4: {  	s0 =	rddreg [dreg:$0x3];
	s1 =	stileid.u32  }
0x5: {  	s4 =	srdreg.scid;
	s3 =	simm.s32 $0x0;
	s16 =	simm.s32 $0x9E00  }
0x6: {  	s17 =	simm.s32 $0xBE00;
	s18 =	simm.s32 $0x1;
	s19 =	simm.s32 $0x100  }
0x7: {  	s20 =	simm.s32 $0x2;
	s21 =	simm.s32 $0x3;
	s22 =	simm.s32 $0x9C80  }
0x8: {  	s23 =	simm.s32 $0x4E80;
	s24 =	simm.s32 $0x9D00;
	s25 =	simm.s32 $0x9D80  }
0x9: {  	s26 =	simm.s32 $0x0;
	s10 =	sand.u32 $0x1, s4;
	s8 =	smul.u32 $0xA000, s1  }
0xa: {  	[smem:$0x7FF] =	sst s3;
	s11 =	smul.u32 $0x9E0, s1;
	s4 =	sadd.s32 $0x72000, s7  }
0xb: {  	s5 =	sadd.s32 $0x5E000, s7;
	s31 =	sshll.u32 s1, $0x6;
	s6 =	smul.u32 $0xA0000, s10  }
0xc: {  	_ =	strace $0x8000004A;
	s14 =	ssub.s32 $0x2, s10;
	p0 =	seq.s32 s10, $0x1  }
0xd: {  	s12 =	sadd.s32 s11, s7;
	s30 =	sshrl.u32 s14, $0x1;
	s15 =	sadd.s32 s8, s2  }
.Ltmp0:
0xe: {  	s9 =	sadd.s32 s9, s11;
	s6 =	sadd.s32 s8, s6;
	(pc) =	sbr.rel .LBB2_1-.Ltmp0, $4  }
0xf: {  	s14 =	ssub.s32 s14, s30;
	s8 =	sadd.s32 $0x4200, s12;
	s12 =	sshrl.u32 s15, $0x3  }
0x10: {  	s15 =	simm.s32 $0x80;
	s13 =	sshrl.u32 s6, $0x3;
	s6 =	sadd.s32 $0x86000, s7  }
0x11: {  	s11 =	smax.u32 s14, $0x1;
	s14 =	simm.s32 $0x4F00;
	s13 =	sadd.s32 s13, s7  }
0x12: {  	s7 =	sor.u32 $0x1C04, s31;
	s10 =	sadd.s32 $0x87400, s13;
	s13 =	simm.s32 $0x4  }
.LBB2_7:
0x13: {  	[tilespmem:s16], [sflag:$0x1] =	stream.indirect.gather [hbm4b:s5+s15], $0x40, s29, s15, $0xb8;
	[tilespmem:$0x17E00] =	vst v63  }
0x14: {  	_ =	swait.ge [sflag:s20], $0x2000  }
0x15: {  	[sflag:s20] =	ssyncset.done $0x0  }
0x16: {  	[sflag:s20] =	ssyncadd.s32 $0xFFFFE000  }
0x17: {  	_ =	swait.ge [sflag:s21], $0x2000  }
0x18: {  	[sflag:s21] =	ssyncset.done $0x0  }
0x19: {  	[sflag:s21] =	ssyncadd.s32 $0xFFFFE000  }
0x1a: {  	[spmem:s2] =	stream.indirect.scatter.add.f32 [tilespmem:s17], [sflag:$0x3], $0x40, s22, s15, $0xb8;
	[tilespmem:$0x17E00] =	vst v63  }
0x1b: {  	_ = 	snop  }
0x1c: {  	[tilespmem:s17], [sflag:$0x2] =	stream.indirect.gather [hbm4b:s5+s15], $0x40, s23, s15, $0xb8;
	[tilespmem:$0x17E00] =	vst v63  }
.LBB2_8:
0x1d: {  	_ =	swait.ge [sflag:s18], $0x2000  }
0x1e: {  	[sflag:s18] =	ssyncset.done $0x0  }
0x1f: {  	[sflag:s18] =	ssyncadd.s32 $0xFFFFE000  }
0x20: {  	_ =	swait.ge [sflag:s21], $0x2000  }
0x21: {  	[sflag:s21] =	ssyncset.done $0x0  }
0x22: {  	[sflag:s21] =	ssyncadd.s32 $0xFFFFE000  }
0x23: {  	[spmem:s2] =	stream.indirect.scatter.add.f32 [tilespmem:s16], [sflag:$0x3], $0x40, s24, s15, $0xb8;
	[tilespmem:$0x17E00] =	vst v63  }
0x24: {  	_ =	swait.ge [sflag:s20], $0x2000  }
0x25: {  	[sflag:s20] =	ssyncset.done $0x0  }
0x26: {  	[sflag:s20] =	ssyncadd.s32 $0xFFFFE000  }
0x27: {  	_ =	swait.ge [sflag:s21], $0x2000  }
0x28: {  	[sflag:s21] =	ssyncset.done $0x0  }
0x29: {  	[sflag:s21] =	ssyncadd.s32 $0xFFFFE000  }
0x2a: {  	[spmem:s2] =	stream.indirect.scatter.add.f32 [tilespmem:s17], [sflag:$0x3], $0x40, s25, s15, $0xb8;
	[tilespmem:$0x17E00] =	vst v63  }
0x2b: {  	_ =	swait.ge [sflag:s21], $0x2000  }
0x2c: {  	s26 =	sadd.s32 $0x1, s26;
	[sflag:s21] =	ssyncset.done $0x0  }
0x2d: {  	p1 =	sne.s32 s26, s11;
	[sflag:s21] =	ssyncadd.s32 $0xFFFFE000  }
.Ltmp1:
0x2e: {  	[bflag:$0x0] =	sbarrier.arrive $0xFFFF;
	(pc) =	sbr.rel @!p1 .LBB2_9-.Ltmp1, $4  }
0x2f: {  	[hbm:s10], [sflag:s7] =	dma.local [spmem:s12], $0x1400  }
0x30: {  	_ =	swait.ge [sflag:s13], $0x1400  }
0x31: {  	[sflag:s13] =	ssyncset.done $0x0  }
0x32: {  	[sflag:s13] =	ssyncadd.s32 $0xFFFFEC00  }
.LBB2_1:
0x33: {  	[spmem:s12], [sflag:s7] =	dma.local [hbm:s6], $0x1400  }
0x34: {  	_ =	swait.ge [sflag:s13], $0x1400  }
0x35: {  	[sflag:s13] =	ssyncset.done $0x0  }
0x36: {  	[sflag:s13] =	ssyncadd.s32 $0xFFFFEC00  }
0x37: {  	[bflag:$0x0] =	sbarrier.arrive $0xFFFF  }
0x38: {  	[tilespmem:s3], [sflag:$0x4] =	stream.linear.gather [hbm4b:s8+s3], $0x4F00, $0x38;
	[tilespmem:$0x17E00] =	vst v63  }
0x39: {  	_ =	swait.ge [sflag:s13], $0x4F00  }
0x3a: {  	[sflag:s13] =	ssyncset.done $0x0  }
.Ltmp2:
0x3b: {  	[sflag:s13] =	ssyncadd.s32 $0xFFFFB100;
	(pc) =	sbr.rel @!p0 .LBB2_2-.Ltmp2, $4  }
0x3c: {  	[tilespmem:s14], [sflag:$0x4] =	stream.linear.gather [hbm4b:s9+s3], $0x4F00, $0x38;
	[tilespmem:$0x17E00] =	vst v63  }
0x3d: {  	_ =	swait.ge [sflag:s13], $0x4F00  }
0x3e: {  	[sflag:s13] =	ssyncset.done $0x0  }
0x3f: {  	[sflag:s13] =	ssyncadd.s32 $0xFFFFB100  }
0x40: {  	[tilespmem:s16], [sflag:$0x1] =	stream.indirect.gather [hbm4b:s5+s15], $0x40, s3, s15, $0xb8;
	[tilespmem:$0x17E00] =	vst v63  }
0x41: {  	_ = 	snop  }
0x42: {  	[tilespmem:s17], [sflag:$0x2] =	stream.indirect.gather [hbm4b:s5+s15], $0x40, s15, s15, $0xb8;
	[tilespmem:$0x17E00] =	vst v63  }
0x43: {  	_ =	swait.ge [sflag:s18], $0x2000  }
0x44: {  	[sflag:s18] =	ssyncset.done $0x0  }
0x45: {  	[sflag:s18] =	ssyncadd.s32 $0xFFFFE000  }
0x46: {  	[spmem:s2] =	stream.indirect.scatter.add.f32 [tilespmem:s16], [sflag:$0x3], $0x40, s14, s15, $0xb8;
	[tilespmem:$0x17E00] =	vst v63  }
0x47: {  	_ = 	snop  }
0x48: {  	[tilespmem:s16], [sflag:$0x1] =	stream.indirect.gather [hbm4b:s5+s15], $0x40, s19, s15, $0xb8;
	[tilespmem:$0x17E00] =	vst v63  }
0x49: {  	_ =	swait.ge [sflag:s20], $0x2000  }
0x4a: {  	[sflag:s20] =	ssyncset.done $0x0  }
0x4b: {  	[sflag:s20] =	ssyncadd.s32 $0xFFFFE000  }
0x4c: {  	_ =	swait.ge [sflag:s21], $0x2000  }
0x4d: {  	[sflag:s21] =	ssyncset.done $0x0  }
0x4e: {  	s28 =	simm.s32 $0x4F80;
	[sflag:s21] =	ssyncadd.s32 $0xFFFFE000  }
0x4f: {  	[spmem:s2] =	stream.indirect.scatter.add.f32 [tilespmem:s17], [sflag:$0x3], $0x40, s28, s15, $0xb8;
	[tilespmem:$0x17E00] =	vst v63  }
0x50: {  	s28 =	simm.s32 $0x180  }
0x51: {  	[tilespmem:s17], [sflag:$0x2] =	stream.indirect.gather [hbm4b:s5+s15], $0x40, s28, s15, $0xb8;
	[tilespmem:$0x17E00] =	vst v63  }
0x52: {  	_ =	swait.ge [sflag:s18], $0x2000  }
0x53: {  	[sflag:s18] =	ssyncset.done $0x0  }
0x54: {  	[sflag:s18] =	ssyncadd.s32 $0xFFFFE000  }
0x55: {  	_ =	swait.ge [sflag:s21], $0x2000  }
0x56: {  	[sflag:s21] =	ssyncset.done $0x0  }
0x57: {  	s28 =	simm.s32 $0x5000;
	[sflag:s21] =	ssyncadd.s32 $0xFFFFE000  }
0x58: {  	[spmem:s2] =	stream.indirect.scatter.add.f32 [tilespmem:s16], [sflag:$0x3], $0x40, s28, s15, $0xb8;
	[tilespmem:$0x17E00] =	vst v63  }
0x59: {  	s29 =	simm.s32 $0x200;
	s28 =	simm.s32 $0xFFFED000  }
.LBB2_6:
0x5a: {  	[tilespmem:s16], [sflag:$0x1] =	stream.indirect.gather [hbm4b:s5+s15], $0x40, s29, s15, $0xb8;
	[tilespmem:$0x17E00] =	vst v63  }
0x5b: {  	s29 =	smov.u32 s28  }
0x5c: {  	p1 =	sne.s32 s28, $0xFFFFFC00;
	s28 =	sadd.s32 $0x400, s28;
	_ =	swait.ge [sflag:s20], $0x2000  }
0x5d: {  	[sflag:s20] =	ssyncset.done $0x0  }
0x5e: {  	[sflag:s20] =	ssyncadd.s32 $0xFFFFE000  }
0x5f: {  	_ =	swait.ge [sflag:s21], $0x2000  }
0x60: {  	s29 =	sshra.s32 s29, $0x2;
	[sflag:s21] =	ssyncset.done $0x0  }
0x61: {  	s30 =	sadd.s32 $0x9C80, s29;
	[sflag:s21] =	ssyncadd.s32 $0xFFFFE000  }
0x62: {  	[spmem:s2] =	stream.indirect.scatter.add.f32 [tilespmem:s17], [sflag:$0x3], $0x40, s30, s15, $0xb8;
	[tilespmem:$0x17E00] =	vst v63  }
0x63: {  	s30 =	sadd.s32 $0x4E80, s29  }
0x64: {  	[tilespmem:s17], [sflag:$0x2] =	stream.indirect.gather [hbm4b:s5+s15], $0x40, s30, s15, $0xb8;
	[tilespmem:$0x17E00] =	vst v63  }
0x65: {  	_ =	swait.ge [sflag:s18], $0x2000  }
0x66: {  	[sflag:s18] =	ssyncset.done $0x0  }
0x67: {  	[sflag:s18] =	ssyncadd.s32 $0xFFFFE000  }
.Ltmp3:
0x68: {  	_ =	swait.ge [sflag:s21], $0x2000;
	(pc) =	sbr.rel @p1 .LBB2_6-.Ltmp3, $4  }
0x69: {  	[sflag:s21] =	ssyncset.done $0x0  }
0x6a: {  	s30 =	sadd.s32 $0x9D00, s29;
	[sflag:s21] =	ssyncadd.s32 $0xFFFFE000  }
0x6b: {  	[spmem:s2] =	stream.indirect.scatter.add.f32 [tilespmem:s16], [sflag:$0x3], $0x40, s30, s15, $0xb8;
	[tilespmem:$0x17E00] =	vst v63  }
0x6c: {  	s29 =	sadd.s32 $0x4F00, s29  }
.Ltmp4:
0x6d: {  	_ = 	snop;
	(pc) =	sbr.rel .LBB2_7-.Ltmp4, $1  }
0x6e: {  	_ =	sdelay $0x3  }
.LBB2_2:
0x6f: {  	[tilespmem:s16], [sflag:$0x1] =	stream.indirect.gather [hbm4b:s4+s15], $0x40, s3, s15, $0xb8;
	[tilespmem:$0x17E00] =	vst v63  }
0x70: {  	_ = 	snop  }
0x71: {  	[tilespmem:s17], [sflag:$0x2] =	stream.indirect.gather [hbm4b:s4+s15], $0x40, s15, s15, $0xb8;
	[tilespmem:$0x17E00] =	vst v63  }
0x72: {  	_ =	swait.ge [sflag:s18], $0x2000  }
0x73: {  	[sflag:s18] =	ssyncset.done $0x0  }
0x74: {  	[sflag:s18] =	ssyncadd.s32 $0xFFFFE000  }
0x75: {  	[spmem:s2] =	stream.indirect.scatter.add.f32 [tilespmem:s16], [sflag:$0x3], $0x40, s14, s15, $0xb8;
	[tilespmem:$0x17E00] =	vst v63  }
0x76: {  	_ = 	snop  }
0x77: {  	[tilespmem:s16], [sflag:$0x1] =	stream.indirect.gather [hbm4b:s4+s15], $0x40, s19, s15, $0xb8;
	[tilespmem:$0x17E00] =	vst v63  }
0x78: {  	_ =	swait.ge [sflag:s20], $0x2000  }
0x79: {  	[sflag:s20] =	ssyncset.done $0x0  }
0x7a: {  	[sflag:s20] =	ssyncadd.s32 $0xFFFFE000  }
0x7b: {  	_ =	swait.ge [sflag:s21], $0x2000  }
0x7c: {  	[sflag:s21] =	ssyncset.done $0x0  }
0x7d: {  	s28 =	simm.s32 $0x4F80;
	[sflag:s21] =	ssyncadd.s32 $0xFFFFE000  }
0x7e: {  	[spmem:s2] =	stream.indirect.scatter.add.f32 [tilespmem:s17], [sflag:$0x3], $0x40, s28, s15, $0xb8;
	[tilespmem:$0x17E00] =	vst v63  }
0x7f: {  	s28 =	simm.s32 $0x180  }
0x80: {  	[tilespmem:s17], [sflag:$0x2] =	stream.indirect.gather [hbm4b:s4+s15], $0x40, s28, s15, $0xb8;
	[tilespmem:$0x17E00] =	vst v63  }
0x81: {  	_ =	swait.ge [sflag:s18], $0x2000  }
0x82: {  	[sflag:s18] =	ssyncset.done $0x0  }
0x83: {  	[sflag:s18] =	ssyncadd.s32 $0xFFFFE000  }
0x84: {  	_ =	swait.ge [sflag:s21], $0x2000  }
0x85: {  	[sflag:s21] =	ssyncset.done $0x0  }
0x86: {  	s28 =	simm.s32 $0x5000;
	[sflag:s21] =	ssyncadd.s32 $0xFFFFE000  }
0x87: {  	[spmem:s2] =	stream.indirect.scatter.add.f32 [tilespmem:s16], [sflag:$0x3], $0x40, s28, s15, $0xb8;
	[tilespmem:$0x17E00] =	vst v63  }
0x88: {  	s29 =	simm.s32 $0x200;
	s28 =	simm.s32 $0xFFFED000  }
.LBB2_3:
0x89: {  	[tilespmem:s16], [sflag:$0x1] =	stream.indirect.gather [hbm4b:s4+s15], $0x40, s29, s15, $0xb8;
	[tilespmem:$0x17E00] =	vst v63  }
0x8a: {  	s29 =	smov.u32 s28  }
0x8b: {  	p1 =	sne.s32 s28, $0xFFFFFC00;
	s28 =	sadd.s32 $0x400, s28;
	_ =	swait.ge [sflag:s20], $0x2000  }
0x8c: {  	[sflag:s20] =	ssyncset.done $0x0  }
0x8d: {  	[sflag:s20] =	ssyncadd.s32 $0xFFFFE000  }
0x8e: {  	_ =	swait.ge [sflag:s21], $0x2000  }
0x8f: {  	s29 =	sshra.s32 s29, $0x2;
	[sflag:s21] =	ssyncset.done $0x0  }
0x90: {  	s30 =	sadd.s32 $0x9C80, s29;
	[sflag:s21] =	ssyncadd.s32 $0xFFFFE000  }
0x91: {  	[spmem:s2] =	stream.indirect.scatter.add.f32 [tilespmem:s17], [sflag:$0x3], $0x40, s30, s15, $0xb8;
	[tilespmem:$0x17E00] =	vst v63  }
0x92: {  	s30 =	sadd.s32 $0x4E80, s29  }
0x93: {  	[tilespmem:s17], [sflag:$0x2] =	stream.indirect.gather [hbm4b:s4+s15], $0x40, s30, s15, $0xb8;
	[tilespmem:$0x17E00] =	vst v63  }
0x94: {  	_ =	swait.ge [sflag:s18], $0x2000  }
0x95: {  	[sflag:s18] =	ssyncset.done $0x0  }
0x96: {  	[sflag:s18] =	ssyncadd.s32 $0xFFFFE000  }
.Ltmp5:
0x97: {  	_ =	swait.ge [sflag:s21], $0x2000;
	(pc) =	sbr.rel @p1 .LBB2_3-.Ltmp5, $4  }
0x98: {  	[sflag:s21] =	ssyncset.done $0x0  }
0x99: {  	s30 =	sadd.s32 $0x9D00, s29;
	[sflag:s21] =	ssyncadd.s32 $0xFFFFE000  }
0x9a: {  	[spmem:s2] =	stream.indirect.scatter.add.f32 [tilespmem:s16], [sflag:$0x3], $0x40, s30, s15, $0xb8;
	[tilespmem:$0x17E00] =	vst v63  }
0x9b: {  	s29 =	sadd.s32 $0x4F00, s29  }
0x9c: {  	[tilespmem:s16], [sflag:$0x1] =	stream.indirect.gather [hbm4b:s4+s15], $0x40, s29, s15, $0xb8;
	[tilespmem:$0x17E00] =	vst v63  }
0x9d: {  	_ =	swait.ge [sflag:s20], $0x2000  }
0x9e: {  	[sflag:s20] =	ssyncset.done $0x0  }
0x9f: {  	[sflag:s20] =	ssyncadd.s32 $0xFFFFE000  }
0xa0: {  	_ =	swait.ge [sflag:s21], $0x2000  }
.Ltmp6:
0xa1: {  	[sflag:s21] =	ssyncset.done $0x0;
	(pc) =	sbr.rel .LBB2_8-.Ltmp6, $4  }
0xa2: {  	[sflag:s21] =	ssyncadd.s32 $0xFFFFE000  }
0xa3: {  	[spmem:s2] =	stream.indirect.scatter.add.f32 [tilespmem:s17], [sflag:$0x3], $0x40, s22, s15, $0xb8;
	[tilespmem:$0x17E00] =	vst v63  }
0xa4: {  	_ = 	snop  }
0xa5: {  	[tilespmem:s17], [sflag:$0x2] =	stream.indirect.gather [hbm4b:s4+s15], $0x40, s23, s15, $0xb8;
	[tilespmem:$0x17E00] =	vst v63  }
.LBB2_9:
0xa6: {  	_ =	sfence.sel $0x180000  }
0xa7: {  	[bflag:$0x0] =	sbarrier.arrive $0xFFFF  }
0xa8: {  	p0 =	sne.s32 s1, $0x0;
	_ =	strace $0x9000004A  }
0xa9: {  	s0 =	sadd.s32 @!p0 $0x100000, s0;
	[bflag:$0x2] =	sbarrier.arrive $0xFFFF  }
0xaa: {  	[sflag:s0] =	ssyncadd.tile.s32 @!p0 $0x1;
	_ =	shalt  }
.Lfunc_end2:
_tile_overlayer_lowered:
.L_overlay_start_2:
0xab: {  	(tag) =	ssettag $0x2  }
0xac: {  	s0 =	rddreg [dreg:$0x0];
	s2 =	stileid.u32  }
0xad: {  	s1 =	rddreg [dreg:$0x1];
	p0 =	sne.s32 s2, $0x0  }
0xae: {  	s3 =	rddreg [dreg:$0x2];
	[bflag:$0x3] =	sbarrier.arrive $0xFFFF;
	s2 =	simm.s32 @!p0 $0x1C04  }
0xaf: {  	[timem:s3], [sflag:s2] =	dma.local @!p0 [hbm:s0], s1  }
0xb0: {  	s0 =	simm.s32 @!p0 $0x4  }
0xb1: {  	_ =	swait.ge @!p0 [sflag:s0], s1  }
0xb2: {  	s1 =	ssub.s32 @!p0 $0x0, s1;
	[sflag:s0] =	ssyncset.done @!p0 $0x0  }
0xb3: {  	[sflag:s0] =	ssyncadd.s32 @!p0 s1  }
0xb4: {  	[bflag:$0x3] =	sbarrier.arrive $0xFFFF  }
0xb5: {  	_ =	shalt  }

// kernel: kernel.23.cloned.1.call-start
scs
__scs_entry_jumppad:
0x0: {  	(pc) =	sbr.rel $0x88, $3  }
0x1: {  	(tag) =	ssettag $0x0;
	lr =	simm.s32 $0x1  }
0x2: {  	[smem:$0x3F95] =	sst lr;
	_ =	strace $0xD0000000  }
0x3: {  	_ = 	snop  }
0x4: {  	_ = 	snop  }
0x5: {  	_ = 	snop  }
0x6: {  	_ = 	snop  }
0x7: {  	_ = 	snop  }
__scs_overlays_trampoline_lowered:
0x8: {  	[smem:$0x3FA4] =	sst s0  }
0x9: {  	[smem:$0x3FA5] =	sst s1  }
0xa: {  	[smem:$0x3FA6] =	sst s2  }
0xb: {  	[smem:$0x3FA7] =	sst s3  }
0xc: {  	[smem:$0x3FA8] =	sst s4  }
0xd: {  	[smem:$0x3FA9] =	sst s5  }
0xe: {  	[smem:$0x3FAA] =	sst s6  }
0xf: {  	[smem:$0x3FAB] =	sst s7  }
0x10: {  	[smem:$0x3FAC] =	sst s8  }
0x11: {  	[smem:$0x3FAD] =	sst s9;
	s0 =	simm.s32 @!p0 $0x0  }
0x12: {  	s1 =	sld [smem:$0x3F93];
	s0 =	simm.s32 @p0 $0x1  }
0x13: {  	[smem:$0x3FAE] =	sst s0;
	s0 =	simm.s32 @!p1 $0x0  }
0x14: {  	s2 =	sld [smem:$0x3F92];
	s0 =	simm.s32 @p1 $0x1  }
0x15: {  	[smem:$0x3FAF] =	sst s0;
	s0 =	simm.s32 @!p2 $0x0  }
0x16: {  	s3 =	sld [smem:$0x3FDB];
	s0 =	simm.s32 @p2 $0x1  }
0x17: {  	s4 =	simm.s32 $0x1BF5;
	[smem:$0x3FB1] =	sst s0  }
0x18: {  	s0 =	sld [smem:$0x3F94];
	_ =	swait.ge [sflag:s4], $0x0  }
0x19: {  	s7 =	sld [smem:$0x3F95]  }
0x1a: {  	s8 =	sadd.s32 $0xFFFFE003, lr  }
0x1b: {  	s9 =	sadd.s32 $0xFFFFFEF7, lr;
	s5 =	simm.s32 $0xFFFFFFFF;
	p2 =	slt.u32 s8, $0xFFFFF086  }
0x1c: {  	p1 =	slt.u32 s9, $0xF7A;
	s5 =	simm.s32 @!p2 $0x0  }
0x1d: {  	s5 =	simm.s32 @p1 $0x1;
	p0 =	seq.s32 s7, s2  }
0x1e: {  	s7 =	smul.u32 @!p0 $0xF7A, s2;
	p2 =	seq.s32 @!p0 s5, $0x0  }
0x1f: {  	s9 =	smul.u32 $0xF7A, s1;
	s8 =	simm.s32 @!p0 $0x1BF5;
	p2 =	por !p2, p0  }
0x20: {  	[sflag:s8] =	ssyncset.s32 @!p0 $0xFFFFF086;
	s6 =	sadd.s32 @!p0 s3, s7;
	s7 =	simm.s32 @!p0 $0x108  }
0x21: {  	s3 =	sadd.s32 s3, s9;
	s6 =	sadd.s32 @!p0 $0x88, s6;
	s7 =	simm.s32 @p2 $0x1082  }
0x22: {  	[simem:s7], [sflag:s8] =	dma.local @!p0 [hbm:s6], $0xF7A  }
0x23: {  	s9 =	sor.u32 $0xD0000000, s2;
	s6 =	simm.s32 $0x108;
	_ =	swait.ge @!p0 [sflag:s8], $0x0  }
0x24: {  	s3 =	sadd.s32 $0x88, s3;
	s6 =	simm.s32 @!p1 $0x1082;
	[sflag:s4] =	ssyncset.s32 $0xFFFFF086  }
0x25: {  	[simem:s6], [sflag:s4] =	dma.local [hbm:s3], $0xF7A  }
0x26: {  	[smem:$0x3F95] =	sst s1;
	(tag) =	ssettag s2;
	_ =	strace s9  }
0x27: {  	s1 =	sld [smem:$0x3FA5]  }
0x28: {  	s2 =	sld [smem:$0x3FA6]  }
0x29: {  	s4 =	sld [smem:$0x3FA8]  }
0x2a: {  	p0 =	seq.s32 s5, $0x0;
	s5 =	sld [smem:$0x3FA9]  }
0x2b: {  	s6 =	sld [smem:$0x3FAA]  }
0x2c: {  	s7 =	sld [smem:$0x3FAB]  }
0x2d: {  	s3 =	simm.s32 $0x108;
	s8 =	sld [smem:$0x3FAC]  }
0x2e: {  	s3 =	simm.s32 @!p0 $0x1082;
	s9 =	sld [smem:$0x3FAD]  }
0x2f: {  	lr =	sadd.s32 s0, s3;
	s0 =	sld [smem:$0x3FA4]  }
0x30: {  	s3 =	sld [smem:$0x3FA7]  }
0x31: {  	[smem:$0x3FB0] =	sst s10  }
0x32: {  	s10 =	sld [smem:$0x3FAE];
	_ =	sdelay $0x3  }
0x33: {  	p0 =	seq.s32 s10, $0x1;
	s10 =	sld [smem:$0x3FB0];
	_ =	sdelay $0x3  }
0x34: {  	[smem:$0x3FB0] =	sst s10  }
0x35: {  	s10 =	sld [smem:$0x3FAF];
	_ =	sdelay $0x3  }
0x36: {  	p1 =	seq.s32 s10, $0x1;
	s10 =	sld [smem:$0x3FB0];
	_ =	sdelay $0x3  }
0x37: {  	[smem:$0x3FB0] =	sst s10  }
0x38: {  	s10 =	sld [smem:$0x3FB1]  }
0x39: {  	_ = 	snop;
	(pc) =	sbr.ind lr, $3  }
0x3a: {  	_ = 	snop  }
0x3b: {  	_ = 	snop  }
0x3c: {  	p2 =	seq.s32 s10, $0x1;
	s10 =	sld [smem:$0x3FB0]  }
0x3d: {  	_ =	shalt  }
0x3e: {  	_ =	shalt  }
0x3f: {  	_ =	shalt  }
0x40: {  	_ =	shalt  }
0x41: {  	_ =	shalt  }
0x42: {  	_ =	shalt  }
0x43: {  	_ =	shalt  }
0x44: {  	_ =	shalt  }
0x45: {  	_ =	shalt  }
0x46: {  	_ =	shalt  }
0x47: {  	_ =	shalt  }
0x48: {  	_ =	shalt  }
0x49: {  	_ =	shalt  }
0x4a: {  	_ =	shalt  }
0x4b: {  	_ =	shalt  }
0x4c: {  	_ =	shalt  }
0x4d: {  	_ =	shalt  }
0x4e: {  	_ =	shalt  }
0x4f: {  	_ =	shalt  }
0x50: {  	_ =	shalt  }
0x51: {  	_ =	shalt  }
0x52: {  	_ =	shalt  }
0x53: {  	_ =	shalt  }
0x54: {  	_ =	shalt  }
0x55: {  	_ =	shalt  }
0x56: {  	_ =	shalt  }
0x57: {  	_ =	shalt  }
0x58: {  	_ =	shalt  }
0x59: {  	_ =	shalt  }
0x5a: {  	_ =	shalt  }
0x5b: {  	_ =	shalt  }
0x5c: {  	_ =	shalt  }
0x5d: {  	_ =	shalt  }
0x5e: {  	_ =	shalt  }
0x5f: {  	_ =	shalt  }
0x60: {  	_ =	shalt  }
0x61: {  	_ =	shalt  }
0x62: {  	_ =	shalt  }
0x63: {  	_ =	shalt  }
0x64: {  	_ =	shalt  }
0x65: {  	_ =	shalt  }
0x66: {  	_ =	shalt  }
0x67: {  	_ =	shalt  }
0x68: {  	_ =	shalt  }
0x69: {  	_ =	shalt  }
0x6a: {  	_ =	shalt  }
0x6b: {  	_ =	shalt  }
0x6c: {  	_ =	shalt  }
0x6d: {  	_ =	shalt  }
0x6e: {  	_ =	shalt  }
0x6f: {  	_ =	shalt  }
0x70: {  	_ =	shalt  }
0x71: {  	_ =	shalt  }
0x72: {  	_ =	shalt  }
0x73: {  	_ =	shalt  }
0x74: {  	_ =	shalt  }
0x75: {  	_ =	shalt  }
0x76: {  	_ =	shalt  }
0x77: {  	_ =	shalt  }
0x78: {  	_ =	shalt  }
0x79: {  	_ =	shalt  }
0x7a: {  	_ =	shalt  }
0x7b: {  	_ =	shalt  }
0x7c: {  	_ =	shalt  }
0x7d: {  	_ =	shalt  }
0x7e: {  	_ =	shalt  }
0x7f: {  	_ =	shalt  }
0x80: {  	_ =	shalt  }
0x81: {  	_ =	shalt  }
0x82: {  	_ =	shalt  }
0x83: {  	_ =	shalt  }
0x84: {  	_ =	shalt  }
0x85: {  	_ =	shalt  }
0x86: {  	_ =	shalt  }
0x87: {  	_ =	shalt  }
.Lfunc_end0:
.L_simem_size_0:
called_computation.3_lowered:
.L_overlay_start_0:
0x88: {  	s2 =	sld [smem:$0x3FD9]  }
0x89: {  	s3 =	sld [smem:$0x3FFE];
	_ =	sdelay $0x1  }
0x8a: {  	s1 =	srdreg.scid  }
0x8b: {  	s0 =	sand.u32 $0x1, s1  }
0x8c: {  	s15 =	sshll.u32 s0, $0xA;
	s2 =	sadd.s32 s3, s2  }
0x8d: {  	s2 =	sadd.s32 s2, s15  }
0x8e: {  	[smem:$0x3FBC] =	sst s2  }
0x8f: {  	_ = 	snop  }
0x90: {  	s2 =	sld [smem:$0x3FD0];
	_ =	sdelay $0x2  }
0x91: {  	s16 =	simm.s32 $0xB;
	s4 =	simm.s32 $0x10  }
0x92: {  	[smem:s4], [sflag:s16] =	dma.local [hbm:s2], $0x1  }
0x93: {  	_ =	swait.eq [sflag:s16], $0x1  }
0x94: {  	[sflag:s16] =	ssyncset.done $0x0  }
0x95: {  	[sflag:s16] =	ssyncadd.s32 $0xFFFFFFFF  }
0x96: {  	s17 =	sld [smem:$0x11];
	(tm) =	ssettm $0x1  }
0x97: {  	s18 =	sld [smem:$0x3FFB];
	_ =	sdelay $0x3  }
0x98: {  	_ =	strace s18  }
0x99: {  	s2 =	sld [smem:$0x3FFC];
	_ =	sdelay $0x3  }
0x9a: {  	_ =	strace s2  }
0x9b: {  	s2 =	sld [smem:$0x3FFD];
	_ =	sdelay $0x3  }
0x9c: {  	_ =	strace s2  }
0x9d: {  	_ =	strace $0x8FFFFFFF  }
0x9e: {  	s19 =	sld [smem:$0x3FDB];
	_ =	sdelay $0x1  }
0x9f: {  	s20 =	simm.s32 $_scs_section_size  }
0xa0: {  	s5 =	simm.s32 $_size__tile_overlayer_lowered;
	s6 =	simm.s32 $_tile_overlayer_lowered  }
0xa1: {  	s7 =	simm.s32 $0x1BFF;
	s21 =	sshll.u32 s6, $0x1;
	s4 =	sadd.s32 s20, s19  }
0xa2: {  	s22 =	simm.s32 $0x0;
	s5 =	sshll.u32 s5, $0x1;
	s6 =	sadd.s32 s21, s4  }
0xa3: {  	[timem:s22], [sflag:s7] =	dma.local [hbm:s6], s5  }
0xa4: {  	_ =	swait.ge [sflag:s7], s5  }
0xa5: {  	s5 =	ssub.s32 $0x0, s5;
	[sflag:s7] =	ssyncset.done $0x0  }
0xa6: {  	[sflag:s7] =	ssyncadd.s32 s5;
	_ =	sdelay $0x1  }
0xa7: {  	s23 =	simm.s32 $0x1B8B  }
0xa8: {  	_ =	swait.ge [sflag:s23], $0x1  }
0xa9: {  	[sflag:s23] =	ssyncset.done $0x0  }
0xaa: {  	[sflag:s23] =	ssyncadd.s32 $0xFFFFFFFF  }
0xab: {  	s5 =	sld [smem:$0x0]  }
0xac: {  	s6 =	sand.u32 $0xFFFFFFFE, s1  }
0xad: {  	p0 =	sne.s32 s1, s6  }
0xae: {  	s6 =	sshll.u32 @p0 s6, $0xE  }
0xaf: {  	s6 =	sadd.s32 @p0 $0x11B8D, s6;
	s7 =	sshll.u32 @p0 s5, $0x11  }
0xb0: {  	s6 =	sor.u32 @p0 s7, s6  }
0xb1: {  	[sflag:s6] =	ssyncadd.remote.s32 @p0 $0x1;
	_ =	sdelay $0x1  }
0xb2: {  	s6 =	simm.s32 @p0 $0x1B8D  }
0xb3: {  	_ =	swait.eq @p0 [sflag:s6], $0x1  }
0xb4: {  	[sflag:s6] =	ssyncadd.s32 @p0 $0xFFFFFFFF  }
0xb5: {  	s7 =	sshll.u32 @!p0 s1, $0xE  }
0xb6: {  	s7 =	sor.u32 @!p0 $0x4000, s7;
	s6 =	simm.s32 @!p0 $0x1B8D  }
0xb7: {  	s5 =	sshll.u32 @!p0 s5, $0x11;
	s7 =	sadd.s32 @!p0 $0x11B8D, s7;
	_ =	swait.eq @!p0 [sflag:s6], $0x1  }
0xb8: {  	s5 =	sor.u32 @!p0 s5, s7;
	[sflag:s6] =	ssyncadd.s32 @!p0 $0xFFFFFFFF  }
0xb9: {  	s25 =	simm.s32 $0x1B8E;
	s24 =	sld [smem:$0x3FFE];
	[sflag:s5] =	ssyncadd.remote.s32 @!p0 $0x1  }
0xba: {  	s26 =	simm.s32 $execute0_lowered;
	[smem:$0x3FD2] =	sst s25  }
0xbb: {  	s6 =	sshll.u32 s26, $0x1;
	_ =	strace $0x80000052;
	[dreg:$0x1] =	wrdreg $0xFFFFFFFF  }
0xbc: {  	s28 =	simm.s32 $_size_execute0_lowered;
	s4 =	sadd.s32 s4, s6;
	[dreg:$0x0] =	wrdreg $0x0  }
0xbd: {  	s6 =	sshll.u32 s28, $0x1;
	[dreg:$0x2] =	wrdreg s4  }
0xbe: {  	[dreg:$0x3] =	wrdreg s6  }
0xbf: {  	[dreg:$0x4] =	wrdreg $0xC0  }
0xc0: {  	_ =	task [dreg:s22], $0x5FFFF  }
0xc1: {  	[dreg:$0x1] =	wrdreg $0xFFFFFFFF  }
0xc2: {  	[dreg:$0x0] =	wrdreg $0x60  }
0xc3: {  	[dreg:$0x2] =	wrdreg s24  }
0xc4: {  	[dreg:$0x3] =	wrdreg s17  }
0xc5: {  	[dreg:$0x4] =	wrdreg $0xDE000  }
0xc6: {  	[dreg:$0x5] =	wrdreg $0x9  }
0xc7: {  	_ =	task.clear_ibuf [dreg:s22], $0x6FFFF;
	_ =	strace $0x90000052  }
0xc8: {  	s29 =	simm.s32 $0x9;
	_ =	strace $0x80000054  }
0xc9: {  	_ =	swait.ge [sflag:s29], $0x1  }
0xca: {  	[sflag:s29] =	ssyncadd.s32 $0xFFFFFFFF  }
0xcb: {  	_ =	strace $0x90000054  }
0xcc: {  	_ =	sfence  }
0xcd: {  	s30 =	sld [smem:$0x0];
	_ =	sdelay $0x2  }
0xce: {  	s31 =	sshll.u32 s1, $0xD;
	s1 =	sshrl.u32 s1, $0x2  }
0xcf: {  	s4 =	sand.u32 $0x4000, s31;
	s1 =	sadd.s32 s1, s30  }
0xd0: {  	s0 =	sor.u32 s4, s0;
	s1 =	sshll.u32 s1, $0x11  }
0xd1: {  	s0 =	sor.u32 s1, s0  }
0xd2: {  	s0 =	sadd.s32 $0x8F2B, s0  }
0xd3: {  	[sflag:s0] =	ssyncadd.remote.s32 $0x1  }
0xd4: {  	_ =	sfence.sel $0xFFFF  }
0xd5: {  	[dreg:$0x0] =	wrdreg $0xFFFFFFFF;
	(pc) =	sbr.abs _section_cstart, $3  }
0xd6: {  	[dreg:$0x1] =	wrdreg $0xFFFFFFFF  }
0xd7: {  	_ =	task.clear_ibuf [dreg:s22], $0x2FFFF;
	_ =	strace $0x9FFFFFFF  }
0xd8: {  	(tm) =	ssettm $0x7FFFFFFF  }
0xd9: {  	_ =	shalt  }
tec
execute0_lowered:
.L_overlay_start_1:
0x0: {  	(tag) =	ssettag $0x1  }
0x1: {  	s7 =	rddreg [dreg:$0x0]  }
0x2: {  	s9 =	rddreg [dreg:$0x1]  }
0x3: {  	s2 =	rddreg [dreg:$0x2]  }
0x4: {  	s0 =	rddreg [dreg:$0x3];
	s1 =	stileid.u32  }
0x5: {  	s4 =	srdreg.scid;
	s3 =	simm.s32 $0x0;
	s16 =	simm.s32 $0x9E00  }
0x6: {  	s17 =	simm.s32 $0xBE00;
	s18 =	simm.s32 $0x1;
	s19 =	simm.s32 $0x100  }
0x7: {  	s20 =	simm.s32 $0x2;
	s21 =	simm.s32 $0x3;
	s22 =	simm.s32 $0x9C80  }
0x8: {  	s23 =	simm.s32 $0x4E80;
	s24 =	simm.s32 $0x9D00;
	s25 =	simm.s32 $0x9D80  }
0x9: {  	s26 =	simm.s32 $0x0;
	s10 =	sand.u32 $0x1, s4;
	s8 =	smul.u32 $0xA000, s1  }
0xa: {  	[smem:$0x7FF] =	sst s3;
	s11 =	smul.u32 $0x9E0, s1;
	s4 =	sadd.s32 $0x11D200, s7  }
0xb: {  	s5 =	sadd.s32 $0x109200, s7;
	s31 =	sshll.u32 s1, $0x6;
	s6 =	smul.u32 $0xA0000, s10  }
0xc: {  	_ =	strace $0x80000053;
	s14 =	ssub.s32 $0x2, s10;
	p0 =	seq.s32 s10, $0x1  }
0xd: {  	s12 =	sadd.s32 s11, s7;
	s30 =	sshrl.u32 s14, $0x1;
	s15 =	sadd.s32 s8, s2  }
.Ltmp0:
0xe: {  	s9 =	sadd.s32 s9, s11;
	s6 =	sadd.s32 s8, s6;
	(pc) =	sbr.rel .LBB2_1-.Ltmp0, $4  }
0xf: {  	s14 =	ssub.s32 s14, s30;
	s8 =	sadd.s32 $0xAF400, s12;
	s12 =	sshrl.u32 s15, $0x3  }
0x10: {  	s15 =	simm.s32 $0x80;
	s13 =	sshrl.u32 s6, $0x3;
	s6 =	sadd.s32 $0x86000, s7  }
0x11: {  	s11 =	smax.u32 s14, $0x1;
	s14 =	simm.s32 $0x4F00;
	s13 =	sadd.s32 s13, s7  }
0x12: {  	s7 =	sor.u32 $0x1C04, s31;
	s10 =	sadd.s32 $0x131200, s13;
	s13 =	simm.s32 $0x4  }
.LBB2_7:
0x13: {  	[tilespmem:s16], [sflag:$0x1] =	stream.indirect.gather [hbm4b:s5+s15], $0x40, s29, s15, $0xb8;
	[tilespmem:$0x17E00] =	vst v63  }
0x14: {  	_ =	swait.ge [sflag:s20], $0x2000  }
0x15: {  	[sflag:s20] =	ssyncset.done $0x0  }
0x16: {  	[sflag:s20] =	ssyncadd.s32 $0xFFFFE000  }
0x17: {  	_ =	swait.ge [sflag:s21], $0x2000  }
0x18: {  	[sflag:s21] =	ssyncset.done $0x0  }
0x19: {  	[sflag:s21] =	ssyncadd.s32 $0xFFFFE000  }
0x1a: {  	[spmem:s2] =	stream.indirect.scatter.add.f32 [tilespmem:s17], [sflag:$0x3], $0x40, s22, s15, $0xb8;
	[tilespmem:$0x17E00] =	vst v63  }
0x1b: {  	_ = 	snop  }
0x1c: {  	[tilespmem:s17], [sflag:$0x2] =	stream.indirect.gather [hbm4b:s5+s15], $0x40, s23, s15, $0xb8;
	[tilespmem:$0x17E00] =	vst v63  }
.LBB2_8:
0x1d: {  	_ =	swait.ge [sflag:s18], $0x2000  }
0x1e: {  	[sflag:s18] =	ssyncset.done $0x0  }
0x1f: {  	[sflag:s18] =	ssyncadd.s32 $0xFFFFE000  }
0x20: {  	_ =	swait.ge [sflag:s21], $0x2000  }
0x21: {  	[sflag:s21] =	ssyncset.done $0x0  }
0x22: {  	[sflag:s21] =	ssyncadd.s32 $0xFFFFE000  }
0x23: {  	[spmem:s2] =	stream.indirect.scatter.add.f32 [tilespmem:s16], [sflag:$0x3], $0x40, s24, s15, $0xb8;
	[tilespmem:$0x17E00] =	vst v63  }
0x24: {  	_ =	swait.ge [sflag:s20], $0x2000  }
0x25: {  	[sflag:s20] =	ssyncset.done $0x0  }
0x26: {  	[sflag:s20] =	ssyncadd.s32 $0xFFFFE000  }
0x27: {  	_ =	swait.ge [sflag:s21], $0x2000  }
0x28: {  	[sflag:s21] =	ssyncset.done $0x0  }
0x29: {  	[sflag:s21] =	ssyncadd.s32 $0xFFFFE000  }
0x2a: {  	[spmem:s2] =	stream.indirect.scatter.add.f32 [tilespmem:s17], [sflag:$0x3], $0x40, s25, s15, $0xb8;
	[tilespmem:$0x17E00] =	vst v63  }
0x2b: {  	_ =	swait.ge [sflag:s21], $0x2000  }
0x2c: {  	s26 =	sadd.s32 $0x1, s26;
	[sflag:s21] =	ssyncset.done $0x0  }
0x2d: {  	p1 =	sne.s32 s26, s11;
	[sflag:s21] =	ssyncadd.s32 $0xFFFFE000  }
.Ltmp1:
0x2e: {  	[bflag:$0x0] =	sbarrier.arrive $0xFFFF;
	(pc) =	sbr.rel @!p1 .LBB2_9-.Ltmp1, $4  }
0x2f: {  	[hbm:s10], [sflag:s7] =	dma.local [spmem:s12], $0x1400  }
0x30: {  	_ =	swait.ge [sflag:s13], $0x1400  }
0x31: {  	[sflag:s13] =	ssyncset.done $0x0  }
0x32: {  	[sflag:s13] =	ssyncadd.s32 $0xFFFFEC00  }
.LBB2_1:
0x33: {  	[spmem:s12], [sflag:s7] =	dma.local [hbm:s6], $0x1400  }
0x34: {  	_ =	swait.ge [sflag:s13], $0x1400  }
0x35: {  	[sflag:s13] =	ssyncset.done $0x0  }
0x36: {  	[sflag:s13] =	ssyncadd.s32 $0xFFFFEC00  }
0x37: {  	[bflag:$0x0] =	sbarrier.arrive $0xFFFF  }
0x38: {  	[tilespmem:s3], [sflag:$0x4] =	stream.linear.gather [hbm4b:s8+s3], $0x4F00, $0x38;
	[tilespmem:$0x17E00] =	vst v63  }
0x39: {  	_ =	swait.ge [sflag:s13], $0x4F00  }
0x3a: {  	[sflag:s13] =	ssyncset.done $0x0  }
.Ltmp2:
0x3b: {  	[sflag:s13] =	ssyncadd.s32 $0xFFFFB100;
	(pc) =	sbr.rel @!p0 .LBB2_2-.Ltmp2, $4  }
0x3c: {  	[tilespmem:s14], [sflag:$0x4] =	stream.linear.gather [hbm4b:s9+s3], $0x4F00, $0x38;
	[tilespmem:$0x17E00] =	vst v63  }
0x3d: {  	_ =	swait.ge [sflag:s13], $0x4F00  }
0x3e: {  	[sflag:s13] =	ssyncset.done $0x0  }
0x3f: {  	[sflag:s13] =	ssyncadd.s32 $0xFFFFB100  }
0x40: {  	[tilespmem:s16], [sflag:$0x1] =	stream.indirect.gather [hbm4b:s5+s15], $0x40, s3, s15, $0xb8;
	[tilespmem:$0x17E00] =	vst v63  }
0x41: {  	_ = 	snop  }
0x42: {  	[tilespmem:s17], [sflag:$0x2] =	stream.indirect.gather [hbm4b:s5+s15], $0x40, s15, s15, $0xb8;
	[tilespmem:$0x17E00] =	vst v63  }
0x43: {  	_ =	swait.ge [sflag:s18], $0x2000  }
0x44: {  	[sflag:s18] =	ssyncset.done $0x0  }
0x45: {  	[sflag:s18] =	ssyncadd.s32 $0xFFFFE000  }
0x46: {  	[spmem:s2] =	stream.indirect.scatter.add.f32 [tilespmem:s16], [sflag:$0x3], $0x40, s14, s15, $0xb8;
	[tilespmem:$0x17E00] =	vst v63  }
0x47: {  	_ = 	snop  }
0x48: {  	[tilespmem:s16], [sflag:$0x1] =	stream.indirect.gather [hbm4b:s5+s15], $0x40, s19, s15, $0xb8;
	[tilespmem:$0x17E00] =	vst v63  }
0x49: {  	_ =	swait.ge [sflag:s20], $0x2000  }
0x4a: {  	[sflag:s20] =	ssyncset.done $0x0  }
0x4b: {  	[sflag:s20] =	ssyncadd.s32 $0xFFFFE000  }
0x4c: {  	_ =	swait.ge [sflag:s21], $0x2000  }
0x4d: {  	[sflag:s21] =	ssyncset.done $0x0  }
0x4e: {  	s28 =	simm.s32 $0x4F80;
	[sflag:s21] =	ssyncadd.s32 $0xFFFFE000  }
0x4f: {  	[spmem:s2] =	stream.indirect.scatter.add.f32 [tilespmem:s17], [sflag:$0x3], $0x40, s28, s15, $0xb8;
	[tilespmem:$0x17E00] =	vst v63  }
0x50: {  	s28 =	simm.s32 $0x180  }
0x51: {  	[tilespmem:s17], [sflag:$0x2] =	stream.indirect.gather [hbm4b:s5+s15], $0x40, s28, s15, $0xb8;
	[tilespmem:$0x17E00] =	vst v63  }
0x52: {  	_ =	swait.ge [sflag:s18], $0x2000  }
0x53: {  	[sflag:s18] =	ssyncset.done $0x0  }
0x54: {  	[sflag:s18] =	ssyncadd.s32 $0xFFFFE000  }
0x55: {  	_ =	swait.ge [sflag:s21], $0x2000  }
0x56: {  	[sflag:s21] =	ssyncset.done $0x0  }
0x57: {  	s28 =	simm.s32 $0x5000;
	[sflag:s21] =	ssyncadd.s32 $0xFFFFE000  }
0x58: {  	[spmem:s2] =	stream.indirect.scatter.add.f32 [tilespmem:s16], [sflag:$0x3], $0x40, s28, s15, $0xb8;
	[tilespmem:$0x17E00] =	vst v63  }
0x59: {  	s29 =	simm.s32 $0x200;
	s28 =	simm.s32 $0xFFFED000  }
.LBB2_6:
0x5a: {  	[tilespmem:s16], [sflag:$0x1] =	stream.indirect.gather [hbm4b:s5+s15], $0x40, s29, s15, $0xb8;
	[tilespmem:$0x17E00] =	vst v63  }
0x5b: {  	s29 =	smov.u32 s28  }
0x5c: {  	p1 =	sne.s32 s28, $0xFFFFFC00;
	s28 =	sadd.s32 $0x400, s28;
	_ =	swait.ge [sflag:s20], $0x2000  }
0x5d: {  	[sflag:s20] =	ssyncset.done $0x0  }
0x5e: {  	[sflag:s20] =	ssyncadd.s32 $0xFFFFE000  }
0x5f: {  	_ =	swait.ge [sflag:s21], $0x2000  }
0x60: {  	s29 =	sshra.s32 s29, $0x2;
	[sflag:s21] =	ssyncset.done $0x0  }
0x61: {  	s30 =	sadd.s32 $0x9C80, s29;
	[sflag:s21] =	ssyncadd.s32 $0xFFFFE000  }
0x62: {  	[spmem:s2] =	stream.indirect.scatter.add.f32 [tilespmem:s17], [sflag:$0x3], $0x40, s30, s15, $0xb8;
	[tilespmem:$0x17E00] =	vst v63  }
0x63: {  	s30 =	sadd.s32 $0x4E80, s29  }
0x64: {  	[tilespmem:s17], [sflag:$0x2] =	stream.indirect.gather [hbm4b:s5+s15], $0x40, s30, s15, $0xb8;
	[tilespmem:$0x17E00] =	vst v63  }
0x65: {  	_ =	swait.ge [sflag:s18], $0x2000  }
0x66: {  	[sflag:s18] =	ssyncset.done $0x0  }
0x67: {  	[sflag:s18] =	ssyncadd.s32 $0xFFFFE000  }
.Ltmp3:
0x68: {  	_ =	swait.ge [sflag:s21], $0x2000;
	(pc) =	sbr.rel @p1 .LBB2_6-.Ltmp3, $4  }
0x69: {  	[sflag:s21] =	ssyncset.done $0x0  }
0x6a: {  	s30 =	sadd.s32 $0x9D00, s29;
	[sflag:s21] =	ssyncadd.s32 $0xFFFFE000  }
0x6b: {  	[spmem:s2] =	stream.indirect.scatter.add.f32 [tilespmem:s16], [sflag:$0x3], $0x40, s30, s15, $0xb8;
	[tilespmem:$0x17E00] =	vst v63  }
0x6c: {  	s29 =	sadd.s32 $0x4F00, s29  }
.Ltmp4:
0x6d: {  	_ = 	snop;
	(pc) =	sbr.rel .LBB2_7-.Ltmp4, $1  }
0x6e: {  	_ =	sdelay $0x3  }
.LBB2_2:
0x6f: {  	[tilespmem:s16], [sflag:$0x1] =	stream.indirect.gather [hbm4b:s4+s15], $0x40, s3, s15, $0xb8;
	[tilespmem:$0x17E00] =	vst v63  }
0x70: {  	_ = 	snop  }
0x71: {  	[tilespmem:s17], [sflag:$0x2] =	stream.indirect.gather [hbm4b:s4+s15], $0x40, s15, s15, $0xb8;
	[tilespmem:$0x17E00] =	vst v63  }
0x72: {  	_ =	swait.ge [sflag:s18], $0x2000  }
0x73: {  	[sflag:s18] =	ssyncset.done $0x0  }
0x74: {  	[sflag:s18] =	ssyncadd.s32 $0xFFFFE000  }
0x75: {  	[spmem:s2] =	stream.indirect.scatter.add.f32 [tilespmem:s16], [sflag:$0x3], $0x40, s14, s15, $0xb8;
	[tilespmem:$0x17E00] =	vst v63  }
0x76: {  	_ = 	snop  }
0x77: {  	[tilespmem:s16], [sflag:$0x1] =	stream.indirect.gather [hbm4b:s4+s15], $0x40, s19, s15, $0xb8;
	[tilespmem:$0x17E00] =	vst v63  }
0x78: {  	_ =	swait.ge [sflag:s20], $0x2000  }
0x79: {  	[sflag:s20] =	ssyncset.done $0x0  }
0x7a: {  	[sflag:s20] =	ssyncadd.s32 $0xFFFFE000  }
0x7b: {  	_ =	swait.ge [sflag:s21], $0x2000  }
0x7c: {  	[sflag:s21] =	ssyncset.done $0x0  }
0x7d: {  	s28 =	simm.s32 $0x4F80;
	[sflag:s21] =	ssyncadd.s32 $0xFFFFE000  }
0x7e: {  	[spmem:s2] =	stream.indirect.scatter.add.f32 [tilespmem:s17], [sflag:$0x3], $0x40, s28, s15, $0xb8;
	[tilespmem:$0x17E00] =	vst v63  }
0x7f: {  	s28 =	simm.s32 $0x180  }
0x80: {  	[tilespmem:s17], [sflag:$0x2] =	stream.indirect.gather [hbm4b:s4+s15], $0x40, s28, s15, $0xb8;
	[tilespmem:$0x17E00] =	vst v63  }
0x81: {  	_ =	swait.ge [sflag:s18], $0x2000  }
0x82: {  	[sflag:s18] =	ssyncset.done $0x0  }
0x83: {  	[sflag:s18] =	ssyncadd.s32 $0xFFFFE000  }
0x84: {  	_ =	swait.ge [sflag:s21], $0x2000  }
0x85: {  	[sflag:s21] =	ssyncset.done $0x0  }
0x86: {  	s28 =	simm.s32 $0x5000;
	[sflag:s21] =	ssyncadd.s32 $0xFFFFE000  }
0x87: {  	[spmem:s2] =	stream.indirect.scatter.add.f32 [tilespmem:s16], [sflag:$0x3], $0x40, s28, s15, $0xb8;
	[tilespmem:$0x17E00] =	vst v63  }
0x88: {  	s29 =	simm.s32 $0x200;
	s28 =	simm.s32 $0xFFFED000  }
.LBB2_3:
0x89: {  	[tilespmem:s16], [sflag:$0x1] =	stream.indirect.gather [hbm4b:s4+s15], $0x40, s29, s15, $0xb8;
	[tilespmem:$0x17E00] =	vst v63  }
0x8a: {  	s29 =	smov.u32 s28  }
0x8b: {  	p1 =	sne.s32 s28, $0xFFFFFC00;
	s28 =	sadd.s32 $0x400, s28;
	_ =	swait.ge [sflag:s20], $0x2000  }
0x8c: {  	[sflag:s20] =	ssyncset.done $0x0  }
0x8d: {  	[sflag:s20] =	ssyncadd.s32 $0xFFFFE000  }
0x8e: {  	_ =	swait.ge [sflag:s21], $0x2000  }
0x8f: {  	s29 =	sshra.s32 s29, $0x2;
	[sflag:s21] =	ssyncset.done $0x0  }
0x90: {  	s30 =	sadd.s32 $0x9C80, s29;
	[sflag:s21] =	ssyncadd.s32 $0xFFFFE000  }
0x91: {  	[spmem:s2] =	stream.indirect.scatter.add.f32 [tilespmem:s17], [sflag:$0x3], $0x40, s30, s15, $0xb8;
	[tilespmem:$0x17E00] =	vst v63  }
0x92: {  	s30 =	sadd.s32 $0x4E80, s29  }
0x93: {  	[tilespmem:s17], [sflag:$0x2] =	stream.indirect.gather [hbm4b:s4+s15], $0x40, s30, s15, $0xb8;
	[tilespmem:$0x17E00] =	vst v63  }
0x94: {  	_ =	swait.ge [sflag:s18], $0x2000  }
0x95: {  	[sflag:s18] =	ssyncset.done $0x0  }
0x96: {  	[sflag:s18] =	ssyncadd.s32 $0xFFFFE000  }
.Ltmp5:
0x97: {  	_ =	swait.ge [sflag:s21], $0x2000;
	(pc) =	sbr.rel @p1 .LBB2_3-.Ltmp5, $4  }
0x98: {  	[sflag:s21] =	ssyncset.done $0x0  }
0x99: {  	s30 =	sadd.s32 $0x9D00, s29;
	[sflag:s21] =	ssyncadd.s32 $0xFFFFE000  }
0x9a: {  	[spmem:s2] =	stream.indirect.scatter.add.f32 [tilespmem:s16], [sflag:$0x3], $0x40, s30, s15, $0xb8;
	[tilespmem:$0x17E00] =	vst v63  }
0x9b: {  	s29 =	sadd.s32 $0x4F00, s29  }
0x9c: {  	[tilespmem:s16], [sflag:$0x1] =	stream.indirect.gather [hbm4b:s4+s15], $0x40, s29, s15, $0xb8;
	[tilespmem:$0x17E00] =	vst v63  }
0x9d: {  	_ =	swait.ge [sflag:s20], $0x2000  }
0x9e: {  	[sflag:s20] =	ssyncset.done $0x0  }
0x9f: {  	[sflag:s20] =	ssyncadd.s32 $0xFFFFE000  }
0xa0: {  	_ =	swait.ge [sflag:s21], $0x2000  }
.Ltmp6:
0xa1: {  	[sflag:s21] =	ssyncset.done $0x0;
	(pc) =	sbr.rel .LBB2_8-.Ltmp6, $4  }
0xa2: {  	[sflag:s21] =	ssyncadd.s32 $0xFFFFE000  }
0xa3: {  	[spmem:s2] =	stream.indirect.scatter.add.f32 [tilespmem:s17], [sflag:$0x3], $0x40, s22, s15, $0xb8;
	[tilespmem:$0x17E00] =	vst v63  }
0xa4: {  	_ = 	snop  }
0xa5: {  	[tilespmem:s17], [sflag:$0x2] =	stream.indirect.gather [hbm4b:s4+s15], $0x40, s23, s15, $0xb8;
	[tilespmem:$0x17E00] =	vst v63  }
.LBB2_9:
0xa6: {  	_ =	sfence.sel $0x180000  }
0xa7: {  	[bflag:$0x0] =	sbarrier.arrive $0xFFFF  }
0xa8: {  	p0 =	sne.s32 s1, $0x0;
	_ =	strace $0x90000053  }
0xa9: {  	s0 =	sadd.s32 @!p0 $0x100000, s0;
	[bflag:$0x2] =	sbarrier.arrive $0xFFFF  }
0xaa: {  	[sflag:s0] =	ssyncadd.tile.s32 @!p0 $0x1;
	_ =	shalt  }
.Lfunc_end2:
_tile_overlayer_lowered:
.L_overlay_start_2:
0xab: {  	(tag) =	ssettag $0x2  }
0xac: {  	s0 =	rddreg [dreg:$0x0];
	s2 =	stileid.u32  }
0xad: {  	s1 =	rddreg [dreg:$0x1];
	p0 =	sne.s32 s2, $0x0  }
0xae: {  	s3 =	rddreg [dreg:$0x2];
	[bflag:$0x3] =	sbarrier.arrive $0xFFFF;
	s2 =	simm.s32 @!p0 $0x1C04  }
0xaf: {  	[timem:s3], [sflag:s2] =	dma.local @!p0 [hbm:s0], s1  }
0xb0: {  	s0 =	simm.s32 @!p0 $0x4  }
0xb1: {  	_ =	swait.ge @!p0 [sflag:s0], s1  }
0xb2: {  	s1 =	ssub.s32 @!p0 $0x0, s1;
	[sflag:s0] =	ssyncset.done @!p0 $0x0  }
0xb3: {  	[sflag:s0] =	ssyncadd.s32 @!p0 s1  }
0xb4: {  	[bflag:$0x3] =	sbarrier.arrive $0xFFFF  }
0xb5: {  	_ =	shalt  }

// kernel: kernel.26.cloned.1.call-start
scs
__scs_entry_jumppad:
0x0: {  	(pc) =	sbr.rel $0x88, $3  }
0x1: {  	(tag) =	ssettag $0x0;
	lr =	simm.s32 $0x1  }
0x2: {  	[smem:$0x3F95] =	sst lr;
	_ =	strace $0xD0000000  }
0x3: {  	_ = 	snop  }
0x4: {  	_ = 	snop  }
0x5: {  	_ = 	snop  }
0x6: {  	_ = 	snop  }
0x7: {  	_ = 	snop  }
__scs_overlays_trampoline_lowered:
0x8: {  	[smem:$0x3FA4] =	sst s0  }
0x9: {  	[smem:$0x3FA5] =	sst s1  }
0xa: {  	[smem:$0x3FA6] =	sst s2  }
0xb: {  	[smem:$0x3FA7] =	sst s3  }
0xc: {  	[smem:$0x3FA8] =	sst s4  }
0xd: {  	[smem:$0x3FA9] =	sst s5  }
0xe: {  	[smem:$0x3FAA] =	sst s6  }
0xf: {  	[smem:$0x3FAB] =	sst s7  }
0x10: {  	[smem:$0x3FAC] =	sst s8  }
0x11: {  	[smem:$0x3FAD] =	sst s9;
	s0 =	simm.s32 @!p0 $0x0  }
0x12: {  	s1 =	sld [smem:$0x3F93];
	s0 =	simm.s32 @p0 $0x1  }
0x13: {  	[smem:$0x3FAE] =	sst s0;
	s0 =	simm.s32 @!p1 $0x0  }
0x14: {  	s2 =	sld [smem:$0x3F92];
	s0 =	simm.s32 @p1 $0x1  }
0x15: {  	[smem:$0x3FAF] =	sst s0;
	s0 =	simm.s32 @!p2 $0x0  }
0x16: {  	s3 =	sld [smem:$0x3FDB];
	s0 =	simm.s32 @p2 $0x1  }
0x17: {  	s4 =	simm.s32 $0x1BF5;
	[smem:$0x3FB1] =	sst s0  }
0x18: {  	s0 =	sld [smem:$0x3F94];
	_ =	swait.ge [sflag:s4], $0x0  }
0x19: {  	s7 =	sld [smem:$0x3F95]  }
0x1a: {  	s8 =	sadd.s32 $0xFFFFE003, lr  }
0x1b: {  	s9 =	sadd.s32 $0xFFFFFEF7, lr;
	s5 =	simm.s32 $0xFFFFFFFF;
	p2 =	slt.u32 s8, $0xFFFFF086  }
0x1c: {  	p1 =	slt.u32 s9, $0xF7A;
	s5 =	simm.s32 @!p2 $0x0  }
0x1d: {  	s5 =	simm.s32 @p1 $0x1;
	p0 =	seq.s32 s7, s2  }
0x1e: {  	s7 =	smul.u32 @!p0 $0xF7A, s2;
	p2 =	seq.s32 @!p0 s5, $0x0  }
0x1f: {  	s9 =	smul.u32 $0xF7A, s1;
	s8 =	simm.s32 @!p0 $0x1BF5;
	p2 =	por !p2, p0  }
0x20: {  	[sflag:s8] =	ssyncset.s32 @!p0 $0xFFFFF086;
	s6 =	sadd.s32 @!p0 s3, s7;
	s7 =	simm.s32 @!p0 $0x108  }
0x21: {  	s3 =	sadd.s32 s3, s9;
	s6 =	sadd.s32 @!p0 $0x88, s6;
	s7 =	simm.s32 @p2 $0x1082  }
0x22: {  	[simem:s7], [sflag:s8] =	dma.local @!p0 [hbm:s6], $0xF7A  }
0x23: {  	s9 =	sor.u32 $0xD0000000, s2;
	s6 =	simm.s32 $0x108;
	_ =	swait.ge @!p0 [sflag:s8], $0x0  }
0x24: {  	s3 =	sadd.s32 $0x88, s3;
	s6 =	simm.s32 @!p1 $0x1082;
	[sflag:s4] =	ssyncset.s32 $0xFFFFF086  }
0x25: {  	[simem:s6], [sflag:s4] =	dma.local [hbm:s3], $0xF7A  }
0x26: {  	[smem:$0x3F95] =	sst s1;
	(tag) =	ssettag s2;
	_ =	strace s9  }
0x27: {  	s1 =	sld [smem:$0x3FA5]  }
0x28: {  	s2 =	sld [smem:$0x3FA6]  }
0x29: {  	s4 =	sld [smem:$0x3FA8]  }
0x2a: {  	p0 =	seq.s32 s5, $0x0;
	s5 =	sld [smem:$0x3FA9]  }
0x2b: {  	s6 =	sld [smem:$0x3FAA]  }
0x2c: {  	s7 =	sld [smem:$0x3FAB]  }
0x2d: {  	s3 =	simm.s32 $0x108;
	s8 =	sld [smem:$0x3FAC]  }
0x2e: {  	s3 =	simm.s32 @!p0 $0x1082;
	s9 =	sld [smem:$0x3FAD]  }
0x2f: {  	lr =	sadd.s32 s0, s3;
	s0 =	sld [smem:$0x3FA4]  }
0x30: {  	s3 =	sld [smem:$0x3FA7]  }
0x31: {  	[smem:$0x3FB0] =	sst s10  }
0x32: {  	s10 =	sld [smem:$0x3FAE];
	_ =	sdelay $0x3  }
0x33: {  	p0 =	seq.s32 s10, $0x1;
	s10 =	sld [smem:$0x3FB0];
	_ =	sdelay $0x3  }
0x34: {  	[smem:$0x3FB0] =	sst s10  }
0x35: {  	s10 =	sld [smem:$0x3FAF];
	_ =	sdelay $0x3  }
0x36: {  	p1 =	seq.s32 s10, $0x1;
	s10 =	sld [smem:$0x3FB0];
	_ =	sdelay $0x3  }
0x37: {  	[smem:$0x3FB0] =	sst s10  }
0x38: {  	s10 =	sld [smem:$0x3FB1]  }
0x39: {  	_ = 	snop;
	(pc) =	sbr.ind lr, $3  }
0x3a: {  	_ = 	snop  }
0x3b: {  	_ = 	snop  }
0x3c: {  	p2 =	seq.s32 s10, $0x1;
	s10 =	sld [smem:$0x3FB0]  }
0x3d: {  	_ =	shalt  }
0x3e: {  	_ =	shalt  }
0x3f: {  	_ =	shalt  }
0x40: {  	_ =	shalt  }
0x41: {  	_ =	shalt  }
0x42: {  	_ =	shalt  }
0x43: {  	_ =	shalt  }
0x44: {  	_ =	shalt  }
0x45: {  	_ =	shalt  }
0x46: {  	_ =	shalt  }
0x47: {  	_ =	shalt  }
0x48: {  	_ =	shalt  }
0x49: {  	_ =	shalt  }
0x4a: {  	_ =	shalt  }
0x4b: {  	_ =	shalt  }
0x4c: {  	_ =	shalt  }
0x4d: {  	_ =	shalt  }
0x4e: {  	_ =	shalt  }
0x4f: {  	_ =	shalt  }
0x50: {  	_ =	shalt  }
0x51: {  	_ =	shalt  }
0x52: {  	_ =	shalt  }
0x53: {  	_ =	shalt  }
0x54: {  	_ =	shalt  }
0x55: {  	_ =	shalt  }
0x56: {  	_ =	shalt  }
0x57: {  	_ =	shalt  }
0x58: {  	_ =	shalt  }
0x59: {  	_ =	shalt  }
0x5a: {  	_ =	shalt  }
0x5b: {  	_ =	shalt  }
0x5c: {  	_ =	shalt  }
0x5d: {  	_ =	shalt  }
0x5e: {  	_ =	shalt  }
0x5f: {  	_ =	shalt  }
0x60: {  	_ =	shalt  }
0x61: {  	_ =	shalt  }
0x62: {  	_ =	shalt  }
0x63: {  	_ =	shalt  }
0x64: {  	_ =	shalt  }
0x65: {  	_ =	shalt  }
0x66: {  	_ =	shalt  }
0x67: {  	_ =	shalt  }
0x68: {  	_ =	shalt  }
0x69: {  	_ =	shalt  }
0x6a: {  	_ =	shalt  }
0x6b: {  	_ =	shalt  }
0x6c: {  	_ =	shalt  }
0x6d: {  	_ =	shalt  }
0x6e: {  	_ =	shalt  }
0x6f: {  	_ =	shalt  }
0x70: {  	_ =	shalt  }
0x71: {  	_ =	shalt  }
0x72: {  	_ =	shalt  }
0x73: {  	_ =	shalt  }
0x74: {  	_ =	shalt  }
0x75: {  	_ =	shalt  }
0x76: {  	_ =	shalt  }
0x77: {  	_ =	shalt  }
0x78: {  	_ =	shalt  }
0x79: {  	_ =	shalt  }
0x7a: {  	_ =	shalt  }
0x7b: {  	_ =	shalt  }
0x7c: {  	_ =	shalt  }
0x7d: {  	_ =	shalt  }
0x7e: {  	_ =	shalt  }
0x7f: {  	_ =	shalt  }
0x80: {  	_ =	shalt  }
0x81: {  	_ =	shalt  }
0x82: {  	_ =	shalt  }
0x83: {  	_ =	shalt  }
0x84: {  	_ =	shalt  }
0x85: {  	_ =	shalt  }
0x86: {  	_ =	shalt  }
0x87: {  	_ =	shalt  }
.Lfunc_end0:
.L_simem_size_0:
called_computation.4_lowered:
.L_overlay_start_0:
0x88: {  	s2 =	sld [smem:$0x3FD9]  }
0x89: {  	s3 =	sld [smem:$0x3FFE];
	_ =	sdelay $0x1  }
0x8a: {  	s1 =	srdreg.scid  }
0x8b: {  	s0 =	sand.u32 $0x1, s1  }
0x8c: {  	s15 =	sshll.u32 s0, $0xA;
	s2 =	sadd.s32 s3, s2  }
0x8d: {  	s2 =	sadd.s32 s2, s15  }
0x8e: {  	[smem:$0x3FBC] =	sst s2  }
0x8f: {  	_ = 	snop  }
0x90: {  	s2 =	sld [smem:$0x3FD0];
	_ =	sdelay $0x2  }
0x91: {  	s16 =	simm.s32 $0xB;
	s4 =	simm.s32 $0x10  }
0x92: {  	[smem:s4], [sflag:s16] =	dma.local [hbm:s2], $0x1  }
0x93: {  	_ =	swait.eq [sflag:s16], $0x1  }
0x94: {  	[sflag:s16] =	ssyncset.done $0x0  }
0x95: {  	[sflag:s16] =	ssyncadd.s32 $0xFFFFFFFF  }
0x96: {  	s17 =	sld [smem:$0x10];
	(tm) =	ssettm $0x1  }
0x97: {  	s18 =	sld [smem:$0x3FFB];
	_ =	sdelay $0x3  }
0x98: {  	_ =	strace s18  }
0x99: {  	s2 =	sld [smem:$0x3FFC];
	_ =	sdelay $0x3  }
0x9a: {  	_ =	strace s2  }
0x9b: {  	s2 =	sld [smem:$0x3FFD];
	_ =	sdelay $0x3  }
0x9c: {  	_ =	strace s2  }
0x9d: {  	_ =	strace $0x8FFFFFFF  }
0x9e: {  	s19 =	sld [smem:$0x3FDB];
	_ =	sdelay $0x1  }
0x9f: {  	s20 =	simm.s32 $_scs_section_size  }
0xa0: {  	s5 =	simm.s32 $_size__tile_overlayer_lowered;
	s6 =	simm.s32 $_tile_overlayer_lowered  }
0xa1: {  	s7 =	simm.s32 $0x1BFF;
	s21 =	sshll.u32 s6, $0x1;
	s4 =	sadd.s32 s20, s19  }
0xa2: {  	s22 =	simm.s32 $0x0;
	s5 =	sshll.u32 s5, $0x1;
	s6 =	sadd.s32 s21, s4  }
0xa3: {  	[timem:s22], [sflag:s7] =	dma.local [hbm:s6], s5  }
0xa4: {  	_ =	swait.ge [sflag:s7], s5  }
0xa5: {  	s5 =	ssub.s32 $0x0, s5;
	[sflag:s7] =	ssyncset.done $0x0  }
0xa6: {  	[sflag:s7] =	ssyncadd.s32 s5;
	_ =	sdelay $0x1  }
0xa7: {  	s23 =	simm.s32 $0x1B8B  }
0xa8: {  	_ =	swait.ge [sflag:s23], $0x1  }
0xa9: {  	[sflag:s23] =	ssyncset.done $0x0  }
0xaa: {  	[sflag:s23] =	ssyncadd.s32 $0xFFFFFFFF  }
0xab: {  	s5 =	sld [smem:$0x0]  }
0xac: {  	s6 =	sand.u32 $0xFFFFFFFE, s1  }
0xad: {  	p0 =	sne.s32 s1, s6  }
0xae: {  	s6 =	sshll.u32 @p0 s6, $0xE  }
0xaf: {  	s6 =	sadd.s32 @p0 $0x11B8D, s6;
	s7 =	sshll.u32 @p0 s5, $0x11  }
0xb0: {  	s6 =	sor.u32 @p0 s7, s6  }
0xb1: {  	[sflag:s6] =	ssyncadd.remote.s32 @p0 $0x1;
	_ =	sdelay $0x1  }
0xb2: {  	s6 =	simm.s32 @p0 $0x1B8D  }
0xb3: {  	_ =	swait.eq @p0 [sflag:s6], $0x1  }
0xb4: {  	[sflag:s6] =	ssyncadd.s32 @p0 $0xFFFFFFFF  }
0xb5: {  	s7 =	sshll.u32 @!p0 s1, $0xE  }
0xb6: {  	s7 =	sor.u32 @!p0 $0x4000, s7;
	s6 =	simm.s32 @!p0 $0x1B8D  }
0xb7: {  	s5 =	sshll.u32 @!p0 s5, $0x11;
	s7 =	sadd.s32 @!p0 $0x11B8D, s7;
	_ =	swait.eq @!p0 [sflag:s6], $0x1  }
0xb8: {  	s5 =	sor.u32 @!p0 s5, s7;
	[sflag:s6] =	ssyncadd.s32 @!p0 $0xFFFFFFFF  }
0xb9: {  	s25 =	simm.s32 $0x1B8E;
	s24 =	sld [smem:$0x3FFE];
	[sflag:s5] =	ssyncadd.remote.s32 @!p0 $0x1  }
0xba: {  	s26 =	simm.s32 $execute0_lowered;
	[smem:$0x3FD2] =	sst s25  }
0xbb: {  	s6 =	sshll.u32 s26, $0x1;
	_ =	strace $0x8000004F;
	[dreg:$0x1] =	wrdreg $0xFFFFFFFF  }
0xbc: {  	s28 =	simm.s32 $_size_execute0_lowered;
	s4 =	sadd.s32 s4, s6;
	[dreg:$0x0] =	wrdreg $0x0  }
0xbd: {  	s6 =	sshll.u32 s28, $0x1;
	[dreg:$0x2] =	wrdreg s4  }
0xbe: {  	[dreg:$0x3] =	wrdreg s6  }
0xbf: {  	[dreg:$0x4] =	wrdreg $0xC0  }
0xc0: {  	_ =	task [dreg:s22], $0x5FFFF  }
0xc1: {  	[dreg:$0x1] =	wrdreg $0xFFFFFFFF  }
0xc2: {  	[dreg:$0x0] =	wrdreg $0x60  }
0xc3: {  	[dreg:$0x2] =	wrdreg s24  }
0xc4: {  	[dreg:$0x3] =	wrdreg s17  }
0xc5: {  	[dreg:$0x4] =	wrdreg $0xDE000  }
0xc6: {  	[dreg:$0x5] =	wrdreg $0xA  }
0xc7: {  	_ =	task.clear_ibuf [dreg:s22], $0x6FFFF;
	_ =	strace $0x9000004F  }
0xc8: {  	s29 =	simm.s32 $0xA;
	_ =	strace $0x80000051  }
0xc9: {  	_ =	swait.ge [sflag:s29], $0x1  }
0xca: {  	[sflag:s29] =	ssyncadd.s32 $0xFFFFFFFF  }
0xcb: {  	_ =	strace $0x90000051  }
0xcc: {  	_ =	sfence  }
0xcd: {  	s30 =	sld [smem:$0x0];
	_ =	sdelay $0x2  }
0xce: {  	s31 =	sshll.u32 s1, $0xD;
	s1 =	sshrl.u32 s1, $0x2  }
0xcf: {  	s4 =	sand.u32 $0x4000, s31;
	s1 =	sadd.s32 s1, s30  }
0xd0: {  	s0 =	sor.u32 s4, s0;
	s1 =	sshll.u32 s1, $0x11  }
0xd1: {  	s0 =	sor.u32 s1, s0  }
0xd2: {  	s0 =	sadd.s32 $0x8F2B, s0  }
0xd3: {  	[sflag:s0] =	ssyncadd.remote.s32 $0x1  }
0xd4: {  	_ =	sfence.sel $0xFFFF  }
0xd5: {  	[dreg:$0x0] =	wrdreg $0xFFFFFFFF;
	(pc) =	sbr.abs _section_cstart, $3  }
0xd6: {  	[dreg:$0x1] =	wrdreg $0xFFFFFFFF  }
0xd7: {  	_ =	task.clear_ibuf [dreg:s22], $0x2FFFF;
	_ =	strace $0x9FFFFFFF  }
0xd8: {  	(tm) =	ssettm $0x7FFFFFFF  }
0xd9: {  	_ =	shalt  }
tec
execute0_lowered:
.L_overlay_start_1:
0x0: {  	(tag) =	ssettag $0x1  }
0x1: {  	s7 =	rddreg [dreg:$0x0]  }
0x2: {  	s9 =	rddreg [dreg:$0x1]  }
0x3: {  	s2 =	rddreg [dreg:$0x2]  }
0x4: {  	s0 =	rddreg [dreg:$0x3];
	s1 =	stileid.u32  }
0x5: {  	s4 =	srdreg.scid;
	s3 =	simm.s32 $0x0;
	s16 =	simm.s32 $0x9E00  }
0x6: {  	s17 =	simm.s32 $0xBE00;
	s18 =	simm.s32 $0x1;
	s19 =	simm.s32 $0x100  }
0x7: {  	s20 =	simm.s32 $0x2;
	s21 =	simm.s32 $0x3;
	s22 =	simm.s32 $0x9C80  }
0x8: {  	s23 =	simm.s32 $0x4E80;
	s24 =	simm.s32 $0x9D00;
	s25 =	simm.s32 $0x9D80  }
0x9: {  	s26 =	simm.s32 $0x0;
	s10 =	sand.u32 $0x1, s4;
	s8 =	smul.u32 $0xA000, s1  }
0xa: {  	[smem:$0x7FF] =	sst s3;
	s11 =	smul.u32 $0x9E0, s1;
	s4 =	sadd.s32 $0x72000, s7  }
0xb: {  	s5 =	sadd.s32 $0x5E000, s7;
	s31 =	sshll.u32 s1, $0x6;
	s6 =	smul.u32 $0xA0000, s10  }
0xc: {  	_ =	strace $0x80000050;
	s14 =	ssub.s32 $0x2, s10;
	p0 =	seq.s32 s10, $0x1  }
0xd: {  	s12 =	sadd.s32 s11, s7;
	s30 =	sshrl.u32 s14, $0x1;
	s15 =	sadd.s32 s8, s2  }
.Ltmp0:
0xe: {  	s9 =	sadd.s32 s9, s11;
	s6 =	sadd.s32 s8, s6;
	(pc) =	sbr.rel .LBB2_1-.Ltmp0, $4  }
0xf: {  	s14 =	ssub.s32 s14, s30;
	s8 =	sadd.s32 $0x4200, s12;
	s12 =	sshrl.u32 s15, $0x3  }
0x10: {  	s15 =	simm.s32 $0x80;
	s13 =	sshrl.u32 s6, $0x3;
	s6 =	sadd.s32 $0x86000, s7  }
0x11: {  	s11 =	smax.u32 s14, $0x1;
	s14 =	simm.s32 $0x4F00;
	s13 =	sadd.s32 s13, s7  }
0x12: {  	s7 =	sor.u32 $0x1C04, s31;
	s10 =	sadd.s32 $0x87400, s13;
	s13 =	simm.s32 $0x4  }
.LBB2_7:
0x13: {  	[tilespmem:s16], [sflag:$0x1] =	stream.indirect.gather [hbm4b:s5+s15], $0x40, s29, s15, $0xb8;
	[tilespmem:$0x17E00] =	vst v63  }
0x14: {  	_ =	swait.ge [sflag:s20], $0x2000  }
0x15: {  	[sflag:s20] =	ssyncset.done $0x0  }
0x16: {  	[sflag:s20] =	ssyncadd.s32 $0xFFFFE000  }
0x17: {  	_ =	swait.ge [sflag:s21], $0x2000  }
0x18: {  	[sflag:s21] =	ssyncset.done $0x0  }
0x19: {  	[sflag:s21] =	ssyncadd.s32 $0xFFFFE000  }
0x1a: {  	[spmem:s2] =	stream.indirect.scatter.add.f32 [tilespmem:s17], [sflag:$0x3], $0x40, s22, s15, $0xb8;
	[tilespmem:$0x17E00] =	vst v63  }
0x1b: {  	_ = 	snop  }
0x1c: {  	[tilespmem:s17], [sflag:$0x2] =	stream.indirect.gather [hbm4b:s5+s15], $0x40, s23, s15, $0xb8;
	[tilespmem:$0x17E00] =	vst v63  }
.LBB2_8:
0x1d: {  	_ =	swait.ge [sflag:s18], $0x2000  }
0x1e: {  	[sflag:s18] =	ssyncset.done $0x0  }
0x1f: {  	[sflag:s18] =	ssyncadd.s32 $0xFFFFE000  }
0x20: {  	_ =	swait.ge [sflag:s21], $0x2000  }
0x21: {  	[sflag:s21] =	ssyncset.done $0x0  }
0x22: {  	[sflag:s21] =	ssyncadd.s32 $0xFFFFE000  }
0x23: {  	[spmem:s2] =	stream.indirect.scatter.add.f32 [tilespmem:s16], [sflag:$0x3], $0x40, s24, s15, $0xb8;
	[tilespmem:$0x17E00] =	vst v63  }
0x24: {  	_ =	swait.ge [sflag:s20], $0x2000  }
0x25: {  	[sflag:s20] =	ssyncset.done $0x0  }
0x26: {  	[sflag:s20] =	ssyncadd.s32 $0xFFFFE000  }
0x27: {  	_ =	swait.ge [sflag:s21], $0x2000  }
0x28: {  	[sflag:s21] =	ssyncset.done $0x0  }
0x29: {  	[sflag:s21] =	ssyncadd.s32 $0xFFFFE000  }
0x2a: {  	[spmem:s2] =	stream.indirect.scatter.add.f32 [tilespmem:s17], [sflag:$0x3], $0x40, s25, s15, $0xb8;
	[tilespmem:$0x17E00] =	vst v63  }
0x2b: {  	_ =	swait.ge [sflag:s21], $0x2000  }
0x2c: {  	s26 =	sadd.s32 $0x1, s26;
	[sflag:s21] =	ssyncset.done $0x0  }
0x2d: {  	p1 =	sne.s32 s26, s11;
	[sflag:s21] =	ssyncadd.s32 $0xFFFFE000  }
.Ltmp1:
0x2e: {  	[bflag:$0x0] =	sbarrier.arrive $0xFFFF;
	(pc) =	sbr.rel @!p1 .LBB2_9-.Ltmp1, $4  }
0x2f: {  	[hbm:s10], [sflag:s7] =	dma.local [spmem:s12], $0x1400  }
0x30: {  	_ =	swait.ge [sflag:s13], $0x1400  }
0x31: {  	[sflag:s13] =	ssyncset.done $0x0  }
0x32: {  	[sflag:s13] =	ssyncadd.s32 $0xFFFFEC00  }
.LBB2_1:
0x33: {  	[spmem:s12], [sflag:s7] =	dma.local [hbm:s6], $0x1400  }
0x34: {  	_ =	swait.ge [sflag:s13], $0x1400  }
0x35: {  	[sflag:s13] =	ssyncset.done $0x0  }
0x36: {  	[sflag:s13] =	ssyncadd.s32 $0xFFFFEC00  }
0x37: {  	[bflag:$0x0] =	sbarrier.arrive $0xFFFF  }
0x38: {  	[tilespmem:s3], [sflag:$0x4] =	stream.linear.gather [hbm4b:s8+s3], $0x4F00, $0x38;
	[tilespmem:$0x17E00] =	vst v63  }
0x39: {  	_ =	swait.ge [sflag:s13], $0x4F00  }
0x3a: {  	[sflag:s13] =	ssyncset.done $0x0  }
.Ltmp2:
0x3b: {  	[sflag:s13] =	ssyncadd.s32 $0xFFFFB100;
	(pc) =	sbr.rel @!p0 .LBB2_2-.Ltmp2, $4  }
0x3c: {  	[tilespmem:s14], [sflag:$0x4] =	stream.linear.gather [hbm4b:s9+s3], $0x4F00, $0x38;
	[tilespmem:$0x17E00] =	vst v63  }
0x3d: {  	_ =	swait.ge [sflag:s13], $0x4F00  }
0x3e: {  	[sflag:s13] =	ssyncset.done $0x0  }
0x3f: {  	[sflag:s13] =	ssyncadd.s32 $0xFFFFB100  }
0x40: {  	[tilespmem:s16], [sflag:$0x1] =	stream.indirect.gather [hbm4b:s5+s15], $0x40, s3, s15, $0xb8;
	[tilespmem:$0x17E00] =	vst v63  }
0x41: {  	_ = 	snop  }
0x42: {  	[tilespmem:s17], [sflag:$0x2] =	stream.indirect.gather [hbm4b:s5+s15], $0x40, s15, s15, $0xb8;
	[tilespmem:$0x17E00] =	vst v63  }
0x43: {  	_ =	swait.ge [sflag:s18], $0x2000  }
0x44: {  	[sflag:s18] =	ssyncset.done $0x0  }
0x45: {  	[sflag:s18] =	ssyncadd.s32 $0xFFFFE000  }
0x46: {  	[spmem:s2] =	stream.indirect.scatter.add.f32 [tilespmem:s16], [sflag:$0x3], $0x40, s14, s15, $0xb8;
	[tilespmem:$0x17E00] =	vst v63  }
0x47: {  	_ = 	snop  }
0x48: {  	[tilespmem:s16], [sflag:$0x1] =	stream.indirect.gather [hbm4b:s5+s15], $0x40, s19, s15, $0xb8;
	[tilespmem:$0x17E00] =	vst v63  }
0x49: {  	_ =	swait.ge [sflag:s20], $0x2000  }
0x4a: {  	[sflag:s20] =	ssyncset.done $0x0  }
0x4b: {  	[sflag:s20] =	ssyncadd.s32 $0xFFFFE000  }
0x4c: {  	_ =	swait.ge [sflag:s21], $0x2000  }
0x4d: {  	[sflag:s21] =	ssyncset.done $0x0  }
0x4e: {  	s28 =	simm.s32 $0x4F80;
	[sflag:s21] =	ssyncadd.s32 $0xFFFFE000  }
0x4f: {  	[spmem:s2] =	stream.indirect.scatter.add.f32 [tilespmem:s17], [sflag:$0x3], $0x40, s28, s15, $0xb8;
	[tilespmem:$0x17E00] =	vst v63  }
0x50: {  	s28 =	simm.s32 $0x180  }
0x51: {  	[tilespmem:s17], [sflag:$0x2] =	stream.indirect.gather [hbm4b:s5+s15], $0x40, s28, s15, $0xb8;
	[tilespmem:$0x17E00] =	vst v63  }
0x52: {  	_ =	swait.ge [sflag:s18], $0x2000  }
0x53: {  	[sflag:s18] =	ssyncset.done $0x0  }
0x54: {  	[sflag:s18] =	ssyncadd.s32 $0xFFFFE000  }
0x55: {  	_ =	swait.ge [sflag:s21], $0x2000  }
0x56: {  	[sflag:s21] =	ssyncset.done $0x0  }
0x57: {  	s28 =	simm.s32 $0x5000;
	[sflag:s21] =	ssyncadd.s32 $0xFFFFE000  }
0x58: {  	[spmem:s2] =	stream.indirect.scatter.add.f32 [tilespmem:s16], [sflag:$0x3], $0x40, s28, s15, $0xb8;
	[tilespmem:$0x17E00] =	vst v63  }
0x59: {  	s29 =	simm.s32 $0x200;
	s28 =	simm.s32 $0xFFFED000  }
.LBB2_6:
0x5a: {  	[tilespmem:s16], [sflag:$0x1] =	stream.indirect.gather [hbm4b:s5+s15], $0x40, s29, s15, $0xb8;
	[tilespmem:$0x17E00] =	vst v63  }
0x5b: {  	s29 =	smov.u32 s28  }
0x5c: {  	p1 =	sne.s32 s28, $0xFFFFFC00;
	s28 =	sadd.s32 $0x400, s28;
	_ =	swait.ge [sflag:s20], $0x2000  }
0x5d: {  	[sflag:s20] =	ssyncset.done $0x0  }
0x5e: {  	[sflag:s20] =	ssyncadd.s32 $0xFFFFE000  }
0x5f: {  	_ =	swait.ge [sflag:s21], $0x2000  }
0x60: {  	s29 =	sshra.s32 s29, $0x2;
	[sflag:s21] =	ssyncset.done $0x0  }
0x61: {  	s30 =	sadd.s32 $0x9C80, s29;
	[sflag:s21] =	ssyncadd.s32 $0xFFFFE000  }
0x62: {  	[spmem:s2] =	stream.indirect.scatter.add.f32 [tilespmem:s17], [sflag:$0x3], $0x40, s30, s15, $0xb8;
	[tilespmem:$0x17E00] =	vst v63  }
0x63: {  	s30 =	sadd.s32 $0x4E80, s29  }
0x64: {  	[tilespmem:s17], [sflag:$0x2] =	stream.indirect.gather [hbm4b:s5+s15], $0x40, s30, s15, $0xb8;
	[tilespmem:$0x17E00] =	vst v63  }
0x65: {  	_ =	swait.ge [sflag:s18], $0x2000  }
0x66: {  	[sflag:s18] =	ssyncset.done $0x0  }
0x67: {  	[sflag:s18] =	ssyncadd.s32 $0xFFFFE000  }
.Ltmp3:
0x68: {  	_ =	swait.ge [sflag:s21], $0x2000;
	(pc) =	sbr.rel @p1 .LBB2_6-.Ltmp3, $4  }
0x69: {  	[sflag:s21] =	ssyncset.done $0x0  }
0x6a: {  	s30 =	sadd.s32 $0x9D00, s29;
	[sflag:s21] =	ssyncadd.s32 $0xFFFFE000  }
0x6b: {  	[spmem:s2] =	stream.indirect.scatter.add.f32 [tilespmem:s16], [sflag:$0x3], $0x40, s30, s15, $0xb8;
	[tilespmem:$0x17E00] =	vst v63  }
0x6c: {  	s29 =	sadd.s32 $0x4F00, s29  }
.Ltmp4:
0x6d: {  	_ = 	snop;
	(pc) =	sbr.rel .LBB2_7-.Ltmp4, $1  }
0x6e: {  	_ =	sdelay $0x3  }
.LBB2_2:
0x6f: {  	[tilespmem:s16], [sflag:$0x1] =	stream.indirect.gather [hbm4b:s4+s15], $0x40, s3, s15, $0xb8;
	[tilespmem:$0x17E00] =	vst v63  }
0x70: {  	_ = 	snop  }
0x71: {  	[tilespmem:s17], [sflag:$0x2] =	stream.indirect.gather [hbm4b:s4+s15], $0x40, s15, s15, $0xb8;
	[tilespmem:$0x17E00] =	vst v63  }
0x72: {  	_ =	swait.ge [sflag:s18], $0x2000  }
0x73: {  	[sflag:s18] =	ssyncset.done $0x0  }
0x74: {  	[sflag:s18] =	ssyncadd.s32 $0xFFFFE000  }
0x75: {  	[spmem:s2] =	stream.indirect.scatter.add.f32 [tilespmem:s16], [sflag:$0x3], $0x40, s14, s15, $0xb8;
	[tilespmem:$0x17E00] =	vst v63  }
0x76: {  	_ = 	snop  }
0x77: {  	[tilespmem:s16], [sflag:$0x1] =	stream.indirect.gather [hbm4b:s4+s15], $0x40, s19, s15, $0xb8;
	[tilespmem:$0x17E00] =	vst v63  }
0x78: {  	_ =	swait.ge [sflag:s20], $0x2000  }
0x79: {  	[sflag:s20] =	ssyncset.done $0x0  }
0x7a: {  	[sflag:s20] =	ssyncadd.s32 $0xFFFFE000  }
0x7b: {  	_ =	swait.ge [sflag:s21], $0x2000  }
0x7c: {  	[sflag:s21] =	ssyncset.done $0x0  }
0x7d: {  	s28 =	simm.s32 $0x4F80;
	[sflag:s21] =	ssyncadd.s32 $0xFFFFE000  }
0x7e: {  	[spmem:s2] =	stream.indirect.scatter.add.f32 [tilespmem:s17], [sflag:$0x3], $0x40, s28, s15, $0xb8;
	[tilespmem:$0x17E00] =	vst v63  }
0x7f: {  	s28 =	simm.s32 $0x180  }
0x80: {  	[tilespmem:s17], [sflag:$0x2] =	stream.indirect.gather [hbm4b:s4+s15], $0x40, s28, s15, $0xb8;
	[tilespmem:$0x17E00] =	vst v63  }
0x81: {  	_ =	swait.ge [sflag:s18], $0x2000  }
0x82: {  	[sflag:s18] =	ssyncset.done $0x0  }
0x83: {  	[sflag:s18] =	ssyncadd.s32 $0xFFFFE000  }
0x84: {  	_ =	swait.ge [sflag:s21], $0x2000  }
0x85: {  	[sflag:s21] =	ssyncset.done $0x0  }
0x86: {  	s28 =	simm.s32 $0x5000;
	[sflag:s21] =	ssyncadd.s32 $0xFFFFE000  }
0x87: {  	[spmem:s2] =	stream.indirect.scatter.add.f32 [tilespmem:s16], [sflag:$0x3], $0x40, s28, s15, $0xb8;
	[tilespmem:$0x17E00] =	vst v63  }
0x88: {  	s29 =	simm.s32 $0x200;
	s28 =	simm.s32 $0xFFFED000  }
.LBB2_3:
0x89: {  	[tilespmem:s16], [sflag:$0x1] =	stream.indirect.gather [hbm4b:s4+s15], $0x40, s29, s15, $0xb8;
	[tilespmem:$0x17E00] =	vst v63  }
0x8a: {  	s29 =	smov.u32 s28  }
0x8b: {  	p1 =	sne.s32 s28, $0xFFFFFC00;
	s28 =	sadd.s32 $0x400, s28;
	_ =	swait.ge [sflag:s20], $0x2000  }
0x8c: {  	[sflag:s20] =	ssyncset.done $0x0  }
0x8d: {  	[sflag:s20] =	ssyncadd.s32 $0xFFFFE000  }
0x8e: {  	_ =	swait.ge [sflag:s21], $0x2000  }
0x8f: {  	s29 =	sshra.s32 s29, $0x2;
	[sflag:s21] =	ssyncset.done $0x0  }
0x90: {  	s30 =	sadd.s32 $0x9C80, s29;
	[sflag:s21] =	ssyncadd.s32 $0xFFFFE000  }
0x91: {  	[spmem:s2] =	stream.indirect.scatter.add.f32 [tilespmem:s17], [sflag:$0x3], $0x40, s30, s15, $0xb8;
	[tilespmem:$0x17E00] =	vst v63  }
0x92: {  	s30 =	sadd.s32 $0x4E80, s29  }
0x93: {  	[tilespmem:s17], [sflag:$0x2] =	stream.indirect.gather [hbm4b:s4+s15], $0x40, s30, s15, $0xb8;
	[tilespmem:$0x17E00] =	vst v63  }
0x94: {  	_ =	swait.ge [sflag:s18], $0x2000  }
0x95: {  	[sflag:s18] =	ssyncset.done $0x0  }
0x96: {  	[sflag:s18] =	ssyncadd.s32 $0xFFFFE000  }
.Ltmp5:
0x97: {  	_ =	swait.ge [sflag:s21], $0x2000;
	(pc) =	sbr.rel @p1 .LBB2_3-.Ltmp5, $4  }
0x98: {  	[sflag:s21] =	ssyncset.done $0x0  }
0x99: {  	s30 =	sadd.s32 $0x9D00, s29;
	[sflag:s21] =	ssyncadd.s32 $0xFFFFE000  }
0x9a: {  	[spmem:s2] =	stream.indirect.scatter.add.f32 [tilespmem:s16], [sflag:$0x3], $0x40, s30, s15, $0xb8;
	[tilespmem:$0x17E00] =	vst v63  }
0x9b: {  	s29 =	sadd.s32 $0x4F00, s29  }
0x9c: {  	[tilespmem:s16], [sflag:$0x1] =	stream.indirect.gather [hbm4b:s4+s15], $0x40, s29, s15, $0xb8;
	[tilespmem:$0x17E00] =	vst v63  }
0x9d: {  	_ =	swait.ge [sflag:s20], $0x2000  }
0x9e: {  	[sflag:s20] =	ssyncset.done $0x0  }
0x9f: {  	[sflag:s20] =	ssyncadd.s32 $0xFFFFE000  }
0xa0: {  	_ =	swait.ge [sflag:s21], $0x2000  }
.Ltmp6:
0xa1: {  	[sflag:s21] =	ssyncset.done $0x0;
	(pc) =	sbr.rel .LBB2_8-.Ltmp6, $4  }
0xa2: {  	[sflag:s21] =	ssyncadd.s32 $0xFFFFE000  }
0xa3: {  	[spmem:s2] =	stream.indirect.scatter.add.f32 [tilespmem:s17], [sflag:$0x3], $0x40, s22, s15, $0xb8;
	[tilespmem:$0x17E00] =	vst v63  }
0xa4: {  	_ = 	snop  }
0xa5: {  	[tilespmem:s17], [sflag:$0x2] =	stream.indirect.gather [hbm4b:s4+s15], $0x40, s23, s15, $0xb8;
	[tilespmem:$0x17E00] =	vst v63  }
.LBB2_9:
0xa6: {  	_ =	sfence.sel $0x180000  }
0xa7: {  	[bflag:$0x0] =	sbarrier.arrive $0xFFFF  }
0xa8: {  	p0 =	sne.s32 s1, $0x0;
	_ =	strace $0x90000050  }
0xa9: {  	s0 =	sadd.s32 @!p0 $0x100000, s0;
	[bflag:$0x2] =	sbarrier.arrive $0xFFFF  }
0xaa: {  	[sflag:s0] =	ssyncadd.tile.s32 @!p0 $0x1;
	_ =	shalt  }
.Lfunc_end2:
_tile_overlayer_lowered:
.L_overlay_start_2:
0xab: {  	(tag) =	ssettag $0x2  }
0xac: {  	s0 =	rddreg [dreg:$0x0];
	s2 =	stileid.u32  }
0xad: {  	s1 =	rddreg [dreg:$0x1];
	p0 =	sne.s32 s2, $0x0  }
0xae: {  	s3 =	rddreg [dreg:$0x2];
	[bflag:$0x3] =	sbarrier.arrive $0xFFFF;
	s2 =	simm.s32 @!p0 $0x1C04  }
0xaf: {  	[timem:s3], [sflag:s2] =	dma.local @!p0 [hbm:s0], s1  }
0xb0: {  	s0 =	simm.s32 @!p0 $0x4  }
0xb1: {  	_ =	swait.ge @!p0 [sflag:s0], s1  }
0xb2: {  	s1 =	ssub.s32 @!p0 $0x0, s1;
	[sflag:s0] =	ssyncset.done @!p0 $0x0  }
0xb3: {  	[sflag:s0] =	ssyncadd.s32 @!p0 s1  }
0xb4: {  	[bflag:$0x3] =	sbarrier.arrive $0xFFFF  }
0xb5: {  	_ =	shalt  }

// kernel: kernel.29.cloned.1.call-start
scs
__scs_entry_jumppad:
0x0: {  	(pc) =	sbr.rel $0x88, $3  }
0x1: {  	(tag) =	ssettag $0x0;
	lr =	simm.s32 $0x1  }
0x2: {  	[smem:$0x3F95] =	sst lr;
	_ =	strace $0xD0000000  }
0x3: {  	_ = 	snop  }
0x4: {  	_ = 	snop  }
0x5: {  	_ = 	snop  }
0x6: {  	_ = 	snop  }
0x7: {  	_ = 	snop  }
__scs_overlays_trampoline_lowered:
0x8: {  	[smem:$0x3FA4] =	sst s0  }
0x9: {  	[smem:$0x3FA5] =	sst s1  }
0xa: {  	[smem:$0x3FA6] =	sst s2  }
0xb: {  	[smem:$0x3FA7] =	sst s3  }
0xc: {  	[smem:$0x3FA8] =	sst s4  }
0xd: {  	[smem:$0x3FA9] =	sst s5  }
0xe: {  	[smem:$0x3FAA] =	sst s6  }
0xf: {  	[smem:$0x3FAB] =	sst s7  }
0x10: {  	[smem:$0x3FAC] =	sst s8  }
0x11: {  	[smem:$0x3FAD] =	sst s9;
	s0 =	simm.s32 @!p0 $0x0  }
0x12: {  	s1 =	sld [smem:$0x3F93];
	s0 =	simm.s32 @p0 $0x1  }
0x13: {  	[smem:$0x3FAE] =	sst s0;
	s0 =	simm.s32 @!p1 $0x0  }
0x14: {  	s2 =	sld [smem:$0x3F92];
	s0 =	simm.s32 @p1 $0x1  }
0x15: {  	[smem:$0x3FAF] =	sst s0;
	s0 =	simm.s32 @!p2 $0x0  }
0x16: {  	s3 =	sld [smem:$0x3FDB];
	s0 =	simm.s32 @p2 $0x1  }
0x17: {  	s4 =	simm.s32 $0x1BF5;
	[smem:$0x3FB1] =	sst s0  }
0x18: {  	s0 =	sld [smem:$0x3F94];
	_ =	swait.ge [sflag:s4], $0x0  }
0x19: {  	s7 =	sld [smem:$0x3F95]  }
0x1a: {  	s8 =	sadd.s32 $0xFFFFE003, lr  }
0x1b: {  	s9 =	sadd.s32 $0xFFFFFEF7, lr;
	s5 =	simm.s32 $0xFFFFFFFF;
	p2 =	slt.u32 s8, $0xFFFFF086  }
0x1c: {  	p1 =	slt.u32 s9, $0xF7A;
	s5 =	simm.s32 @!p2 $0x0  }
0x1d: {  	s5 =	simm.s32 @p1 $0x1;
	p0 =	seq.s32 s7, s2  }
0x1e: {  	s7 =	smul.u32 @!p0 $0xF7A, s2;
	p2 =	seq.s32 @!p0 s5, $0x0  }
0x1f: {  	s9 =	smul.u32 $0xF7A, s1;
	s8 =	simm.s32 @!p0 $0x1BF5;
	p2 =	por !p2, p0  }
0x20: {  	[sflag:s8] =	ssyncset.s32 @!p0 $0xFFFFF086;
	s6 =	sadd.s32 @!p0 s3, s7;
	s7 =	simm.s32 @!p0 $0x108  }
0x21: {  	s3 =	sadd.s32 s3, s9;
	s6 =	sadd.s32 @!p0 $0x88, s6;
	s7 =	simm.s32 @p2 $0x1082  }
0x22: {  	[simem:s7], [sflag:s8] =	dma.local @!p0 [hbm:s6], $0xF7A  }
0x23: {  	s9 =	sor.u32 $0xD0000000, s2;
	s6 =	simm.s32 $0x108;
	_ =	swait.ge @!p0 [sflag:s8], $0x0  }
0x24: {  	s3 =	sadd.s32 $0x88, s3;
	s6 =	simm.s32 @!p1 $0x1082;
	[sflag:s4] =	ssyncset.s32 $0xFFFFF086  }
0x25: {  	[simem:s6], [sflag:s4] =	dma.local [hbm:s3], $0xF7A  }
0x26: {  	[smem:$0x3F95] =	sst s1;
	(tag) =	ssettag s2;
	_ =	strace s9  }
0x27: {  	s1 =	sld [smem:$0x3FA5]  }
0x28: {  	s2 =	sld [smem:$0x3FA6]  }
0x29: {  	s4 =	sld [smem:$0x3FA8]  }
0x2a: {  	p0 =	seq.s32 s5, $0x0;
	s5 =	sld [smem:$0x3FA9]  }
0x2b: {  	s6 =	sld [smem:$0x3FAA]  }
0x2c: {  	s7 =	sld [smem:$0x3FAB]  }
0x2d: {  	s3 =	simm.s32 $0x108;
	s8 =	sld [smem:$0x3FAC]  }
0x2e: {  	s3 =	simm.s32 @!p0 $0x1082;
	s9 =	sld [smem:$0x3FAD]  }
0x2f: {  	lr =	sadd.s32 s0, s3;
	s0 =	sld [smem:$0x3FA4]  }
0x30: {  	s3 =	sld [smem:$0x3FA7]  }
0x31: {  	[smem:$0x3FB0] =	sst s10  }
0x32: {  	s10 =	sld [smem:$0x3FAE];
	_ =	sdelay $0x3  }
0x33: {  	p0 =	seq.s32 s10, $0x1;
	s10 =	sld [smem:$0x3FB0];
	_ =	sdelay $0x3  }
0x34: {  	[smem:$0x3FB0] =	sst s10  }
0x35: {  	s10 =	sld [smem:$0x3FAF];
	_ =	sdelay $0x3  }
0x36: {  	p1 =	seq.s32 s10, $0x1;
	s10 =	sld [smem:$0x3FB0];
	_ =	sdelay $0x3  }
0x37: {  	[smem:$0x3FB0] =	sst s10  }
0x38: {  	s10 =	sld [smem:$0x3FB1]  }
0x39: {  	_ = 	snop;
	(pc) =	sbr.ind lr, $3  }
0x3a: {  	_ = 	snop  }
0x3b: {  	_ = 	snop  }
0x3c: {  	p2 =	seq.s32 s10, $0x1;
	s10 =	sld [smem:$0x3FB0]  }
0x3d: {  	_ =	shalt  }
0x3e: {  	_ =	shalt  }
0x3f: {  	_ =	shalt  }
0x40: {  	_ =	shalt  }
0x41: {  	_ =	shalt  }
0x42: {  	_ =	shalt  }
0x43: {  	_ =	shalt  }
0x44: {  	_ =	shalt  }
0x45: {  	_ =	shalt  }
0x46: {  	_ =	shalt  }
0x47: {  	_ =	shalt  }
0x48: {  	_ =	shalt  }
0x49: {  	_ =	shalt  }
0x4a: {  	_ =	shalt  }
0x4b: {  	_ =	shalt  }
0x4c: {  	_ =	shalt  }
0x4d: {  	_ =	shalt  }
0x4e: {  	_ =	shalt  }
0x4f: {  	_ =	shalt  }
0x50: {  	_ =	shalt  }
0x51: {  	_ =	shalt  }
0x52: {  	_ =	shalt  }
0x53: {  	_ =	shalt  }
0x54: {  	_ =	shalt  }
0x55: {  	_ =	shalt  }
0x56: {  	_ =	shalt  }
0x57: {  	_ =	shalt  }
0x58: {  	_ =	shalt  }
0x59: {  	_ =	shalt  }
0x5a: {  	_ =	shalt  }
0x5b: {  	_ =	shalt  }
0x5c: {  	_ =	shalt  }
0x5d: {  	_ =	shalt  }
0x5e: {  	_ =	shalt  }
0x5f: {  	_ =	shalt  }
0x60: {  	_ =	shalt  }
0x61: {  	_ =	shalt  }
0x62: {  	_ =	shalt  }
0x63: {  	_ =	shalt  }
0x64: {  	_ =	shalt  }
0x65: {  	_ =	shalt  }
0x66: {  	_ =	shalt  }
0x67: {  	_ =	shalt  }
0x68: {  	_ =	shalt  }
0x69: {  	_ =	shalt  }
0x6a: {  	_ =	shalt  }
0x6b: {  	_ =	shalt  }
0x6c: {  	_ =	shalt  }
0x6d: {  	_ =	shalt  }
0x6e: {  	_ =	shalt  }
0x6f: {  	_ =	shalt  }
0x70: {  	_ =	shalt  }
0x71: {  	_ =	shalt  }
0x72: {  	_ =	shalt  }
0x73: {  	_ =	shalt  }
0x74: {  	_ =	shalt  }
0x75: {  	_ =	shalt  }
0x76: {  	_ =	shalt  }
0x77: {  	_ =	shalt  }
0x78: {  	_ =	shalt  }
0x79: {  	_ =	shalt  }
0x7a: {  	_ =	shalt  }
0x7b: {  	_ =	shalt  }
0x7c: {  	_ =	shalt  }
0x7d: {  	_ =	shalt  }
0x7e: {  	_ =	shalt  }
0x7f: {  	_ =	shalt  }
0x80: {  	_ =	shalt  }
0x81: {  	_ =	shalt  }
0x82: {  	_ =	shalt  }
0x83: {  	_ =	shalt  }
0x84: {  	_ =	shalt  }
0x85: {  	_ =	shalt  }
0x86: {  	_ =	shalt  }
0x87: {  	_ =	shalt  }
.Lfunc_end0:
.L_simem_size_0:
called_computation.5_lowered:
.L_overlay_start_0:
0x88: {  	s2 =	sld [smem:$0x3FD9]  }
0x89: {  	s3 =	sld [smem:$0x3FFE];
	_ =	sdelay $0x1  }
0x8a: {  	s1 =	srdreg.scid  }
0x8b: {  	s0 =	sand.u32 $0x1, s1  }
0x8c: {  	s30 =	sshll.u32 s0, $0xA;
	s2 =	sadd.s32 s3, s2  }
0x8d: {  	s2 =	sadd.s32 s2, s30  }
0x8e: {  	[smem:$0x3FBC] =	sst s2  }
0x8f: {  	_ = 	snop  }
0x90: {  	s2 =	sld [smem:$0x3FC7]  }
0x91: {  	s31 =	sld [smem:$0x3FC6]  }
0x92: {  	s4 =	sld [smem:$0x3FC1]  }
0x93: {  	s5 =	sld [smem:$0x3FD0]  }
0x94: {  	s6 =	sld [smem:$0x3FC0]  }
0x95: {  	s7 =	sld [smem:$0x3FBF]  }
0x96: {  	s9 =	simm.s32 $0xB;
	s10 =	simm.s32 $0x10;
	s8 =	sld [smem:$0x3FBE]  }
0x97: {  	[smem:s10], [sflag:s9] =	dma.local [hbm:s5], $0x1  }
0x98: {  	_ =	swait.eq [sflag:s9], $0x1  }
0x99: {  	s10 =	sld [smem:$0x10]  }
0x9a: {  	s17 =	sld [smem:$0x11];
	[sflag:s9] =	ssyncset.done $0x0  }
0x9b: {  	s11 =	sld [smem:$0x12];
	[sflag:s9] =	ssyncadd.s32 $0xFFFFFFFF  }
0x9c: {  	s18 =	sld [smem:$0x13];
	(tm) =	ssettm $0x1  }
0x9d: {  	s12 =	sld [smem:$0x3FFB];
	_ =	sdelay $0x3  }
0x9e: {  	_ =	strace s12  }
0x9f: {  	s12 =	sld [smem:$0x3FFC];
	_ =	sdelay $0x3  }
0xa0: {  	_ =	strace s12  }
0xa1: {  	s12 =	sld [smem:$0x3FFD];
	_ =	sdelay $0x3  }
0xa2: {  	_ =	strace s12  }
0xa3: {  	_ =	strace $0x8FFFFFFF  }
0xa4: {  	s19 =	sld [smem:$0x3FDB];
	_ =	sdelay $0x1  }
0xa5: {  	s13 =	simm.s32 $_scs_section_size  }
0xa6: {  	s14 =	simm.s32 $_size__tile_overlayer_lowered;
	s15 =	simm.s32 $_tile_overlayer_lowered  }
0xa7: {  	s22 =	simm.s32 $0x1BFF;
	s21 =	sshll.u32 s15, $0x1;
	s12 =	sadd.s32 s13, s19  }
0xa8: {  	s16 =	simm.s32 $0x0;
	s20 =	sshll.u32 s14, $0x1;
	s14 =	sadd.s32 s21, s12  }
0xa9: {  	[timem:s16], [sflag:s22] =	dma.local [hbm:s14], s20  }
0xaa: {  	_ =	swait.ge [sflag:s22], s20  }
0xab: {  	s13 =	ssub.s32 $0x0, s20;
	[sflag:s22] =	ssyncset.done $0x0  }
0xac: {  	[sflag:s22] =	ssyncadd.s32 s13;
	_ =	sdelay $0x1  }
0xad: {  	s23 =	simm.s32 $0x1B8B  }
0xae: {  	_ =	swait.ge [sflag:s23], $0x1  }
0xaf: {  	[sflag:s23] =	ssyncset.done $0x0  }
0xb0: {  	s25 =	simm.s32 $0x1B8E;
	s24 =	sld [smem:$0x3FFE];
	[sflag:s23] =	ssyncadd.s32 $0xFFFFFFFF  }
0xb1: {  	s26 =	simm.s32 $execute0_lowered;
	[smem:$0x3FD2] =	sst s25  }
0xb2: {  	s14 =	sshll.u32 s26, $0x1;
	_ =	strace $0x80000055;
	[dreg:$0x1] =	wrdreg $0xFFFFFFFF  }
0xb3: {  	s28 =	simm.s32 $_size_execute0_lowered;
	s12 =	sadd.s32 s12, s14;
	[dreg:$0x0] =	wrdreg $0x0  }
0xb4: {  	s14 =	sshll.u32 s28, $0x1;
	[dreg:$0x2] =	wrdreg s12  }
0xb5: {  	[dreg:$0x3] =	wrdreg s14  }
0xb6: {  	[dreg:$0x4] =	wrdreg $0xC0  }
0xb7: {  	_ =	task [dreg:s16], $0x5FFFF  }
0xb8: {  	[dreg:$0x1] =	wrdreg $0xFFFFFFFF  }
0xb9: {  	[dreg:$0x0] =	wrdreg $0x60  }
0xba: {  	[dreg:$0x2] =	wrdreg s24  }
0xbb: {  	[dreg:$0x3] =	wrdreg s2  }
0xbc: {  	[dreg:$0x4] =	wrdreg s31  }
0xbd: {  	[dreg:$0x5] =	wrdreg s4  }
0xbe: {  	[dreg:$0x6] =	wrdreg s6  }
0xbf: {  	[dreg:$0x7] =	wrdreg s7  }
0xc0: {  	[dreg:$0x8] =	wrdreg s8  }
0xc1: {  	[dreg:$0x9] =	wrdreg s10  }
0xc2: {  	[dreg:$0xa] =	wrdreg s17  }
0xc3: {  	[dreg:$0xb] =	wrdreg s11  }
0xc4: {  	[dreg:$0xc] =	wrdreg s18  }
0xc5: {  	[dreg:$0xd] =	wrdreg $0x9  }
0xc6: {  	_ =	task.clear_ibuf [dreg:s16], $0xEFFFF;
	_ =	strace $0x90000055  }
0xc7: {  	s29 =	simm.s32 $0x9;
	_ =	strace $0x80000057  }
0xc8: {  	_ =	swait.ge [sflag:s29], $0x1  }
0xc9: {  	[sflag:s29] =	ssyncadd.s32 $0xFFFFFFFF  }
0xca: {  	_ =	strace $0x90000057  }
0xcb: {  	_ =	sfence  }
0xcc: {  	s30 =	sld [smem:$0x0];
	_ =	sdelay $0x2  }
0xcd: {  	s31 =	sshll.u32 s1, $0xD;
	s1 =	sshrl.u32 s1, $0x2  }
0xce: {  	s3 =	sand.u32 $0x4000, s31;
	s1 =	sadd.s32 s1, s30  }
0xcf: {  	s0 =	sor.u32 s3, s0;
	s1 =	sshll.u32 s1, $0x11  }
0xd0: {  	s0 =	sor.u32 s1, s0  }
0xd1: {  	s0 =	sadd.s32 $0x8F2B, s0  }
0xd2: {  	[sflag:s0] =	ssyncadd.remote.s32 $0x1  }
0xd3: {  	_ =	sfence.sel $0xFFFF  }
0xd4: {  	[dreg:$0x0] =	wrdreg $0xFFFFFFFF;
	(pc) =	sbr.abs _section_cstart, $3  }
0xd5: {  	[dreg:$0x1] =	wrdreg $0xFFFFFFFF  }
0xd6: {  	_ =	task.clear_ibuf [dreg:s16], $0x2FFFF;
	_ =	strace $0x9FFFFFFF  }
0xd7: {  	(tm) =	ssettm $0x7FFFFFFF  }
tec
execute0_lowered:
.L_overlay_start_1:
0x0: {  	(tag) =	ssettag $0x1  }
0x1: {  	s12 =	rddreg [dreg:$0x0]  }
0x2: {  	s0 =	rddreg [dreg:$0x1]  }
0x3: {  	s1 =	rddreg [dreg:$0x2]  }
0x4: {  	s5 =	rddreg [dreg:$0x3]  }
0x5: {  	s11 =	rddreg [dreg:$0x4]  }
0x6: {  	s14 =	rddreg [dreg:$0x5]  }
0x7: {  	s16 =	rddreg [dreg:$0x6]  }
0x8: {  	s10 =	rddreg [dreg:$0x7]  }
0x9: {  	s13 =	rddreg [dreg:$0x8];
	s3 =	srdreg.scid  }
0xa: {  	s15 =	rddreg [dreg:$0x9];
	s2 =	stileid.u32;
	s18 =	sand.u32 $0x1, s3  }
0xb: {  	s17 =	rddreg [dreg:$0xa];
	s6 =	sshll.u32 s2, $0x8;
	s7 =	sshll.u32 s18, $0x7  }
0xc: {  	s4 =	simm.s32 $0x0;
	s3 =	rddreg [dreg:$0xb];
	s19 =	sor.u32 s7, s6  }
0xd: {  	[smem:$0x7FF] =	sst s4;
	s20 =	sshrl.u32 s19, $0x3  }
0xe: {  	_ =	strace $0x80000056;
	s6 =	sadd.s32 s5, s20;
	s5 =	simm.s32 $0x2  }
0xf: {  	[tilespmem:s4], [sflag:$0x2] =	stream.linear.gather [hbm4b:s6+s4], $0x80, $0x38;
	[tilespmem:$0x4080] =	vst v63  }
0x10: {  	_ =	swait.ge [sflag:s5], $0x80  }
0x11: {  	s8 =	simm.s32 $0x80;
	[sflag:s5] =	ssyncset.done $0x0  }
0x12: {  	s9 =	simm.s32 $0x1;
	s7 =	sadd.s32 $0x4200, s12;
	[sflag:s5] =	ssyncadd.s32 $0xFFFFFF80  }
0x13: {  	[tilespmem:s8], [sflag:$0x1] =	stream.indirect.gather [hbm4b:s7+s8], $0x80, s4, s8, $0xb8;
	[tilespmem:$0x4080] =	vst v63  }
0x14: {  	_ =	swait.ge [sflag:s9], $0x4000  }
0x15: {  	s19 =	sshll.u32 s19, $0x4;
	[sflag:s9] =	ssyncset.done $0x0  }
0x16: {  	s10 =	sadd.s32 s10, s19;
	[sflag:s9] =	ssyncadd.s32 $0xFFFFC000  }
0x17: {  	[hbm4b:s10+s4] =	stream.linear.scatter [tilespmem:s8], [sflag:$0x2], $0x4000, $0x38;
	[tilespmem:$0x4080] =	vst v63  }
0x18: {  	_ =	swait.ge [sflag:s5], $0x4000  }
0x19: {  	[sflag:s5] =	ssyncset.done $0x0  }
0x1a: {  	s11 =	sadd.s32 s11, s20;
	[sflag:s5] =	ssyncadd.s32 $0xFFFFC000  }
0x1b: {  	[tilespmem:s4], [sflag:$0x2] =	stream.linear.gather [hbm4b:s11+s4], $0x80, $0x38;
	[tilespmem:$0x4080] =	vst v63  }
0x1c: {  	_ =	swait.ge [sflag:s5], $0x80  }
0x1d: {  	[sflag:s5] =	ssyncset.done $0x0  }
0x1e: {  	s12 =	sadd.s32 $0x87400, s12;
	[sflag:s5] =	ssyncadd.s32 $0xFFFFFF80  }
0x1f: {  	[tilespmem:s8], [sflag:$0x1] =	stream.indirect.gather [hbm4b:s12+s8], $0x80, s4, s8, $0xb8;
	[tilespmem:$0x4080] =	vst v63  }
0x20: {  	_ =	swait.ge [sflag:s9], $0x4000  }
0x21: {  	[sflag:s9] =	ssyncset.done $0x0  }
0x22: {  	s13 =	sadd.s32 s13, s19;
	[sflag:s9] =	ssyncadd.s32 $0xFFFFC000  }
0x23: {  	[hbm4b:s13+s4] =	stream.linear.scatter [tilespmem:s8], [sflag:$0x2], $0x4000, $0x38;
	[tilespmem:$0x4080] =	vst v63  }
0x24: {  	_ =	swait.ge [sflag:s5], $0x4000  }
0x25: {  	[sflag:s5] =	ssyncset.done $0x0  }
0x26: {  	s14 =	sadd.s32 s14, s20;
	[sflag:s5] =	ssyncadd.s32 $0xFFFFC000  }
0x27: {  	[tilespmem:s4], [sflag:$0x2] =	stream.linear.gather [hbm4b:s14+s4], $0x80, $0x38;
	[tilespmem:$0x4080] =	vst v63  }
0x28: {  	_ =	swait.ge [sflag:s5], $0x80  }
0x29: {  	[sflag:s5] =	ssyncset.done $0x0  }
0x2a: {  	[sflag:s5] =	ssyncadd.s32 $0xFFFFFF80  }
0x2b: {  	[tilespmem:s8], [sflag:$0x1] =	stream.indirect.gather [hbm4b:s0+s8], $0x80, s4, s8, $0xb8;
	[tilespmem:$0x4080] =	vst v63  }
0x2c: {  	_ =	swait.ge [sflag:s9], $0x4000  }
0x2d: {  	[sflag:s9] =	ssyncset.done $0x0  }
0x2e: {  	s15 =	sadd.s32 s15, s19;
	[sflag:s9] =	ssyncadd.s32 $0xFFFFC000  }
0x2f: {  	[hbm4b:s15+s4] =	stream.linear.scatter [tilespmem:s8], [sflag:$0x2], $0x4000, $0x38;
	[tilespmem:$0x4080] =	vst v63  }
0x30: {  	_ =	swait.ge [sflag:s5], $0x4000  }
0x31: {  	[sflag:s5] =	ssyncset.done $0x0  }
0x32: {  	s18 =	ssub.s32 $0x2, s18;
	s16 =	sadd.s32 s16, s20;
	[sflag:s5] =	ssyncadd.s32 $0xFFFFC000  }
0x33: {  	[tilespmem:s4], [sflag:$0x2] =	stream.linear.gather [hbm4b:s16+s4], $0x80, $0x38;
	[tilespmem:$0x4080] =	vst v63  }
0x34: {  	s31 =	sshrl.u32 s18, $0x1;
	_ =	swait.ge [sflag:s5], $0x80  }
0x35: {  	s18 =	ssub.s32 s18, s31;
	[sflag:s5] =	ssyncset.done $0x0  }
0x36: {  	s18 =	smax.u32 s18, $0x1;
	[sflag:s5] =	ssyncadd.s32 $0xFFFFFF80  }
0x37: {  	[tilespmem:s8], [sflag:$0x1] =	stream.indirect.gather [hbm4b:s1+s8], $0x80, s4, s8, $0xb8;
	[tilespmem:$0x4080] =	vst v63  }
0x38: {  	p0 =	sne.s32 s18, $0x1;
	_ =	swait.ge [sflag:s9], $0x4000  }
.Ltmp0:
0x39: {  	[sflag:s9] =	ssyncset.done $0x0;
	(pc) =	sbr.rel @!p0 .LBB2_2-.Ltmp0, $4  }
0x3a: {  	s17 =	sadd.s32 s17, s19;
	[sflag:s9] =	ssyncadd.s32 $0xFFFFC000  }
0x3b: {  	[hbm4b:s17+s4] =	stream.linear.scatter [tilespmem:s8], [sflag:$0x2], $0x4000, $0x38;
	[tilespmem:$0x4080] =	vst v63  }
0x3c: {  	_ =	swait.ge [sflag:s5], $0x4000  }
0x3d: {  	s18 =	sadd.s32 $0xFFFFFFFF, s18;
	[sflag:s5] =	ssyncset.done $0x0  }
.LBB2_1:
0x3e: {  	p0 =	sne.s32 s18, $0x1;
	s18 =	sadd.s32 $0xFFFFFFFF, s18;
	[sflag:s5] =	ssyncadd.s32 $0xFFFFC000  }
0x3f: {  	[tilespmem:s4], [sflag:$0x2] =	stream.linear.gather [hbm4b:s6+s4], $0x80, $0x38;
	[tilespmem:$0x4080] =	vst v63  }
0x40: {  	_ =	swait.ge [sflag:s5], $0x80  }
0x41: {  	[sflag:s5] =	ssyncset.done $0x0  }
0x42: {  	[sflag:s5] =	ssyncadd.s32 $0xFFFFFF80  }
0x43: {  	[tilespmem:s8], [sflag:$0x1] =	stream.indirect.gather [hbm4b:s7+s8], $0x80, s4, s8, $0xb8;
	[tilespmem:$0x4080] =	vst v63  }
0x44: {  	_ =	swait.ge [sflag:s9], $0x4000  }
0x45: {  	[sflag:s9] =	ssyncset.done $0x0  }
0x46: {  	[sflag:s9] =	ssyncadd.s32 $0xFFFFC000  }
0x47: {  	[hbm4b:s10+s4] =	stream.linear.scatter [tilespmem:s8], [sflag:$0x2], $0x4000, $0x38;
	[tilespmem:$0x4080] =	vst v63  }
0x48: {  	_ =	swait.ge [sflag:s5], $0x4000  }
0x49: {  	[sflag:s5] =	ssyncset.done $0x0  }
0x4a: {  	[sflag:s5] =	ssyncadd.s32 $0xFFFFC000  }
0x4b: {  	[tilespmem:s4], [sflag:$0x2] =	stream.linear.gather [hbm4b:s11+s4], $0x80, $0x38;
	[tilespmem:$0x4080] =	vst v63  }
0x4c: {  	_ =	swait.ge [sflag:s5], $0x80  }
0x4d: {  	[sflag:s5] =	ssyncset.done $0x0  }
0x4e: {  	[sflag:s5] =	ssyncadd.s32 $0xFFFFFF80  }
0x4f: {  	[tilespmem:s8], [sflag:$0x1] =	stream.indirect.gather [hbm4b:s12+s8], $0x80, s4, s8, $0xb8;
	[tilespmem:$0x4080] =	vst v63  }
0x50: {  	_ =	swait.ge [sflag:s9], $0x4000  }
0x51: {  	[sflag:s9] =	ssyncset.done $0x0  }
0x52: {  	[sflag:s9] =	ssyncadd.s32 $0xFFFFC000  }
0x53: {  	[hbm4b:s13+s4] =	stream.linear.scatter [tilespmem:s8], [sflag:$0x2], $0x4000, $0x38;
	[tilespmem:$0x4080] =	vst v63  }
0x54: {  	_ =	swait.ge [sflag:s5], $0x4000  }
0x55: {  	[sflag:s5] =	ssyncset.done $0x0  }
0x56: {  	[sflag:s5] =	ssyncadd.s32 $0xFFFFC000  }
0x57: {  	[tilespmem:s4], [sflag:$0x2] =	stream.linear.gather [hbm4b:s14+s4], $0x80, $0x38;
	[tilespmem:$0x4080] =	vst v63  }
0x58: {  	_ =	swait.ge [sflag:s5], $0x80  }
0x59: {  	[sflag:s5] =	ssyncset.done $0x0  }
0x5a: {  	[sflag:s5] =	ssyncadd.s32 $0xFFFFFF80  }
0x5b: {  	[tilespmem:s8], [sflag:$0x1] =	stream.indirect.gather [hbm4b:s0+s8], $0x80, s4, s8, $0xb8;
	[tilespmem:$0x4080] =	vst v63  }
0x5c: {  	_ =	swait.ge [sflag:s9], $0x4000  }
0x5d: {  	[sflag:s9] =	ssyncset.done $0x0  }
0x5e: {  	[sflag:s9] =	ssyncadd.s32 $0xFFFFC000  }
0x5f: {  	[hbm4b:s15+s4] =	stream.linear.scatter [tilespmem:s8], [sflag:$0x2], $0x4000, $0x38;
	[tilespmem:$0x4080] =	vst v63  }
0x60: {  	_ =	swait.ge [sflag:s5], $0x4000  }
0x61: {  	[sflag:s5] =	ssyncset.done $0x0  }
0x62: {  	[sflag:s5] =	ssyncadd.s32 $0xFFFFC000  }
0x63: {  	[tilespmem:s4], [sflag:$0x2] =	stream.linear.gather [hbm4b:s16+s4], $0x80, $0x38;
	[tilespmem:$0x4080] =	vst v63  }
0x64: {  	_ =	swait.ge [sflag:s5], $0x80  }
0x65: {  	[sflag:s5] =	ssyncset.done $0x0  }
0x66: {  	[sflag:s5] =	ssyncadd.s32 $0xFFFFFF80  }
0x67: {  	[tilespmem:s8], [sflag:$0x1] =	stream.indirect.gather [hbm4b:s1+s8], $0x80, s4, s8, $0xb8;
	[tilespmem:$0x4080] =	vst v63  }
0x68: {  	_ =	swait.ge [sflag:s9], $0x4000  }
.Ltmp1:
0x69: {  	[sflag:s9] =	ssyncset.done $0x0;
	(pc) =	sbr.rel @p0 .LBB2_1-.Ltmp1, $4  }
0x6a: {  	[sflag:s9] =	ssyncadd.s32 $0xFFFFC000  }
0x6b: {  	[hbm4b:s17+s4] =	stream.linear.scatter [tilespmem:s8], [sflag:$0x2], $0x4000, $0x38;
	[tilespmem:$0x4080] =	vst v63  }
0x6c: {  	_ =	swait.ge [sflag:s5], $0x4000  }
0x6d: {  	[sflag:s5] =	ssyncset.done $0x0  }
.LBB2_2:
0x6e: {  	[sflag:s5] =	ssyncadd.s32 $0xFFFFC000  }
0x6f: {  	_ =	sfence.sel $0x180000  }
0x70: {  	[bflag:$0x0] =	sbarrier.arrive $0xFFFF  }
0x71: {  	p0 =	sne.s32 s2, $0x0;
	_ =	strace $0x90000056  }
0x72: {  	s0 =	sadd.s32 @!p0 $0x100000, s3;
	[bflag:$0x2] =	sbarrier.arrive $0xFFFF  }
0x73: {  	[sflag:s0] =	ssyncadd.tile.s32 @!p0 $0x1;
	_ =	shalt  }
.Lfunc_end2:
_tile_overlayer_lowered:
.L_overlay_start_2:
0x74: {  	(tag) =	ssettag $0x2  }
0x75: {  	s0 =	rddreg [dreg:$0x0];
	s2 =	stileid.u32  }
0x76: {  	s1 =	rddreg [dreg:$0x1];
	p0 =	sne.s32 s2, $0x0  }
0x77: {  	s3 =	rddreg [dreg:$0x2];
	[bflag:$0x3] =	sbarrier.arrive $0xFFFF;
	s2 =	simm.s32 @!p0 $0x1C02  }
0x78: {  	[timem:s3], [sflag:s2] =	dma.local @!p0 [hbm:s0], s1  }
0x79: {  	s0 =	simm.s32 @!p0 $0x2  }
0x7a: {  	_ =	swait.ge @!p0 [sflag:s0], s1  }
0x7b: {  	s1 =	ssub.s32 @!p0 $0x0, s1;
	[sflag:s0] =	ssyncset.done @!p0 $0x0  }
0x7c: {  	[sflag:s0] =	ssyncadd.s32 @!p0 s1  }
0x7d: {  	[bflag:$0x3] =	sbarrier.arrive $0xFFFF  }
0x7e: {  	_ =	shalt  }

</sc_bundles>
